<compile_context>
chip_gen: v7x
topology: tpu7x:2x2x1
jax: 0.10.2.dev20260603
libtpu: 0.0.44.dev20260713+nightly
codegen_flags: <defaults>
</compile_context>

<pallas_src>
import jax
import jax.numpy as jnp
from jax import lax
from jax.experimental import pallas as pl
from jax.experimental.pallas import tpu as pltpu
from jax.experimental.pallas import tpu_sc as plsc

N = 100000
D = 128
NUM_GRAPHS = 64
LANES = 16
KCH = D // LANES
BR = 160
NBLK = N // BR
NC = 2
NS = 16
NW = NC * NS
TMAX = (NBLK + NW - 1) // NW


def _bcast_lane(v, r):
    idx = jnp.full((LANES,), r, dtype=jnp.int32)
    return v.at[idx].get(mode="promise_in_bounds")


_IOTA = None


def _perm(v, idx):
    return v.at[idx].get(mode="promise_in_bounds")


def _sc_body(x_hbm, b_hbm, w_hbm, oacc_hbm, oz_hbm,
             xb0, xb1, bb0, bb1, wv, acc, zv, sem0, sem1):
    c = lax.axis_index("c")
    s = lax.axis_index("s")
    wid = s * NC + c

    pltpu.sync_copy(w_hbm, wv)
    wk = [wv[pl.ds(LANES * k, LANES)] for k in range(KCH)]
    cols = [jnp.arange(LANES, dtype=jnp.int32) + LANES * k for k in range(KCH)]

    zero = jnp.zeros((LANES,), jnp.float32)

    @pl.loop(0, NUM_GRAPHS)
    def _zero_acc(i):
        for k in range(KCH):
            acc[i, pl.ds(LANES * k, LANES)] = zero

    zv[...] = zero

    xbufs = (xb0, xb1)
    bbufs = (bb0, bb1)
    sems = (sem0, sem1)

    def _start(blk, p):
        pltpu.async_copy(x_hbm.at[pl.ds(blk * BR, BR), :], xbufs[p], sems[p])
        pltpu.async_copy(b_hbm.at[pl.ds(blk * BR, BR)], bbufs[p], sems[p])

    def _wait(p):
        pltpu.make_async_copy(x_hbm.at[pl.ds(0, BR), :], xbufs[p], sems[p]).wait()
        pltpu.make_async_copy(b_hbm.at[pl.ds(0, BR)], bbufs[p], sems[p]).wait()

    iota = jnp.arange(LANES, dtype=jnp.int32)
    bfly = [jnp.bitwise_xor(iota, m) for m in (8, 4, 2, 1)]

    def _compute(xb, bb):
        @pl.loop(0, BR // LANES)
        def _group(j):
            bvec = bb[pl.ds(LANES * j, LANES)]
            zloc = zero
            for half in range(LANES // 2):
                r0 = 2 * half
                r1 = r0 + 1
                row0 = LANES * j + r0
                row1 = row0 + 1
                xk0 = [xb[row0, pl.ds(LANES * k, LANES)] for k in range(KCH)]
                xk1 = [xb[row1, pl.ds(LANES * k, LANES)] for k in range(KCH)]
                m0 = [xk0[k] * wk[k] for k in range(KCH)]
                m1 = [xk1[k] * wk[k] for k in range(KCH)]
                p0 = ((m0[0] + m0[1]) + (m0[2] + m0[3])) + \
                     ((m0[4] + m0[5]) + (m0[6] + m0[7]))
                p1 = ((m1[0] + m1[1]) + (m1[2] + m1[3])) + \
                     ((m1[4] + m1[5]) + (m1[6] + m1[7]))
                for bf in bfly:
                    p0 = p0 + _perm(p0, bf)
                    p1 = p1 + _perm(p1, bf)
                e0 = jnp.exp(p0)
                e1 = jnp.exp(p1)
                g0 = _bcast_lane(bvec, r0)
                g1 = _bcast_lane(bvec, r1)
                for k in range(KCH):
                    plsc.addupdate_scatter(acc, [g0, cols[k]], e0 * xk0[k])
                    plsc.addupdate_scatter(acc, [g1, cols[k]], e1 * xk1[k])
                zloc = zloc + (e0 + e1)
            zv[...] = zv[...] + zloc

    _start(wid, 0)

    @pl.loop(0, TMAX // 2)
    def _outer(it):
        for p in range(2):
            tt = 2 * it + p
            blk = wid + NW * tt
            nxt = blk + NW

            @pl.when(nxt < NBLK)
            def _():
                _start(nxt, 1 - p)

            @pl.when(blk < NBLK)
            def _():
                _wait(p)
                _compute(xbufs[p], bbufs[p])

    pltpu.sync_copy(acc, oacc_hbm.at[wid])
    pltpu.sync_copy(zv, oz_hbm.at[wid])


def _sc_pool(x, batch, w):
    mesh = plsc.VectorSubcoreMesh(
        core_axis_name="c", subcore_axis_name="s",
        num_cores=NC, num_subcores=NS)
    f = pl.kernel(
        _sc_body,
        compiler_params=pltpu.CompilerParams(needs_layout_passes=False),
        out_type=(
            jax.ShapeDtypeStruct((NW, NUM_GRAPHS, D), jnp.float32),
            jax.ShapeDtypeStruct((NW, LANES), jnp.float32),
        ),
        mesh=mesh,
        scratch_types=(
            pltpu.VMEM((BR, D), jnp.float32),
            pltpu.VMEM((BR, D), jnp.float32),
            pltpu.VMEM((BR,), jnp.int32),
            pltpu.VMEM((BR,), jnp.int32),
            pltpu.VMEM((D,), jnp.float32),
            pltpu.VMEM((NUM_GRAPHS, D), jnp.float32),
            pltpu.VMEM((LANES,), jnp.float32),
            pltpu.SemaphoreType.DMA,
            pltpu.SemaphoreType.DMA,
        ),
    )
    return f(x, batch, w)


def _finish_body(a_ref, z_ref, o_ref):
    z = jnp.sum(z_ref[...]) * (1.0 / LANES)
    o_ref[...] = jnp.sum(a_ref[...], axis=0) / z


def _finish(accs, zs):
    return pl.pallas_call(
        _finish_body,
        out_shape=jax.ShapeDtypeStruct((NUM_GRAPHS, D), jnp.float32),
    )(accs, zs)


def kernel(x, batch, W, b):
    del b
    w = W.reshape(D)
    batch = batch.astype(jnp.int32)
    accs, zs = _sc_pool(x, batch, w)
    return _finish(accs, zs)

# --- scband reference (transcript-rebuilt; emitter-appended) ---
"""Pipeline reference for scband-attention-pooling-82257213653069 (READ-ONLY COPY).

The authoritative reference and input builder live on the scoring server;
editing this copy changes nothing except your own understanding.
"""

import jax, jax.numpy as jnp
import numpy as np

N = 100000
D = 128
NUM_GRAPHS = 64

def setup_inputs(seed: int = 0) -> dict:
    key = jax.random.key(seed)
    k1, k2, k3, k4 = jax.random.split(key, 4)
    x = jax.random.normal(k1, (N, D), dtype=jnp.float32)
    batch = jnp.sort(jax.random.randint(k2, (N,), 0, NUM_GRAPHS, dtype=jnp.int64))
    # nn.Linear(input_dim, 1): weight [1, D], bias [1]
    bound = 1.0 / np.sqrt(D)
    W = jax.random.uniform(k3, (1, D), dtype=jnp.float32, minval=-bound, maxval=bound)
    b = jax.random.uniform(k4, (1,), dtype=jnp.float32, minval=-bound, maxval=bound)
    return {"x": x, "batch": batch, "W": W, "b": b}

def reference(x, batch, W, b):
    # attention scores: Linear(x) -> [N, 1]
    scores = x @ W.T + b  # [N, 1]
    # softmax over dim=0 (across all nodes), as in the original module
    attn_weights = jax.nn.softmax(scores, axis=0)  # [N, 1]
    weighted = x * attn_weights  # [N, D]
    # global_add_pool: scatter-add by batch id
    pooled = jax.ops.segment_sum(weighted, batch, num_segments=NUM_GRAPHS)
    return pooled

if __name__ == "__main__":
    import jax
    _d = setup_inputs()
    print(jax.jit(kernel)(*tuple(_d.values())))

</pallas_src>

<mosaic_0001>
#map = affine_map<(d0, d1) -> (0, 0)>
#map1 = affine_map<(d0, d1) -> (0)>
#map2 = affine_map<(d0, d1) -> (0, 0, 0)>
module attributes {stable_mosaic.version = 14 : i64} {
  func.func @_sc_body(%arg0: i32, %arg1: i32, %arg2: memref<100000x128xf32, #tpu.memory_space<hbm>>, %arg3: memref<100000xi32, #tpu.memory_space<hbm>>, %arg4: memref<128xf32, #tpu.memory_space<hbm>>, %arg5: memref<32x64x128xf32, #tpu.memory_space<hbm>>, %arg6: memref<32x16xf32, #tpu.memory_space<hbm>>, %arg7: memref<160x128xf32, #tpu.memory_space<vmem>>, %arg8: memref<160x128xf32, #tpu.memory_space<vmem>>, %arg9: memref<160xi32, #tpu.memory_space<vmem>>, %arg10: memref<160xi32, #tpu.memory_space<vmem>>, %arg11: memref<128xf32, #tpu.memory_space<vmem>>, %arg12: memref<64x128xf32, #tpu.memory_space<vmem>>, %arg13: memref<16xf32, #tpu.memory_space<vmem>>, %arg14: memref<!tpu.dma_semaphore, #tpu.memory_space<semaphore_mem>>, %arg15: memref<!tpu.dma_semaphore, #tpu.memory_space<semaphore_mem>>) attributes {dimension_semantics = [#tpu.dimension_semantics<core_parallel>, #tpu.dimension_semantics<subcore_parallel>], iteration_bounds = array<i64: 2, 16>, scalar_prefetch = 0 : i64, scratch_operands = 9 : i64, tpu.core_type = #tpu.core_type<sc_vector_subcore>, window_params = [{transform_indices = #map}, {transform_indices = #map1}, {transform_indices = #map1}, {transform_indices = #map2}, {transform_indices = #map}]} {
    %mul3A = arith.constant 2 : i32
    %mul3A_0 = arith.muli %arg1, %mul3A : i32
    %add3A = arith.addi %mul3A_0, %arg0 : i32
    "tpu.region"() ({
      %run_scoped3A = tpu.sem_alloc : memref<!tpu.dma_semaphore, #tpu.memory_space<semaphore_mem>>
      tpu.enqueue_dma source(%arg4 : memref<128xf32, #tpu.memory_space<hbm>>) target(%arg11 : memref<128xf32, #tpu.memory_space<vmem>>) target_semaphore(%run_scoped3A : memref<!tpu.dma_semaphore, #tpu.memory_space<semaphore_mem>>)
      tpu.wait_dma2 semaphore(%run_scoped3A : memref<!tpu.dma_semaphore, #tpu.memory_space<semaphore_mem>>) src(%arg4 : memref<128xf32, #tpu.memory_space<hbm>>) dst(%arg11 : memref<128xf32, #tpu.memory_space<vmem>>)
      tpu.yield
    }) : () -> ()
    %get3A = arith.constant 0 : index
    %get3A_1 = tpu.vector_load %arg11[%get3A] {strides = array<i32>} : memref<128xf32, #tpu.memory_space<vmem>>, vector<16xf32>,
    %get3A_2 = arith.constant 16 : index
    %get3A_3 = tpu.vector_load %arg11[%get3A_2] {strides = array<i32>} : memref<128xf32, #tpu.memory_space<vmem>>, vector<16xf32>,
    %get3A_4 = arith.constant 32 : index
    %get3A_5 = tpu.vector_load %arg11[%get3A_4] {strides = array<i32>} : memref<128xf32, #tpu.memory_space<vmem>>, vector<16xf32>,
    %get3A_6 = arith.constant 48 : index
    %get3A_7 = tpu.vector_load %arg11[%get3A_6] {strides = array<i32>} : memref<128xf32, #tpu.memory_space<vmem>>, vector<16xf32>,
    %get3A_8 = arith.constant 64 : index
    %get3A_9 = tpu.vector_load %arg11[%get3A_8] {strides = array<i32>} : memref<128xf32, #tpu.memory_space<vmem>>, vector<16xf32>,
    %get3A_10 = arith.constant 80 : index
    %get3A_11 = tpu.vector_load %arg11[%get3A_10] {strides = array<i32>} : memref<128xf32, #tpu.memory_space<vmem>>, vector<16xf32>,
    %get3A_12 = arith.constant 96 : index
    %get3A_13 = tpu.vector_load %arg11[%get3A_12] {strides = array<i32>} : memref<128xf32, #tpu.memory_space<vmem>>, vector<16xf32>,
    %get3A_14 = arith.constant 112 : index
    %get3A_15 = tpu.vector_load %arg11[%get3A_14] {strides = array<i32>} : memref<128xf32, #tpu.memory_space<vmem>>, vector<16xf32>,
    %iota3A = tpu.iota {dimensions = array<i32: 0>} : vector<16xi32>
    %add3A_16 = arith.constant 0 : i32
    %add3A_17 = vector.broadcast %add3A_16 : i32 to vector<16xi32>
    %add3A_18 = arith.addi %iota3A, %add3A_17 : vector<16xi32>
    %iota3A_19 = tpu.iota {dimensions = array<i32: 0>} : vector<16xi32>
    %add3A_20 = arith.constant 16 : i32
    %add3A_21 = vector.broadcast %add3A_20 : i32 to vector<16xi32>
    %add3A_22 = arith.addi %iota3A_19, %add3A_21 : vector<16xi32>
    %iota3A_23 = tpu.iota {dimensions = array<i32: 0>} : vector<16xi32>
    %add3A_24 = arith.constant 32 : i32
    %add3A_25 = vector.broadcast %add3A_24 : i32 to vector<16xi32>
    %add3A_26 = arith.addi %iota3A_23, %add3A_25 : vector<16xi32>
    %iota3A_27 = tpu.iota {dimensions = array<i32: 0>} : vector<16xi32>
    %add3A_28 = arith.constant 48 : i32
    %add3A_29 = vector.broadcast %add3A_28 : i32 to vector<16xi32>
    %add3A_30 = arith.addi %iota3A_27, %add3A_29 : vector<16xi32>
    %iota3A_31 = tpu.iota {dimensions = array<i32: 0>} : vector<16xi32>
    %add3A_32 = arith.constant 64 : i32
    %add3A_33 = vector.broadcast %add3A_32 : i32 to vector<16xi32>
    %add3A_34 = arith.addi %iota3A_31, %add3A_33 : vector<16xi32>
    %iota3A_35 = tpu.iota {dimensions = array<i32: 0>} : vector<16xi32>
    %add3A_36 = arith.constant 80 : i32
    %add3A_37 = vector.broadcast %add3A_36 : i32 to vector<16xi32>
    %add3A_38 = arith.addi %iota3A_35, %add3A_37 : vector<16xi32>
    %iota3A_39 = tpu.iota {dimensions = array<i32: 0>} : vector<16xi32>
    %add3A_40 = arith.constant 96 : i32
    %add3A_41 = vector.broadcast %add3A_40 : i32 to vector<16xi32>
    %add3A_42 = arith.addi %iota3A_39, %add3A_41 : vector<16xi32>
    %iota3A_43 = tpu.iota {dimensions = array<i32: 0>} : vector<16xi32>
    %add3A_44 = arith.constant 112 : i32
    %add3A_45 = vector.broadcast %add3A_44 : i32 to vector<16xi32>
    %add3A_46 = arith.addi %iota3A_43, %add3A_45 : vector<16xi32>
    %broadcast_in_dim3A = arith.constant 0.000000e+00 : f32
    %broadcast_in_dim3A_47 = vector.broadcast %broadcast_in_dim3A : f32 to vector<16xf32>
    %scan3A = arith.constant 0 : i32
    %scan3A_48 = arith.constant 64 : i32
    %scan3A_49 = arith.addi %scan3A, %scan3A_48 : i32
    %scan3A_50 = arith.constant 1 : i32
    scf.for %scan3A_79 = %scan3A to %scan3A_49 step %scan3A_50  : i32 {
      %mul3A_80 = arith.constant 1 : i32
      %mul3A_81 = arith.muli %scan3A_79, %mul3A_80 : i32
      %add3A_82 = arith.constant 0 : i32
      %add3A_83 = arith.addi %add3A_82, %mul3A_81 : i32
      %swap3A_84 = arith.index_cast %add3A_83 : i32 to index
      %swap3A_85 = arith.constant 0 : index
      %swap3A_86 = tpu.vector_load %arg12[%swap3A_84, %swap3A_85] {strides = array<i32>} : memref<64x128xf32, #tpu.memory_space<vmem>>, vector<16xf32>,
      tpu.vector_store %arg12[%swap3A_84, %swap3A_85], %broadcast_in_dim3A_47 {strides = array<i32>} : memref<64x128xf32, #tpu.memory_space<vmem>>, vector<16xf32>,
      %swap3A_87 = arith.index_cast %add3A_83 : i32 to index
      %swap3A_88 = arith.constant 16 : index
      %swap3A_89 = tpu.vector_load %arg12[%swap3A_87, %swap3A_88] {strides = array<i32>} : memref<64x128xf32, #tpu.memory_space<vmem>>, vector<16xf32>,
      tpu.vector_store %arg12[%swap3A_87, %swap3A_88], %broadcast_in_dim3A_47 {strides = array<i32>} : memref<64x128xf32, #tpu.memory_space<vmem>>, vector<16xf32>,
      %swap3A_90 = arith.index_cast %add3A_83 : i32 to index
      %swap3A_91 = arith.constant 32 : index
      %swap3A_92 = tpu.vector_load %arg12[%swap3A_90, %swap3A_91] {strides = array<i32>} : memref<64x128xf32, #tpu.memory_space<vmem>>, vector<16xf32>,
      tpu.vector_store %arg12[%swap3A_90, %swap3A_91], %broadcast_in_dim3A_47 {strides = array<i32>} : memref<64x128xf32, #tpu.memory_space<vmem>>, vector<16xf32>,
      %swap3A_93 = arith.index_cast %add3A_83 : i32 to index
      %swap3A_94 = arith.constant 48 : index
      %swap3A_95 = tpu.vector_load %arg12[%swap3A_93, %swap3A_94] {strides = array<i32>} : memref<64x128xf32, #tpu.memory_space<vmem>>, vector<16xf32>,
      tpu.vector_store %arg12[%swap3A_93, %swap3A_94], %broadcast_in_dim3A_47 {strides = array<i32>} : memref<64x128xf32, #tpu.memory_space<vmem>>, vector<16xf32>,
      %swap3A_96 = arith.index_cast %add3A_83 : i32 to index
      %swap3A_97 = arith.constant 64 : index
      %swap3A_98 = tpu.vector_load %arg12[%swap3A_96, %swap3A_97] {strides = array<i32>} : memref<64x128xf32, #tpu.memory_space<vmem>>, vector<16xf32>,
      tpu.vector_store %arg12[%swap3A_96, %swap3A_97], %broadcast_in_dim3A_47 {strides = array<i32>} : memref<64x128xf32, #tpu.memory_space<vmem>>, vector<16xf32>,
      %swap3A_99 = arith.index_cast %add3A_83 : i32 to index
      %swap3A_100 = arith.constant 80 : index
      %swap3A_101 = tpu.vector_load %arg12[%swap3A_99, %swap3A_100] {strides = array<i32>} : memref<64x128xf32, #tpu.memory_space<vmem>>, vector<16xf32>,
      tpu.vector_store %arg12[%swap3A_99, %swap3A_100], %broadcast_in_dim3A_47 {strides = array<i32>} : memref<64x128xf32, #tpu.memory_space<vmem>>, vector<16xf32>,
      %swap3A_102 = arith.index_cast %add3A_83 : i32 to index
      %swap3A_103 = arith.constant 96 : index
      %swap3A_104 = tpu.vector_load %arg12[%swap3A_102, %swap3A_103] {strides = array<i32>} : memref<64x128xf32, #tpu.memory_space<vmem>>, vector<16xf32>,
      tpu.vector_store %arg12[%swap3A_102, %swap3A_103], %broadcast_in_dim3A_47 {strides = array<i32>} : memref<64x128xf32, #tpu.memory_space<vmem>>, vector<16xf32>,
      %swap3A_105 = arith.index_cast %add3A_83 : i32 to index
      %swap3A_106 = arith.constant 112 : index
      %swap3A_107 = tpu.vector_load %arg12[%swap3A_105, %swap3A_106] {strides = array<i32>} : memref<64x128xf32, #tpu.memory_space<vmem>>, vector<16xf32>,
      tpu.vector_store %arg12[%swap3A_105, %swap3A_106], %broadcast_in_dim3A_47 {strides = array<i32>} : memref<64x128xf32, #tpu.memory_space<vmem>>, vector<16xf32>,
    }
    %scan3A_51 = arith.constant 64 : i32
    %swap3A = arith.constant 0 : index
    %swap3A_52 = tpu.vector_load %arg13[%swap3A] {strides = array<i32>} : memref<16xf32, #tpu.memory_space<vmem>>, vector<16xf32>,
    tpu.vector_store %arg13[%swap3A], %broadcast_in_dim3A_47 {strides = array<i32>} : memref<16xf32, #tpu.memory_space<vmem>>, vector<16xf32>,
    %iota3A_53 = tpu.iota {dimensions = array<i32: 0>} : vector<16xi32>
    %xor3A = arith.constant 8 : i32
    %xor3A_54 = vector.broadcast %xor3A : i32 to vector<16xi32>
    %xor3A_55 = arith.xori %iota3A_53, %xor3A_54 : vector<16xi32>
    %xor3A_56 = arith.constant 4 : i32
    %xor3A_57 = vector.broadcast %xor3A_56 : i32 to vector<16xi32>
    %xor3A_58 = arith.xori %iota3A_53, %xor3A_57 : vector<16xi32>
    %xor3A_59 = arith.constant 2 : i32
    %xor3A_60 = vector.broadcast %xor3A_59 : i32 to vector<16xi32>
    %xor3A_61 = arith.xori %iota3A_53, %xor3A_60 : vector<16xi32>
    %xor3A_62 = arith.constant 1 : i32
    %xor3A_63 = vector.broadcast %xor3A_62 : i32 to vector<16xi32>
    %xor3A_64 = arith.xori %iota3A_53, %xor3A_63 : vector<16xi32>
    %mul3A_65 = arith.constant 160 : i32
    %mul3A_66 = arith.muli %add3A, %mul3A_65 : i32
    %dma_start3A = arith.constant 0 : i32
    %dma_start3A_67 = tpu.memref_slice %arg2[%mul3A_66, %dma_start3A] : memref<100000x128xf32, #tpu.memory_space<hbm>> -> memref<160x128xf32, #tpu.memory_space<hbm>>
    %dma_start3A_68 = arith.constant 0 : i32
    %dma_start3A_69 = tpu.memref_slice %arg2[%mul3A_66, %dma_start3A_68] : memref<100000x128xf32, #tpu.memory_space<hbm>> -> memref<160x128xf32, #tpu.memory_space<hbm>>
    tpu.enqueue_dma source(%dma_start3A_69 : memref<160x128xf32, #tpu.memory_space<hbm>>) target(%arg7 : memref<160x128xf32, #tpu.memory_space<vmem>>) target_semaphore(%arg14 : memref<!tpu.dma_semaphore, #tpu.memory_space<semaphore_mem>>)
    %mul3A_70 = arith.constant 160 : i32
    %mul3A_71 = arith.muli %add3A, %mul3A_70 : i32
    %dma_start3A_72 = tpu.memref_slice %arg3[%mul3A_71] : memref<100000xi32, #tpu.memory_space<hbm>> -> memref<160xi32, #tpu.memory_space<hbm>>
    %dma_start3A_73 = tpu.memref_slice %arg3[%mul3A_71] : memref<100000xi32, #tpu.memory_space<hbm>> -> memref<160xi32, #tpu.memory_space<hbm>>
    tpu.enqueue_dma source(%dma_start3A_73 : memref<160xi32, #tpu.memory_space<hbm>>) target(%arg9 : memref<160xi32, #tpu.memory_space<vmem>>) target_semaphore(%arg14 : memref<!tpu.dma_semaphore, #tpu.memory_space<semaphore_mem>>)
    %scan3A_74 = arith.constant 0 : i32
    %scan3A_75 = arith.constant 10 : i32
    %scan3A_76 = arith.addi %scan3A_74, %scan3A_75 : i32
    %scan3A_77 = arith.constant 1 : i32
    scf.for %scan3A_79 = %scan3A_74 to %scan3A_76 step %scan3A_77  : i32 {
      %mul3A_80 = arith.constant 1 : i32
      %mul3A_81 = arith.muli %scan3A_79, %mul3A_80 : i32
      %add3A_82 = arith.constant 0 : i32
      %add3A_83 = arith.addi %add3A_82, %mul3A_81 : i32
      %mul3A_84 = arith.constant 2 : i32
      %mul3A_85 = arith.muli %mul3A_84, %add3A_83 : i32
      %add3A_86 = arith.constant 0 : i32
      %add3A_87 = arith.addi %mul3A_85, %add3A_86 : i32
      %mul3A_88 = arith.constant 32 : i32
      %mul3A_89 = arith.muli %mul3A_88, %add3A_87 : i32
      %add3A_90 = arith.addi %add3A, %mul3A_89 : i32
      %add3A_91 = arith.constant 32 : i32
      %add3A_92 = arith.addi %add3A_90, %add3A_91 : i32
      %lt3A = arith.constant 625 : i32
      %lt3A_93 = arith.cmpi slt, %add3A_92, %lt3A : i32
      %convert_element_type3A = arith.extui %lt3A_93 : i1 to i32
      %cond3A = arith.constant 0 : i32
      %cond3A_94 = arith.cmpi ne, %convert_element_type3A, %cond3A : i32
      scf.if %cond3A_94 {
        %mul3A_119 = arith.constant 160 : i32
        %mul3A_120 = arith.muli %add3A_92, %mul3A_119 : i32
        %dma_start3A_121 = arith.constant 0 : i32
        %dma_start3A_122 = tpu.memref_slice %arg2[%mul3A_120, %dma_start3A_121] : memref<100000x128xf32, #tpu.memory_space<hbm>> -> memref<160x128xf32, #tpu.memory_space<hbm>>
        %dma_start3A_123 = arith.constant 0 : i32
        %dma_start3A_124 = tpu.memref_slice %arg2[%mul3A_120, %dma_start3A_123] : memref<100000x128xf32, #tpu.memory_space<hbm>> -> memref<160x128xf32, #tpu.memory_space<hbm>>
        tpu.enqueue_dma source(%dma_start3A_124 : memref<160x128xf32, #tpu.memory_space<hbm>>) target(%arg8 : memref<160x128xf32, #tpu.memory_space<vmem>>) target_semaphore(%arg15 : memref<!tpu.dma_semaphore, #tpu.memory_space<semaphore_mem>>)
        %mul3A_125 = arith.constant 160 : i32
        %mul3A_126 = arith.muli %add3A_92, %mul3A_125 : i32
        %dma_start3A_127 = tpu.memref_slice %arg3[%mul3A_126] : memref<100000xi32, #tpu.memory_space<hbm>> -> memref<160xi32, #tpu.memory_space<hbm>>
        %dma_start3A_128 = tpu.memref_slice %arg3[%mul3A_126] : memref<100000xi32, #tpu.memory_space<hbm>> -> memref<160xi32, #tpu.memory_space<hbm>>
        tpu.enqueue_dma source(%dma_start3A_128 : memref<160xi32, #tpu.memory_space<hbm>>) target(%arg10 : memref<160xi32, #tpu.memory_space<vmem>>) target_semaphore(%arg15 : memref<!tpu.dma_semaphore, #tpu.memory_space<semaphore_mem>>)
      } else {
      }
      %lt3A_95 = arith.constant 625 : i32
      %lt3A_96 = arith.cmpi slt, %add3A_90, %lt3A_95 : i32
      %convert_element_type3A_97 = arith.extui %lt3A_96 : i1 to i32
      %cond3A_98 = arith.constant 0 : i32
      %cond3A_99 = arith.cmpi ne, %convert_element_type3A_97, %cond3A_98 : i32
      scf.if %cond3A_99 {
        %dma_wait3A = arith.constant 0 : i32
        %dma_wait3A_119 = arith.constant 0 : i32
        %dma_wait3A_120 = tpu.memref_slice %arg2[%dma_wait3A, %dma_wait3A_119] : memref<100000x128xf32, #tpu.memory_space<hbm>> -> memref<160x128xf32, #tpu.memory_space<hbm>>
        %dma_wait3A_121 = arith.constant 0 : i32
        %dma_wait3A_122 = arith.constant 0 : i32
        %dma_wait3A_123 = tpu.memref_slice %arg2[%dma_wait3A_121, %dma_wait3A_122] : memref<100000x128xf32, #tpu.memory_space<hbm>> -> memref<160x128xf32, #tpu.memory_space<hbm>>
        tpu.wait_dma2 semaphore(%arg14 : memref<!tpu.dma_semaphore, #tpu.memory_space<semaphore_mem>>) src(%dma_wait3A_123 : memref<160x128xf32, #tpu.memory_space<hbm>>) dst(%arg7 : memref<160x128xf32, #tpu.memory_space<vmem>>)
        %dma_wait3A_124 = arith.constant 0 : i32
        %dma_wait3A_125 = tpu.memref_slice %arg3[%dma_wait3A_124] : memref<100000xi32, #tpu.memory_space<hbm>> -> memref<160xi32, #tpu.memory_space<hbm>>
        %dma_wait3A_126 = arith.constant 0 : i32
        %dma_wait3A_127 = tpu.memref_slice %arg3[%dma_wait3A_126] : memref<100000xi32, #tpu.memory_space<hbm>> -> memref<160xi32, #tpu.memory_space<hbm>>
        tpu.wait_dma2 semaphore(%arg14 : memref<!tpu.dma_semaphore, #tpu.memory_space<semaphore_mem>>) src(%dma_wait3A_127 : memref<160xi32, #tpu.memory_space<hbm>>) dst(%arg9 : memref<160xi32, #tpu.memory_space<vmem>>)
        %scan3A_128 = arith.constant 0 : i32
        %scan3A_129 = arith.constant 10 : i32
        %scan3A_130 = arith.addi %scan3A_128, %scan3A_129 : i32
        %scan3A_131 = arith.constant 1 : i32
        scf.for %scan3A_133 = %scan3A_128 to %scan3A_130 step %scan3A_131  : i32 {
          %mul3A_134 = arith.constant 1 : i32
          %mul3A_135 = arith.muli %scan3A_133, %mul3A_134 : i32
          %add3A_136 = arith.constant 0 : i32
          %add3A_137 = arith.addi %add3A_136, %mul3A_135 : i32
          %mul3A_138 = arith.constant 16 : i32
          %mul3A_139 = arith.muli %mul3A_138, %add3A_137 : i32
          %get3A_140 = arith.index_cast %mul3A_139 : i32 to index
          %get3A_141 = tpu.vector_load %arg9[%get3A_140] {strides = array<i32>} : memref<160xi32, #tpu.memory_space<vmem>>, vector<16xi32>,
          %mul3A_142 = arith.constant 16 : i32
          %mul3A_143 = arith.muli %mul3A_142, %add3A_137 : i32
          %add3A_144 = arith.constant 0 : i32
          %add3A_145 = arith.addi %mul3A_143, %add3A_144 : i32
          %add3A_146 = arith.constant 1 : i32
          %add3A_147 = arith.addi %add3A_145, %add3A_146 : i32
          %get3A_148 = arith.index_cast %add3A_145 : i32 to index
          %get3A_149 = arith.constant 0 : index
          %get3A_150 = tpu.vector_load %arg7[%get3A_148, %get3A_149] {strides = array<i32>} : memref<160x128xf32, #tpu.memory_space<vmem>>, vector<16xf32>,
          %get3A_151 = arith.index_cast %add3A_145 : i32 to index
          %get3A_152 = arith.constant 16 : index
          %get3A_153 = tpu.vector_load %arg7[%get3A_151, %get3A_152] {strides = array<i32>} : memref<160x128xf32, #tpu.memory_space<vmem>>, vector<16xf32>,
          %get3A_154 = arith.index_cast %add3A_145 : i32 to index
          %get3A_155 = arith.constant 32 : index
          %get3A_156 = tpu.vector_load %arg7[%get3A_154, %get3A_155] {strides = array<i32>} : memref<160x128xf32, #tpu.memory_space<vmem>>, vector<16xf32>,
          %get3A_157 = arith.index_cast %add3A_145 : i32 to index
          %get3A_158 = arith.constant 48 : index
          %get3A_159 = tpu.vector_load %arg7[%get3A_157, %get3A_158] {strides = array<i32>} : memref<160x128xf32, #tpu.memory_space<vmem>>, vector<16xf32>,
          %get3A_160 = arith.index_cast %add3A_145 : i32 to index
          %get3A_161 = arith.constant 64 : index
          %get3A_162 = tpu.vector_load %arg7[%get3A_160, %get3A_161] {strides = array<i32>} : memref<160x128xf32, #tpu.memory_space<vmem>>, vector<16xf32>,
          %get3A_163 = arith.index_cast %add3A_145 : i32 to index
          %get3A_164 = arith.constant 80 : index
          %get3A_165 = tpu.vector_load %arg7[%get3A_163, %get3A_164] {strides = array<i32>} : memref<160x128xf32, #tpu.memory_space<vmem>>, vector<16xf32>,
          %get3A_166 = arith.index_cast %add3A_145 : i32 to index
          %get3A_167 = arith.constant 96 : index
          %get3A_168 = tpu.vector_load %arg7[%get3A_166, %get3A_167] {strides = array<i32>} : memref<160x128xf32, #tpu.memory_space<vmem>>, vector<16xf32>,
          %get3A_169 = arith.index_cast %add3A_145 : i32 to index
          %get3A_170 = arith.constant 112 : index
          %get3A_171 = tpu.vector_load %arg7[%get3A_169, %get3A_170] {strides = array<i32>} : memref<160x128xf32, #tpu.memory_space<vmem>>, vector<16xf32>,
          %get3A_172 = arith.index_cast %add3A_147 : i32 to index
          %get3A_173 = arith.constant 0 : index
          %get3A_174 = tpu.vector_load %arg7[%get3A_172, %get3A_173] {strides = array<i32>} : memref<160x128xf32, #tpu.memory_space<vmem>>, vector<16xf32>,
          %get3A_175 = arith.index_cast %add3A_147 : i32 to index
          %get3A_176 = arith.constant 16 : index
          %get3A_177 = tpu.vector_load %arg7[%get3A_175, %get3A_176] {strides = array<i32>} : memref<160x128xf32, #tpu.memory_space<vmem>>, vector<16xf32>,
          %get3A_178 = arith.index_cast %add3A_147 : i32 to index
          %get3A_179 = arith.constant 32 : index
          %get3A_180 = tpu.vector_load %arg7[%get3A_178, %get3A_179] {strides = array<i32>} : memref<160x128xf32, #tpu.memory_space<vmem>>, vector<16xf32>,
          %get3A_181 = arith.index_cast %add3A_147 : i32 to index
          %get3A_182 = arith.constant 48 : index
          %get3A_183 = tpu.vector_load %arg7[%get3A_181, %get3A_182] {strides = array<i32>} : memref<160x128xf32, #tpu.memory_space<vmem>>, vector<16xf32>,
          %get3A_184 = arith.index_cast %add3A_147 : i32 to index
          %get3A_185 = arith.constant 64 : index
          %get3A_186 = tpu.vector_load %arg7[%get3A_184, %get3A_185] {strides = array<i32>} : memref<160x128xf32, #tpu.memory_space<vmem>>, vector<16xf32>,
          %get3A_187 = arith.index_cast %add3A_147 : i32 to index
          %get3A_188 = arith.constant 80 : index
          %get3A_189 = tpu.vector_load %arg7[%get3A_187, %get3A_188] {strides = array<i32>} : memref<160x128xf32, #tpu.memory_space<vmem>>, vector<16xf32>,
          %get3A_190 = arith.index_cast %add3A_147 : i32 to index
          %get3A_191 = arith.constant 96 : index
          %get3A_192 = tpu.vector_load %arg7[%get3A_190, %get3A_191] {strides = array<i32>} : memref<160x128xf32, #tpu.memory_space<vmem>>, vector<16xf32>,
          %get3A_193 = arith.index_cast %add3A_147 : i32 to index
          %get3A_194 = arith.constant 112 : index
          %get3A_195 = tpu.vector_load %arg7[%get3A_193, %get3A_194] {strides = array<i32>} : memref<160x128xf32, #tpu.memory_space<vmem>>, vector<16xf32>,
          %mul3A_196 = arith.mulf %get3A_150, %get3A_1 : vector<16xf32>
          %mul3A_197 = arith.mulf %get3A_153, %get3A_3 : vector<16xf32>
          %mul3A_198 = arith.mulf %get3A_156, %get3A_5 : vector<16xf32>
          %mul3A_199 = arith.mulf %get3A_159, %get3A_7 : vector<16xf32>
          %mul3A_200 = arith.mulf %get3A_162, %get3A_9 : vector<16xf32>
          %mul3A_201 = arith.mulf %get3A_165, %get3A_11 : vector<16xf32>
          %mul3A_202 = arith.mulf %get3A_168, %get3A_13 : vector<16xf32>
          %mul3A_203 = arith.mulf %get3A_171, %get3A_15 : vector<16xf32>
          %mul3A_204 = arith.mulf %get3A_174, %get3A_1 : vector<16xf32>
          %mul3A_205 = arith.mulf %get3A_177, %get3A_3 : vector<16xf32>
          %mul3A_206 = arith.mulf %get3A_180, %get3A_5 : vector<16xf32>
          %mul3A_207 = arith.mulf %get3A_183, %get3A_7 : vector<16xf32>
          %mul3A_208 = arith.mulf %get3A_186, %get3A_9 : vector<16xf32>
          %mul3A_209 = arith.mulf %get3A_189, %get3A_11 : vector<16xf32>
          %mul3A_210 = arith.mulf %get3A_192, %get3A_13 : vector<16xf32>
          %mul3A_211 = arith.mulf %get3A_195, %get3A_15 : vector<16xf32>
          %add3A_212 = arith.addf %mul3A_196, %mul3A_197 : vector<16xf32>
          %add3A_213 = arith.addf %mul3A_198, %mul3A_199 : vector<16xf32>
          %add3A_214 = arith.addf %add3A_212, %add3A_213 : vector<16xf32>
          %add3A_215 = arith.addf %mul3A_200, %mul3A_201 : vector<16xf32>
          %add3A_216 = arith.addf %mul3A_202, %mul3A_203 : vector<16xf32>
          %add3A_217 = arith.addf %add3A_215, %add3A_216 : vector<16xf32>
          %add3A_218 = arith.addf %add3A_214, %add3A_217 : vector<16xf32>
          %add3A_219 = arith.addf %mul3A_204, %mul3A_205 : vector<16xf32>
          %add3A_220 = arith.addf %mul3A_206, %mul3A_207 : vector<16xf32>
          %add3A_221 = arith.addf %add3A_219, %add3A_220 : vector<16xf32>
          %add3A_222 = arith.addf %mul3A_208, %mul3A_209 : vector<16xf32>
          %add3A_223 = arith.addf %mul3A_210, %mul3A_211 : vector<16xf32>
          %add3A_224 = arith.addf %add3A_222, %add3A_223 : vector<16xf32>
          %add3A_225 = arith.addf %add3A_221, %add3A_224 : vector<16xf32>
          %lt3A_226 = arith.constant 0 : i32
          %lt3A_227 = vector.broadcast %lt3A_226 : i32 to vector<16xi32>
          %lt3A_228 = arith.cmpi slt, %xor3A_55, %lt3A_227 : vector<16xi32>
          %add3A_229 = arith.constant 16 : i32
          %add3A_230 = vector.broadcast %add3A_229 : i32 to vector<16xi32>
          %add3A_231 = arith.addi %xor3A_55, %add3A_230 : vector<16xi32>
          %select_n3A = arith.select %lt3A_228, %add3A_231, %xor3A_55 : vector<16xi1>, vector<16xi32>
          %broadcast_in_dim3A_232 = vector.shape_cast %select_n3A : vector<16xi32> to vector<16x1xi32>
          %gather3A = vector.shape_cast %broadcast_in_dim3A_232 : vector<16x1xi32> to vector<16xi32>
          %gather3A_233 = tpu.dynamic_gather %add3A_218[%gather3A] in [0] : vector<16xf32>, vector<16xi32> -> vector<16xf32>
          %add3A_234 = arith.addf %add3A_218, %gather3A_233 : vector<16xf32>
          %lt3A_235 = arith.constant 0 : i32
          %lt3A_236 = vector.broadcast %lt3A_235 : i32 to vector<16xi32>
          %lt3A_237 = arith.cmpi slt, %xor3A_55, %lt3A_236 : vector<16xi32>
          %add3A_238 = arith.constant 16 : i32
          %add3A_239 = vector.broadcast %add3A_238 : i32 to vector<16xi32>
          %add3A_240 = arith.addi %xor3A_55, %add3A_239 : vector<16xi32>
          %select_n3A_241 = arith.select %lt3A_237, %add3A_240, %xor3A_55 : vector<16xi1>, vector<16xi32>
          %broadcast_in_dim3A_242 = vector.shape_cast %select_n3A_241 : vector<16xi32> to vector<16x1xi32>
          %gather3A_243 = vector.shape_cast %broadcast_in_dim3A_242 : vector<16x1xi32> to vector<16xi32>
          %gather3A_244 = tpu.dynamic_gather %add3A_225[%gather3A_243] in [0] : vector<16xf32>, vector<16xi32> -> vector<16xf32>
          %add3A_245 = arith.addf %add3A_225, %gather3A_244 : vector<16xf32>
          %lt3A_246 = arith.constant 0 : i32
          %lt3A_247 = vector.broadcast %lt3A_246 : i32 to vector<16xi32>
          %lt3A_248 = arith.cmpi slt, %xor3A_58, %lt3A_247 : vector<16xi32>
          %add3A_249 = arith.constant 16 : i32
          %add3A_250 = vector.broadcast %add3A_249 : i32 to vector<16xi32>
          %add3A_251 = arith.addi %xor3A_58, %add3A_250 : vector<16xi32>
          %select_n3A_252 = arith.select %lt3A_248, %add3A_251, %xor3A_58 : vector<16xi1>, vector<16xi32>
          %broadcast_in_dim3A_253 = vector.shape_cast %select_n3A_252 : vector<16xi32> to vector<16x1xi32>
          %gather3A_254 = vector.shape_cast %broadcast_in_dim3A_253 : vector<16x1xi32> to vector<16xi32>
          %gather3A_255 = tpu.dynamic_gather %add3A_234[%gather3A_254] in [0] : vector<16xf32>, vector<16xi32> -> vector<16xf32>
          %add3A_256 = arith.addf %add3A_234, %gather3A_255 : vector<16xf32>
          %lt3A_257 = arith.constant 0 : i32
          %lt3A_258 = vector.broadcast %lt3A_257 : i32 to vector<16xi32>
          %lt3A_259 = arith.cmpi slt, %xor3A_58, %lt3A_258 : vector<16xi32>
          %add3A_260 = arith.constant 16 : i32
          %add3A_261 = vector.broadcast %add3A_260 : i32 to vector<16xi32>
          %add3A_262 = arith.addi %xor3A_58, %add3A_261 : vector<16xi32>
          %select_n3A_263 = arith.select %lt3A_259, %add3A_262, %xor3A_58 : vector<16xi1>, vector<16xi32>
          %broadcast_in_dim3A_264 = vector.shape_cast %select_n3A_263 : vector<16xi32> to vector<16x1xi32>
          %gather3A_265 = vector.shape_cast %broadcast_in_dim3A_264 : vector<16x1xi32> to vector<16xi32>
          %gather3A_266 = tpu.dynamic_gather %add3A_245[%gather3A_265] in [0] : vector<16xf32>, vector<16xi32> -> vector<16xf32>
          %add3A_267 = arith.addf %add3A_245, %gather3A_266 : vector<16xf32>
          %lt3A_268 = arith.constant 0 : i32
          %lt3A_269 = vector.broadcast %lt3A_268 : i32 to vector<16xi32>
          %lt3A_270 = arith.cmpi slt, %xor3A_61, %lt3A_269 : vector<16xi32>
          %add3A_271 = arith.constant 16 : i32
          %add3A_272 = vector.broadcast %add3A_271 : i32 to vector<16xi32>
          %add3A_273 = arith.addi %xor3A_61, %add3A_272 : vector<16xi32>
          %select_n3A_274 = arith.select %lt3A_270, %add3A_273, %xor3A_61 : vector<16xi1>, vector<16xi32>
          %broadcast_in_dim3A_275 = vector.shape_cast %select_n3A_274 : vector<16xi32> to vector<16x1xi32>
          %gather3A_276 = vector.shape_cast %broadcast_in_dim3A_275 : vector<16x1xi32> to vector<16xi32>
          %gather3A_277 = tpu.dynamic_gather %add3A_256[%gather3A_276] in [0] : vector<16xf32>, vector<16xi32> -> vector<16xf32>
          %add3A_278 = arith.addf %add3A_256, %gather3A_277 : vector<16xf32>
          %lt3A_279 = arith.constant 0 : i32
          %lt3A_280 = vector.broadcast %lt3A_279 : i32 to vector<16xi32>
          %lt3A_281 = arith.cmpi slt, %xor3A_61, %lt3A_280 : vector<16xi32>
          %add3A_282 = arith.constant 16 : i32
          %add3A_283 = vector.broadcast %add3A_282 : i32 to vector<16xi32>
          %add3A_284 = arith.addi %xor3A_61, %add3A_283 : vector<16xi32>
          %select_n3A_285 = arith.select %lt3A_281, %add3A_284, %xor3A_61 : vector<16xi1>, vector<16xi32>
          %broadcast_in_dim3A_286 = vector.shape_cast %select_n3A_285 : vector<16xi32> to vector<16x1xi32>
          %gather3A_287 = vector.shape_cast %broadcast_in_dim3A_286 : vector<16x1xi32> to vector<16xi32>
          %gather3A_288 = tpu.dynamic_gather %add3A_267[%gather3A_287] in [0] : vector<16xf32>, vector<16xi32> -> vector<16xf32>
          %add3A_289 = arith.addf %add3A_267, %gather3A_288 : vector<16xf32>
          %lt3A_290 = arith.constant 0 : i32
          %lt3A_291 = vector.broadcast %lt3A_290 : i32 to vector<16xi32>
          %lt3A_292 = arith.cmpi slt, %xor3A_64, %lt3A_291 : vector<16xi32>
          %add3A_293 = arith.constant 16 : i32
          %add3A_294 = vector.broadcast %add3A_293 : i32 to vector<16xi32>
          %add3A_295 = arith.addi %xor3A_64, %add3A_294 : vector<16xi32>
          %select_n3A_296 = arith.select %lt3A_292, %add3A_295, %xor3A_64 : vector<16xi1>, vector<16xi32>
          %broadcast_in_dim3A_297 = vector.shape_cast %select_n3A_296 : vector<16xi32> to vector<16x1xi32>
          %gather3A_298 = vector.shape_cast %broadcast_in_dim3A_297 : vector<16x1xi32> to vector<16xi32>
          %gather3A_299 = tpu.dynamic_gather %add3A_278[%gather3A_298] in [0] : vector<16xf32>, vector<16xi32> -> vector<16xf32>
          %add3A_300 = arith.addf %add3A_278, %gather3A_299 : vector<16xf32>
          %lt3A_301 = arith.constant 0 : i32
          %lt3A_302 = vector.broadcast %lt3A_301 : i32 to vector<16xi32>
          %lt3A_303 = arith.cmpi slt, %xor3A_64, %lt3A_302 : vector<16xi32>
          %add3A_304 = arith.constant 16 : i32
          %add3A_305 = vector.broadcast %add3A_304 : i32 to vector<16xi32>
          %add3A_306 = arith.addi %xor3A_64, %add3A_305 : vector<16xi32>
          %select_n3A_307 = arith.select %lt3A_303, %add3A_306, %xor3A_64 : vector<16xi1>, vector<16xi32>
          %broadcast_in_dim3A_308 = vector.shape_cast %select_n3A_307 : vector<16xi32> to vector<16x1xi32>
          %gather3A_309 = vector.shape_cast %broadcast_in_dim3A_308 : vector<16x1xi32> to vector<16xi32>
          %gather3A_310 = tpu.dynamic_gather %add3A_289[%gather3A_309] in [0] : vector<16xf32>, vector<16xi32> -> vector<16xf32>
          %add3A_311 = arith.addf %add3A_289, %gather3A_310 : vector<16xf32>
          %exp3A = math.exp %add3A_300 : vector<16xf32>
          %exp3A_312 = math.exp %add3A_311 : vector<16xf32>
          %broadcast_in_dim3A_313 = arith.constant 0 : i32
          %broadcast_in_dim3A_314 = vector.broadcast %broadcast_in_dim3A_313 : i32 to vector<16xi32>
          %lt3A_315 = arith.constant 0 : i32
          %lt3A_316 = vector.broadcast %lt3A_315 : i32 to vector<16xi32>
          %lt3A_317 = arith.cmpi slt, %broadcast_in_dim3A_314, %lt3A_316 : vector<16xi32>
          %add3A_318 = arith.constant 16 : i32
          %add3A_319 = vector.broadcast %add3A_318 : i32 to vector<16xi32>
          %add3A_320 = arith.addi %broadcast_in_dim3A_314, %add3A_319 : vector<16xi32>
          %select_n3A_321 = arith.select %lt3A_317, %add3A_320, %broadcast_in_dim3A_314 : vector<16xi1>, vector<16xi32>
          %broadcast_in_dim3A_322 = vector.shape_cast %select_n3A_321 : vector<16xi32> to vector<16x1xi32>
          %gather3A_323 = vector.shape_cast %broadcast_in_dim3A_322 : vector<16x1xi32> to vector<16xi32>
          %gather3A_324 = tpu.dynamic_gather %get3A_141[%gather3A_323] in [0] : vector<16xi32>, vector<16xi32> -> vector<16xi32>
          %broadcast_in_dim3A_325 = arith.constant 1 : i32
          %broadcast_in_dim3A_326 = vector.broadcast %broadcast_in_dim3A_325 : i32 to vector<16xi32>
          %lt3A_327 = arith.constant 0 : i32
          %lt3A_328 = vector.broadcast %lt3A_327 : i32 to vector<16xi32>
          %lt3A_329 = arith.cmpi slt, %broadcast_in_dim3A_326, %lt3A_328 : vector<16xi32>
          %add3A_330 = arith.constant 16 : i32
          %add3A_331 = vector.broadcast %add3A_330 : i32 to vector<16xi32>
          %add3A_332 = arith.addi %broadcast_in_dim3A_326, %add3A_331 : vector<16xi32>
          %select_n3A_333 = arith.select %lt3A_329, %add3A_332, %broadcast_in_dim3A_326 : vector<16xi1>, vector<16xi32>
          %broadcast_in_dim3A_334 = vector.shape_cast %select_n3A_333 : vector<16xi32> to vector<16x1xi32>
          %gather3A_335 = vector.shape_cast %broadcast_in_dim3A_334 : vector<16x1xi32> to vector<16xi32>
          %gather3A_336 = tpu.dynamic_gather %get3A_141[%gather3A_335] in [0] : vector<16xi32>, vector<16xi32> -> vector<16xi32>
          %mul3A_337 = arith.mulf %exp3A, %get3A_150 : vector<16xf32>
          tpu.vector_store_idx %arg12[%gather3A_324, %add3A_18], %mul3A_337 {add = true} : memref<64x128xf32, #tpu.memory_space<vmem>>[vector<16xi32>, vector<16xi32>], vector<16xf32>,
          %mul3A_338 = arith.mulf %exp3A_312, %get3A_174 : vector<16xf32>
          tpu.vector_store_idx %arg12[%gather3A_336, %add3A_18], %mul3A_338 {add = true} : memref<64x128xf32, #tpu.memory_space<vmem>>[vector<16xi32>, vector<16xi32>], vector<16xf32>,
          %mul3A_339 = arith.mulf %exp3A, %get3A_153 : vector<16xf32>
          tpu.vector_store_idx %arg12[%gather3A_324, %add3A_22], %mul3A_339 {add = true} : memref<64x128xf32, #tpu.memory_space<vmem>>[vector<16xi32>, vector<16xi32>], vector<16xf32>,
          %mul3A_340 = arith.mulf %exp3A_312, %get3A_177 : vector<16xf32>
          tpu.vector_store_idx %arg12[%gather3A_336, %add3A_22], %mul3A_340 {add = true} : memref<64x128xf32, #tpu.memory_space<vmem>>[vector<16xi32>, vector<16xi32>], vector<16xf32>,
          %mul3A_341 = arith.mulf %exp3A, %get3A_156 : vector<16xf32>
          tpu.vector_store_idx %arg12[%gather3A_324, %add3A_26], %mul3A_341 {add = true} : memref<64x128xf32, #tpu.memory_space<vmem>>[vector<16xi32>, vector<16xi32>], vector<16xf32>,
          %mul3A_342 = arith.mulf %exp3A_312, %get3A_180 : vector<16xf32>
          tpu.vector_store_idx %arg12[%gather3A_336, %add3A_26], %mul3A_342 {add = true} : memref<64x128xf32, #tpu.memory_space<vmem>>[vector<16xi32>, vector<16xi32>], vector<16xf32>,
          %mul3A_343 = arith.mulf %exp3A, %get3A_159 : vector<16xf32>
          tpu.vector_store_idx %arg12[%gather3A_324, %add3A_30], %mul3A_343 {add = true} : memref<64x128xf32, #tpu.memory_space<vmem>>[vector<16xi32>, vector<16xi32>], vector<16xf32>,
          %mul3A_344 = arith.mulf %exp3A_312, %get3A_183 : vector<16xf32>
          tpu.vector_store_idx %arg12[%gather3A_336, %add3A_30], %mul3A_344 {add = true} : memref<64x128xf32, #tpu.memory_space<vmem>>[vector<16xi32>, vector<16xi32>], vector<16xf32>,
          %mul3A_345 = arith.mulf %exp3A, %get3A_162 : vector<16xf32>
          tpu.vector_store_idx %arg12[%gather3A_324, %add3A_34], %mul3A_345 {add = true} : memref<64x128xf32, #tpu.memory_space<vmem>>[vector<16xi32>, vector<16xi32>], vector<16xf32>,
          %mul3A_346 = arith.mulf %exp3A_312, %get3A_186 : vector<16xf32>
          tpu.vector_store_idx %arg12[%gather3A_336, %add3A_34], %mul3A_346 {add = true} : memref<64x128xf32, #tpu.memory_space<vmem>>[vector<16xi32>, vector<16xi32>], vector<16xf32>,
          %mul3A_347 = arith.mulf %exp3A, %get3A_165 : vector<16xf32>
          tpu.vector_store_idx %arg12[%gather3A_324, %add3A_38], %mul3A_347 {add = true} : memref<64x128xf32, #tpu.memory_space<vmem>>[vector<16xi32>, vector<16xi32>], vector<16xf32>,
          %mul3A_348 = arith.mulf %exp3A_312, %get3A_189 : vector<16xf32>
          tpu.vector_store_idx %arg12[%gather3A_336, %add3A_38], %mul3A_348 {add = true} : memref<64x128xf32, #tpu.memory_space<vmem>>[vector<16xi32>, vector<16xi32>], vector<16xf32>,
          %mul3A_349 = arith.mulf %exp3A, %get3A_168 : vector<16xf32>
          tpu.vector_store_idx %arg12[%gather3A_324, %add3A_42], %mul3A_349 {add = true} : memref<64x128xf32, #tpu.memory_space<vmem>>[vector<16xi32>, vector<16xi32>], vector<16xf32>,
          %mul3A_350 = arith.mulf %exp3A_312, %get3A_192 : vector<16xf32>
          tpu.vector_store_idx %arg12[%gather3A_336, %add3A_42], %mul3A_350 {add = true} : memref<64x128xf32, #tpu.memory_space<vmem>>[vector<16xi32>, vector<16xi32>], vector<16xf32>,
          %mul3A_351 = arith.mulf %exp3A, %get3A_171 : vector<16xf32>
          tpu.vector_store_idx %arg12[%gather3A_324, %add3A_46], %mul3A_351 {add = true} : memref<64x128xf32, #tpu.memory_space<vmem>>[vector<16xi32>, vector<16xi32>], vector<16xf32>,
          %mul3A_352 = arith.mulf %exp3A_312, %get3A_195 : vector<16xf32>
          tpu.vector_store_idx %arg12[%gather3A_336, %add3A_46], %mul3A_352 {add = true} : memref<64x128xf32, #tpu.memory_space<vmem>>[vector<16xi32>, vector<16xi32>], vector<16xf32>,
          %add3A_353 = arith.addf %exp3A, %exp3A_312 : vector<16xf32>
          %add3A_354 = arith.addf %broadcast_in_dim3A_47, %add3A_353 : vector<16xf32>
          %mul3A_355 = arith.constant 16 : i32
          %mul3A_356 = arith.muli %mul3A_355, %add3A_137 : i32
          %add3A_357 = arith.constant 2 : i32
          %add3A_358 = arith.addi %mul3A_356, %add3A_357 : i32
          %add3A_359 = arith.constant 1 : i32
          %add3A_360 = arith.addi %add3A_358, %add3A_359 : i32
          %get3A_361 = arith.index_cast %add3A_358 : i32 to index
          %get3A_362 = arith.constant 0 : index
          %get3A_363 = tpu.vector_load %arg7[%get3A_361, %get3A_362] {strides = array<i32>} : memref<160x128xf32, #tpu.memory_space<vmem>>, vector<16xf32>,
          %get3A_364 = arith.index_cast %add3A_358 : i32 to index
          %get3A_365 = arith.constant 16 : index
          %get3A_366 = tpu.vector_load %arg7[%get3A_364, %get3A_365] {strides = array<i32>} : memref<160x128xf32, #tpu.memory_space<vmem>>, vector<16xf32>,
          %get3A_367 = arith.index_cast %add3A_358 : i32 to index
          %get3A_368 = arith.constant 32 : index
          %get3A_369 = tpu.vector_load %arg7[%get3A_367, %get3A_368] {strides = array<i32>} : memref<160x128xf32, #tpu.memory_space<vmem>>, vector<16xf32>,
          %get3A_370 = arith.index_cast %add3A_358 : i32 to index
          %get3A_371 = arith.constant 48 : index
          %get3A_372 = tpu.vector_load %arg7[%get3A_370, %get3A_371] {strides = array<i32>} : memref<160x128xf32, #tpu.memory_space<vmem>>, vector<16xf32>,
          %get3A_373 = arith.index_cast %add3A_358 : i32 to index
          %get3A_374 = arith.constant 64 : index
          %get3A_375 = tpu.vector_load %arg7[%get3A_373, %get3A_374] {strides = array<i32>} : memref<160x128xf32, #tpu.memory_space<vmem>>, vector<16xf32>,
          %get3A_376 = arith.index_cast %add3A_358 : i32 to index
          %get3A_377 = arith.constant 80 : index
          %get3A_378 = tpu.vector_load %arg7[%get3A_376, %get3A_377] {strides = array<i32>} : memref<160x128xf32, #tpu.memory_space<vmem>>, vector<16xf32>,
          %get3A_379 = arith.index_cast %add3A_358 : i32 to index
          %get3A_380 = arith.constant 96 : index
          %get3A_381 = tpu.vector_load %arg7[%get3A_379, %get3A_380] {strides = array<i32>} : memref<160x128xf32, #tpu.memory_space<vmem>>, vector<16xf32>,
          %get3A_382 = arith.index_cast %add3A_358 : i32 to index
          %get3A_383 = arith.constant 112 : index
          %get3A_384 = tpu.vector_load %arg7[%get3A_382, %get3A_383] {strides = array<i32>} : memref<160x128xf32, #tpu.memory_space<vmem>>, vector<16xf32>,
          %get3A_385 = arith.index_cast %add3A_360 : i32 to index
          %get3A_386 = arith.constant 0 : index
          %get3A_387 = tpu.vector_load %arg7[%get3A_385, %get3A_386] {strides = array<i32>} : memref<160x128xf32, #tpu.memory_space<vmem>>, vector<16xf32>,
          %get3A_388 = arith.index_cast %add3A_360 : i32 to index
          %get3A_389 = arith.constant 16 : index
          %get3A_390 = tpu.vector_load %arg7[%get3A_388, %get3A_389] {strides = array<i32>} : memref<160x128xf32, #tpu.memory_space<vmem>>, vector<16xf32>,
          %get3A_391 = arith.index_cast %add3A_360 : i32 to index
          %get3A_392 = arith.constant 32 : index
          %get3A_393 = tpu.vector_load %arg7[%get3A_391, %get3A_392] {strides = array<i32>} : memref<160x128xf32, #tpu.memory_space<vmem>>, vector<16xf32>,
          %get3A_394 = arith.index_cast %add3A_360 : i32 to index
          %get3A_395 = arith.constant 48 : index
          %get3A_396 = tpu.vector_load %arg7[%get3A_394, %get3A_395] {strides = array<i32>} : memref<160x128xf32, #tpu.memory_space<vmem>>, vector<16xf32>,
          %get3A_397 = arith.index_cast %add3A_360 : i32 to index
          %get3A_398 = arith.constant 64 : index
          %get3A_399 = tpu.vector_load %arg7[%get3A_397, %get3A_398] {strides = array<i32>} : memref<160x128xf32, #tpu.memory_space<vmem>>, vector<16xf32>,
          %get3A_400 = arith.index_cast %add3A_360 : i32 to index
          %get3A_401 = arith.constant 80 : index
          %get3A_402 = tpu.vector_load %arg7[%get3A_400, %get3A_401] {strides = array<i32>} : memref<160x128xf32, #tpu.memory_space<vmem>>, vector<16xf32>,
          %get3A_403 = arith.index_cast %add3A_360 : i32 to index
          %get3A_404 = arith.constant 96 : index
          %get3A_405 = tpu.vector_load %arg7[%get3A_403, %get3A_404] {strides = array<i32>} : memref<160x128xf32, #tpu.memory_space<vmem>>, vector<16xf32>,
          %get3A_406 = arith.index_cast %add3A_360 : i32 to index
          %get3A_407 = arith.constant 112 : index
          %get3A_408 = tpu.vector_load %arg7[%get3A_406, %get3A_407] {strides = array<i32>} : memref<160x128xf32, #tpu.memory_space<vmem>>, vector<16xf32>,
          %mul3A_409 = arith.mulf %get3A_363, %get3A_1 : vector<16xf32>
          %mul3A_410 = arith.mulf %get3A_366, %get3A_3 : vector<16xf32>
          %mul3A_411 = arith.mulf %get3A_369, %get3A_5 : vector<16xf32>
          %mul3A_412 = arith.mulf %get3A_372, %get3A_7 : vector<16xf32>
          %mul3A_413 = arith.mulf %get3A_375, %get3A_9 : vector<16xf32>
          %mul3A_414 = arith.mulf %get3A_378, %get3A_11 : vector<16xf32>
          %mul3A_415 = arith.mulf %get3A_381, %get3A_13 : vector<16xf32>
          %mul3A_416 = arith.mulf %get3A_384, %get3A_15 : vector<16xf32>
          %mul3A_417 = arith.mulf %get3A_387, %get3A_1 : vector<16xf32>
          %mul3A_418 = arith.mulf %get3A_390, %get3A_3 : vector<16xf32>
          %mul3A_419 = arith.mulf %get3A_393, %get3A_5 : vector<16xf32>
          %mul3A_420 = arith.mulf %get3A_396, %get3A_7 : vector<16xf32>
          %mul3A_421 = arith.mulf %get3A_399, %get3A_9 : vector<16xf32>
          %mul3A_422 = arith.mulf %get3A_402, %get3A_11 : vector<16xf32>
          %mul3A_423 = arith.mulf %get3A_405, %get3A_13 : vector<16xf32>
          %mul3A_424 = arith.mulf %get3A_408, %get3A_15 : vector<16xf32>
          %add3A_425 = arith.addf %mul3A_409, %mul3A_410 : vector<16xf32>
          %add3A_426 = arith.addf %mul3A_411, %mul3A_412 : vector<16xf32>
          %add3A_427 = arith.addf %add3A_425, %add3A_426 : vector<16xf32>
          %add3A_428 = arith.addf %mul3A_413, %mul3A_414 : vector<16xf32>
          %add3A_429 = arith.addf %mul3A_415, %mul3A_416 : vector<16xf32>
          %add3A_430 = arith.addf %add3A_428, %add3A_429 : vector<16xf32>
          %add3A_431 = arith.addf %add3A_427, %add3A_430 : vector<16xf32>
          %add3A_432 = arith.addf %mul3A_417, %mul3A_418 : vector<16xf32>
          %add3A_433 = arith.addf %mul3A_419, %mul3A_420 : vector<16xf32>
          %add3A_434 = arith.addf %add3A_432, %add3A_433 : vector<16xf32>
          %add3A_435 = arith.addf %mul3A_421, %mul3A_422 : vector<16xf32>
          %add3A_436 = arith.addf %mul3A_423, %mul3A_424 : vector<16xf32>
          %add3A_437 = arith.addf %add3A_435, %add3A_436 : vector<16xf32>
          %add3A_438 = arith.addf %add3A_434, %add3A_437 : vector<16xf32>
          %lt3A_439 = arith.constant 0 : i32
          %lt3A_440 = vector.broadcast %lt3A_439 : i32 to vector<16xi32>
          %lt3A_441 = arith.cmpi slt, %xor3A_55, %lt3A_440 : vector<16xi32>
          %add3A_442 = arith.constant 16 : i32
          %add3A_443 = vector.broadcast %add3A_442 : i32 to vector<16xi32>
          %add3A_444 = arith.addi %xor3A_55, %add3A_443 : vector<16xi32>
          %select_n3A_445 = arith.select %lt3A_441, %add3A_444, %xor3A_55 : vector<16xi1>, vector<16xi32>
          %broadcast_in_dim3A_446 = vector.shape_cast %select_n3A_445 : vector<16xi32> to vector<16x1xi32>
          %gather3A_447 = vector.shape_cast %broadcast_in_dim3A_446 : vector<16x1xi32> to vector<16xi32>
          %gather3A_448 = tpu.dynamic_gather %add3A_431[%gather3A_447] in [0] : vector<16xf32>, vector<16xi32> -> vector<16xf32>
          %add3A_449 = arith.addf %add3A_431, %gather3A_448 : vector<16xf32>
          %lt3A_450 = arith.constant 0 : i32
          %lt3A_451 = vector.broadcast %lt3A_450 : i32 to vector<16xi32>
          %lt3A_452 = arith.cmpi slt, %xor3A_55, %lt3A_451 : vector<16xi32>
          %add3A_453 = arith.constant 16 : i32
          %add3A_454 = vector.broadcast %add3A_453 : i32 to vector<16xi32>
          %add3A_455 = arith.addi %xor3A_55, %add3A_454 : vector<16xi32>
          %select_n3A_456 = arith.select %lt3A_452, %add3A_455, %xor3A_55 : vector<16xi1>, vector<16xi32>
          %broadcast_in_dim3A_457 = vector.shape_cast %select_n3A_456 : vector<16xi32> to vector<16x1xi32>
          %gather3A_458 = vector.shape_cast %broadcast_in_dim3A_457 : vector<16x1xi32> to vector<16xi32>
          %gather3A_459 = tpu.dynamic_gather %add3A_438[%gather3A_458] in [0] : vector<16xf32>, vector<16xi32> -> vector<16xf32>
          %add3A_460 = arith.addf %add3A_438, %gather3A_459 : vector<16xf32>
          %lt3A_461 = arith.constant 0 : i32
          %lt3A_462 = vector.broadcast %lt3A_461 : i32 to vector<16xi32>
          %lt3A_463 = arith.cmpi slt, %xor3A_58, %lt3A_462 : vector<16xi32>
          %add3A_464 = arith.constant 16 : i32
          %add3A_465 = vector.broadcast %add3A_464 : i32 to vector<16xi32>
          %add3A_466 = arith.addi %xor3A_58, %add3A_465 : vector<16xi32>
          %select_n3A_467 = arith.select %lt3A_463, %add3A_466, %xor3A_58 : vector<16xi1>, vector<16xi32>
          %broadcast_in_dim3A_468 = vector.shape_cast %select_n3A_467 : vector<16xi32> to vector<16x1xi32>
          %gather3A_469 = vector.shape_cast %broadcast_in_dim3A_468 : vector<16x1xi32> to vector<16xi32>
          %gather3A_470 = tpu.dynamic_gather %add3A_449[%gather3A_469] in [0] : vector<16xf32>, vector<16xi32> -> vector<16xf32>
          %add3A_471 = arith.addf %add3A_449, %gather3A_470 : vector<16xf32>
          %lt3A_472 = arith.constant 0 : i32
          %lt3A_473 = vector.broadcast %lt3A_472 : i32 to vector<16xi32>
          %lt3A_474 = arith.cmpi slt, %xor3A_58, %lt3A_473 : vector<16xi32>
          %add3A_475 = arith.constant 16 : i32
          %add3A_476 = vector.broadcast %add3A_475 : i32 to vector<16xi32>
          %add3A_477 = arith.addi %xor3A_58, %add3A_476 : vector<16xi32>
          %select_n3A_478 = arith.select %lt3A_474, %add3A_477, %xor3A_58 : vector<16xi1>, vector<16xi32>
          %broadcast_in_dim3A_479 = vector.shape_cast %select_n3A_478 : vector<16xi32> to vector<16x1xi32>
          %gather3A_480 = vector.shape_cast %broadcast_in_dim3A_479 : vector<16x1xi32> to vector<16xi32>
          %gather3A_481 = tpu.dynamic_gather %add3A_460[%gather3A_480] in [0] : vector<16xf32>, vector<16xi32> -> vector<16xf32>
          %add3A_482 = arith.addf %add3A_460, %gather3A_481 : vector<16xf32>
          %lt3A_483 = arith.constant 0 : i32
          %lt3A_484 = vector.broadcast %lt3A_483 : i32 to vector<16xi32>
          %lt3A_485 = arith.cmpi slt, %xor3A_61, %lt3A_484 : vector<16xi32>
          %add3A_486 = arith.constant 16 : i32
          %add3A_487 = vector.broadcast %add3A_486 : i32 to vector<16xi32>
          %add3A_488 = arith.addi %xor3A_61, %add3A_487 : vector<16xi32>
          %select_n3A_489 = arith.select %lt3A_485, %add3A_488, %xor3A_61 : vector<16xi1>, vector<16xi32>
          %broadcast_in_dim3A_490 = vector.shape_cast %select_n3A_489 : vector<16xi32> to vector<16x1xi32>
          %gather3A_491 = vector.shape_cast %broadcast_in_dim3A_490 : vector<16x1xi32> to vector<16xi32>
          %gather3A_492 = tpu.dynamic_gather %add3A_471[%gather3A_491] in [0] : vector<16xf32>, vector<16xi32> -> vector<16xf32>
          %add3A_493 = arith.addf %add3A_471, %gather3A_492 : vector<16xf32>
          %lt3A_494 = arith.constant 0 : i32
          %lt3A_495 = vector.broadcast %lt3A_494 : i32 to vector<16xi32>
          %lt3A_496 = arith.cmpi slt, %xor3A_61, %lt3A_495 : vector<16xi32>
          %add3A_497 = arith.constant 16 : i32
          %add3A_498 = vector.broadcast %add3A_497 : i32 to vector<16xi32>
          %add3A_499 = arith.addi %xor3A_61, %add3A_498 : vector<16xi32>
          %select_n3A_500 = arith.select %lt3A_496, %add3A_499, %xor3A_61 : vector<16xi1>, vector<16xi32>
          %broadcast_in_dim3A_501 = vector.shape_cast %select_n3A_500 : vector<16xi32> to vector<16x1xi32>
          %gather3A_502 = vector.shape_cast %broadcast_in_dim3A_501 : vector<16x1xi32> to vector<16xi32>
          %gather3A_503 = tpu.dynamic_gather %add3A_482[%gather3A_502] in [0] : vector<16xf32>, vector<16xi32> -> vector<16xf32>
          %add3A_504 = arith.addf %add3A_482, %gather3A_503 : vector<16xf32>
          %lt3A_505 = arith.constant 0 : i32
          %lt3A_506 = vector.broadcast %lt3A_505 : i32 to vector<16xi32>
          %lt3A_507 = arith.cmpi slt, %xor3A_64, %lt3A_506 : vector<16xi32>
          %add3A_508 = arith.constant 16 : i32
          %add3A_509 = vector.broadcast %add3A_508 : i32 to vector<16xi32>
          %add3A_510 = arith.addi %xor3A_64, %add3A_509 : vector<16xi32>
          %select_n3A_511 = arith.select %lt3A_507, %add3A_510, %xor3A_64 : vector<16xi1>, vector<16xi32>
          %broadcast_in_dim3A_512 = vector.shape_cast %select_n3A_511 : vector<16xi32> to vector<16x1xi32>
          %gather3A_513 = vector.shape_cast %broadcast_in_dim3A_512 : vector<16x1xi32> to vector<16xi32>
          %gather3A_514 = tpu.dynamic_gather %add3A_493[%gather3A_513] in [0] : vector<16xf32>, vector<16xi32> -> vector<16xf32>
          %add3A_515 = arith.addf %add3A_493, %gather3A_514 : vector<16xf32>
          %lt3A_516 = arith.constant 0 : i32
          %lt3A_517 = vector.broadcast %lt3A_516 : i32 to vector<16xi32>
          %lt3A_518 = arith.cmpi slt, %xor3A_64, %lt3A_517 : vector<16xi32>
          %add3A_519 = arith.constant 16 : i32
          %add3A_520 = vector.broadcast %add3A_519 : i32 to vector<16xi32>
          %add3A_521 = arith.addi %xor3A_64, %add3A_520 : vector<16xi32>
          %select_n3A_522 = arith.select %lt3A_518, %add3A_521, %xor3A_64 : vector<16xi1>, vector<16xi32>
          %broadcast_in_dim3A_523 = vector.shape_cast %select_n3A_522 : vector<16xi32> to vector<16x1xi32>
          %gather3A_524 = vector.shape_cast %broadcast_in_dim3A_523 : vector<16x1xi32> to vector<16xi32>
          %gather3A_525 = tpu.dynamic_gather %add3A_504[%gather3A_524] in [0] : vector<16xf32>, vector<16xi32> -> vector<16xf32>
          %add3A_526 = arith.addf %add3A_504, %gather3A_525 : vector<16xf32>
          %exp3A_527 = math.exp %add3A_515 : vector<16xf32>
          %exp3A_528 = math.exp %add3A_526 : vector<16xf32>
          %broadcast_in_dim3A_529 = arith.constant 2 : i32
          %broadcast_in_dim3A_530 = vector.broadcast %broadcast_in_dim3A_529 : i32 to vector<16xi32>
          %lt3A_531 = arith.constant 0 : i32
          %lt3A_532 = vector.broadcast %lt3A_531 : i32 to vector<16xi32>
          %lt3A_533 = arith.cmpi slt, %broadcast_in_dim3A_530, %lt3A_532 : vector<16xi32>
          %add3A_534 = arith.constant 16 : i32
          %add3A_535 = vector.broadcast %add3A_534 : i32 to vector<16xi32>
          %add3A_536 = arith.addi %broadcast_in_dim3A_530, %add3A_535 : vector<16xi32>
          %select_n3A_537 = arith.select %lt3A_533, %add3A_536, %broadcast_in_dim3A_530 : vector<16xi1>, vector<16xi32>
          %broadcast_in_dim3A_538 = vector.shape_cast %select_n3A_537 : vector<16xi32> to vector<16x1xi32>
          %gather3A_539 = vector.shape_cast %broadcast_in_dim3A_538 : vector<16x1xi32> to vector<16xi32>
          %gather3A_540 = tpu.dynamic_gather %get3A_141[%gather3A_539] in [0] : vector<16xi32>, vector<16xi32> -> vector<16xi32>
          %broadcast_in_dim3A_541 = arith.constant 3 : i32
          %broadcast_in_dim3A_542 = vector.broadcast %broadcast_in_dim3A_541 : i32 to vector<16xi32>
          %lt3A_543 = arith.constant 0 : i32
          %lt3A_544 = vector.broadcast %lt3A_543 : i32 to vector<16xi32>
          %lt3A_545 = arith.cmpi slt, %broadcast_in_dim3A_542, %lt3A_544 : vector<16xi32>
          %add3A_546 = arith.constant 16 : i32
          %add3A_547 = vector.broadcast %add3A_546 : i32 to vector<16xi32>
          %add3A_548 = arith.addi %broadcast_in_dim3A_542, %add3A_547 : vector<16xi32>
          %select_n3A_549 = arith.select %lt3A_545, %add3A_548, %broadcast_in_dim3A_542 : vector<16xi1>, vector<16xi32>
          %broadcast_in_dim3A_550 = vector.shape_cast %select_n3A_549 : vector<16xi32> to vector<16x1xi32>
          %gather3A_551 = vector.shape_cast %broadcast_in_dim3A_550 : vector<16x1xi32> to vector<16xi32>
          %gather3A_552 = tpu.dynamic_gather %get3A_141[%gather3A_551] in [0] : vector<16xi32>, vector<16xi32> -> vector<16xi32>
          %mul3A_553 = arith.mulf %exp3A_527, %get3A_363 : vector<16xf32>
          tpu.vector_store_idx %arg12[%gather3A_540, %add3A_18], %mul3A_553 {add = true} : memref<64x128xf32, #tpu.memory_space<vmem>>[vector<16xi32>, vector<16xi32>], vector<16xf32>,
          %mul3A_554 = arith.mulf %exp3A_528, %get3A_387 : vector<16xf32>
          tpu.vector_store_idx %arg12[%gather3A_552, %add3A_18], %mul3A_554 {add = true} : memref<64x128xf32, #tpu.memory_space<vmem>>[vector<16xi32>, vector<16xi32>], vector<16xf32>,
          %mul3A_555 = arith.mulf %exp3A_527, %get3A_366 : vector<16xf32>
          tpu.vector_store_idx %arg12[%gather3A_540, %add3A_22], %mul3A_555 {add = true} : memref<64x128xf32, #tpu.memory_space<vmem>>[vector<16xi32>, vector<16xi32>], vector<16xf32>,
          %mul3A_556 = arith.mulf %exp3A_528, %get3A_390 : vector<16xf32>
          tpu.vector_store_idx %arg12[%gather3A_552, %add3A_22], %mul3A_556 {add = true} : memref<64x128xf32, #tpu.memory_space<vmem>>[vector<16xi32>, vector<16xi32>], vector<16xf32>,
          %mul3A_557 = arith.mulf %exp3A_527, %get3A_369 : vector<16xf32>
          tpu.vector_store_idx %arg12[%gather3A_540, %add3A_26], %mul3A_557 {add = true} : memref<64x128xf32, #tpu.memory_space<vmem>>[vector<16xi32>, vector<16xi32>], vector<16xf32>,
          %mul3A_558 = arith.mulf %exp3A_528, %get3A_393 : vector<16xf32>
          tpu.vector_store_idx %arg12[%gather3A_552, %add3A_26], %mul3A_558 {add = true} : memref<64x128xf32, #tpu.memory_space<vmem>>[vector<16xi32>, vector<16xi32>], vector<16xf32>,
          %mul3A_559 = arith.mulf %exp3A_527, %get3A_372 : vector<16xf32>
          tpu.vector_store_idx %arg12[%gather3A_540, %add3A_30], %mul3A_559 {add = true} : memref<64x128xf32, #tpu.memory_space<vmem>>[vector<16xi32>, vector<16xi32>], vector<16xf32>,
          %mul3A_560 = arith.mulf %exp3A_528, %get3A_396 : vector<16xf32>
          tpu.vector_store_idx %arg12[%gather3A_552, %add3A_30], %mul3A_560 {add = true} : memref<64x128xf32, #tpu.memory_space<vmem>>[vector<16xi32>, vector<16xi32>], vector<16xf32>,
          %mul3A_561 = arith.mulf %exp3A_527, %get3A_375 : vector<16xf32>
          tpu.vector_store_idx %arg12[%gather3A_540, %add3A_34], %mul3A_561 {add = true} : memref<64x128xf32, #tpu.memory_space<vmem>>[vector<16xi32>, vector<16xi32>], vector<16xf32>,
          %mul3A_562 = arith.mulf %exp3A_528, %get3A_399 : vector<16xf32>
          tpu.vector_store_idx %arg12[%gather3A_552, %add3A_34], %mul3A_562 {add = true} : memref<64x128xf32, #tpu.memory_space<vmem>>[vector<16xi32>, vector<16xi32>], vector<16xf32>,
          %mul3A_563 = arith.mulf %exp3A_527, %get3A_378 : vector<16xf32>
          tpu.vector_store_idx %arg12[%gather3A_540, %add3A_38], %mul3A_563 {add = true} : memref<64x128xf32, #tpu.memory_space<vmem>>[vector<16xi32>, vector<16xi32>], vector<16xf32>,
          %mul3A_564 = arith.mulf %exp3A_528, %get3A_402 : vector<16xf32>
          tpu.vector_store_idx %arg12[%gather3A_552, %add3A_38], %mul3A_564 {add = true} : memref<64x128xf32, #tpu.memory_space<vmem>>[vector<16xi32>, vector<16xi32>], vector<16xf32>,
          %mul3A_565 = arith.mulf %exp3A_527, %get3A_381 : vector<16xf32>
          tpu.vector_store_idx %arg12[%gather3A_540, %add3A_42], %mul3A_565 {add = true} : memref<64x128xf32, #tpu.memory_space<vmem>>[vector<16xi32>, vector<16xi32>], vector<16xf32>,
          %mul3A_566 = arith.mulf %exp3A_528, %get3A_405 : vector<16xf32>
          tpu.vector_store_idx %arg12[%gather3A_552, %add3A_42], %mul3A_566 {add = true} : memref<64x128xf32, #tpu.memory_space<vmem>>[vector<16xi32>, vector<16xi32>], vector<16xf32>,
          %mul3A_567 = arith.mulf %exp3A_527, %get3A_384 : vector<16xf32>
          tpu.vector_store_idx %arg12[%gather3A_540, %add3A_46], %mul3A_567 {add = true} : memref<64x128xf32, #tpu.memory_space<vmem>>[vector<16xi32>, vector<16xi32>], vector<16xf32>,
          %mul3A_568 = arith.mulf %exp3A_528, %get3A_408 : vector<16xf32>
          tpu.vector_store_idx %arg12[%gather3A_552, %add3A_46], %mul3A_568 {add = true} : memref<64x128xf32, #tpu.memory_space<vmem>>[vector<16xi32>, vector<16xi32>], vector<16xf32>,
          %add3A_569 = arith.addf %exp3A_527, %exp3A_528 : vector<16xf32>
          %add3A_570 = arith.addf %add3A_354, %add3A_569 : vector<16xf32>
          %mul3A_571 = arith.constant 16 : i32
          %mul3A_572 = arith.muli %mul3A_571, %add3A_137 : i32
          %add3A_573 = arith.constant 4 : i32
          %add3A_574 = arith.addi %mul3A_572, %add3A_573 : i32
          %add3A_575 = arith.constant 1 : i32
          %add3A_576 = arith.addi %add3A_574, %add3A_575 : i32
          %get3A_577 = arith.index_cast %add3A_574 : i32 to index
          %get3A_578 = arith.constant 0 : index
          %get3A_579 = tpu.vector_load %arg7[%get3A_577, %get3A_578] {strides = array<i32>} : memref<160x128xf32, #tpu.memory_space<vmem>>, vector<16xf32>,
          %get3A_580 = arith.index_cast %add3A_574 : i32 to index
          %get3A_581 = arith.constant 16 : index
          %get3A_582 = tpu.vector_load %arg7[%get3A_580, %get3A_581] {strides = array<i32>} : memref<160x128xf32, #tpu.memory_space<vmem>>, vector<16xf32>,
          %get3A_583 = arith.index_cast %add3A_574 : i32 to index
          %get3A_584 = arith.constant 32 : index
          %get3A_585 = tpu.vector_load %arg7[%get3A_583, %get3A_584] {strides = array<i32>} : memref<160x128xf32, #tpu.memory_space<vmem>>, vector<16xf32>,
          %get3A_586 = arith.index_cast %add3A_574 : i32 to index
          %get3A_587 = arith.constant 48 : index
          %get3A_588 = tpu.vector_load %arg7[%get3A_586, %get3A_587] {strides = array<i32>} : memref<160x128xf32, #tpu.memory_space<vmem>>, vector<16xf32>,
          %get3A_589 = arith.index_cast %add3A_574 : i32 to index
          %get3A_590 = arith.constant 64 : index
          %get3A_591 = tpu.vector_load %arg7[%get3A_589, %get3A_590] {strides = array<i32>} : memref<160x128xf32, #tpu.memory_space<vmem>>, vector<16xf32>,
          %get3A_592 = arith.index_cast %add3A_574 : i32 to index
          %get3A_593 = arith.constant 80 : index
          %get3A_594 = tpu.vector_load %arg7[%get3A_592, %get3A_593] {strides = array<i32>} : memref<160x128xf32, #tpu.memory_space<vmem>>, vector<16xf32>,
          %get3A_595 = arith.index_cast %add3A_574 : i32 to index
          %get3A_596 = arith.constant 96 : index
          %get3A_597 = tpu.vector_load %arg7[%get3A_595, %get3A_596] {strides = array<i32>} : memref<160x128xf32, #tpu.memory_space<vmem>>, vector<16xf32>,
          %get3A_598 = arith.index_cast %add3A_574 : i32 to index
          %get3A_599 = arith.constant 112 : index
          %get3A_600 = tpu.vector_load %arg7[%get3A_598, %get3A_599] {strides = array<i32>} : memref<160x128xf32, #tpu.memory_space<vmem>>, vector<16xf32>,
          %get3A_601 = arith.index_cast %add3A_576 : i32 to index
          %get3A_602 = arith.constant 0 : index
          %get3A_603 = tpu.vector_load %arg7[%get3A_601, %get3A_602] {strides = array<i32>} : memref<160x128xf32, #tpu.memory_space<vmem>>, vector<16xf32>,
          %get3A_604 = arith.index_cast %add3A_576 : i32 to index
          %get3A_605 = arith.constant 16 : index
          %get3A_606 = tpu.vector_load %arg7[%get3A_604, %get3A_605] {strides = array<i32>} : memref<160x128xf32, #tpu.memory_space<vmem>>, vector<16xf32>,
          %get3A_607 = arith.index_cast %add3A_576 : i32 to index
          %get3A_608 = arith.constant 32 : index
          %get3A_609 = tpu.vector_load %arg7[%get3A_607, %get3A_608] {strides = array<i32>} : memref<160x128xf32, #tpu.memory_space<vmem>>, vector<16xf32>,
          %get3A_610 = arith.index_cast %add3A_576 : i32 to index
          %get3A_611 = arith.constant 48 : index
          %get3A_612 = tpu.vector_load %arg7[%get3A_610, %get3A_611] {strides = array<i32>} : memref<160x128xf32, #tpu.memory_space<vmem>>, vector<16xf32>,
          %get3A_613 = arith.index_cast %add3A_576 : i32 to index
          %get3A_614 = arith.constant 64 : index
          %get3A_615 = tpu.vector_load %arg7[%get3A_613, %get3A_614] {strides = array<i32>} : memref<160x128xf32, #tpu.memory_space<vmem>>, vector<16xf32>,
          %get3A_616 = arith.index_cast %add3A_576 : i32 to index
          %get3A_617 = arith.constant 80 : index
          %get3A_618 = tpu.vector_load %arg7[%get3A_616, %get3A_617] {strides = array<i32>} : memref<160x128xf32, #tpu.memory_space<vmem>>, vector<16xf32>,
          %get3A_619 = arith.index_cast %add3A_576 : i32 to index
          %get3A_620 = arith.constant 96 : index
          %get3A_621 = tpu.vector_load %arg7[%get3A_619, %get3A_620] {strides = array<i32>} : memref<160x128xf32, #tpu.memory_space<vmem>>, vector<16xf32>,
          %get3A_622 = arith.index_cast %add3A_576 : i32 to index
          %get3A_623 = arith.constant 112 : index
          %get3A_624 = tpu.vector_load %arg7[%get3A_622, %get3A_623] {strides = array<i32>} : memref<160x128xf32, #tpu.memory_space<vmem>>, vector<16xf32>,
          %mul3A_625 = arith.mulf %get3A_579, %get3A_1 : vector<16xf32>
          %mul3A_626 = arith.mulf %get3A_582, %get3A_3 : vector<16xf32>
          %mul3A_627 = arith.mulf %get3A_585, %get3A_5 : vector<16xf32>
          %mul3A_628 = arith.mulf %get3A_588, %get3A_7 : vector<16xf32>
          %mul3A_629 = arith.mulf %get3A_591, %get3A_9 : vector<16xf32>
          %mul3A_630 = arith.mulf %get3A_594, %get3A_11 : vector<16xf32>
          %mul3A_631 = arith.mulf %get3A_597, %get3A_13 : vector<16xf32>
          %mul3A_632 = arith.mulf %get3A_600, %get3A_15 : vector<16xf32>
          %mul3A_633 = arith.mulf %get3A_603, %get3A_1 : vector<16xf32>
          %mul3A_634 = arith.mulf %get3A_606, %get3A_3 : vector<16xf32>
          %mul3A_635 = arith.mulf %get3A_609, %get3A_5 : vector<16xf32>
          %mul3A_636 = arith.mulf %get3A_612, %get3A_7 : vector<16xf32>
          %mul3A_637 = arith.mulf %get3A_615, %get3A_9 : vector<16xf32>
          %mul3A_638 = arith.mulf %get3A_618, %get3A_11 : vector<16xf32>
          %mul3A_639 = arith.mulf %get3A_621, %get3A_13 : vector<16xf32>
          %mul3A_640 = arith.mulf %get3A_624, %get3A_15 : vector<16xf32>
          %add3A_641 = arith.addf %mul3A_625, %mul3A_626 : vector<16xf32>
          %add3A_642 = arith.addf %mul3A_627, %mul3A_628 : vector<16xf32>
          %add3A_643 = arith.addf %add3A_641, %add3A_642 : vector<16xf32>
          %add3A_644 = arith.addf %mul3A_629, %mul3A_630 : vector<16xf32>
          %add3A_645 = arith.addf %mul3A_631, %mul3A_632 : vector<16xf32>
          %add3A_646 = arith.addf %add3A_644, %add3A_645 : vector<16xf32>
          %add3A_647 = arith.addf %add3A_643, %add3A_646 : vector<16xf32>
          %add3A_648 = arith.addf %mul3A_633, %mul3A_634 : vector<16xf32>
          %add3A_649 = arith.addf %mul3A_635, %mul3A_636 : vector<16xf32>
          %add3A_650 = arith.addf %add3A_648, %add3A_649 : vector<16xf32>
          %add3A_651 = arith.addf %mul3A_637, %mul3A_638 : vector<16xf32>
          %add3A_652 = arith.addf %mul3A_639, %mul3A_640 : vector<16xf32>
          %add3A_653 = arith.addf %add3A_651, %add3A_652 : vector<16xf32>
          %add3A_654 = arith.addf %add3A_650, %add3A_653 : vector<16xf32>
          %lt3A_655 = arith.constant 0 : i32
          %lt3A_656 = vector.broadcast %lt3A_655 : i32 to vector<16xi32>
          %lt3A_657 = arith.cmpi slt, %xor3A_55, %lt3A_656 : vector<16xi32>
          %add3A_658 = arith.constant 16 : i32
          %add3A_659 = vector.broadcast %add3A_658 : i32 to vector<16xi32>
          %add3A_660 = arith.addi %xor3A_55, %add3A_659 : vector<16xi32>
          %select_n3A_661 = arith.select %lt3A_657, %add3A_660, %xor3A_55 : vector<16xi1>, vector<16xi32>
          %broadcast_in_dim3A_662 = vector.shape_cast %select_n3A_661 : vector<16xi32> to vector<16x1xi32>
          %gather3A_663 = vector.shape_cast %broadcast_in_dim3A_662 : vector<16x1xi32> to vector<16xi32>
          %gather3A_664 = tpu.dynamic_gather %add3A_647[%gather3A_663] in [0] : vector<16xf32>, vector<16xi32> -> vector<16xf32>
          %add3A_665 = arith.addf %add3A_647, %gather3A_664 : vector<16xf32>
          %lt3A_666 = arith.constant 0 : i32
          %lt3A_667 = vector.broadcast %lt3A_666 : i32 to vector<16xi32>
          %lt3A_668 = arith.cmpi slt, %xor3A_55, %lt3A_667 : vector<16xi32>
          %add3A_669 = arith.constant 16 : i32
          %add3A_670 = vector.broadcast %add3A_669 : i32 to vector<16xi32>
          %add3A_671 = arith.addi %xor3A_55, %add3A_670 : vector<16xi32>
          %select_n3A_672 = arith.select %lt3A_668, %add3A_671, %xor3A_55 : vector<16xi1>, vector<16xi32>
          %broadcast_in_dim3A_673 = vector.shape_cast %select_n3A_672 : vector<16xi32> to vector<16x1xi32>
          %gather3A_674 = vector.shape_cast %broadcast_in_dim3A_673 : vector<16x1xi32> to vector<16xi32>
          %gather3A_675 = tpu.dynamic_gather %add3A_654[%gather3A_674] in [0] : vector<16xf32>, vector<16xi32> -> vector<16xf32>
          %add3A_676 = arith.addf %add3A_654, %gather3A_675 : vector<16xf32>
          %lt3A_677 = arith.constant 0 : i32
          %lt3A_678 = vector.broadcast %lt3A_677 : i32 to vector<16xi32>
          %lt3A_679 = arith.cmpi slt, %xor3A_58, %lt3A_678 : vector<16xi32>
          %add3A_680 = arith.constant 16 : i32
          %add3A_681 = vector.broadcast %add3A_680 : i32 to vector<16xi32>
          %add3A_682 = arith.addi %xor3A_58, %add3A_681 : vector<16xi32>
          %select_n3A_683 = arith.select %lt3A_679, %add3A_682, %xor3A_58 : vector<16xi1>, vector<16xi32>
          %broadcast_in_dim3A_684 = vector.shape_cast %select_n3A_683 : vector<16xi32> to vector<16x1xi32>
          %gather3A_685 = vector.shape_cast %broadcast_in_dim3A_684 : vector<16x1xi32> to vector<16xi32>
          %gather3A_686 = tpu.dynamic_gather %add3A_665[%gather3A_685] in [0] : vector<16xf32>, vector<16xi32> -> vector<16xf32>
          %add3A_687 = arith.addf %add3A_665, %gather3A_686 : vector<16xf32>
          %lt3A_688 = arith.constant 0 : i32
          %lt3A_689 = vector.broadcast %lt3A_688 : i32 to vector<16xi32>
          %lt3A_690 = arith.cmpi slt, %xor3A_58, %lt3A_689 : vector<16xi32>
          %add3A_691 = arith.constant 16 : i32
          %add3A_692 = vector.broadcast %add3A_691 : i32 to vector<16xi32>
          %add3A_693 = arith.addi %xor3A_58, %add3A_692 : vector<16xi32>
          %select_n3A_694 = arith.select %lt3A_690, %add3A_693, %xor3A_58 : vector<16xi1>, vector<16xi32>
          %broadcast_in_dim3A_695 = vector.shape_cast %select_n3A_694 : vector<16xi32> to vector<16x1xi32>
          %gather3A_696 = vector.shape_cast %broadcast_in_dim3A_695 : vector<16x1xi32> to vector<16xi32>
          %gather3A_697 = tpu.dynamic_gather %add3A_676[%gather3A_696] in [0] : vector<16xf32>, vector<16xi32> -> vector<16xf32>
          %add3A_698 = arith.addf %add3A_676, %gather3A_697 : vector<16xf32>
          %lt3A_699 = arith.constant 0 : i32
          %lt3A_700 = vector.broadcast %lt3A_699 : i32 to vector<16xi32>
          %lt3A_701 = arith.cmpi slt, %xor3A_61, %lt3A_700 : vector<16xi32>
          %add3A_702 = arith.constant 16 : i32
          %add3A_703 = vector.broadcast %add3A_702 : i32 to vector<16xi32>
          %add3A_704 = arith.addi %xor3A_61, %add3A_703 : vector<16xi32>
          %select_n3A_705 = arith.select %lt3A_701, %add3A_704, %xor3A_61 : vector<16xi1>, vector<16xi32>
          %broadcast_in_dim3A_706 = vector.shape_cast %select_n3A_705 : vector<16xi32> to vector<16x1xi32>
          %gather3A_707 = vector.shape_cast %broadcast_in_dim3A_706 : vector<16x1xi32> to vector<16xi32>
          %gather3A_708 = tpu.dynamic_gather %add3A_687[%gather3A_707] in [0] : vector<16xf32>, vector<16xi32> -> vector<16xf32>
          %add3A_709 = arith.addf %add3A_687, %gather3A_708 : vector<16xf32>
          %lt3A_710 = arith.constant 0 : i32
          %lt3A_711 = vector.broadcast %lt3A_710 : i32 to vector<16xi32>
          %lt3A_712 = arith.cmpi slt, %xor3A_61, %lt3A_711 : vector<16xi32>
          %add3A_713 = arith.constant 16 : i32
          %add3A_714 = vector.broadcast %add3A_713 : i32 to vector<16xi32>
          %add3A_715 = arith.addi %xor3A_61, %add3A_714 : vector<16xi32>
          %select_n3A_716 = arith.select %lt3A_712, %add3A_715, %xor3A_61 : vector<16xi1>, vector<16xi32>
          %broadcast_in_dim3A_717 = vector.shape_cast %select_n3A_716 : vector<16xi32> to vector<16x1xi32>
          %gather3A_718 = vector.shape_cast %broadcast_in_dim3A_717 : vector<16x1xi32> to vector<16xi32>
          %gather3A_719 = tpu.dynamic_gather %add3A_698[%gather3A_718] in [0] : vector<16xf32>, vector<16xi32> -> vector<16xf32>
          %add3A_720 = arith.addf %add3A_698, %gather3A_719 : vector<16xf32>
          %lt3A_721 = arith.constant 0 : i32
          %lt3A_722 = vector.broadcast %lt3A_721 : i32 to vector<16xi32>
          %lt3A_723 = arith.cmpi slt, %xor3A_64, %lt3A_722 : vector<16xi32>
          %add3A_724 = arith.constant 16 : i32
          %add3A_725 = vector.broadcast %add3A_724 : i32 to vector<16xi32>
          %add3A_726 = arith.addi %xor3A_64, %add3A_725 : vector<16xi32>
          %select_n3A_727 = arith.select %lt3A_723, %add3A_726, %xor3A_64 : vector<16xi1>, vector<16xi32>
          %broadcast_in_dim3A_728 = vector.shape_cast %select_n3A_727 : vector<16xi32> to vector<16x1xi32>
          %gather3A_729 = vector.shape_cast %broadcast_in_dim3A_728 : vector<16x1xi32> to vector<16xi32>
          %gather3A_730 = tpu.dynamic_gather %add3A_709[%gather3A_729] in [0] : vector<16xf32>, vector<16xi32> -> vector<16xf32>
          %add3A_731 = arith.addf %add3A_709, %gather3A_730 : vector<16xf32>
          %lt3A_732 = arith.constant 0 : i32
          %lt3A_733 = vector.broadcast %lt3A_732 : i32 to vector<16xi32>
          %lt3A_734 = arith.cmpi slt, %xor3A_64, %lt3A_733 : vector<16xi32>
          %add3A_735 = arith.constant 16 : i32
          %add3A_736 = vector.broadcast %add3A_735 : i32 to vector<16xi32>
          %add3A_737 = arith.addi %xor3A_64, %add3A_736 : vector<16xi32>
          %select_n3A_738 = arith.select %lt3A_734, %add3A_737, %xor3A_64 : vector<16xi1>, vector<16xi32>
          %broadcast_in_dim3A_739 = vector.shape_cast %select_n3A_738 : vector<16xi32> to vector<16x1xi32>
          %gather3A_740 = vector.shape_cast %broadcast_in_dim3A_739 : vector<16x1xi32> to vector<16xi32>
          %gather3A_741 = tpu.dynamic_gather %add3A_720[%gather3A_740] in [0] : vector<16xf32>, vector<16xi32> -> vector<16xf32>
          %add3A_742 = arith.addf %add3A_720, %gather3A_741 : vector<16xf32>
          %exp3A_743 = math.exp %add3A_731 : vector<16xf32>
          %exp3A_744 = math.exp %add3A_742 : vector<16xf32>
          %broadcast_in_dim3A_745 = arith.constant 4 : i32
          %broadcast_in_dim3A_746 = vector.broadcast %broadcast_in_dim3A_745 : i32 to vector<16xi32>
          %lt3A_747 = arith.constant 0 : i32
          %lt3A_748 = vector.broadcast %lt3A_747 : i32 to vector<16xi32>
          %lt3A_749 = arith.cmpi slt, %broadcast_in_dim3A_746, %lt3A_748 : vector<16xi32>
          %add3A_750 = arith.constant 16 : i32
          %add3A_751 = vector.broadcast %add3A_750 : i32 to vector<16xi32>
          %add3A_752 = arith.addi %broadcast_in_dim3A_746, %add3A_751 : vector<16xi32>
          %select_n3A_753 = arith.select %lt3A_749, %add3A_752, %broadcast_in_dim3A_746 : vector<16xi1>, vector<16xi32>
          %broadcast_in_dim3A_754 = vector.shape_cast %select_n3A_753 : vector<16xi32> to vector<16x1xi32>
          %gather3A_755 = vector.shape_cast %broadcast_in_dim3A_754 : vector<16x1xi32> to vector<16xi32>
          %gather3A_756 = tpu.dynamic_gather %get3A_141[%gather3A_755] in [0] : vector<16xi32>, vector<16xi32> -> vector<16xi32>
          %broadcast_in_dim3A_757 = arith.constant 5 : i32
          %broadcast_in_dim3A_758 = vector.broadcast %broadcast_in_dim3A_757 : i32 to vector<16xi32>
          %lt3A_759 = arith.constant 0 : i32
          %lt3A_760 = vector.broadcast %lt3A_759 : i32 to vector<16xi32>
          %lt3A_761 = arith.cmpi slt, %broadcast_in_dim3A_758, %lt3A_760 : vector<16xi32>
          %add3A_762 = arith.constant 16 : i32
          %add3A_763 = vector.broadcast %add3A_762 : i32 to vector<16xi32>
          %add3A_764 = arith.addi %broadcast_in_dim3A_758, %add3A_763 : vector<16xi32>
          %select_n3A_765 = arith.select %lt3A_761, %add3A_764, %broadcast_in_dim3A_758 : vector<16xi1>, vector<16xi32>
          %broadcast_in_dim3A_766 = vector.shape_cast %select_n3A_765 : vector<16xi32> to vector<16x1xi32>
          %gather3A_767 = vector.shape_cast %broadcast_in_dim3A_766 : vector<16x1xi32> to vector<16xi32>
          %gather3A_768 = tpu.dynamic_gather %get3A_141[%gather3A_767] in [0] : vector<16xi32>, vector<16xi32> -> vector<16xi32>
          %mul3A_769 = arith.mulf %exp3A_743, %get3A_579 : vector<16xf32>
          tpu.vector_store_idx %arg12[%gather3A_756, %add3A_18], %mul3A_769 {add = true} : memref<64x128xf32, #tpu.memory_space<vmem>>[vector<16xi32>, vector<16xi32>], vector<16xf32>,
          %mul3A_770 = arith.mulf %exp3A_744, %get3A_603 : vector<16xf32>
          tpu.vector_store_idx %arg12[%gather3A_768, %add3A_18], %mul3A_770 {add = true} : memref<64x128xf32, #tpu.memory_space<vmem>>[vector<16xi32>, vector<16xi32>], vector<16xf32>,
          %mul3A_771 = arith.mulf %exp3A_743, %get3A_582 : vector<16xf32>
          tpu.vector_store_idx %arg12[%gather3A_756, %add3A_22], %mul3A_771 {add = true} : memref<64x128xf32, #tpu.memory_space<vmem>>[vector<16xi32>, vector<16xi32>], vector<16xf32>,
          %mul3A_772 = arith.mulf %exp3A_744, %get3A_606 : vector<16xf32>
          tpu.vector_store_idx %arg12[%gather3A_768, %add3A_22], %mul3A_772 {add = true} : memref<64x128xf32, #tpu.memory_space<vmem>>[vector<16xi32>, vector<16xi32>], vector<16xf32>,
          %mul3A_773 = arith.mulf %exp3A_743, %get3A_585 : vector<16xf32>
          tpu.vector_store_idx %arg12[%gather3A_756, %add3A_26], %mul3A_773 {add = true} : memref<64x128xf32, #tpu.memory_space<vmem>>[vector<16xi32>, vector<16xi32>], vector<16xf32>,
          %mul3A_774 = arith.mulf %exp3A_744, %get3A_609 : vector<16xf32>
          tpu.vector_store_idx %arg12[%gather3A_768, %add3A_26], %mul3A_774 {add = true} : memref<64x128xf32, #tpu.memory_space<vmem>>[vector<16xi32>, vector<16xi32>], vector<16xf32>,
          %mul3A_775 = arith.mulf %exp3A_743, %get3A_588 : vector<16xf32>
          tpu.vector_store_idx %arg12[%gather3A_756, %add3A_30], %mul3A_775 {add = true} : memref<64x128xf32, #tpu.memory_space<vmem>>[vector<16xi32>, vector<16xi32>], vector<16xf32>,
          %mul3A_776 = arith.mulf %exp3A_744, %get3A_612 : vector<16xf32>
          tpu.vector_store_idx %arg12[%gather3A_768, %add3A_30], %mul3A_776 {add = true} : memref<64x128xf32, #tpu.memory_space<vmem>>[vector<16xi32>, vector<16xi32>], vector<16xf32>,
          %mul3A_777 = arith.mulf %exp3A_743, %get3A_591 : vector<16xf32>
          tpu.vector_store_idx %arg12[%gather3A_756, %add3A_34], %mul3A_777 {add = true} : memref<64x128xf32, #tpu.memory_space<vmem>>[vector<16xi32>, vector<16xi32>], vector<16xf32>,
          %mul3A_778 = arith.mulf %exp3A_744, %get3A_615 : vector<16xf32>
          tpu.vector_store_idx %arg12[%gather3A_768, %add3A_34], %mul3A_778 {add = true} : memref<64x128xf32, #tpu.memory_space<vmem>>[vector<16xi32>, vector<16xi32>], vector<16xf32>,
          %mul3A_779 = arith.mulf %exp3A_743, %get3A_594 : vector<16xf32>
          tpu.vector_store_idx %arg12[%gather3A_756, %add3A_38], %mul3A_779 {add = true} : memref<64x128xf32, #tpu.memory_space<vmem>>[vector<16xi32>, vector<16xi32>], vector<16xf32>,
          %mul3A_780 = arith.mulf %exp3A_744, %get3A_618 : vector<16xf32>
          tpu.vector_store_idx %arg12[%gather3A_768, %add3A_38], %mul3A_780 {add = true} : memref<64x128xf32, #tpu.memory_space<vmem>>[vector<16xi32>, vector<16xi32>], vector<16xf32>,
          %mul3A_781 = arith.mulf %exp3A_743, %get3A_597 : vector<16xf32>
          tpu.vector_store_idx %arg12[%gather3A_756, %add3A_42], %mul3A_781 {add = true} : memref<64x128xf32, #tpu.memory_space<vmem>>[vector<16xi32>, vector<16xi32>], vector<16xf32>,
          %mul3A_782 = arith.mulf %exp3A_744, %get3A_621 : vector<16xf32>
          tpu.vector_store_idx %arg12[%gather3A_768, %add3A_42], %mul3A_782 {add = true} : memref<64x128xf32, #tpu.memory_space<vmem>>[vector<16xi32>, vector<16xi32>], vector<16xf32>,
          %mul3A_783 = arith.mulf %exp3A_743, %get3A_600 : vector<16xf32>
          tpu.vector_store_idx %arg12[%gather3A_756, %add3A_46], %mul3A_783 {add = true} : memref<64x128xf32, #tpu.memory_space<vmem>>[vector<16xi32>, vector<16xi32>], vector<16xf32>,
          %mul3A_784 = arith.mulf %exp3A_744, %get3A_624 : vector<16xf32>
          tpu.vector_store_idx %arg12[%gather3A_768, %add3A_46], %mul3A_784 {add = true} : memref<64x128xf32, #tpu.memory_space<vmem>>[vector<16xi32>, vector<16xi32>], vector<16xf32>,
          %add3A_785 = arith.addf %exp3A_743, %exp3A_744 : vector<16xf32>
          %add3A_786 = arith.addf %add3A_570, %add3A_785 : vector<16xf32>
          %mul3A_787 = arith.constant 16 : i32
          %mul3A_788 = arith.muli %mul3A_787, %add3A_137 : i32
          %add3A_789 = arith.constant 6 : i32
          %add3A_790 = arith.addi %mul3A_788, %add3A_789 : i32
          %add3A_791 = arith.constant 1 : i32
          %add3A_792 = arith.addi %add3A_790, %add3A_791 : i32
          %get3A_793 = arith.index_cast %add3A_790 : i32 to index
          %get3A_794 = arith.constant 0 : index
          %get3A_795 = tpu.vector_load %arg7[%get3A_793, %get3A_794] {strides = array<i32>} : memref<160x128xf32, #tpu.memory_space<vmem>>, vector<16xf32>,
          %get3A_796 = arith.index_cast %add3A_790 : i32 to index
          %get3A_797 = arith.constant 16 : index
          %get3A_798 = tpu.vector_load %arg7[%get3A_796, %get3A_797] {strides = array<i32>} : memref<160x128xf32, #tpu.memory_space<vmem>>, vector<16xf32>,
          %get3A_799 = arith.index_cast %add3A_790 : i32 to index
          %get3A_800 = arith.constant 32 : index
          %get3A_801 = tpu.vector_load %arg7[%get3A_799, %get3A_800] {strides = array<i32>} : memref<160x128xf32, #tpu.memory_space<vmem>>, vector<16xf32>,
          %get3A_802 = arith.index_cast %add3A_790 : i32 to index
          %get3A_803 = arith.constant 48 : index
          %get3A_804 = tpu.vector_load %arg7[%get3A_802, %get3A_803] {strides = array<i32>} : memref<160x128xf32, #tpu.memory_space<vmem>>, vector<16xf32>,
          %get3A_805 = arith.index_cast %add3A_790 : i32 to index
          %get3A_806 = arith.constant 64 : index
          %get3A_807 = tpu.vector_load %arg7[%get3A_805, %get3A_806] {strides = array<i32>} : memref<160x128xf32, #tpu.memory_space<vmem>>, vector<16xf32>,
          %get3A_808 = arith.index_cast %add3A_790 : i32 to index
          %get3A_809 = arith.constant 80 : index
          %get3A_810 = tpu.vector_load %arg7[%get3A_808, %get3A_809] {strides = array<i32>} : memref<160x128xf32, #tpu.memory_space<vmem>>, vector<16xf32>,
          %get3A_811 = arith.index_cast %add3A_790 : i32 to index
          %get3A_812 = arith.constant 96 : index
          %get3A_813 = tpu.vector_load %arg7[%get3A_811, %get3A_812] {strides = array<i32>} : memref<160x128xf32, #tpu.memory_space<vmem>>, vector<16xf32>,
          %get3A_814 = arith.index_cast %add3A_790 : i32 to index
          %get3A_815 = arith.constant 112 : index
          %get3A_816 = tpu.vector_load %arg7[%get3A_814, %get3A_815] {strides = array<i32>} : memref<160x128xf32, #tpu.memory_space<vmem>>, vector<16xf32>,
          %get3A_817 = arith.index_cast %add3A_792 : i32 to index
          %get3A_818 = arith.constant 0 : index
          %get3A_819 = tpu.vector_load %arg7[%get3A_817, %get3A_818] {strides = array<i32>} : memref<160x128xf32, #tpu.memory_space<vmem>>, vector<16xf32>,
          %get3A_820 = arith.index_cast %add3A_792 : i32 to index
          %get3A_821 = arith.constant 16 : index
          %get3A_822 = tpu.vector_load %arg7[%get3A_820, %get3A_821] {strides = array<i32>} : memref<160x128xf32, #tpu.memory_space<vmem>>, vector<16xf32>,
          %get3A_823 = arith.index_cast %add3A_792 : i32 to index
          %get3A_824 = arith.constant 32 : index
          %get3A_825 = tpu.vector_load %arg7[%get3A_823, %get3A_824] {strides = array<i32>} : memref<160x128xf32, #tpu.memory_space<vmem>>, vector<16xf32>,
          %get3A_826 = arith.index_cast %add3A_792 : i32 to index
          %get3A_827 = arith.constant 48 : index
          %get3A_828 = tpu.vector_load %arg7[%get3A_826, %get3A_827] {strides = array<i32>} : memref<160x128xf32, #tpu.memory_space<vmem>>, vector<16xf32>,
          %get3A_829 = arith.index_cast %add3A_792 : i32 to index
          %get3A_830 = arith.constant 64 : index
          %get3A_831 = tpu.vector_load %arg7[%get3A_829, %get3A_830] {strides = array<i32>} : memref<160x128xf32, #tpu.memory_space<vmem>>, vector<16xf32>,
          %get3A_832 = arith.index_cast %add3A_792 : i32 to index
          %get3A_833 = arith.constant 80 : index
          %get3A_834 = tpu.vector_load %arg7[%get3A_832, %get3A_833] {strides = array<i32>} : memref<160x128xf32, #tpu.memory_space<vmem>>, vector<16xf32>,
          %get3A_835 = arith.index_cast %add3A_792 : i32 to index
          %get3A_836 = arith.constant 96 : index
          %get3A_837 = tpu.vector_load %arg7[%get3A_835, %get3A_836] {strides = array<i32>} : memref<160x128xf32, #tpu.memory_space<vmem>>, vector<16xf32>,
          %get3A_838 = arith.index_cast %add3A_792 : i32 to index
          %get3A_839 = arith.constant 112 : index
          %get3A_840 = tpu.vector_load %arg7[%get3A_838, %get3A_839] {strides = array<i32>} : memref<160x128xf32, #tpu.memory_space<vmem>>, vector<16xf32>,
          %mul3A_841 = arith.mulf %get3A_795, %get3A_1 : vector<16xf32>
          %mul3A_842 = arith.mulf %get3A_798, %get3A_3 : vector<16xf32>
          %mul3A_843 = arith.mulf %get3A_801, %get3A_5 : vector<16xf32>
          %mul3A_844 = arith.mulf %get3A_804, %get3A_7 : vector<16xf32>
          %mul3A_845 = arith.mulf %get3A_807, %get3A_9 : vector<16xf32>
          %mul3A_846 = arith.mulf %get3A_810, %get3A_11 : vector<16xf32>
          %mul3A_847 = arith.mulf %get3A_813, %get3A_13 : vector<16xf32>
          %mul3A_848 = arith.mulf %get3A_816, %get3A_15 : vector<16xf32>
          %mul3A_849 = arith.mulf %get3A_819, %get3A_1 : vector<16xf32>
          %mul3A_850 = arith.mulf %get3A_822, %get3A_3 : vector<16xf32>
          %mul3A_851 = arith.mulf %get3A_825, %get3A_5 : vector<16xf32>
          %mul3A_852 = arith.mulf %get3A_828, %get3A_7 : vector<16xf32>
          %mul3A_853 = arith.mulf %get3A_831, %get3A_9 : vector<16xf32>
          %mul3A_854 = arith.mulf %get3A_834, %get3A_11 : vector<16xf32>
          %mul3A_855 = arith.mulf %get3A_837, %get3A_13 : vector<16xf32>
          %mul3A_856 = arith.mulf %get3A_840, %get3A_15 : vector<16xf32>
          %add3A_857 = arith.addf %mul3A_841, %mul3A_842 : vector<16xf32>
          %add3A_858 = arith.addf %mul3A_843, %mul3A_844 : vector<16xf32>
          %add3A_859 = arith.addf %add3A_857, %add3A_858 : vector<16xf32>
          %add3A_860 = arith.addf %mul3A_845, %mul3A_846 : vector<16xf32>
          %add3A_861 = arith.addf %mul3A_847, %mul3A_848 : vector<16xf32>
          %add3A_862 = arith.addf %add3A_860, %add3A_861 : vector<16xf32>
          %add3A_863 = arith.addf %add3A_859, %add3A_862 : vector<16xf32>
          %add3A_864 = arith.addf %mul3A_849, %mul3A_850 : vector<16xf32>
          %add3A_865 = arith.addf %mul3A_851, %mul3A_852 : vector<16xf32>
          %add3A_866 = arith.addf %add3A_864, %add3A_865 : vector<16xf32>
          %add3A_867 = arith.addf %mul3A_853, %mul3A_854 : vector<16xf32>
          %add3A_868 = arith.addf %mul3A_855, %mul3A_856 : vector<16xf32>
          %add3A_869 = arith.addf %add3A_867, %add3A_868 : vector<16xf32>
          %add3A_870 = arith.addf %add3A_866, %add3A_869 : vector<16xf32>
          %lt3A_871 = arith.constant 0 : i32
          %lt3A_872 = vector.broadcast %lt3A_871 : i32 to vector<16xi32>
          %lt3A_873 = arith.cmpi slt, %xor3A_55, %lt3A_872 : vector<16xi32>
          %add3A_874 = arith.constant 16 : i32
          %add3A_875 = vector.broadcast %add3A_874 : i32 to vector<16xi32>
          %add3A_876 = arith.addi %xor3A_55, %add3A_875 : vector<16xi32>
          %select_n3A_877 = arith.select %lt3A_873, %add3A_876, %xor3A_55 : vector<16xi1>, vector<16xi32>
          %broadcast_in_dim3A_878 = vector.shape_cast %select_n3A_877 : vector<16xi32> to vector<16x1xi32>
          %gather3A_879 = vector.shape_cast %broadcast_in_dim3A_878 : vector<16x1xi32> to vector<16xi32>
          %gather3A_880 = tpu.dynamic_gather %add3A_863[%gather3A_879] in [0] : vector<16xf32>, vector<16xi32> -> vector<16xf32>
          %add3A_881 = arith.addf %add3A_863, %gather3A_880 : vector<16xf32>
          %lt3A_882 = arith.constant 0 : i32
          %lt3A_883 = vector.broadcast %lt3A_882 : i32 to vector<16xi32>
          %lt3A_884 = arith.cmpi slt, %xor3A_55, %lt3A_883 : vector<16xi32>
          %add3A_885 = arith.constant 16 : i32
          %add3A_886 = vector.broadcast %add3A_885 : i32 to vector<16xi32>
          %add3A_887 = arith.addi %xor3A_55, %add3A_886 : vector<16xi32>
          %select_n3A_888 = arith.select %lt3A_884, %add3A_887, %xor3A_55 : vector<16xi1>, vector<16xi32>
          %broadcast_in_dim3A_889 = vector.shape_cast %select_n3A_888 : vector<16xi32> to vector<16x1xi32>
          %gather3A_890 = vector.shape_cast %broadcast_in_dim3A_889 : vector<16x1xi32> to vector<16xi32>
          %gather3A_891 = tpu.dynamic_gather %add3A_870[%gather3A_890] in [0] : vector<16xf32>, vector<16xi32> -> vector<16xf32>
          %add3A_892 = arith.addf %add3A_870, %gather3A_891 : vector<16xf32>
          %lt3A_893 = arith.constant 0 : i32
          %lt3A_894 = vector.broadcast %lt3A_893 : i32 to vector<16xi32>
          %lt3A_895 = arith.cmpi slt, %xor3A_58, %lt3A_894 : vector<16xi32>
          %add3A_896 = arith.constant 16 : i32
          %add3A_897 = vector.broadcast %add3A_896 : i32 to vector<16xi32>
          %add3A_898 = arith.addi %xor3A_58, %add3A_897 : vector<16xi32>
          %select_n3A_899 = arith.select %lt3A_895, %add3A_898, %xor3A_58 : vector<16xi1>, vector<16xi32>
          %broadcast_in_dim3A_900 = vector.shape_cast %select_n3A_899 : vector<16xi32> to vector<16x1xi32>
          %gather3A_901 = vector.shape_cast %broadcast_in_dim3A_900 : vector<16x1xi32> to vector<16xi32>
          %gather3A_902 = tpu.dynamic_gather %add3A_881[%gather3A_901] in [0] : vector<16xf32>, vector<16xi32> -> vector<16xf32>
          %add3A_903 = arith.addf %add3A_881, %gather3A_902 : vector<16xf32>
          %lt3A_904 = arith.constant 0 : i32
          %lt3A_905 = vector.broadcast %lt3A_904 : i32 to vector<16xi32>
          %lt3A_906 = arith.cmpi slt, %xor3A_58, %lt3A_905 : vector<16xi32>
          %add3A_907 = arith.constant 16 : i32
          %add3A_908 = vector.broadcast %add3A_907 : i32 to vector<16xi32>
          %add3A_909 = arith.addi %xor3A_58, %add3A_908 : vector<16xi32>
          %select_n3A_910 = arith.select %lt3A_906, %add3A_909, %xor3A_58 : vector<16xi1>, vector<16xi32>
          %broadcast_in_dim3A_911 = vector.shape_cast %select_n3A_910 : vector<16xi32> to vector<16x1xi32>
          %gather3A_912 = vector.shape_cast %broadcast_in_dim3A_911 : vector<16x1xi32> to vector<16xi32>
          %gather3A_913 = tpu.dynamic_gather %add3A_892[%gather3A_912] in [0] : vector<16xf32>, vector<16xi32> -> vector<16xf32>
          %add3A_914 = arith.addf %add3A_892, %gather3A_913 : vector<16xf32>
          %lt3A_915 = arith.constant 0 : i32
          %lt3A_916 = vector.broadcast %lt3A_915 : i32 to vector<16xi32>
          %lt3A_917 = arith.cmpi slt, %xor3A_61, %lt3A_916 : vector<16xi32>
          %add3A_918 = arith.constant 16 : i32
          %add3A_919 = vector.broadcast %add3A_918 : i32 to vector<16xi32>
          %add3A_920 = arith.addi %xor3A_61, %add3A_919 : vector<16xi32>
          %select_n3A_921 = arith.select %lt3A_917, %add3A_920, %xor3A_61 : vector<16xi1>, vector<16xi32>
          %broadcast_in_dim3A_922 = vector.shape_cast %select_n3A_921 : vector<16xi32> to vector<16x1xi32>
          %gather3A_923 = vector.shape_cast %broadcast_in_dim3A_922 : vector<16x1xi32> to vector<16xi32>
          %gather3A_924 = tpu.dynamic_gather %add3A_903[%gather3A_923] in [0] : vector<16xf32>, vector<16xi32> -> vector<16xf32>
          %add3A_925 = arith.addf %add3A_903, %gather3A_924 : vector<16xf32>
          %lt3A_926 = arith.constant 0 : i32
          %lt3A_927 = vector.broadcast %lt3A_926 : i32 to vector<16xi32>
          %lt3A_928 = arith.cmpi slt, %xor3A_61, %lt3A_927 : vector<16xi32>
          %add3A_929 = arith.constant 16 : i32
          %add3A_930 = vector.broadcast %add3A_929 : i32 to vector<16xi32>
          %add3A_931 = arith.addi %xor3A_61, %add3A_930 : vector<16xi32>
          %select_n3A_932 = arith.select %lt3A_928, %add3A_931, %xor3A_61 : vector<16xi1>, vector<16xi32>
          %broadcast_in_dim3A_933 = vector.shape_cast %select_n3A_932 : vector<16xi32> to vector<16x1xi32>
          %gather3A_934 = vector.shape_cast %broadcast_in_dim3A_933 : vector<16x1xi32> to vector<16xi32>
          %gather3A_935 = tpu.dynamic_gather %add3A_914[%gather3A_934] in [0] : vector<16xf32>, vector<16xi32> -> vector<16xf32>
          %add3A_936 = arith.addf %add3A_914, %gather3A_935 : vector<16xf32>
          %lt3A_937 = arith.constant 0 : i32
          %lt3A_938 = vector.broadcast %lt3A_937 : i32 to vector<16xi32>
          %lt3A_939 = arith.cmpi slt, %xor3A_64, %lt3A_938 : vector<16xi32>
          %add3A_940 = arith.constant 16 : i32
          %add3A_941 = vector.broadcast %add3A_940 : i32 to vector<16xi32>
          %add3A_942 = arith.addi %xor3A_64, %add3A_941 : vector<16xi32>
          %select_n3A_943 = arith.select %lt3A_939, %add3A_942, %xor3A_64 : vector<16xi1>, vector<16xi32>
          %broadcast_in_dim3A_944 = vector.shape_cast %select_n3A_943 : vector<16xi32> to vector<16x1xi32>
          %gather3A_945 = vector.shape_cast %broadcast_in_dim3A_944 : vector<16x1xi32> to vector<16xi32>
          %gather3A_946 = tpu.dynamic_gather %add3A_925[%gather3A_945] in [0] : vector<16xf32>, vector<16xi32> -> vector<16xf32>
          %add3A_947 = arith.addf %add3A_925, %gather3A_946 : vector<16xf32>
          %lt3A_948 = arith.constant 0 : i32
          %lt3A_949 = vector.broadcast %lt3A_948 : i32 to vector<16xi32>
          %lt3A_950 = arith.cmpi slt, %xor3A_64, %lt3A_949 : vector<16xi32>
          %add3A_951 = arith.constant 16 : i32
          %add3A_952 = vector.broadcast %add3A_951 : i32 to vector<16xi32>
          %add3A_953 = arith.addi %xor3A_64, %add3A_952 : vector<16xi32>
          %select_n3A_954 = arith.select %lt3A_950, %add3A_953, %xor3A_64 : vector<16xi1>, vector<16xi32>
          %broadcast_in_dim3A_955 = vector.shape_cast %select_n3A_954 : vector<16xi32> to vector<16x1xi32>
          %gather3A_956 = vector.shape_cast %broadcast_in_dim3A_955 : vector<16x1xi32> to vector<16xi32>
          %gather3A_957 = tpu.dynamic_gather %add3A_936[%gather3A_956] in [0] : vector<16xf32>, vector<16xi32> -> vector<16xf32>
          %add3A_958 = arith.addf %add3A_936, %gather3A_957 : vector<16xf32>
          %exp3A_959 = math.exp %add3A_947 : vector<16xf32>
          %exp3A_960 = math.exp %add3A_958 : vector<16xf32>
          %broadcast_in_dim3A_961 = arith.constant 6 : i32
          %broadcast_in_dim3A_962 = vector.broadcast %broadcast_in_dim3A_961 : i32 to vector<16xi32>
          %lt3A_963 = arith.constant 0 : i32
          %lt3A_964 = vector.broadcast %lt3A_963 : i32 to vector<16xi32>
          %lt3A_965 = arith.cmpi slt, %broadcast_in_dim3A_962, %lt3A_964 : vector<16xi32>
          %add3A_966 = arith.constant 16 : i32
          %add3A_967 = vector.broadcast %add3A_966 : i32 to vector<16xi32>
          %add3A_968 = arith.addi %broadcast_in_dim3A_962, %add3A_967 : vector<16xi32>
          %select_n3A_969 = arith.select %lt3A_965, %add3A_968, %broadcast_in_dim3A_962 : vector<16xi1>, vector<16xi32>
          %broadcast_in_dim3A_970 = vector.shape_cast %select_n3A_969 : vector<16xi32> to vector<16x1xi32>
          %gather3A_971 = vector.shape_cast %broadcast_in_dim3A_970 : vector<16x1xi32> to vector<16xi32>
          %gather3A_972 = tpu.dynamic_gather %get3A_141[%gather3A_971] in [0] : vector<16xi32>, vector<16xi32> -> vector<16xi32>
          %broadcast_in_dim3A_973 = arith.constant 7 : i32
          %broadcast_in_dim3A_974 = vector.broadcast %broadcast_in_dim3A_973 : i32 to vector<16xi32>
          %lt3A_975 = arith.constant 0 : i32
          %lt3A_976 = vector.broadcast %lt3A_975 : i32 to vector<16xi32>
          %lt3A_977 = arith.cmpi slt, %broadcast_in_dim3A_974, %lt3A_976 : vector<16xi32>
          %add3A_978 = arith.constant 16 : i32
          %add3A_979 = vector.broadcast %add3A_978 : i32 to vector<16xi32>
          %add3A_980 = arith.addi %broadcast_in_dim3A_974, %add3A_979 : vector<16xi32>
          %select_n3A_981 = arith.select %lt3A_977, %add3A_980, %broadcast_in_dim3A_974 : vector<16xi1>, vector<16xi32>
          %broadcast_in_dim3A_982 = vector.shape_cast %select_n3A_981 : vector<16xi32> to vector<16x1xi32>
          %gather3A_983 = vector.shape_cast %broadcast_in_dim3A_982 : vector<16x1xi32> to vector<16xi32>
          %gather3A_984 = tpu.dynamic_gather %get3A_141[%gather3A_983] in [0] : vector<16xi32>, vector<16xi32> -> vector<16xi32>
          %mul3A_985 = arith.mulf %exp3A_959, %get3A_795 : vector<16xf32>
          tpu.vector_store_idx %arg12[%gather3A_972, %add3A_18], %mul3A_985 {add = true} : memref<64x128xf32, #tpu.memory_space<vmem>>[vector<16xi32>, vector<16xi32>], vector<16xf32>,
          %mul3A_986 = arith.mulf %exp3A_960, %get3A_819 : vector<16xf32>
          tpu.vector_store_idx %arg12[%gather3A_984, %add3A_18], %mul3A_986 {add = true} : memref<64x128xf32, #tpu.memory_space<vmem>>[vector<16xi32>, vector<16xi32>], vector<16xf32>,
          %mul3A_987 = arith.mulf %exp3A_959, %get3A_798 : vector<16xf32>
          tpu.vector_store_idx %arg12[%gather3A_972, %add3A_22], %mul3A_987 {add = true} : memref<64x128xf32, #tpu.memory_space<vmem>>[vector<16xi32>, vector<16xi32>], vector<16xf32>,
          %mul3A_988 = arith.mulf %exp3A_960, %get3A_822 : vector<16xf32>
          tpu.vector_store_idx %arg12[%gather3A_984, %add3A_22], %mul3A_988 {add = true} : memref<64x128xf32, #tpu.memory_space<vmem>>[vector<16xi32>, vector<16xi32>], vector<16xf32>,
          %mul3A_989 = arith.mulf %exp3A_959, %get3A_801 : vector<16xf32>
          tpu.vector_store_idx %arg12[%gather3A_972, %add3A_26], %mul3A_989 {add = true} : memref<64x128xf32, #tpu.memory_space<vmem>>[vector<16xi32>, vector<16xi32>], vector<16xf32>,
          %mul3A_990 = arith.mulf %exp3A_960, %get3A_825 : vector<16xf32>
          tpu.vector_store_idx %arg12[%gather3A_984, %add3A_26], %mul3A_990 {add = true} : memref<64x128xf32, #tpu.memory_space<vmem>>[vector<16xi32>, vector<16xi32>], vector<16xf32>,
          %mul3A_991 = arith.mulf %exp3A_959, %get3A_804 : vector<16xf32>
          tpu.vector_store_idx %arg12[%gather3A_972, %add3A_30], %mul3A_991 {add = true} : memref<64x128xf32, #tpu.memory_space<vmem>>[vector<16xi32>, vector<16xi32>], vector<16xf32>,
          %mul3A_992 = arith.mulf %exp3A_960, %get3A_828 : vector<16xf32>
          tpu.vector_store_idx %arg12[%gather3A_984, %add3A_30], %mul3A_992 {add = true} : memref<64x128xf32, #tpu.memory_space<vmem>>[vector<16xi32>, vector<16xi32>], vector<16xf32>,
          %mul3A_993 = arith.mulf %exp3A_959, %get3A_807 : vector<16xf32>
          tpu.vector_store_idx %arg12[%gather3A_972, %add3A_34], %mul3A_993 {add = true} : memref<64x128xf32, #tpu.memory_space<vmem>>[vector<16xi32>, vector<16xi32>], vector<16xf32>,
          %mul3A_994 = arith.mulf %exp3A_960, %get3A_831 : vector<16xf32>
          tpu.vector_store_idx %arg12[%gather3A_984, %add3A_34], %mul3A_994 {add = true} : memref<64x128xf32, #tpu.memory_space<vmem>>[vector<16xi32>, vector<16xi32>], vector<16xf32>,
          %mul3A_995 = arith.mulf %exp3A_959, %get3A_810 : vector<16xf32>
          tpu.vector_store_idx %arg12[%gather3A_972, %add3A_38], %mul3A_995 {add = true} : memref<64x128xf32, #tpu.memory_space<vmem>>[vector<16xi32>, vector<16xi32>], vector<16xf32>,
          %mul3A_996 = arith.mulf %exp3A_960, %get3A_834 : vector<16xf32>
          tpu.vector_store_idx %arg12[%gather3A_984, %add3A_38], %mul3A_996 {add = true} : memref<64x128xf32, #tpu.memory_space<vmem>>[vector<16xi32>, vector<16xi32>], vector<16xf32>,
          %mul3A_997 = arith.mulf %exp3A_959, %get3A_813 : vector<16xf32>
          tpu.vector_store_idx %arg12[%gather3A_972, %add3A_42], %mul3A_997 {add = true} : memref<64x128xf32, #tpu.memory_space<vmem>>[vector<16xi32>, vector<16xi32>], vector<16xf32>,
          %mul3A_998 = arith.mulf %exp3A_960, %get3A_837 : vector<16xf32>
          tpu.vector_store_idx %arg12[%gather3A_984, %add3A_42], %mul3A_998 {add = true} : memref<64x128xf32, #tpu.memory_space<vmem>>[vector<16xi32>, vector<16xi32>], vector<16xf32>,
          %mul3A_999 = arith.mulf %exp3A_959, %get3A_816 : vector<16xf32>
          tpu.vector_store_idx %arg12[%gather3A_972, %add3A_46], %mul3A_999 {add = true} : memref<64x128xf32, #tpu.memory_space<vmem>>[vector<16xi32>, vector<16xi32>], vector<16xf32>,
          %mul3A_1000 = arith.mulf %exp3A_960, %get3A_840 : vector<16xf32>
          tpu.vector_store_idx %arg12[%gather3A_984, %add3A_46], %mul3A_1000 {add = true} : memref<64x128xf32, #tpu.memory_space<vmem>>[vector<16xi32>, vector<16xi32>], vector<16xf32>,
          %add3A_1001 = arith.addf %exp3A_959, %exp3A_960 : vector<16xf32>
          %add3A_1002 = arith.addf %add3A_786, %add3A_1001 : vector<16xf32>
          %mul3A_1003 = arith.constant 16 : i32
          %mul3A_1004 = arith.muli %mul3A_1003, %add3A_137 : i32
          %add3A_1005 = arith.constant 8 : i32
          %add3A_1006 = arith.addi %mul3A_1004, %add3A_1005 : i32
          %add3A_1007 = arith.constant 1 : i32
          %add3A_1008 = arith.addi %add3A_1006, %add3A_1007 : i32
          %get3A_1009 = arith.index_cast %add3A_1006 : i32 to index
          %get3A_1010 = arith.constant 0 : index
          %get3A_1011 = tpu.vector_load %arg7[%get3A_1009, %get3A_1010] {strides = array<i32>} : memref<160x128xf32, #tpu.memory_space<vmem>>, vector<16xf32>,
          %get3A_1012 = arith.index_cast %add3A_1006 : i32 to index
          %get3A_1013 = arith.constant 16 : index
          %get3A_1014 = tpu.vector_load %arg7[%get3A_1012, %get3A_1013] {strides = array<i32>} : memref<160x128xf32, #tpu.memory_space<vmem>>, vector<16xf32>,
          %get3A_1015 = arith.index_cast %add3A_1006 : i32 to index
          %get3A_1016 = arith.constant 32 : index
          %get3A_1017 = tpu.vector_load %arg7[%get3A_1015, %get3A_1016] {strides = array<i32>} : memref<160x128xf32, #tpu.memory_space<vmem>>, vector<16xf32>,
          %get3A_1018 = arith.index_cast %add3A_1006 : i32 to index
          %get3A_1019 = arith.constant 48 : index
          %get3A_1020 = tpu.vector_load %arg7[%get3A_1018, %get3A_1019] {strides = array<i32>} : memref<160x128xf32, #tpu.memory_space<vmem>>, vector<16xf32>,
          %get3A_1021 = arith.index_cast %add3A_1006 : i32 to index
          %get3A_1022 = arith.constant 64 : index
          %get3A_1023 = tpu.vector_load %arg7[%get3A_1021, %get3A_1022] {strides = array<i32>} : memref<160x128xf32, #tpu.memory_space<vmem>>, vector<16xf32>,
          %get3A_1024 = arith.index_cast %add3A_1006 : i32 to index
          %get3A_1025 = arith.constant 80 : index
          %get3A_1026 = tpu.vector_load %arg7[%get3A_1024, %get3A_1025] {strides = array<i32>} : memref<160x128xf32, #tpu.memory_space<vmem>>, vector<16xf32>,
          %get3A_1027 = arith.index_cast %add3A_1006 : i32 to index
          %get3A_1028 = arith.constant 96 : index
          %get3A_1029 = tpu.vector_load %arg7[%get3A_1027, %get3A_1028] {strides = array<i32>} : memref<160x128xf32, #tpu.memory_space<vmem>>, vector<16xf32>,
          %get3A_1030 = arith.index_cast %add3A_1006 : i32 to index
          %get3A_1031 = arith.constant 112 : index
          %get3A_1032 = tpu.vector_load %arg7[%get3A_1030, %get3A_1031] {strides = array<i32>} : memref<160x128xf32, #tpu.memory_space<vmem>>, vector<16xf32>,
          %get3A_1033 = arith.index_cast %add3A_1008 : i32 to index
          %get3A_1034 = arith.constant 0 : index
          %get3A_1035 = tpu.vector_load %arg7[%get3A_1033, %get3A_1034] {strides = array<i32>} : memref<160x128xf32, #tpu.memory_space<vmem>>, vector<16xf32>,
          %get3A_1036 = arith.index_cast %add3A_1008 : i32 to index
          %get3A_1037 = arith.constant 16 : index
          %get3A_1038 = tpu.vector_load %arg7[%get3A_1036, %get3A_1037] {strides = array<i32>} : memref<160x128xf32, #tpu.memory_space<vmem>>, vector<16xf32>,
          %get3A_1039 = arith.index_cast %add3A_1008 : i32 to index
          %get3A_1040 = arith.constant 32 : index
          %get3A_1041 = tpu.vector_load %arg7[%get3A_1039, %get3A_1040] {strides = array<i32>} : memref<160x128xf32, #tpu.memory_space<vmem>>, vector<16xf32>,
          %get3A_1042 = arith.index_cast %add3A_1008 : i32 to index
          %get3A_1043 = arith.constant 48 : index
          %get3A_1044 = tpu.vector_load %arg7[%get3A_1042, %get3A_1043] {strides = array<i32>} : memref<160x128xf32, #tpu.memory_space<vmem>>, vector<16xf32>,
          %get3A_1045 = arith.index_cast %add3A_1008 : i32 to index
          %get3A_1046 = arith.constant 64 : index
          %get3A_1047 = tpu.vector_load %arg7[%get3A_1045, %get3A_1046] {strides = array<i32>} : memref<160x128xf32, #tpu.memory_space<vmem>>, vector<16xf32>,
          %get3A_1048 = arith.index_cast %add3A_1008 : i32 to index
          %get3A_1049 = arith.constant 80 : index
          %get3A_1050 = tpu.vector_load %arg7[%get3A_1048, %get3A_1049] {strides = array<i32>} : memref<160x128xf32, #tpu.memory_space<vmem>>, vector<16xf32>,
          %get3A_1051 = arith.index_cast %add3A_1008 : i32 to index
          %get3A_1052 = arith.constant 96 : index
          %get3A_1053 = tpu.vector_load %arg7[%get3A_1051, %get3A_1052] {strides = array<i32>} : memref<160x128xf32, #tpu.memory_space<vmem>>, vector<16xf32>,
          %get3A_1054 = arith.index_cast %add3A_1008 : i32 to index
          %get3A_1055 = arith.constant 112 : index
          %get3A_1056 = tpu.vector_load %arg7[%get3A_1054, %get3A_1055] {strides = array<i32>} : memref<160x128xf32, #tpu.memory_space<vmem>>, vector<16xf32>,
          %mul3A_1057 = arith.mulf %get3A_1011, %get3A_1 : vector<16xf32>
          %mul3A_1058 = arith.mulf %get3A_1014, %get3A_3 : vector<16xf32>
          %mul3A_1059 = arith.mulf %get3A_1017, %get3A_5 : vector<16xf32>
          %mul3A_1060 = arith.mulf %get3A_1020, %get3A_7 : vector<16xf32>
          %mul3A_1061 = arith.mulf %get3A_1023, %get3A_9 : vector<16xf32>
          %mul3A_1062 = arith.mulf %get3A_1026, %get3A_11 : vector<16xf32>
          %mul3A_1063 = arith.mulf %get3A_1029, %get3A_13 : vector<16xf32>
          %mul3A_1064 = arith.mulf %get3A_1032, %get3A_15 : vector<16xf32>
          %mul3A_1065 = arith.mulf %get3A_1035, %get3A_1 : vector<16xf32>
          %mul3A_1066 = arith.mulf %get3A_1038, %get3A_3 : vector<16xf32>
          %mul3A_1067 = arith.mulf %get3A_1041, %get3A_5 : vector<16xf32>
          %mul3A_1068 = arith.mulf %get3A_1044, %get3A_7 : vector<16xf32>
          %mul3A_1069 = arith.mulf %get3A_1047, %get3A_9 : vector<16xf32>
          %mul3A_1070 = arith.mulf %get3A_1050, %get3A_11 : vector<16xf32>
          %mul3A_1071 = arith.mulf %get3A_1053, %get3A_13 : vector<16xf32>
          %mul3A_1072 = arith.mulf %get3A_1056, %get3A_15 : vector<16xf32>
          %add3A_1073 = arith.addf %mul3A_1057, %mul3A_1058 : vector<16xf32>
          %add3A_1074 = arith.addf %mul3A_1059, %mul3A_1060 : vector<16xf32>
          %add3A_1075 = arith.addf %add3A_1073, %add3A_1074 : vector<16xf32>
          %add3A_1076 = arith.addf %mul3A_1061, %mul3A_1062 : vector<16xf32>
          %add3A_1077 = arith.addf %mul3A_1063, %mul3A_1064 : vector<16xf32>
          %add3A_1078 = arith.addf %add3A_1076, %add3A_1077 : vector<16xf32>
          %add3A_1079 = arith.addf %add3A_1075, %add3A_1078 : vector<16xf32>
          %add3A_1080 = arith.addf %mul3A_1065, %mul3A_1066 : vector<16xf32>
          %add3A_1081 = arith.addf %mul3A_1067, %mul3A_1068 : vector<16xf32>
          %add3A_1082 = arith.addf %add3A_1080, %add3A_1081 : vector<16xf32>
          %add3A_1083 = arith.addf %mul3A_1069, %mul3A_1070 : vector<16xf32>
          %add3A_1084 = arith.addf %mul3A_1071, %mul3A_1072 : vector<16xf32>
          %add3A_1085 = arith.addf %add3A_1083, %add3A_1084 : vector<16xf32>
          %add3A_1086 = arith.addf %add3A_1082, %add3A_1085 : vector<16xf32>
          %lt3A_1087 = arith.constant 0 : i32
          %lt3A_1088 = vector.broadcast %lt3A_1087 : i32 to vector<16xi32>
          %lt3A_1089 = arith.cmpi slt, %xor3A_55, %lt3A_1088 : vector<16xi32>
          %add3A_1090 = arith.constant 16 : i32
          %add3A_1091 = vector.broadcast %add3A_1090 : i32 to vector<16xi32>
          %add3A_1092 = arith.addi %xor3A_55, %add3A_1091 : vector<16xi32>
          %select_n3A_1093 = arith.select %lt3A_1089, %add3A_1092, %xor3A_55 : vector<16xi1>, vector<16xi32>
          %broadcast_in_dim3A_1094 = vector.shape_cast %select_n3A_1093 : vector<16xi32> to vector<16x1xi32>
          %gather3A_1095 = vector.shape_cast %broadcast_in_dim3A_1094 : vector<16x1xi32> to vector<16xi32>
          %gather3A_1096 = tpu.dynamic_gather %add3A_1079[%gather3A_1095] in [0] : vector<16xf32>, vector<16xi32> -> vector<16xf32>
          %add3A_1097 = arith.addf %add3A_1079, %gather3A_1096 : vector<16xf32>
          %lt3A_1098 = arith.constant 0 : i32
          %lt3A_1099 = vector.broadcast %lt3A_1098 : i32 to vector<16xi32>
          %lt3A_1100 = arith.cmpi slt, %xor3A_55, %lt3A_1099 : vector<16xi32>
          %add3A_1101 = arith.constant 16 : i32
          %add3A_1102 = vector.broadcast %add3A_1101 : i32 to vector<16xi32>
          %add3A_1103 = arith.addi %xor3A_55, %add3A_1102 : vector<16xi32>
          %select_n3A_1104 = arith.select %lt3A_1100, %add3A_1103, %xor3A_55 : vector<16xi1>, vector<16xi32>
          %broadcast_in_dim3A_1105 = vector.shape_cast %select_n3A_1104 : vector<16xi32> to vector<16x1xi32>
          %gather3A_1106 = vector.shape_cast %broadcast_in_dim3A_1105 : vector<16x1xi32> to vector<16xi32>
          %gather3A_1107 = tpu.dynamic_gather %add3A_1086[%gather3A_1106] in [0] : vector<16xf32>, vector<16xi32> -> vector<16xf32>
          %add3A_1108 = arith.addf %add3A_1086, %gather3A_1107 : vector<16xf32>
          %lt3A_1109 = arith.constant 0 : i32
          %lt3A_1110 = vector.broadcast %lt3A_1109 : i32 to vector<16xi32>
          %lt3A_1111 = arith.cmpi slt, %xor3A_58, %lt3A_1110 : vector<16xi32>
          %add3A_1112 = arith.constant 16 : i32
          %add3A_1113 = vector.broadcast %add3A_1112 : i32 to vector<16xi32>
          %add3A_1114 = arith.addi %xor3A_58, %add3A_1113 : vector<16xi32>
          %select_n3A_1115 = arith.select %lt3A_1111, %add3A_1114, %xor3A_58 : vector<16xi1>, vector<16xi32>
          %broadcast_in_dim3A_1116 = vector.shape_cast %select_n3A_1115 : vector<16xi32> to vector<16x1xi32>
          %gather3A_1117 = vector.shape_cast %broadcast_in_dim3A_1116 : vector<16x1xi32> to vector<16xi32>
          %gather3A_1118 = tpu.dynamic_gather %add3A_1097[%gather3A_1117] in [0] : vector<16xf32>, vector<16xi32> -> vector<16xf32>
          %add3A_1119 = arith.addf %add3A_1097, %gather3A_1118 : vector<16xf32>
          %lt3A_1120 = arith.constant 0 : i32
          %lt3A_1121 = vector.broadcast %lt3A_1120 : i32 to vector<16xi32>
          %lt3A_1122 = arith.cmpi slt, %xor3A_58, %lt3A_1121 : vector<16xi32>
          %add3A_1123 = arith.constant 16 : i32
          %add3A_1124 = vector.broadcast %add3A_1123 : i32 to vector<16xi32>
          %add3A_1125 = arith.addi %xor3A_58, %add3A_1124 : vector<16xi32>
          %select_n3A_1126 = arith.select %lt3A_1122, %add3A_1125, %xor3A_58 : vector<16xi1>, vector<16xi32>
          %broadcast_in_dim3A_1127 = vector.shape_cast %select_n3A_1126 : vector<16xi32> to vector<16x1xi32>
          %gather3A_1128 = vector.shape_cast %broadcast_in_dim3A_1127 : vector<16x1xi32> to vector<16xi32>
          %gather3A_1129 = tpu.dynamic_gather %add3A_1108[%gather3A_1128] in [0] : vector<16xf32>, vector<16xi32> -> vector<16xf32>
          %add3A_1130 = arith.addf %add3A_1108, %gather3A_1129 : vector<16xf32>
          %lt3A_1131 = arith.constant 0 : i32
          %lt3A_1132 = vector.broadcast %lt3A_1131 : i32 to vector<16xi32>
          %lt3A_1133 = arith.cmpi slt, %xor3A_61, %lt3A_1132 : vector<16xi32>
          %add3A_1134 = arith.constant 16 : i32
          %add3A_1135 = vector.broadcast %add3A_1134 : i32 to vector<16xi32>
          %add3A_1136 = arith.addi %xor3A_61, %add3A_1135 : vector<16xi32>
          %select_n3A_1137 = arith.select %lt3A_1133, %add3A_1136, %xor3A_61 : vector<16xi1>, vector<16xi32>
          %broadcast_in_dim3A_1138 = vector.shape_cast %select_n3A_1137 : vector<16xi32> to vector<16x1xi32>
          %gather3A_1139 = vector.shape_cast %broadcast_in_dim3A_1138 : vector<16x1xi32> to vector<16xi32>
          %gather3A_1140 = tpu.dynamic_gather %add3A_1119[%gather3A_1139] in [0] : vector<16xf32>, vector<16xi32> -> vector<16xf32>
          %add3A_1141 = arith.addf %add3A_1119, %gather3A_1140 : vector<16xf32>
          %lt3A_1142 = arith.constant 0 : i32
          %lt3A_1143 = vector.broadcast %lt3A_1142 : i32 to vector<16xi32>
          %lt3A_1144 = arith.cmpi slt, %xor3A_61, %lt3A_1143 : vector<16xi32>
          %add3A_1145 = arith.constant 16 : i32
          %add3A_1146 = vector.broadcast %add3A_1145 : i32 to vector<16xi32>
          %add3A_1147 = arith.addi %xor3A_61, %add3A_1146 : vector<16xi32>
          %select_n3A_1148 = arith.select %lt3A_1144, %add3A_1147, %xor3A_61 : vector<16xi1>, vector<16xi32>
          %broadcast_in_dim3A_1149 = vector.shape_cast %select_n3A_1148 : vector<16xi32> to vector<16x1xi32>
          %gather3A_1150 = vector.shape_cast %broadcast_in_dim3A_1149 : vector<16x1xi32> to vector<16xi32>
          %gather3A_1151 = tpu.dynamic_gather %add3A_1130[%gather3A_1150] in [0] : vector<16xf32>, vector<16xi32> -> vector<16xf32>
          %add3A_1152 = arith.addf %add3A_1130, %gather3A_1151 : vector<16xf32>
          %lt3A_1153 = arith.constant 0 : i32
          %lt3A_1154 = vector.broadcast %lt3A_1153 : i32 to vector<16xi32>
          %lt3A_1155 = arith.cmpi slt, %xor3A_64, %lt3A_1154 : vector<16xi32>
          %add3A_1156 = arith.constant 16 : i32
          %add3A_1157 = vector.broadcast %add3A_1156 : i32 to vector<16xi32>
          %add3A_1158 = arith.addi %xor3A_64, %add3A_1157 : vector<16xi32>
          %select_n3A_1159 = arith.select %lt3A_1155, %add3A_1158, %xor3A_64 : vector<16xi1>, vector<16xi32>
          %broadcast_in_dim3A_1160 = vector.shape_cast %select_n3A_1159 : vector<16xi32> to vector<16x1xi32>
          %gather3A_1161 = vector.shape_cast %broadcast_in_dim3A_1160 : vector<16x1xi32> to vector<16xi32>
          %gather3A_1162 = tpu.dynamic_gather %add3A_1141[%gather3A_1161] in [0] : vector<16xf32>, vector<16xi32> -> vector<16xf32>
          %add3A_1163 = arith.addf %add3A_1141, %gather3A_1162 : vector<16xf32>
          %lt3A_1164 = arith.constant 0 : i32
          %lt3A_1165 = vector.broadcast %lt3A_1164 : i32 to vector<16xi32>
          %lt3A_1166 = arith.cmpi slt, %xor3A_64, %lt3A_1165 : vector<16xi32>
          %add3A_1167 = arith.constant 16 : i32
          %add3A_1168 = vector.broadcast %add3A_1167 : i32 to vector<16xi32>
          %add3A_1169 = arith.addi %xor3A_64, %add3A_1168 : vector<16xi32>
          %select_n3A_1170 = arith.select %lt3A_1166, %add3A_1169, %xor3A_64 : vector<16xi1>, vector<16xi32>
          %broadcast_in_dim3A_1171 = vector.shape_cast %select_n3A_1170 : vector<16xi32> to vector<16x1xi32>
          %gather3A_1172 = vector.shape_cast %broadcast_in_dim3A_1171 : vector<16x1xi32> to vector<16xi32>
          %gather3A_1173 = tpu.dynamic_gather %add3A_1152[%gather3A_1172] in [0] : vector<16xf32>, vector<16xi32> -> vector<16xf32>
          %add3A_1174 = arith.addf %add3A_1152, %gather3A_1173 : vector<16xf32>
          %exp3A_1175 = math.exp %add3A_1163 : vector<16xf32>
          %exp3A_1176 = math.exp %add3A_1174 : vector<16xf32>
          %broadcast_in_dim3A_1177 = arith.constant 8 : i32
          %broadcast_in_dim3A_1178 = vector.broadcast %broadcast_in_dim3A_1177 : i32 to vector<16xi32>
          %lt3A_1179 = arith.constant 0 : i32
          %lt3A_1180 = vector.broadcast %lt3A_1179 : i32 to vector<16xi32>
          %lt3A_1181 = arith.cmpi slt, %broadcast_in_dim3A_1178, %lt3A_1180 : vector<16xi32>
          %add3A_1182 = arith.constant 16 : i32
          %add3A_1183 = vector.broadcast %add3A_1182 : i32 to vector<16xi32>
          %add3A_1184 = arith.addi %broadcast_in_dim3A_1178, %add3A_1183 : vector<16xi32>
          %select_n3A_1185 = arith.select %lt3A_1181, %add3A_1184, %broadcast_in_dim3A_1178 : vector<16xi1>, vector<16xi32>
          %broadcast_in_dim3A_1186 = vector.shape_cast %select_n3A_1185 : vector<16xi32> to vector<16x1xi32>
          %gather3A_1187 = vector.shape_cast %broadcast_in_dim3A_1186 : vector<16x1xi32> to vector<16xi32>
          %gather3A_1188 = tpu.dynamic_gather %get3A_141[%gather3A_1187] in [0] : vector<16xi32>, vector<16xi32> -> vector<16xi32>
          %broadcast_in_dim3A_1189 = arith.constant 9 : i32
          %broadcast_in_dim3A_1190 = vector.broadcast %broadcast_in_dim3A_1189 : i32 to vector<16xi32>
          %lt3A_1191 = arith.constant 0 : i32
          %lt3A_1192 = vector.broadcast %lt3A_1191 : i32 to vector<16xi32>
          %lt3A_1193 = arith.cmpi slt, %broadcast_in_dim3A_1190, %lt3A_1192 : vector<16xi32>
          %add3A_1194 = arith.constant 16 : i32
          %add3A_1195 = vector.broadcast %add3A_1194 : i32 to vector<16xi32>
          %add3A_1196 = arith.addi %broadcast_in_dim3A_1190, %add3A_1195 : vector<16xi32>
          %select_n3A_1197 = arith.select %lt3A_1193, %add3A_1196, %broadcast_in_dim3A_1190 : vector<16xi1>, vector<16xi32>
          %broadcast_in_dim3A_1198 = vector.shape_cast %select_n3A_1197 : vector<16xi32> to vector<16x1xi32>
          %gather3A_1199 = vector.shape_cast %broadcast_in_dim3A_1198 : vector<16x1xi32> to vector<16xi32>
          %gather3A_1200 = tpu.dynamic_gather %get3A_141[%gather3A_1199] in [0] : vector<16xi32>, vector<16xi32> -> vector<16xi32>
          %mul3A_1201 = arith.mulf %exp3A_1175, %get3A_1011 : vector<16xf32>
          tpu.vector_store_idx %arg12[%gather3A_1188, %add3A_18], %mul3A_1201 {add = true} : memref<64x128xf32, #tpu.memory_space<vmem>>[vector<16xi32>, vector<16xi32>], vector<16xf32>,
          %mul3A_1202 = arith.mulf %exp3A_1176, %get3A_1035 : vector<16xf32>
          tpu.vector_store_idx %arg12[%gather3A_1200, %add3A_18], %mul3A_1202 {add = true} : memref<64x128xf32, #tpu.memory_space<vmem>>[vector<16xi32>, vector<16xi32>], vector<16xf32>,
          %mul3A_1203 = arith.mulf %exp3A_1175, %get3A_1014 : vector<16xf32>
          tpu.vector_store_idx %arg12[%gather3A_1188, %add3A_22], %mul3A_1203 {add = true} : memref<64x128xf32, #tpu.memory_space<vmem>>[vector<16xi32>, vector<16xi32>], vector<16xf32>,
          %mul3A_1204 = arith.mulf %exp3A_1176, %get3A_1038 : vector<16xf32>
          tpu.vector_store_idx %arg12[%gather3A_1200, %add3A_22], %mul3A_1204 {add = true} : memref<64x128xf32, #tpu.memory_space<vmem>>[vector<16xi32>, vector<16xi32>], vector<16xf32>,
          %mul3A_1205 = arith.mulf %exp3A_1175, %get3A_1017 : vector<16xf32>
          tpu.vector_store_idx %arg12[%gather3A_1188, %add3A_26], %mul3A_1205 {add = true} : memref<64x128xf32, #tpu.memory_space<vmem>>[vector<16xi32>, vector<16xi32>], vector<16xf32>,
          %mul3A_1206 = arith.mulf %exp3A_1176, %get3A_1041 : vector<16xf32>
          tpu.vector_store_idx %arg12[%gather3A_1200, %add3A_26], %mul3A_1206 {add = true} : memref<64x128xf32, #tpu.memory_space<vmem>>[vector<16xi32>, vector<16xi32>], vector<16xf32>,
          %mul3A_1207 = arith.mulf %exp3A_1175, %get3A_1020 : vector<16xf32>
          tpu.vector_store_idx %arg12[%gather3A_1188, %add3A_30], %mul3A_1207 {add = true} : memref<64x128xf32, #tpu.memory_space<vmem>>[vector<16xi32>, vector<16xi32>], vector<16xf32>,
          %mul3A_1208 = arith.mulf %exp3A_1176, %get3A_1044 : vector<16xf32>
          tpu.vector_store_idx %arg12[%gather3A_1200, %add3A_30], %mul3A_1208 {add = true} : memref<64x128xf32, #tpu.memory_space<vmem>>[vector<16xi32>, vector<16xi32>], vector<16xf32>,
          %mul3A_1209 = arith.mulf %exp3A_1175, %get3A_1023 : vector<16xf32>
          tpu.vector_store_idx %arg12[%gather3A_1188, %add3A_34], %mul3A_1209 {add = true} : memref<64x128xf32, #tpu.memory_space<vmem>>[vector<16xi32>, vector<16xi32>], vector<16xf32>,
          %mul3A_1210 = arith.mulf %exp3A_1176, %get3A_1047 : vector<16xf32>
          tpu.vector_store_idx %arg12[%gather3A_1200, %add3A_34], %mul3A_1210 {add = true} : memref<64x128xf32, #tpu.memory_space<vmem>>[vector<16xi32>, vector<16xi32>], vector<16xf32>,
          %mul3A_1211 = arith.mulf %exp3A_1175, %get3A_1026 : vector<16xf32>
          tpu.vector_store_idx %arg12[%gather3A_1188, %add3A_38], %mul3A_1211 {add = true} : memref<64x128xf32, #tpu.memory_space<vmem>>[vector<16xi32>, vector<16xi32>], vector<16xf32>,
          %mul3A_1212 = arith.mulf %exp3A_1176, %get3A_1050 : vector<16xf32>
          tpu.vector_store_idx %arg12[%gather3A_1200, %add3A_38], %mul3A_1212 {add = true} : memref<64x128xf32, #tpu.memory_space<vmem>>[vector<16xi32>, vector<16xi32>], vector<16xf32>,
          %mul3A_1213 = arith.mulf %exp3A_1175, %get3A_1029 : vector<16xf32>
          tpu.vector_store_idx %arg12[%gather3A_1188, %add3A_42], %mul3A_1213 {add = true} : memref<64x128xf32, #tpu.memory_space<vmem>>[vector<16xi32>, vector<16xi32>], vector<16xf32>,
          %mul3A_1214 = arith.mulf %exp3A_1176, %get3A_1053 : vector<16xf32>
          tpu.vector_store_idx %arg12[%gather3A_1200, %add3A_42], %mul3A_1214 {add = true} : memref<64x128xf32, #tpu.memory_space<vmem>>[vector<16xi32>, vector<16xi32>], vector<16xf32>,
          %mul3A_1215 = arith.mulf %exp3A_1175, %get3A_1032 : vector<16xf32>
          tpu.vector_store_idx %arg12[%gather3A_1188, %add3A_46], %mul3A_1215 {add = true} : memref<64x128xf32, #tpu.memory_space<vmem>>[vector<16xi32>, vector<16xi32>], vector<16xf32>,
          %mul3A_1216 = arith.mulf %exp3A_1176, %get3A_1056 : vector<16xf32>
          tpu.vector_store_idx %arg12[%gather3A_1200, %add3A_46], %mul3A_1216 {add = true} : memref<64x128xf32, #tpu.memory_space<vmem>>[vector<16xi32>, vector<16xi32>], vector<16xf32>,
          %add3A_1217 = arith.addf %exp3A_1175, %exp3A_1176 : vector<16xf32>
          %add3A_1218 = arith.addf %add3A_1002, %add3A_1217 : vector<16xf32>
          %mul3A_1219 = arith.constant 16 : i32
          %mul3A_1220 = arith.muli %mul3A_1219, %add3A_137 : i32
          %add3A_1221 = arith.constant 10 : i32
          %add3A_1222 = arith.addi %mul3A_1220, %add3A_1221 : i32
          %add3A_1223 = arith.constant 1 : i32
          %add3A_1224 = arith.addi %add3A_1222, %add3A_1223 : i32
          %get3A_1225 = arith.index_cast %add3A_1222 : i32 to index
          %get3A_1226 = arith.constant 0 : index
          %get3A_1227 = tpu.vector_load %arg7[%get3A_1225, %get3A_1226] {strides = array<i32>} : memref<160x128xf32, #tpu.memory_space<vmem>>, vector<16xf32>,
          %get3A_1228 = arith.index_cast %add3A_1222 : i32 to index
          %get3A_1229 = arith.constant 16 : index
          %get3A_1230 = tpu.vector_load %arg7[%get3A_1228, %get3A_1229] {strides = array<i32>} : memref<160x128xf32, #tpu.memory_space<vmem>>, vector<16xf32>,
          %get3A_1231 = arith.index_cast %add3A_1222 : i32 to index
          %get3A_1232 = arith.constant 32 : index
          %get3A_1233 = tpu.vector_load %arg7[%get3A_1231, %get3A_1232] {strides = array<i32>} : memref<160x128xf32, #tpu.memory_space<vmem>>, vector<16xf32>,
          %get3A_1234 = arith.index_cast %add3A_1222 : i32 to index
          %get3A_1235 = arith.constant 48 : index
          %get3A_1236 = tpu.vector_load %arg7[%get3A_1234, %get3A_1235] {strides = array<i32>} : memref<160x128xf32, #tpu.memory_space<vmem>>, vector<16xf32>,
          %get3A_1237 = arith.index_cast %add3A_1222 : i32 to index
          %get3A_1238 = arith.constant 64 : index
          %get3A_1239 = tpu.vector_load %arg7[%get3A_1237, %get3A_1238] {strides = array<i32>} : memref<160x128xf32, #tpu.memory_space<vmem>>, vector<16xf32>,
          %get3A_1240 = arith.index_cast %add3A_1222 : i32 to index
          %get3A_1241 = arith.constant 80 : index
          %get3A_1242 = tpu.vector_load %arg7[%get3A_1240, %get3A_1241] {strides = array<i32>} : memref<160x128xf32, #tpu.memory_space<vmem>>, vector<16xf32>,
          %get3A_1243 = arith.index_cast %add3A_1222 : i32 to index
          %get3A_1244 = arith.constant 96 : index
          %get3A_1245 = tpu.vector_load %arg7[%get3A_1243, %get3A_1244] {strides = array<i32>} : memref<160x128xf32, #tpu.memory_space<vmem>>, vector<16xf32>,
          %get3A_1246 = arith.index_cast %add3A_1222 : i32 to index
          %get3A_1247 = arith.constant 112 : index
          %get3A_1248 = tpu.vector_load %arg7[%get3A_1246, %get3A_1247] {strides = array<i32>} : memref<160x128xf32, #tpu.memory_space<vmem>>, vector<16xf32>,
          %get3A_1249 = arith.index_cast %add3A_1224 : i32 to index
          %get3A_1250 = arith.constant 0 : index
          %get3A_1251 = tpu.vector_load %arg7[%get3A_1249, %get3A_1250] {strides = array<i32>} : memref<160x128xf32, #tpu.memory_space<vmem>>, vector<16xf32>,
          %get3A_1252 = arith.index_cast %add3A_1224 : i32 to index
          %get3A_1253 = arith.constant 16 : index
          %get3A_1254 = tpu.vector_load %arg7[%get3A_1252, %get3A_1253] {strides = array<i32>} : memref<160x128xf32, #tpu.memory_space<vmem>>, vector<16xf32>,
          %get3A_1255 = arith.index_cast %add3A_1224 : i32 to index
          %get3A_1256 = arith.constant 32 : index
          %get3A_1257 = tpu.vector_load %arg7[%get3A_1255, %get3A_1256] {strides = array<i32>} : memref<160x128xf32, #tpu.memory_space<vmem>>, vector<16xf32>,
          %get3A_1258 = arith.index_cast %add3A_1224 : i32 to index
          %get3A_1259 = arith.constant 48 : index
          %get3A_1260 = tpu.vector_load %arg7[%get3A_1258, %get3A_1259] {strides = array<i32>} : memref<160x128xf32, #tpu.memory_space<vmem>>, vector<16xf32>,
          %get3A_1261 = arith.index_cast %add3A_1224 : i32 to index
          %get3A_1262 = arith.constant 64 : index
          %get3A_1263 = tpu.vector_load %arg7[%get3A_1261, %get3A_1262] {strides = array<i32>} : memref<160x128xf32, #tpu.memory_space<vmem>>, vector<16xf32>,
          %get3A_1264 = arith.index_cast %add3A_1224 : i32 to index
          %get3A_1265 = arith.constant 80 : index
          %get3A_1266 = tpu.vector_load %arg7[%get3A_1264, %get3A_1265] {strides = array<i32>} : memref<160x128xf32, #tpu.memory_space<vmem>>, vector<16xf32>,
          %get3A_1267 = arith.index_cast %add3A_1224 : i32 to index
          %get3A_1268 = arith.constant 96 : index
          %get3A_1269 = tpu.vector_load %arg7[%get3A_1267, %get3A_1268] {strides = array<i32>} : memref<160x128xf32, #tpu.memory_space<vmem>>, vector<16xf32>,
          %get3A_1270 = arith.index_cast %add3A_1224 : i32 to index
          %get3A_1271 = arith.constant 112 : index
          %get3A_1272 = tpu.vector_load %arg7[%get3A_1270, %get3A_1271] {strides = array<i32>} : memref<160x128xf32, #tpu.memory_space<vmem>>, vector<16xf32>,
          %mul3A_1273 = arith.mulf %get3A_1227, %get3A_1 : vector<16xf32>
          %mul3A_1274 = arith.mulf %get3A_1230, %get3A_3 : vector<16xf32>
          %mul3A_1275 = arith.mulf %get3A_1233, %get3A_5 : vector<16xf32>
          %mul3A_1276 = arith.mulf %get3A_1236, %get3A_7 : vector<16xf32>
          %mul3A_1277 = arith.mulf %get3A_1239, %get3A_9 : vector<16xf32>
          %mul3A_1278 = arith.mulf %get3A_1242, %get3A_11 : vector<16xf32>
          %mul3A_1279 = arith.mulf %get3A_1245, %get3A_13 : vector<16xf32>
          %mul3A_1280 = arith.mulf %get3A_1248, %get3A_15 : vector<16xf32>
          %mul3A_1281 = arith.mulf %get3A_1251, %get3A_1 : vector<16xf32>
          %mul3A_1282 = arith.mulf %get3A_1254, %get3A_3 : vector<16xf32>
          %mul3A_1283 = arith.mulf %get3A_1257, %get3A_5 : vector<16xf32>
          %mul3A_1284 = arith.mulf %get3A_1260, %get3A_7 : vector<16xf32>
          %mul3A_1285 = arith.mulf %get3A_1263, %get3A_9 : vector<16xf32>
          %mul3A_1286 = arith.mulf %get3A_1266, %get3A_11 : vector<16xf32>
          %mul3A_1287 = arith.mulf %get3A_1269, %get3A_13 : vector<16xf32>
          %mul3A_1288 = arith.mulf %get3A_1272, %get3A_15 : vector<16xf32>
          %add3A_1289 = arith.addf %mul3A_1273, %mul3A_1274 : vector<16xf32>
          %add3A_1290 = arith.addf %mul3A_1275, %mul3A_1276 : vector<16xf32>
          %add3A_1291 = arith.addf %add3A_1289, %add3A_1290 : vector<16xf32>
          %add3A_1292 = arith.addf %mul3A_1277, %mul3A_1278 : vector<16xf32>
          %add3A_1293 = arith.addf %mul3A_1279, %mul3A_1280 : vector<16xf32>
          %add3A_1294 = arith.addf %add3A_1292, %add3A_1293 : vector<16xf32>
          %add3A_1295 = arith.addf %add3A_1291, %add3A_1294 : vector<16xf32>
          %add3A_1296 = arith.addf %mul3A_1281, %mul3A_1282 : vector<16xf32>
          %add3A_1297 = arith.addf %mul3A_1283, %mul3A_1284 : vector<16xf32>
          %add3A_1298 = arith.addf %add3A_1296, %add3A_1297 : vector<16xf32>
          %add3A_1299 = arith.addf %mul3A_1285, %mul3A_1286 : vector<16xf32>
          %add3A_1300 = arith.addf %mul3A_1287, %mul3A_1288 : vector<16xf32>
          %add3A_1301 = arith.addf %add3A_1299, %add3A_1300 : vector<16xf32>
          %add3A_1302 = arith.addf %add3A_1298, %add3A_1301 : vector<16xf32>
          %lt3A_1303 = arith.constant 0 : i32
          %lt3A_1304 = vector.broadcast %lt3A_1303 : i32 to vector<16xi32>
          %lt3A_1305 = arith.cmpi slt, %xor3A_55, %lt3A_1304 : vector<16xi32>
          %add3A_1306 = arith.constant 16 : i32
          %add3A_1307 = vector.broadcast %add3A_1306 : i32 to vector<16xi32>
          %add3A_1308 = arith.addi %xor3A_55, %add3A_1307 : vector<16xi32>
          %select_n3A_1309 = arith.select %lt3A_1305, %add3A_1308, %xor3A_55 : vector<16xi1>, vector<16xi32>
          %broadcast_in_dim3A_1310 = vector.shape_cast %select_n3A_1309 : vector<16xi32> to vector<16x1xi32>
          %gather3A_1311 = vector.shape_cast %broadcast_in_dim3A_1310 : vector<16x1xi32> to vector<16xi32>
          %gather3A_1312 = tpu.dynamic_gather %add3A_1295[%gather3A_1311] in [0] : vector<16xf32>, vector<16xi32> -> vector<16xf32>
          %add3A_1313 = arith.addf %add3A_1295, %gather3A_1312 : vector<16xf32>
          %lt3A_1314 = arith.constant 0 : i32
          %lt3A_1315 = vector.broadcast %lt3A_1314 : i32 to vector<16xi32>
          %lt3A_1316 = arith.cmpi slt, %xor3A_55, %lt3A_1315 : vector<16xi32>
          %add3A_1317 = arith.constant 16 : i32
          %add3A_1318 = vector.broadcast %add3A_1317 : i32 to vector<16xi32>
          %add3A_1319 = arith.addi %xor3A_55, %add3A_1318 : vector<16xi32>
          %select_n3A_1320 = arith.select %lt3A_1316, %add3A_1319, %xor3A_55 : vector<16xi1>, vector<16xi32>
          %broadcast_in_dim3A_1321 = vector.shape_cast %select_n3A_1320 : vector<16xi32> to vector<16x1xi32>
          %gather3A_1322 = vector.shape_cast %broadcast_in_dim3A_1321 : vector<16x1xi32> to vector<16xi32>
          %gather3A_1323 = tpu.dynamic_gather %add3A_1302[%gather3A_1322] in [0] : vector<16xf32>, vector<16xi32> -> vector<16xf32>
          %add3A_1324 = arith.addf %add3A_1302, %gather3A_1323 : vector<16xf32>
          %lt3A_1325 = arith.constant 0 : i32
          %lt3A_1326 = vector.broadcast %lt3A_1325 : i32 to vector<16xi32>
          %lt3A_1327 = arith.cmpi slt, %xor3A_58, %lt3A_1326 : vector<16xi32>
          %add3A_1328 = arith.constant 16 : i32
          %add3A_1329 = vector.broadcast %add3A_1328 : i32 to vector<16xi32>
          %add3A_1330 = arith.addi %xor3A_58, %add3A_1329 : vector<16xi32>
          %select_n3A_1331 = arith.select %lt3A_1327, %add3A_1330, %xor3A_58 : vector<16xi1>, vector<16xi32>
          %broadcast_in_dim3A_1332 = vector.shape_cast %select_n3A_1331 : vector<16xi32> to vector<16x1xi32>
          %gather3A_1333 = vector.shape_cast %broadcast_in_dim3A_1332 : vector<16x1xi32> to vector<16xi32>
          %gather3A_1334 = tpu.dynamic_gather %add3A_1313[%gather3A_1333] in [0] : vector<16xf32>, vector<16xi32> -> vector<16xf32>
          %add3A_1335 = arith.addf %add3A_1313, %gather3A_1334 : vector<16xf32>
          %lt3A_1336 = arith.constant 0 : i32
          %lt3A_1337 = vector.broadcast %lt3A_1336 : i32 to vector<16xi32>
          %lt3A_1338 = arith.cmpi slt, %xor3A_58, %lt3A_1337 : vector<16xi32>
          %add3A_1339 = arith.constant 16 : i32
          %add3A_1340 = vector.broadcast %add3A_1339 : i32 to vector<16xi32>
          %add3A_1341 = arith.addi %xor3A_58, %add3A_1340 : vector<16xi32>
          %select_n3A_1342 = arith.select %lt3A_1338, %add3A_1341, %xor3A_58 : vector<16xi1>, vector<16xi32>
          %broadcast_in_dim3A_1343 = vector.shape_cast %select_n3A_1342 : vector<16xi32> to vector<16x1xi32>
          %gather3A_1344 = vector.shape_cast %broadcast_in_dim3A_1343 : vector<16x1xi32> to vector<16xi32>
          %gather3A_1345 = tpu.dynamic_gather %add3A_1324[%gather3A_1344] in [0] : vector<16xf32>, vector<16xi32> -> vector<16xf32>
          %add3A_1346 = arith.addf %add3A_1324, %gather3A_1345 : vector<16xf32>
          %lt3A_1347 = arith.constant 0 : i32
          %lt3A_1348 = vector.broadcast %lt3A_1347 : i32 to vector<16xi32>
          %lt3A_1349 = arith.cmpi slt, %xor3A_61, %lt3A_1348 : vector<16xi32>
          %add3A_1350 = arith.constant 16 : i32
          %add3A_1351 = vector.broadcast %add3A_1350 : i32 to vector<16xi32>
          %add3A_1352 = arith.addi %xor3A_61, %add3A_1351 : vector<16xi32>
          %select_n3A_1353 = arith.select %lt3A_1349, %add3A_1352, %xor3A_61 : vector<16xi1>, vector<16xi32>
          %broadcast_in_dim3A_1354 = vector.shape_cast %select_n3A_1353 : vector<16xi32> to vector<16x1xi32>
          %gather3A_1355 = vector.shape_cast %broadcast_in_dim3A_1354 : vector<16x1xi32> to vector<16xi32>
          %gather3A_1356 = tpu.dynamic_gather %add3A_1335[%gather3A_1355] in [0] : vector<16xf32>, vector<16xi32> -> vector<16xf32>
          %add3A_1357 = arith.addf %add3A_1335, %gather3A_1356 : vector<16xf32>
          %lt3A_1358 = arith.constant 0 : i32
          %lt3A_1359 = vector.broadcast %lt3A_1358 : i32 to vector<16xi32>
          %lt3A_1360 = arith.cmpi slt, %xor3A_61, %lt3A_1359 : vector<16xi32>
          %add3A_1361 = arith.constant 16 : i32
          %add3A_1362 = vector.broadcast %add3A_1361 : i32 to vector<16xi32>
          %add3A_1363 = arith.addi %xor3A_61, %add3A_1362 : vector<16xi32>
          %select_n3A_1364 = arith.select %lt3A_1360, %add3A_1363, %xor3A_61 : vector<16xi1>, vector<16xi32>
          %broadcast_in_dim3A_1365 = vector.shape_cast %select_n3A_1364 : vector<16xi32> to vector<16x1xi32>
          %gather3A_1366 = vector.shape_cast %broadcast_in_dim3A_1365 : vector<16x1xi32> to vector<16xi32>
          %gather3A_1367 = tpu.dynamic_gather %add3A_1346[%gather3A_1366] in [0] : vector<16xf32>, vector<16xi32> -> vector<16xf32>
          %add3A_1368 = arith.addf %add3A_1346, %gather3A_1367 : vector<16xf32>
          %lt3A_1369 = arith.constant 0 : i32
          %lt3A_1370 = vector.broadcast %lt3A_1369 : i32 to vector<16xi32>
          %lt3A_1371 = arith.cmpi slt, %xor3A_64, %lt3A_1370 : vector<16xi32>
          %add3A_1372 = arith.constant 16 : i32
          %add3A_1373 = vector.broadcast %add3A_1372 : i32 to vector<16xi32>
          %add3A_1374 = arith.addi %xor3A_64, %add3A_1373 : vector<16xi32>
          %select_n3A_1375 = arith.select %lt3A_1371, %add3A_1374, %xor3A_64 : vector<16xi1>, vector<16xi32>
          %broadcast_in_dim3A_1376 = vector.shape_cast %select_n3A_1375 : vector<16xi32> to vector<16x1xi32>
          %gather3A_1377 = vector.shape_cast %broadcast_in_dim3A_1376 : vector<16x1xi32> to vector<16xi32>
          %gather3A_1378 = tpu.dynamic_gather %add3A_1357[%gather3A_1377] in [0] : vector<16xf32>, vector<16xi32> -> vector<16xf32>
          %add3A_1379 = arith.addf %add3A_1357, %gather3A_1378 : vector<16xf32>
          %lt3A_1380 = arith.constant 0 : i32
          %lt3A_1381 = vector.broadcast %lt3A_1380 : i32 to vector<16xi32>
          %lt3A_1382 = arith.cmpi slt, %xor3A_64, %lt3A_1381 : vector<16xi32>
          %add3A_1383 = arith.constant 16 : i32
          %add3A_1384 = vector.broadcast %add3A_1383 : i32 to vector<16xi32>
          %add3A_1385 = arith.addi %xor3A_64, %add3A_1384 : vector<16xi32>
          %select_n3A_1386 = arith.select %lt3A_1382, %add3A_1385, %xor3A_64 : vector<16xi1>, vector<16xi32>
          %broadcast_in_dim3A_1387 = vector.shape_cast %select_n3A_1386 : vector<16xi32> to vector<16x1xi32>
          %gather3A_1388 = vector.shape_cast %broadcast_in_dim3A_1387 : vector<16x1xi32> to vector<16xi32>
          %gather3A_1389 = tpu.dynamic_gather %add3A_1368[%gather3A_1388] in [0] : vector<16xf32>, vector<16xi32> -> vector<16xf32>
          %add3A_1390 = arith.addf %add3A_1368, %gather3A_1389 : vector<16xf32>
          %exp3A_1391 = math.exp %add3A_1379 : vector<16xf32>
          %exp3A_1392 = math.exp %add3A_1390 : vector<16xf32>
          %broadcast_in_dim3A_1393 = arith.constant 10 : i32
          %broadcast_in_dim3A_1394 = vector.broadcast %broadcast_in_dim3A_1393 : i32 to vector<16xi32>
          %lt3A_1395 = arith.constant 0 : i32
          %lt3A_1396 = vector.broadcast %lt3A_1395 : i32 to vector<16xi32>
          %lt3A_1397 = arith.cmpi slt, %broadcast_in_dim3A_1394, %lt3A_1396 : vector<16xi32>
          %add3A_1398 = arith.constant 16 : i32
          %add3A_1399 = vector.broadcast %add3A_1398 : i32 to vector<16xi32>
          %add3A_1400 = arith.addi %broadcast_in_dim3A_1394, %add3A_1399 : vector<16xi32>
          %select_n3A_1401 = arith.select %lt3A_1397, %add3A_1400, %broadcast_in_dim3A_1394 : vector<16xi1>, vector<16xi32>
          %broadcast_in_dim3A_1402 = vector.shape_cast %select_n3A_1401 : vector<16xi32> to vector<16x1xi32>
          %gather3A_1403 = vector.shape_cast %broadcast_in_dim3A_1402 : vector<16x1xi32> to vector<16xi32>
          %gather3A_1404 = tpu.dynamic_gather %get3A_141[%gather3A_1403] in [0] : vector<16xi32>, vector<16xi32> -> vector<16xi32>
          %broadcast_in_dim3A_1405 = arith.constant 11 : i32
          %broadcast_in_dim3A_1406 = vector.broadcast %broadcast_in_dim3A_1405 : i32 to vector<16xi32>
          %lt3A_1407 = arith.constant 0 : i32
          %lt3A_1408 = vector.broadcast %lt3A_1407 : i32 to vector<16xi32>
          %lt3A_1409 = arith.cmpi slt, %broadcast_in_dim3A_1406, %lt3A_1408 : vector<16xi32>
          %add3A_1410 = arith.constant 16 : i32
          %add3A_1411 = vector.broadcast %add3A_1410 : i32 to vector<16xi32>
          %add3A_1412 = arith.addi %broadcast_in_dim3A_1406, %add3A_1411 : vector<16xi32>
          %select_n3A_1413 = arith.select %lt3A_1409, %add3A_1412, %broadcast_in_dim3A_1406 : vector<16xi1>, vector<16xi32>
          %broadcast_in_dim3A_1414 = vector.shape_cast %select_n3A_1413 : vector<16xi32> to vector<16x1xi32>
          %gather3A_1415 = vector.shape_cast %broadcast_in_dim3A_1414 : vector<16x1xi32> to vector<16xi32>
          %gather3A_1416 = tpu.dynamic_gather %get3A_141[%gather3A_1415] in [0] : vector<16xi32>, vector<16xi32> -> vector<16xi32>
          %mul3A_1417 = arith.mulf %exp3A_1391, %get3A_1227 : vector<16xf32>
          tpu.vector_store_idx %arg12[%gather3A_1404, %add3A_18], %mul3A_1417 {add = true} : memref<64x128xf32, #tpu.memory_space<vmem>>[vector<16xi32>, vector<16xi32>], vector<16xf32>,
          %mul3A_1418 = arith.mulf %exp3A_1392, %get3A_1251 : vector<16xf32>
          tpu.vector_store_idx %arg12[%gather3A_1416, %add3A_18], %mul3A_1418 {add = true} : memref<64x128xf32, #tpu.memory_space<vmem>>[vector<16xi32>, vector<16xi32>], vector<16xf32>,
          %mul3A_1419 = arith.mulf %exp3A_1391, %get3A_1230 : vector<16xf32>
          tpu.vector_store_idx %arg12[%gather3A_1404, %add3A_22], %mul3A_1419 {add = true} : memref<64x128xf32, #tpu.memory_space<vmem>>[vector<16xi32>, vector<16xi32>], vector<16xf32>,
          %mul3A_1420 = arith.mulf %exp3A_1392, %get3A_1254 : vector<16xf32>
          tpu.vector_store_idx %arg12[%gather3A_1416, %add3A_22], %mul3A_1420 {add = true} : memref<64x128xf32, #tpu.memory_space<vmem>>[vector<16xi32>, vector<16xi32>], vector<16xf32>,
          %mul3A_1421 = arith.mulf %exp3A_1391, %get3A_1233 : vector<16xf32>
          tpu.vector_store_idx %arg12[%gather3A_1404, %add3A_26], %mul3A_1421 {add = true} : memref<64x128xf32, #tpu.memory_space<vmem>>[vector<16xi32>, vector<16xi32>], vector<16xf32>,
          %mul3A_1422 = arith.mulf %exp3A_1392, %get3A_1257 : vector<16xf32>
          tpu.vector_store_idx %arg12[%gather3A_1416, %add3A_26], %mul3A_1422 {add = true} : memref<64x128xf32, #tpu.memory_space<vmem>>[vector<16xi32>, vector<16xi32>], vector<16xf32>,
          %mul3A_1423 = arith.mulf %exp3A_1391, %get3A_1236 : vector<16xf32>
          tpu.vector_store_idx %arg12[%gather3A_1404, %add3A_30], %mul3A_1423 {add = true} : memref<64x128xf32, #tpu.memory_space<vmem>>[vector<16xi32>, vector<16xi32>], vector<16xf32>,
          %mul3A_1424 = arith.mulf %exp3A_1392, %get3A_1260 : vector<16xf32>
          tpu.vector_store_idx %arg12[%gather3A_1416, %add3A_30], %mul3A_1424 {add = true} : memref<64x128xf32, #tpu.memory_space<vmem>>[vector<16xi32>, vector<16xi32>], vector<16xf32>,
          %mul3A_1425 = arith.mulf %exp3A_1391, %get3A_1239 : vector<16xf32>
          tpu.vector_store_idx %arg12[%gather3A_1404, %add3A_34], %mul3A_1425 {add = true} : memref<64x128xf32, #tpu.memory_space<vmem>>[vector<16xi32>, vector<16xi32>], vector<16xf32>,
          %mul3A_1426 = arith.mulf %exp3A_1392, %get3A_1263 : vector<16xf32>
          tpu.vector_store_idx %arg12[%gather3A_1416, %add3A_34], %mul3A_1426 {add = true} : memref<64x128xf32, #tpu.memory_space<vmem>>[vector<16xi32>, vector<16xi32>], vector<16xf32>,
          %mul3A_1427 = arith.mulf %exp3A_1391, %get3A_1242 : vector<16xf32>
          tpu.vector_store_idx %arg12[%gather3A_1404, %add3A_38], %mul3A_1427 {add = true} : memref<64x128xf32, #tpu.memory_space<vmem>>[vector<16xi32>, vector<16xi32>], vector<16xf32>,
          %mul3A_1428 = arith.mulf %exp3A_1392, %get3A_1266 : vector<16xf32>
          tpu.vector_store_idx %arg12[%gather3A_1416, %add3A_38], %mul3A_1428 {add = true} : memref<64x128xf32, #tpu.memory_space<vmem>>[vector<16xi32>, vector<16xi32>], vector<16xf32>,
          %mul3A_1429 = arith.mulf %exp3A_1391, %get3A_1245 : vector<16xf32>
          tpu.vector_store_idx %arg12[%gather3A_1404, %add3A_42], %mul3A_1429 {add = true} : memref<64x128xf32, #tpu.memory_space<vmem>>[vector<16xi32>, vector<16xi32>], vector<16xf32>,
          %mul3A_1430 = arith.mulf %exp3A_1392, %get3A_1269 : vector<16xf32>
          tpu.vector_store_idx %arg12[%gather3A_1416, %add3A_42], %mul3A_1430 {add = true} : memref<64x128xf32, #tpu.memory_space<vmem>>[vector<16xi32>, vector<16xi32>], vector<16xf32>,
          %mul3A_1431 = arith.mulf %exp3A_1391, %get3A_1248 : vector<16xf32>
          tpu.vector_store_idx %arg12[%gather3A_1404, %add3A_46], %mul3A_1431 {add = true} : memref<64x128xf32, #tpu.memory_space<vmem>>[vector<16xi32>, vector<16xi32>], vector<16xf32>,
          %mul3A_1432 = arith.mulf %exp3A_1392, %get3A_1272 : vector<16xf32>
          tpu.vector_store_idx %arg12[%gather3A_1416, %add3A_46], %mul3A_1432 {add = true} : memref<64x128xf32, #tpu.memory_space<vmem>>[vector<16xi32>, vector<16xi32>], vector<16xf32>,
          %add3A_1433 = arith.addf %exp3A_1391, %exp3A_1392 : vector<16xf32>
          %add3A_1434 = arith.addf %add3A_1218, %add3A_1433 : vector<16xf32>
          %mul3A_1435 = arith.constant 16 : i32
          %mul3A_1436 = arith.muli %mul3A_1435, %add3A_137 : i32
          %add3A_1437 = arith.constant 12 : i32
          %add3A_1438 = arith.addi %mul3A_1436, %add3A_1437 : i32
          %add3A_1439 = arith.constant 1 : i32
          %add3A_1440 = arith.addi %add3A_1438, %add3A_1439 : i32
          %get3A_1441 = arith.index_cast %add3A_1438 : i32 to index
          %get3A_1442 = arith.constant 0 : index
          %get3A_1443 = tpu.vector_load %arg7[%get3A_1441, %get3A_1442] {strides = array<i32>} : memref<160x128xf32, #tpu.memory_space<vmem>>, vector<16xf32>,
          %get3A_1444 = arith.index_cast %add3A_1438 : i32 to index
          %get3A_1445 = arith.constant 16 : index
          %get3A_1446 = tpu.vector_load %arg7[%get3A_1444, %get3A_1445] {strides = array<i32>} : memref<160x128xf32, #tpu.memory_space<vmem>>, vector<16xf32>,
          %get3A_1447 = arith.index_cast %add3A_1438 : i32 to index
          %get3A_1448 = arith.constant 32 : index
          %get3A_1449 = tpu.vector_load %arg7[%get3A_1447, %get3A_1448] {strides = array<i32>} : memref<160x128xf32, #tpu.memory_space<vmem>>, vector<16xf32>,
          %get3A_1450 = arith.index_cast %add3A_1438 : i32 to index
          %get3A_1451 = arith.constant 48 : index
          %get3A_1452 = tpu.vector_load %arg7[%get3A_1450, %get3A_1451] {strides = array<i32>} : memref<160x128xf32, #tpu.memory_space<vmem>>, vector<16xf32>,
          %get3A_1453 = arith.index_cast %add3A_1438 : i32 to index
          %get3A_1454 = arith.constant 64 : index
          %get3A_1455 = tpu.vector_load %arg7[%get3A_1453, %get3A_1454] {strides = array<i32>} : memref<160x128xf32, #tpu.memory_space<vmem>>, vector<16xf32>,
          %get3A_1456 = arith.index_cast %add3A_1438 : i32 to index
          %get3A_1457 = arith.constant 80 : index
          %get3A_1458 = tpu.vector_load %arg7[%get3A_1456, %get3A_1457] {strides = array<i32>} : memref<160x128xf32, #tpu.memory_space<vmem>>, vector<16xf32>,
          %get3A_1459 = arith.index_cast %add3A_1438 : i32 to index
          %get3A_1460 = arith.constant 96 : index
          %get3A_1461 = tpu.vector_load %arg7[%get3A_1459, %get3A_1460] {strides = array<i32>} : memref<160x128xf32, #tpu.memory_space<vmem>>, vector<16xf32>,
          %get3A_1462 = arith.index_cast %add3A_1438 : i32 to index
          %get3A_1463 = arith.constant 112 : index
          %get3A_1464 = tpu.vector_load %arg7[%get3A_1462, %get3A_1463] {strides = array<i32>} : memref<160x128xf32, #tpu.memory_space<vmem>>, vector<16xf32>,
          %get3A_1465 = arith.index_cast %add3A_1440 : i32 to index
          %get3A_1466 = arith.constant 0 : index
          %get3A_1467 = tpu.vector_load %arg7[%get3A_1465, %get3A_1466] {strides = array<i32>} : memref<160x128xf32, #tpu.memory_space<vmem>>, vector<16xf32>,
          %get3A_1468 = arith.index_cast %add3A_1440 : i32 to index
          %get3A_1469 = arith.constant 16 : index
          %get3A_1470 = tpu.vector_load %arg7[%get3A_1468, %get3A_1469] {strides = array<i32>} : memref<160x128xf32, #tpu.memory_space<vmem>>, vector<16xf32>,
          %get3A_1471 = arith.index_cast %add3A_1440 : i32 to index
          %get3A_1472 = arith.constant 32 : index
          %get3A_1473 = tpu.vector_load %arg7[%get3A_1471, %get3A_1472] {strides = array<i32>} : memref<160x128xf32, #tpu.memory_space<vmem>>, vector<16xf32>,
          %get3A_1474 = arith.index_cast %add3A_1440 : i32 to index
          %get3A_1475 = arith.constant 48 : index
          %get3A_1476 = tpu.vector_load %arg7[%get3A_1474, %get3A_1475] {strides = array<i32>} : memref<160x128xf32, #tpu.memory_space<vmem>>, vector<16xf32>,
          %get3A_1477 = arith.index_cast %add3A_1440 : i32 to index
          %get3A_1478 = arith.constant 64 : index
          %get3A_1479 = tpu.vector_load %arg7[%get3A_1477, %get3A_1478] {strides = array<i32>} : memref<160x128xf32, #tpu.memory_space<vmem>>, vector<16xf32>,
          %get3A_1480 = arith.index_cast %add3A_1440 : i32 to index
          %get3A_1481 = arith.constant 80 : index
          %get3A_1482 = tpu.vector_load %arg7[%get3A_1480, %get3A_1481] {strides = array<i32>} : memref<160x128xf32, #tpu.memory_space<vmem>>, vector<16xf32>,
          %get3A_1483 = arith.index_cast %add3A_1440 : i32 to index
          %get3A_1484 = arith.constant 96 : index
          %get3A_1485 = tpu.vector_load %arg7[%get3A_1483, %get3A_1484] {strides = array<i32>} : memref<160x128xf32, #tpu.memory_space<vmem>>, vector<16xf32>,
          %get3A_1486 = arith.index_cast %add3A_1440 : i32 to index
          %get3A_1487 = arith.constant 112 : index
          %get3A_1488 = tpu.vector_load %arg7[%get3A_1486, %get3A_1487] {strides = array<i32>} : memref<160x128xf32, #tpu.memory_space<vmem>>, vector<16xf32>,
          %mul3A_1489 = arith.mulf %get3A_1443, %get3A_1 : vector<16xf32>
          %mul3A_1490 = arith.mulf %get3A_1446, %get3A_3 : vector<16xf32>
          %mul3A_1491 = arith.mulf %get3A_1449, %get3A_5 : vector<16xf32>
          %mul3A_1492 = arith.mulf %get3A_1452, %get3A_7 : vector<16xf32>
          %mul3A_1493 = arith.mulf %get3A_1455, %get3A_9 : vector<16xf32>
          %mul3A_1494 = arith.mulf %get3A_1458, %get3A_11 : vector<16xf32>
          %mul3A_1495 = arith.mulf %get3A_1461, %get3A_13 : vector<16xf32>
          %mul3A_1496 = arith.mulf %get3A_1464, %get3A_15 : vector<16xf32>
          %mul3A_1497 = arith.mulf %get3A_1467, %get3A_1 : vector<16xf32>
          %mul3A_1498 = arith.mulf %get3A_1470, %get3A_3 : vector<16xf32>
          %mul3A_1499 = arith.mulf %get3A_1473, %get3A_5 : vector<16xf32>
          %mul3A_1500 = arith.mulf %get3A_1476, %get3A_7 : vector<16xf32>
          %mul3A_1501 = arith.mulf %get3A_1479, %get3A_9 : vector<16xf32>
          %mul3A_1502 = arith.mulf %get3A_1482, %get3A_11 : vector<16xf32>
          %mul3A_1503 = arith.mulf %get3A_1485, %get3A_13 : vector<16xf32>
          %mul3A_1504 = arith.mulf %get3A_1488, %get3A_15 : vector<16xf32>
          %add3A_1505 = arith.addf %mul3A_1489, %mul3A_1490 : vector<16xf32>
          %add3A_1506 = arith.addf %mul3A_1491, %mul3A_1492 : vector<16xf32>
          %add3A_1507 = arith.addf %add3A_1505, %add3A_1506 : vector<16xf32>
          %add3A_1508 = arith.addf %mul3A_1493, %mul3A_1494 : vector<16xf32>
          %add3A_1509 = arith.addf %mul3A_1495, %mul3A_1496 : vector<16xf32>
          %add3A_1510 = arith.addf %add3A_1508, %add3A_1509 : vector<16xf32>
          %add3A_1511 = arith.addf %add3A_1507, %add3A_1510 : vector<16xf32>
          %add3A_1512 = arith.addf %mul3A_1497, %mul3A_1498 : vector<16xf32>
          %add3A_1513 = arith.addf %mul3A_1499, %mul3A_1500 : vector<16xf32>
          %add3A_1514 = arith.addf %add3A_1512, %add3A_1513 : vector<16xf32>
          %add3A_1515 = arith.addf %mul3A_1501, %mul3A_1502 : vector<16xf32>
          %add3A_1516 = arith.addf %mul3A_1503, %mul3A_1504 : vector<16xf32>
          %add3A_1517 = arith.addf %add3A_1515, %add3A_1516 : vector<16xf32>
          %add3A_1518 = arith.addf %add3A_1514, %add3A_1517 : vector<16xf32>
          %lt3A_1519 = arith.constant 0 : i32
          %lt3A_1520 = vector.broadcast %lt3A_1519 : i32 to vector<16xi32>
          %lt3A_1521 = arith.cmpi slt, %xor3A_55, %lt3A_1520 : vector<16xi32>
          %add3A_1522 = arith.constant 16 : i32
          %add3A_1523 = vector.broadcast %add3A_1522 : i32 to vector<16xi32>
          %add3A_1524 = arith.addi %xor3A_55, %add3A_1523 : vector<16xi32>
          %select_n3A_1525 = arith.select %lt3A_1521, %add3A_1524, %xor3A_55 : vector<16xi1>, vector<16xi32>
          %broadcast_in_dim3A_1526 = vector.shape_cast %select_n3A_1525 : vector<16xi32> to vector<16x1xi32>
          %gather3A_1527 = vector.shape_cast %broadcast_in_dim3A_1526 : vector<16x1xi32> to vector<16xi32>
          %gather3A_1528 = tpu.dynamic_gather %add3A_1511[%gather3A_1527] in [0] : vector<16xf32>, vector<16xi32> -> vector<16xf32>
          %add3A_1529 = arith.addf %add3A_1511, %gather3A_1528 : vector<16xf32>
          %lt3A_1530 = arith.constant 0 : i32
          %lt3A_1531 = vector.broadcast %lt3A_1530 : i32 to vector<16xi32>
          %lt3A_1532 = arith.cmpi slt, %xor3A_55, %lt3A_1531 : vector<16xi32>
          %add3A_1533 = arith.constant 16 : i32
          %add3A_1534 = vector.broadcast %add3A_1533 : i32 to vector<16xi32>
          %add3A_1535 = arith.addi %xor3A_55, %add3A_1534 : vector<16xi32>
          %select_n3A_1536 = arith.select %lt3A_1532, %add3A_1535, %xor3A_55 : vector<16xi1>, vector<16xi32>
          %broadcast_in_dim3A_1537 = vector.shape_cast %select_n3A_1536 : vector<16xi32> to vector<16x1xi32>
          %gather3A_1538 = vector.shape_cast %broadcast_in_dim3A_1537 : vector<16x1xi32> to vector<16xi32>
          %gather3A_1539 = tpu.dynamic_gather %add3A_1518[%gather3A_1538] in [0] : vector<16xf32>, vector<16xi32> -> vector<16xf32>
          %add3A_1540 = arith.addf %add3A_1518, %gather3A_1539 : vector<16xf32>
          %lt3A_1541 = arith.constant 0 : i32
          %lt3A_1542 = vector.broadcast %lt3A_1541 : i32 to vector<16xi32>
          %lt3A_1543 = arith.cmpi slt, %xor3A_58, %lt3A_1542 : vector<16xi32>
          %add3A_1544 = arith.constant 16 : i32
          %add3A_1545 = vector.broadcast %add3A_1544 : i32 to vector<16xi32>
          %add3A_1546 = arith.addi %xor3A_58, %add3A_1545 : vector<16xi32>
          %select_n3A_1547 = arith.select %lt3A_1543, %add3A_1546, %xor3A_58 : vector<16xi1>, vector<16xi32>
          %broadcast_in_dim3A_1548 = vector.shape_cast %select_n3A_1547 : vector<16xi32> to vector<16x1xi32>
          %gather3A_1549 = vector.shape_cast %broadcast_in_dim3A_1548 : vector<16x1xi32> to vector<16xi32>
          %gather3A_1550 = tpu.dynamic_gather %add3A_1529[%gather3A_1549] in [0] : vector<16xf32>, vector<16xi32> -> vector<16xf32>
          %add3A_1551 = arith.addf %add3A_1529, %gather3A_1550 : vector<16xf32>
          %lt3A_1552 = arith.constant 0 : i32
          %lt3A_1553 = vector.broadcast %lt3A_1552 : i32 to vector<16xi32>
          %lt3A_1554 = arith.cmpi slt, %xor3A_58, %lt3A_1553 : vector<16xi32>
          %add3A_1555 = arith.constant 16 : i32
          %add3A_1556 = vector.broadcast %add3A_1555 : i32 to vector<16xi32>
          %add3A_1557 = arith.addi %xor3A_58, %add3A_1556 : vector<16xi32>
          %select_n3A_1558 = arith.select %lt3A_1554, %add3A_1557, %xor3A_58 : vector<16xi1>, vector<16xi32>
          %broadcast_in_dim3A_1559 = vector.shape_cast %select_n3A_1558 : vector<16xi32> to vector<16x1xi32>
          %gather3A_1560 = vector.shape_cast %broadcast_in_dim3A_1559 : vector<16x1xi32> to vector<16xi32>
          %gather3A_1561 = tpu.dynamic_gather %add3A_1540[%gather3A_1560] in [0] : vector<16xf32>, vector<16xi32> -> vector<16xf32>
          %add3A_1562 = arith.addf %add3A_1540, %gather3A_1561 : vector<16xf32>
          %lt3A_1563 = arith.constant 0 : i32
          %lt3A_1564 = vector.broadcast %lt3A_1563 : i32 to vector<16xi32>
          %lt3A_1565 = arith.cmpi slt, %xor3A_61, %lt3A_1564 : vector<16xi32>
          %add3A_1566 = arith.constant 16 : i32
          %add3A_1567 = vector.broadcast %add3A_1566 : i32 to vector<16xi32>
          %add3A_1568 = arith.addi %xor3A_61, %add3A_1567 : vector<16xi32>
          %select_n3A_1569 = arith.select %lt3A_1565, %add3A_1568, %xor3A_61 : vector<16xi1>, vector<16xi32>
          %broadcast_in_dim3A_1570 = vector.shape_cast %select_n3A_1569 : vector<16xi32> to vector<16x1xi32>
          %gather3A_1571 = vector.shape_cast %broadcast_in_dim3A_1570 : vector<16x1xi32> to vector<16xi32>
          %gather3A_1572 = tpu.dynamic_gather %add3A_1551[%gather3A_1571] in [0] : vector<16xf32>, vector<16xi32> -> vector<16xf32>
          %add3A_1573 = arith.addf %add3A_1551, %gather3A_1572 : vector<16xf32>
          %lt3A_1574 = arith.constant 0 : i32
          %lt3A_1575 = vector.broadcast %lt3A_1574 : i32 to vector<16xi32>
          %lt3A_1576 = arith.cmpi slt, %xor3A_61, %lt3A_1575 : vector<16xi32>
          %add3A_1577 = arith.constant 16 : i32
          %add3A_1578 = vector.broadcast %add3A_1577 : i32 to vector<16xi32>
          %add3A_1579 = arith.addi %xor3A_61, %add3A_1578 : vector<16xi32>
          %select_n3A_1580 = arith.select %lt3A_1576, %add3A_1579, %xor3A_61 : vector<16xi1>, vector<16xi32>
          %broadcast_in_dim3A_1581 = vector.shape_cast %select_n3A_1580 : vector<16xi32> to vector<16x1xi32>
          %gather3A_1582 = vector.shape_cast %broadcast_in_dim3A_1581 : vector<16x1xi32> to vector<16xi32>
          %gather3A_1583 = tpu.dynamic_gather %add3A_1562[%gather3A_1582] in [0] : vector<16xf32>, vector<16xi32> -> vector<16xf32>
          %add3A_1584 = arith.addf %add3A_1562, %gather3A_1583 : vector<16xf32>
          %lt3A_1585 = arith.constant 0 : i32
          %lt3A_1586 = vector.broadcast %lt3A_1585 : i32 to vector<16xi32>
          %lt3A_1587 = arith.cmpi slt, %xor3A_64, %lt3A_1586 : vector<16xi32>
          %add3A_1588 = arith.constant 16 : i32
          %add3A_1589 = vector.broadcast %add3A_1588 : i32 to vector<16xi32>
          %add3A_1590 = arith.addi %xor3A_64, %add3A_1589 : vector<16xi32>
          %select_n3A_1591 = arith.select %lt3A_1587, %add3A_1590, %xor3A_64 : vector<16xi1>, vector<16xi32>
          %broadcast_in_dim3A_1592 = vector.shape_cast %select_n3A_1591 : vector<16xi32> to vector<16x1xi32>
          %gather3A_1593 = vector.shape_cast %broadcast_in_dim3A_1592 : vector<16x1xi32> to vector<16xi32>
          %gather3A_1594 = tpu.dynamic_gather %add3A_1573[%gather3A_1593] in [0] : vector<16xf32>, vector<16xi32> -> vector<16xf32>
          %add3A_1595 = arith.addf %add3A_1573, %gather3A_1594 : vector<16xf32>
          %lt3A_1596 = arith.constant 0 : i32
          %lt3A_1597 = vector.broadcast %lt3A_1596 : i32 to vector<16xi32>
          %lt3A_1598 = arith.cmpi slt, %xor3A_64, %lt3A_1597 : vector<16xi32>
          %add3A_1599 = arith.constant 16 : i32
          %add3A_1600 = vector.broadcast %add3A_1599 : i32 to vector<16xi32>
          %add3A_1601 = arith.addi %xor3A_64, %add3A_1600 : vector<16xi32>
          %select_n3A_1602 = arith.select %lt3A_1598, %add3A_1601, %xor3A_64 : vector<16xi1>, vector<16xi32>
          %broadcast_in_dim3A_1603 = vector.shape_cast %select_n3A_1602 : vector<16xi32> to vector<16x1xi32>
          %gather3A_1604 = vector.shape_cast %broadcast_in_dim3A_1603 : vector<16x1xi32> to vector<16xi32>
          %gather3A_1605 = tpu.dynamic_gather %add3A_1584[%gather3A_1604] in [0] : vector<16xf32>, vector<16xi32> -> vector<16xf32>
          %add3A_1606 = arith.addf %add3A_1584, %gather3A_1605 : vector<16xf32>
          %exp3A_1607 = math.exp %add3A_1595 : vector<16xf32>
          %exp3A_1608 = math.exp %add3A_1606 : vector<16xf32>
          %broadcast_in_dim3A_1609 = arith.constant 12 : i32
          %broadcast_in_dim3A_1610 = vector.broadcast %broadcast_in_dim3A_1609 : i32 to vector<16xi32>
          %lt3A_1611 = arith.constant 0 : i32
          %lt3A_1612 = vector.broadcast %lt3A_1611 : i32 to vector<16xi32>
          %lt3A_1613 = arith.cmpi slt, %broadcast_in_dim3A_1610, %lt3A_1612 : vector<16xi32>
          %add3A_1614 = arith.constant 16 : i32
          %add3A_1615 = vector.broadcast %add3A_1614 : i32 to vector<16xi32>
          %add3A_1616 = arith.addi %broadcast_in_dim3A_1610, %add3A_1615 : vector<16xi32>
          %select_n3A_1617 = arith.select %lt3A_1613, %add3A_1616, %broadcast_in_dim3A_1610 : vector<16xi1>, vector<16xi32>
          %broadcast_in_dim3A_1618 = vector.shape_cast %select_n3A_1617 : vector<16xi32> to vector<16x1xi32>
          %gather3A_1619 = vector.shape_cast %broadcast_in_dim3A_1618 : vector<16x1xi32> to vector<16xi32>
          %gather3A_1620 = tpu.dynamic_gather %get3A_141[%gather3A_1619] in [0] : vector<16xi32>, vector<16xi32> -> vector<16xi32>
          %broadcast_in_dim3A_1621 = arith.constant 13 : i32
          %broadcast_in_dim3A_1622 = vector.broadcast %broadcast_in_dim3A_1621 : i32 to vector<16xi32>
          %lt3A_1623 = arith.constant 0 : i32
          %lt3A_1624 = vector.broadcast %lt3A_1623 : i32 to vector<16xi32>
          %lt3A_1625 = arith.cmpi slt, %broadcast_in_dim3A_1622, %lt3A_1624 : vector<16xi32>
          %add3A_1626 = arith.constant 16 : i32
          %add3A_1627 = vector.broadcast %add3A_1626 : i32 to vector<16xi32>
          %add3A_1628 = arith.addi %broadcast_in_dim3A_1622, %add3A_1627 : vector<16xi32>
          %select_n3A_1629 = arith.select %lt3A_1625, %add3A_1628, %broadcast_in_dim3A_1622 : vector<16xi1>, vector<16xi32>
          %broadcast_in_dim3A_1630 = vector.shape_cast %select_n3A_1629 : vector<16xi32> to vector<16x1xi32>
          %gather3A_1631 = vector.shape_cast %broadcast_in_dim3A_1630 : vector<16x1xi32> to vector<16xi32>
          %gather3A_1632 = tpu.dynamic_gather %get3A_141[%gather3A_1631] in [0] : vector<16xi32>, vector<16xi32> -> vector<16xi32>
          %mul3A_1633 = arith.mulf %exp3A_1607, %get3A_1443 : vector<16xf32>
          tpu.vector_store_idx %arg12[%gather3A_1620, %add3A_18], %mul3A_1633 {add = true} : memref<64x128xf32, #tpu.memory_space<vmem>>[vector<16xi32>, vector<16xi32>], vector<16xf32>,
          %mul3A_1634 = arith.mulf %exp3A_1608, %get3A_1467 : vector<16xf32>
          tpu.vector_store_idx %arg12[%gather3A_1632, %add3A_18], %mul3A_1634 {add = true} : memref<64x128xf32, #tpu.memory_space<vmem>>[vector<16xi32>, vector<16xi32>], vector<16xf32>,
          %mul3A_1635 = arith.mulf %exp3A_1607, %get3A_1446 : vector<16xf32>
          tpu.vector_store_idx %arg12[%gather3A_1620, %add3A_22], %mul3A_1635 {add = true} : memref<64x128xf32, #tpu.memory_space<vmem>>[vector<16xi32>, vector<16xi32>], vector<16xf32>,
          %mul3A_1636 = arith.mulf %exp3A_1608, %get3A_1470 : vector<16xf32>
          tpu.vector_store_idx %arg12[%gather3A_1632, %add3A_22], %mul3A_1636 {add = true} : memref<64x128xf32, #tpu.memory_space<vmem>>[vector<16xi32>, vector<16xi32>], vector<16xf32>,
          %mul3A_1637 = arith.mulf %exp3A_1607, %get3A_1449 : vector<16xf32>
          tpu.vector_store_idx %arg12[%gather3A_1620, %add3A_26], %mul3A_1637 {add = true} : memref<64x128xf32, #tpu.memory_space<vmem>>[vector<16xi32>, vector<16xi32>], vector<16xf32>,
          %mul3A_1638 = arith.mulf %exp3A_1608, %get3A_1473 : vector<16xf32>
          tpu.vector_store_idx %arg12[%gather3A_1632, %add3A_26], %mul3A_1638 {add = true} : memref<64x128xf32, #tpu.memory_space<vmem>>[vector<16xi32>, vector<16xi32>], vector<16xf32>,
          %mul3A_1639 = arith.mulf %exp3A_1607, %get3A_1452 : vector<16xf32>
          tpu.vector_store_idx %arg12[%gather3A_1620, %add3A_30], %mul3A_1639 {add = true} : memref<64x128xf32, #tpu.memory_space<vmem>>[vector<16xi32>, vector<16xi32>], vector<16xf32>,
          %mul3A_1640 = arith.mulf %exp3A_1608, %get3A_1476 : vector<16xf32>
          tpu.vector_store_idx %arg12[%gather3A_1632, %add3A_30], %mul3A_1640 {add = true} : memref<64x128xf32, #tpu.memory_space<vmem>>[vector<16xi32>, vector<16xi32>], vector<16xf32>,
          %mul3A_1641 = arith.mulf %exp3A_1607, %get3A_1455 : vector<16xf32>
          tpu.vector_store_idx %arg12[%gather3A_1620, %add3A_34], %mul3A_1641 {add = true} : memref<64x128xf32, #tpu.memory_space<vmem>>[vector<16xi32>, vector<16xi32>], vector<16xf32>,
          %mul3A_1642 = arith.mulf %exp3A_1608, %get3A_1479 : vector<16xf32>
          tpu.vector_store_idx %arg12[%gather3A_1632, %add3A_34], %mul3A_1642 {add = true} : memref<64x128xf32, #tpu.memory_space<vmem>>[vector<16xi32>, vector<16xi32>], vector<16xf32>,
          %mul3A_1643 = arith.mulf %exp3A_1607, %get3A_1458 : vector<16xf32>
          tpu.vector_store_idx %arg12[%gather3A_1620, %add3A_38], %mul3A_1643 {add = true} : memref<64x128xf32, #tpu.memory_space<vmem>>[vector<16xi32>, vector<16xi32>], vector<16xf32>,
          %mul3A_1644 = arith.mulf %exp3A_1608, %get3A_1482 : vector<16xf32>
          tpu.vector_store_idx %arg12[%gather3A_1632, %add3A_38], %mul3A_1644 {add = true} : memref<64x128xf32, #tpu.memory_space<vmem>>[vector<16xi32>, vector<16xi32>], vector<16xf32>,
          %mul3A_1645 = arith.mulf %exp3A_1607, %get3A_1461 : vector<16xf32>
          tpu.vector_store_idx %arg12[%gather3A_1620, %add3A_42], %mul3A_1645 {add = true} : memref<64x128xf32, #tpu.memory_space<vmem>>[vector<16xi32>, vector<16xi32>], vector<16xf32>,
          %mul3A_1646 = arith.mulf %exp3A_1608, %get3A_1485 : vector<16xf32>
          tpu.vector_store_idx %arg12[%gather3A_1632, %add3A_42], %mul3A_1646 {add = true} : memref<64x128xf32, #tpu.memory_space<vmem>>[vector<16xi32>, vector<16xi32>], vector<16xf32>,
          %mul3A_1647 = arith.mulf %exp3A_1607, %get3A_1464 : vector<16xf32>
          tpu.vector_store_idx %arg12[%gather3A_1620, %add3A_46], %mul3A_1647 {add = true} : memref<64x128xf32, #tpu.memory_space<vmem>>[vector<16xi32>, vector<16xi32>], vector<16xf32>,
          %mul3A_1648 = arith.mulf %exp3A_1608, %get3A_1488 : vector<16xf32>
          tpu.vector_store_idx %arg12[%gather3A_1632, %add3A_46], %mul3A_1648 {add = true} : memref<64x128xf32, #tpu.memory_space<vmem>>[vector<16xi32>, vector<16xi32>], vector<16xf32>,
          %add3A_1649 = arith.addf %exp3A_1607, %exp3A_1608 : vector<16xf32>
          %add3A_1650 = arith.addf %add3A_1434, %add3A_1649 : vector<16xf32>
          %mul3A_1651 = arith.constant 16 : i32
          %mul3A_1652 = arith.muli %mul3A_1651, %add3A_137 : i32
          %add3A_1653 = arith.constant 14 : i32
          %add3A_1654 = arith.addi %mul3A_1652, %add3A_1653 : i32
          %add3A_1655 = arith.constant 1 : i32
          %add3A_1656 = arith.addi %add3A_1654, %add3A_1655 : i32
          %get3A_1657 = arith.index_cast %add3A_1654 : i32 to index
          %get3A_1658 = arith.constant 0 : index
          %get3A_1659 = tpu.vector_load %arg7[%get3A_1657, %get3A_1658] {strides = array<i32>} : memref<160x128xf32, #tpu.memory_space<vmem>>, vector<16xf32>,
          %get3A_1660 = arith.index_cast %add3A_1654 : i32 to index
          %get3A_1661 = arith.constant 16 : index
          %get3A_1662 = tpu.vector_load %arg7[%get3A_1660, %get3A_1661] {strides = array<i32>} : memref<160x128xf32, #tpu.memory_space<vmem>>, vector<16xf32>,
          %get3A_1663 = arith.index_cast %add3A_1654 : i32 to index
          %get3A_1664 = arith.constant 32 : index
          %get3A_1665 = tpu.vector_load %arg7[%get3A_1663, %get3A_1664] {strides = array<i32>} : memref<160x128xf32, #tpu.memory_space<vmem>>, vector<16xf32>,
          %get3A_1666 = arith.index_cast %add3A_1654 : i32 to index
          %get3A_1667 = arith.constant 48 : index
          %get3A_1668 = tpu.vector_load %arg7[%get3A_1666, %get3A_1667] {strides = array<i32>} : memref<160x128xf32, #tpu.memory_space<vmem>>, vector<16xf32>,
          %get3A_1669 = arith.index_cast %add3A_1654 : i32 to index
          %get3A_1670 = arith.constant 64 : index
          %get3A_1671 = tpu.vector_load %arg7[%get3A_1669, %get3A_1670] {strides = array<i32>} : memref<160x128xf32, #tpu.memory_space<vmem>>, vector<16xf32>,
          %get3A_1672 = arith.index_cast %add3A_1654 : i32 to index
          %get3A_1673 = arith.constant 80 : index
          %get3A_1674 = tpu.vector_load %arg7[%get3A_1672, %get3A_1673] {strides = array<i32>} : memref<160x128xf32, #tpu.memory_space<vmem>>, vector<16xf32>,
          %get3A_1675 = arith.index_cast %add3A_1654 : i32 to index
          %get3A_1676 = arith.constant 96 : index
          %get3A_1677 = tpu.vector_load %arg7[%get3A_1675, %get3A_1676] {strides = array<i32>} : memref<160x128xf32, #tpu.memory_space<vmem>>, vector<16xf32>,
          %get3A_1678 = arith.index_cast %add3A_1654 : i32 to index
          %get3A_1679 = arith.constant 112 : index
          %get3A_1680 = tpu.vector_load %arg7[%get3A_1678, %get3A_1679] {strides = array<i32>} : memref<160x128xf32, #tpu.memory_space<vmem>>, vector<16xf32>,
          %get3A_1681 = arith.index_cast %add3A_1656 : i32 to index
          %get3A_1682 = arith.constant 0 : index
          %get3A_1683 = tpu.vector_load %arg7[%get3A_1681, %get3A_1682] {strides = array<i32>} : memref<160x128xf32, #tpu.memory_space<vmem>>, vector<16xf32>,
          %get3A_1684 = arith.index_cast %add3A_1656 : i32 to index
          %get3A_1685 = arith.constant 16 : index
          %get3A_1686 = tpu.vector_load %arg7[%get3A_1684, %get3A_1685] {strides = array<i32>} : memref<160x128xf32, #tpu.memory_space<vmem>>, vector<16xf32>,
          %get3A_1687 = arith.index_cast %add3A_1656 : i32 to index
          %get3A_1688 = arith.constant 32 : index
          %get3A_1689 = tpu.vector_load %arg7[%get3A_1687, %get3A_1688] {strides = array<i32>} : memref<160x128xf32, #tpu.memory_space<vmem>>, vector<16xf32>,
          %get3A_1690 = arith.index_cast %add3A_1656 : i32 to index
          %get3A_1691 = arith.constant 48 : index
          %get3A_1692 = tpu.vector_load %arg7[%get3A_1690, %get3A_1691] {strides = array<i32>} : memref<160x128xf32, #tpu.memory_space<vmem>>, vector<16xf32>,
          %get3A_1693 = arith.index_cast %add3A_1656 : i32 to index
          %get3A_1694 = arith.constant 64 : index
          %get3A_1695 = tpu.vector_load %arg7[%get3A_1693, %get3A_1694] {strides = array<i32>} : memref<160x128xf32, #tpu.memory_space<vmem>>, vector<16xf32>,
          %get3A_1696 = arith.index_cast %add3A_1656 : i32 to index
          %get3A_1697 = arith.constant 80 : index
          %get3A_1698 = tpu.vector_load %arg7[%get3A_1696, %get3A_1697] {strides = array<i32>} : memref<160x128xf32, #tpu.memory_space<vmem>>, vector<16xf32>,
          %get3A_1699 = arith.index_cast %add3A_1656 : i32 to index
          %get3A_1700 = arith.constant 96 : index
          %get3A_1701 = tpu.vector_load %arg7[%get3A_1699, %get3A_1700] {strides = array<i32>} : memref<160x128xf32, #tpu.memory_space<vmem>>, vector<16xf32>,
          %get3A_1702 = arith.index_cast %add3A_1656 : i32 to index
          %get3A_1703 = arith.constant 112 : index
          %get3A_1704 = tpu.vector_load %arg7[%get3A_1702, %get3A_1703] {strides = array<i32>} : memref<160x128xf32, #tpu.memory_space<vmem>>, vector<16xf32>,
          %mul3A_1705 = arith.mulf %get3A_1659, %get3A_1 : vector<16xf32>
          %mul3A_1706 = arith.mulf %get3A_1662, %get3A_3 : vector<16xf32>
          %mul3A_1707 = arith.mulf %get3A_1665, %get3A_5 : vector<16xf32>
          %mul3A_1708 = arith.mulf %get3A_1668, %get3A_7 : vector<16xf32>
          %mul3A_1709 = arith.mulf %get3A_1671, %get3A_9 : vector<16xf32>
          %mul3A_1710 = arith.mulf %get3A_1674, %get3A_11 : vector<16xf32>
          %mul3A_1711 = arith.mulf %get3A_1677, %get3A_13 : vector<16xf32>
          %mul3A_1712 = arith.mulf %get3A_1680, %get3A_15 : vector<16xf32>
          %mul3A_1713 = arith.mulf %get3A_1683, %get3A_1 : vector<16xf32>
          %mul3A_1714 = arith.mulf %get3A_1686, %get3A_3 : vector<16xf32>
          %mul3A_1715 = arith.mulf %get3A_1689, %get3A_5 : vector<16xf32>
          %mul3A_1716 = arith.mulf %get3A_1692, %get3A_7 : vector<16xf32>
          %mul3A_1717 = arith.mulf %get3A_1695, %get3A_9 : vector<16xf32>
          %mul3A_1718 = arith.mulf %get3A_1698, %get3A_11 : vector<16xf32>
          %mul3A_1719 = arith.mulf %get3A_1701, %get3A_13 : vector<16xf32>
          %mul3A_1720 = arith.mulf %get3A_1704, %get3A_15 : vector<16xf32>
          %add3A_1721 = arith.addf %mul3A_1705, %mul3A_1706 : vector<16xf32>
          %add3A_1722 = arith.addf %mul3A_1707, %mul3A_1708 : vector<16xf32>
          %add3A_1723 = arith.addf %add3A_1721, %add3A_1722 : vector<16xf32>
          %add3A_1724 = arith.addf %mul3A_1709, %mul3A_1710 : vector<16xf32>
          %add3A_1725 = arith.addf %mul3A_1711, %mul3A_1712 : vector<16xf32>
          %add3A_1726 = arith.addf %add3A_1724, %add3A_1725 : vector<16xf32>
          %add3A_1727 = arith.addf %add3A_1723, %add3A_1726 : vector<16xf32>
          %add3A_1728 = arith.addf %mul3A_1713, %mul3A_1714 : vector<16xf32>
          %add3A_1729 = arith.addf %mul3A_1715, %mul3A_1716 : vector<16xf32>
          %add3A_1730 = arith.addf %add3A_1728, %add3A_1729 : vector<16xf32>
          %add3A_1731 = arith.addf %mul3A_1717, %mul3A_1718 : vector<16xf32>
          %add3A_1732 = arith.addf %mul3A_1719, %mul3A_1720 : vector<16xf32>
          %add3A_1733 = arith.addf %add3A_1731, %add3A_1732 : vector<16xf32>
          %add3A_1734 = arith.addf %add3A_1730, %add3A_1733 : vector<16xf32>
          %lt3A_1735 = arith.constant 0 : i32
          %lt3A_1736 = vector.broadcast %lt3A_1735 : i32 to vector<16xi32>
          %lt3A_1737 = arith.cmpi slt, %xor3A_55, %lt3A_1736 : vector<16xi32>
          %add3A_1738 = arith.constant 16 : i32
          %add3A_1739 = vector.broadcast %add3A_1738 : i32 to vector<16xi32>
          %add3A_1740 = arith.addi %xor3A_55, %add3A_1739 : vector<16xi32>
          %select_n3A_1741 = arith.select %lt3A_1737, %add3A_1740, %xor3A_55 : vector<16xi1>, vector<16xi32>
          %broadcast_in_dim3A_1742 = vector.shape_cast %select_n3A_1741 : vector<16xi32> to vector<16x1xi32>
          %gather3A_1743 = vector.shape_cast %broadcast_in_dim3A_1742 : vector<16x1xi32> to vector<16xi32>
          %gather3A_1744 = tpu.dynamic_gather %add3A_1727[%gather3A_1743] in [0] : vector<16xf32>, vector<16xi32> -> vector<16xf32>
          %add3A_1745 = arith.addf %add3A_1727, %gather3A_1744 : vector<16xf32>
          %lt3A_1746 = arith.constant 0 : i32
          %lt3A_1747 = vector.broadcast %lt3A_1746 : i32 to vector<16xi32>
          %lt3A_1748 = arith.cmpi slt, %xor3A_55, %lt3A_1747 : vector<16xi32>
          %add3A_1749 = arith.constant 16 : i32
          %add3A_1750 = vector.broadcast %add3A_1749 : i32 to vector<16xi32>
          %add3A_1751 = arith.addi %xor3A_55, %add3A_1750 : vector<16xi32>
          %select_n3A_1752 = arith.select %lt3A_1748, %add3A_1751, %xor3A_55 : vector<16xi1>, vector<16xi32>
          %broadcast_in_dim3A_1753 = vector.shape_cast %select_n3A_1752 : vector<16xi32> to vector<16x1xi32>
          %gather3A_1754 = vector.shape_cast %broadcast_in_dim3A_1753 : vector<16x1xi32> to vector<16xi32>
          %gather3A_1755 = tpu.dynamic_gather %add3A_1734[%gather3A_1754] in [0] : vector<16xf32>, vector<16xi32> -> vector<16xf32>
          %add3A_1756 = arith.addf %add3A_1734, %gather3A_1755 : vector<16xf32>
          %lt3A_1757 = arith.constant 0 : i32
          %lt3A_1758 = vector.broadcast %lt3A_1757 : i32 to vector<16xi32>
          %lt3A_1759 = arith.cmpi slt, %xor3A_58, %lt3A_1758 : vector<16xi32>
          %add3A_1760 = arith.constant 16 : i32
          %add3A_1761 = vector.broadcast %add3A_1760 : i32 to vector<16xi32>
          %add3A_1762 = arith.addi %xor3A_58, %add3A_1761 : vector<16xi32>
          %select_n3A_1763 = arith.select %lt3A_1759, %add3A_1762, %xor3A_58 : vector<16xi1>, vector<16xi32>
          %broadcast_in_dim3A_1764 = vector.shape_cast %select_n3A_1763 : vector<16xi32> to vector<16x1xi32>
          %gather3A_1765 = vector.shape_cast %broadcast_in_dim3A_1764 : vector<16x1xi32> to vector<16xi32>
          %gather3A_1766 = tpu.dynamic_gather %add3A_1745[%gather3A_1765] in [0] : vector<16xf32>, vector<16xi32> -> vector<16xf32>
          %add3A_1767 = arith.addf %add3A_1745, %gather3A_1766 : vector<16xf32>
          %lt3A_1768 = arith.constant 0 : i32
          %lt3A_1769 = vector.broadcast %lt3A_1768 : i32 to vector<16xi32>
          %lt3A_1770 = arith.cmpi slt, %xor3A_58, %lt3A_1769 : vector<16xi32>
          %add3A_1771 = arith.constant 16 : i32
          %add3A_1772 = vector.broadcast %add3A_1771 : i32 to vector<16xi32>
          %add3A_1773 = arith.addi %xor3A_58, %add3A_1772 : vector<16xi32>
          %select_n3A_1774 = arith.select %lt3A_1770, %add3A_1773, %xor3A_58 : vector<16xi1>, vector<16xi32>
          %broadcast_in_dim3A_1775 = vector.shape_cast %select_n3A_1774 : vector<16xi32> to vector<16x1xi32>
          %gather3A_1776 = vector.shape_cast %broadcast_in_dim3A_1775 : vector<16x1xi32> to vector<16xi32>
          %gather3A_1777 = tpu.dynamic_gather %add3A_1756[%gather3A_1776] in [0] : vector<16xf32>, vector<16xi32> -> vector<16xf32>
          %add3A_1778 = arith.addf %add3A_1756, %gather3A_1777 : vector<16xf32>
          %lt3A_1779 = arith.constant 0 : i32
          %lt3A_1780 = vector.broadcast %lt3A_1779 : i32 to vector<16xi32>
          %lt3A_1781 = arith.cmpi slt, %xor3A_61, %lt3A_1780 : vector<16xi32>
          %add3A_1782 = arith.constant 16 : i32
          %add3A_1783 = vector.broadcast %add3A_1782 : i32 to vector<16xi32>
          %add3A_1784 = arith.addi %xor3A_61, %add3A_1783 : vector<16xi32>
          %select_n3A_1785 = arith.select %lt3A_1781, %add3A_1784, %xor3A_61 : vector<16xi1>, vector<16xi32>
          %broadcast_in_dim3A_1786 = vector.shape_cast %select_n3A_1785 : vector<16xi32> to vector<16x1xi32>
          %gather3A_1787 = vector.shape_cast %broadcast_in_dim3A_1786 : vector<16x1xi32> to vector<16xi32>
          %gather3A_1788 = tpu.dynamic_gather %add3A_1767[%gather3A_1787] in [0] : vector<16xf32>, vector<16xi32> -> vector<16xf32>
          %add3A_1789 = arith.addf %add3A_1767, %gather3A_1788 : vector<16xf32>
          %lt3A_1790 = arith.constant 0 : i32
          %lt3A_1791 = vector.broadcast %lt3A_1790 : i32 to vector<16xi32>
          %lt3A_1792 = arith.cmpi slt, %xor3A_61, %lt3A_1791 : vector<16xi32>
          %add3A_1793 = arith.constant 16 : i32
          %add3A_1794 = vector.broadcast %add3A_1793 : i32 to vector<16xi32>
          %add3A_1795 = arith.addi %xor3A_61, %add3A_1794 : vector<16xi32>
          %select_n3A_1796 = arith.select %lt3A_1792, %add3A_1795, %xor3A_61 : vector<16xi1>, vector<16xi32>
          %broadcast_in_dim3A_1797 = vector.shape_cast %select_n3A_1796 : vector<16xi32> to vector<16x1xi32>
          %gather3A_1798 = vector.shape_cast %broadcast_in_dim3A_1797 : vector<16x1xi32> to vector<16xi32>
          %gather3A_1799 = tpu.dynamic_gather %add3A_1778[%gather3A_1798] in [0] : vector<16xf32>, vector<16xi32> -> vector<16xf32>
          %add3A_1800 = arith.addf %add3A_1778, %gather3A_1799 : vector<16xf32>
          %lt3A_1801 = arith.constant 0 : i32
          %lt3A_1802 = vector.broadcast %lt3A_1801 : i32 to vector<16xi32>
          %lt3A_1803 = arith.cmpi slt, %xor3A_64, %lt3A_1802 : vector<16xi32>
          %add3A_1804 = arith.constant 16 : i32
          %add3A_1805 = vector.broadcast %add3A_1804 : i32 to vector<16xi32>
          %add3A_1806 = arith.addi %xor3A_64, %add3A_1805 : vector<16xi32>
          %select_n3A_1807 = arith.select %lt3A_1803, %add3A_1806, %xor3A_64 : vector<16xi1>, vector<16xi32>
          %broadcast_in_dim3A_1808 = vector.shape_cast %select_n3A_1807 : vector<16xi32> to vector<16x1xi32>
          %gather3A_1809 = vector.shape_cast %broadcast_in_dim3A_1808 : vector<16x1xi32> to vector<16xi32>
          %gather3A_1810 = tpu.dynamic_gather %add3A_1789[%gather3A_1809] in [0] : vector<16xf32>, vector<16xi32> -> vector<16xf32>
          %add3A_1811 = arith.addf %add3A_1789, %gather3A_1810 : vector<16xf32>
          %lt3A_1812 = arith.constant 0 : i32
          %lt3A_1813 = vector.broadcast %lt3A_1812 : i32 to vector<16xi32>
          %lt3A_1814 = arith.cmpi slt, %xor3A_64, %lt3A_1813 : vector<16xi32>
          %add3A_1815 = arith.constant 16 : i32
          %add3A_1816 = vector.broadcast %add3A_1815 : i32 to vector<16xi32>
          %add3A_1817 = arith.addi %xor3A_64, %add3A_1816 : vector<16xi32>
          %select_n3A_1818 = arith.select %lt3A_1814, %add3A_1817, %xor3A_64 : vector<16xi1>, vector<16xi32>
          %broadcast_in_dim3A_1819 = vector.shape_cast %select_n3A_1818 : vector<16xi32> to vector<16x1xi32>
          %gather3A_1820 = vector.shape_cast %broadcast_in_dim3A_1819 : vector<16x1xi32> to vector<16xi32>
          %gather3A_1821 = tpu.dynamic_gather %add3A_1800[%gather3A_1820] in [0] : vector<16xf32>, vector<16xi32> -> vector<16xf32>
          %add3A_1822 = arith.addf %add3A_1800, %gather3A_1821 : vector<16xf32>
          %exp3A_1823 = math.exp %add3A_1811 : vector<16xf32>
          %exp3A_1824 = math.exp %add3A_1822 : vector<16xf32>
          %broadcast_in_dim3A_1825 = arith.constant 14 : i32
          %broadcast_in_dim3A_1826 = vector.broadcast %broadcast_in_dim3A_1825 : i32 to vector<16xi32>
          %lt3A_1827 = arith.constant 0 : i32
          %lt3A_1828 = vector.broadcast %lt3A_1827 : i32 to vector<16xi32>
          %lt3A_1829 = arith.cmpi slt, %broadcast_in_dim3A_1826, %lt3A_1828 : vector<16xi32>
          %add3A_1830 = arith.constant 16 : i32
          %add3A_1831 = vector.broadcast %add3A_1830 : i32 to vector<16xi32>
          %add3A_1832 = arith.addi %broadcast_in_dim3A_1826, %add3A_1831 : vector<16xi32>
          %select_n3A_1833 = arith.select %lt3A_1829, %add3A_1832, %broadcast_in_dim3A_1826 : vector<16xi1>, vector<16xi32>
          %broadcast_in_dim3A_1834 = vector.shape_cast %select_n3A_1833 : vector<16xi32> to vector<16x1xi32>
          %gather3A_1835 = vector.shape_cast %broadcast_in_dim3A_1834 : vector<16x1xi32> to vector<16xi32>
          %gather3A_1836 = tpu.dynamic_gather %get3A_141[%gather3A_1835] in [0] : vector<16xi32>, vector<16xi32> -> vector<16xi32>
          %broadcast_in_dim3A_1837 = arith.constant 15 : i32
          %broadcast_in_dim3A_1838 = vector.broadcast %broadcast_in_dim3A_1837 : i32 to vector<16xi32>
          %lt3A_1839 = arith.constant 0 : i32
          %lt3A_1840 = vector.broadcast %lt3A_1839 : i32 to vector<16xi32>
          %lt3A_1841 = arith.cmpi slt, %broadcast_in_dim3A_1838, %lt3A_1840 : vector<16xi32>
          %add3A_1842 = arith.constant 16 : i32
          %add3A_1843 = vector.broadcast %add3A_1842 : i32 to vector<16xi32>
          %add3A_1844 = arith.addi %broadcast_in_dim3A_1838, %add3A_1843 : vector<16xi32>
          %select_n3A_1845 = arith.select %lt3A_1841, %add3A_1844, %broadcast_in_dim3A_1838 : vector<16xi1>, vector<16xi32>
          %broadcast_in_dim3A_1846 = vector.shape_cast %select_n3A_1845 : vector<16xi32> to vector<16x1xi32>
          %gather3A_1847 = vector.shape_cast %broadcast_in_dim3A_1846 : vector<16x1xi32> to vector<16xi32>
          %gather3A_1848 = tpu.dynamic_gather %get3A_141[%gather3A_1847] in [0] : vector<16xi32>, vector<16xi32> -> vector<16xi32>
          %mul3A_1849 = arith.mulf %exp3A_1823, %get3A_1659 : vector<16xf32>
          tpu.vector_store_idx %arg12[%gather3A_1836, %add3A_18], %mul3A_1849 {add = true} : memref<64x128xf32, #tpu.memory_space<vmem>>[vector<16xi32>, vector<16xi32>], vector<16xf32>,
          %mul3A_1850 = arith.mulf %exp3A_1824, %get3A_1683 : vector<16xf32>
          tpu.vector_store_idx %arg12[%gather3A_1848, %add3A_18], %mul3A_1850 {add = true} : memref<64x128xf32, #tpu.memory_space<vmem>>[vector<16xi32>, vector<16xi32>], vector<16xf32>,
          %mul3A_1851 = arith.mulf %exp3A_1823, %get3A_1662 : vector<16xf32>
          tpu.vector_store_idx %arg12[%gather3A_1836, %add3A_22], %mul3A_1851 {add = true} : memref<64x128xf32, #tpu.memory_space<vmem>>[vector<16xi32>, vector<16xi32>], vector<16xf32>,
          %mul3A_1852 = arith.mulf %exp3A_1824, %get3A_1686 : vector<16xf32>
          tpu.vector_store_idx %arg12[%gather3A_1848, %add3A_22], %mul3A_1852 {add = true} : memref<64x128xf32, #tpu.memory_space<vmem>>[vector<16xi32>, vector<16xi32>], vector<16xf32>,
          %mul3A_1853 = arith.mulf %exp3A_1823, %get3A_1665 : vector<16xf32>
          tpu.vector_store_idx %arg12[%gather3A_1836, %add3A_26], %mul3A_1853 {add = true} : memref<64x128xf32, #tpu.memory_space<vmem>>[vector<16xi32>, vector<16xi32>], vector<16xf32>,
          %mul3A_1854 = arith.mulf %exp3A_1824, %get3A_1689 : vector<16xf32>
          tpu.vector_store_idx %arg12[%gather3A_1848, %add3A_26], %mul3A_1854 {add = true} : memref<64x128xf32, #tpu.memory_space<vmem>>[vector<16xi32>, vector<16xi32>], vector<16xf32>,
          %mul3A_1855 = arith.mulf %exp3A_1823, %get3A_1668 : vector<16xf32>
          tpu.vector_store_idx %arg12[%gather3A_1836, %add3A_30], %mul3A_1855 {add = true} : memref<64x128xf32, #tpu.memory_space<vmem>>[vector<16xi32>, vector<16xi32>], vector<16xf32>,
          %mul3A_1856 = arith.mulf %exp3A_1824, %get3A_1692 : vector<16xf32>
          tpu.vector_store_idx %arg12[%gather3A_1848, %add3A_30], %mul3A_1856 {add = true} : memref<64x128xf32, #tpu.memory_space<vmem>>[vector<16xi32>, vector<16xi32>], vector<16xf32>,
          %mul3A_1857 = arith.mulf %exp3A_1823, %get3A_1671 : vector<16xf32>
          tpu.vector_store_idx %arg12[%gather3A_1836, %add3A_34], %mul3A_1857 {add = true} : memref<64x128xf32, #tpu.memory_space<vmem>>[vector<16xi32>, vector<16xi32>], vector<16xf32>,
          %mul3A_1858 = arith.mulf %exp3A_1824, %get3A_1695 : vector<16xf32>
          tpu.vector_store_idx %arg12[%gather3A_1848, %add3A_34], %mul3A_1858 {add = true} : memref<64x128xf32, #tpu.memory_space<vmem>>[vector<16xi32>, vector<16xi32>], vector<16xf32>,
          %mul3A_1859 = arith.mulf %exp3A_1823, %get3A_1674 : vector<16xf32>
          tpu.vector_store_idx %arg12[%gather3A_1836, %add3A_38], %mul3A_1859 {add = true} : memref<64x128xf32, #tpu.memory_space<vmem>>[vector<16xi32>, vector<16xi32>], vector<16xf32>,
          %mul3A_1860 = arith.mulf %exp3A_1824, %get3A_1698 : vector<16xf32>
          tpu.vector_store_idx %arg12[%gather3A_1848, %add3A_38], %mul3A_1860 {add = true} : memref<64x128xf32, #tpu.memory_space<vmem>>[vector<16xi32>, vector<16xi32>], vector<16xf32>,
          %mul3A_1861 = arith.mulf %exp3A_1823, %get3A_1677 : vector<16xf32>
          tpu.vector_store_idx %arg12[%gather3A_1836, %add3A_42], %mul3A_1861 {add = true} : memref<64x128xf32, #tpu.memory_space<vmem>>[vector<16xi32>, vector<16xi32>], vector<16xf32>,
          %mul3A_1862 = arith.mulf %exp3A_1824, %get3A_1701 : vector<16xf32>
          tpu.vector_store_idx %arg12[%gather3A_1848, %add3A_42], %mul3A_1862 {add = true} : memref<64x128xf32, #tpu.memory_space<vmem>>[vector<16xi32>, vector<16xi32>], vector<16xf32>,
          %mul3A_1863 = arith.mulf %exp3A_1823, %get3A_1680 : vector<16xf32>
          tpu.vector_store_idx %arg12[%gather3A_1836, %add3A_46], %mul3A_1863 {add = true} : memref<64x128xf32, #tpu.memory_space<vmem>>[vector<16xi32>, vector<16xi32>], vector<16xf32>,
          %mul3A_1864 = arith.mulf %exp3A_1824, %get3A_1704 : vector<16xf32>
          tpu.vector_store_idx %arg12[%gather3A_1848, %add3A_46], %mul3A_1864 {add = true} : memref<64x128xf32, #tpu.memory_space<vmem>>[vector<16xi32>, vector<16xi32>], vector<16xf32>,
          %add3A_1865 = arith.addf %exp3A_1823, %exp3A_1824 : vector<16xf32>
          %add3A_1866 = arith.addf %add3A_1650, %add3A_1865 : vector<16xf32>
          %get3A_1867 = arith.constant 0 : index
          %get3A_1868 = tpu.vector_load %arg13[%get3A_1867] {strides = array<i32>} : memref<16xf32, #tpu.memory_space<vmem>>, vector<16xf32>,
          %add3A_1869 = arith.addf %get3A_1868, %add3A_1866 : vector<16xf32>
          %swap3A_1870 = arith.constant 0 : index
          %swap3A_1871 = tpu.vector_load %arg13[%swap3A_1870] {strides = array<i32>} : memref<16xf32, #tpu.memory_space<vmem>>, vector<16xf32>,
          tpu.vector_store %arg13[%swap3A_1870], %add3A_1869 {strides = array<i32>} : memref<16xf32, #tpu.memory_space<vmem>>, vector<16xf32>,
        }
        %scan3A_132 = arith.constant 10 : i32
      } else {
      }
      %mul3A_100 = arith.constant 2 : i32
      %mul3A_101 = arith.muli %mul3A_100, %add3A_83 : i32
      %add3A_102 = arith.constant 1 : i32
      %add3A_103 = arith.addi %mul3A_101, %add3A_102 : i32
      %mul3A_104 = arith.constant 32 : i32
      %mul3A_105 = arith.muli %mul3A_104, %add3A_103 : i32
      %add3A_106 = arith.addi %add3A, %mul3A_105 : i32
      %add3A_107 = arith.constant 32 : i32
      %add3A_108 = arith.addi %add3A_106, %add3A_107 : i32
      %lt3A_109 = arith.constant 625 : i32
      %lt3A_110 = arith.cmpi slt, %add3A_108, %lt3A_109 : i32
      %convert_element_type3A_111 = arith.extui %lt3A_110 : i1 to i32
      %cond3A_112 = arith.constant 0 : i32
      %cond3A_113 = arith.cmpi ne, %convert_element_type3A_111, %cond3A_112 : i32
      scf.if %cond3A_113 {
        %mul3A_119 = arith.constant 160 : i32
        %mul3A_120 = arith.muli %add3A_108, %mul3A_119 : i32
        %dma_start3A_121 = arith.constant 0 : i32
        %dma_start3A_122 = tpu.memref_slice %arg2[%mul3A_120, %dma_start3A_121] : memref<100000x128xf32, #tpu.memory_space<hbm>> -> memref<160x128xf32, #tpu.memory_space<hbm>>
        %dma_start3A_123 = arith.constant 0 : i32
        %dma_start3A_124 = tpu.memref_slice %arg2[%mul3A_120, %dma_start3A_123] : memref<100000x128xf32, #tpu.memory_space<hbm>> -> memref<160x128xf32, #tpu.memory_space<hbm>>
        tpu.enqueue_dma source(%dma_start3A_124 : memref<160x128xf32, #tpu.memory_space<hbm>>) target(%arg7 : memref<160x128xf32, #tpu.memory_space<vmem>>) target_semaphore(%arg14 : memref<!tpu.dma_semaphore, #tpu.memory_space<semaphore_mem>>)
        %mul3A_125 = arith.constant 160 : i32
        %mul3A_126 = arith.muli %add3A_108, %mul3A_125 : i32
        %dma_start3A_127 = tpu.memref_slice %arg3[%mul3A_126] : memref<100000xi32, #tpu.memory_space<hbm>> -> memref<160xi32, #tpu.memory_space<hbm>>
        %dma_start3A_128 = tpu.memref_slice %arg3[%mul3A_126] : memref<100000xi32, #tpu.memory_space<hbm>> -> memref<160xi32, #tpu.memory_space<hbm>>
        tpu.enqueue_dma source(%dma_start3A_128 : memref<160xi32, #tpu.memory_space<hbm>>) target(%arg9 : memref<160xi32, #tpu.memory_space<vmem>>) target_semaphore(%arg14 : memref<!tpu.dma_semaphore, #tpu.memory_space<semaphore_mem>>)
      } else {
      }
      %lt3A_114 = arith.constant 625 : i32
      %lt3A_115 = arith.cmpi slt, %add3A_106, %lt3A_114 : i32
      %convert_element_type3A_116 = arith.extui %lt3A_115 : i1 to i32
      %cond3A_117 = arith.constant 0 : i32
      %cond3A_118 = arith.cmpi ne, %convert_element_type3A_116, %cond3A_117 : i32
      scf.if %cond3A_118 {
        %dma_wait3A = arith.constant 0 : i32
        %dma_wait3A_119 = arith.constant 0 : i32
        %dma_wait3A_120 = tpu.memref_slice %arg2[%dma_wait3A, %dma_wait3A_119] : memref<100000x128xf32, #tpu.memory_space<hbm>> -> memref<160x128xf32, #tpu.memory_space<hbm>>
        %dma_wait3A_121 = arith.constant 0 : i32
        %dma_wait3A_122 = arith.constant 0 : i32
        %dma_wait3A_123 = tpu.memref_slice %arg2[%dma_wait3A_121, %dma_wait3A_122] : memref<100000x128xf32, #tpu.memory_space<hbm>> -> memref<160x128xf32, #tpu.memory_space<hbm>>
        tpu.wait_dma2 semaphore(%arg15 : memref<!tpu.dma_semaphore, #tpu.memory_space<semaphore_mem>>) src(%dma_wait3A_123 : memref<160x128xf32, #tpu.memory_space<hbm>>) dst(%arg8 : memref<160x128xf32, #tpu.memory_space<vmem>>)
        %dma_wait3A_124 = arith.constant 0 : i32
        %dma_wait3A_125 = tpu.memref_slice %arg3[%dma_wait3A_124] : memref<100000xi32, #tpu.memory_space<hbm>> -> memref<160xi32, #tpu.memory_space<hbm>>
        %dma_wait3A_126 = arith.constant 0 : i32
        %dma_wait3A_127 = tpu.memref_slice %arg3[%dma_wait3A_126] : memref<100000xi32, #tpu.memory_space<hbm>> -> memref<160xi32, #tpu.memory_space<hbm>>
        tpu.wait_dma2 semaphore(%arg15 : memref<!tpu.dma_semaphore, #tpu.memory_space<semaphore_mem>>) src(%dma_wait3A_127 : memref<160xi32, #tpu.memory_space<hbm>>) dst(%arg10 : memref<160xi32, #tpu.memory_space<vmem>>)
        %scan3A_128 = arith.constant 0 : i32
        %scan3A_129 = arith.constant 10 : i32
        %scan3A_130 = arith.addi %scan3A_128, %scan3A_129 : i32
        %scan3A_131 = arith.constant 1 : i32
        scf.for %scan3A_133 = %scan3A_128 to %scan3A_130 step %scan3A_131  : i32 {
          %mul3A_134 = arith.constant 1 : i32
          %mul3A_135 = arith.muli %scan3A_133, %mul3A_134 : i32
          %add3A_136 = arith.constant 0 : i32
          %add3A_137 = arith.addi %add3A_136, %mul3A_135 : i32
          %mul3A_138 = arith.constant 16 : i32
          %mul3A_139 = arith.muli %mul3A_138, %add3A_137 : i32
          %get3A_140 = arith.index_cast %mul3A_139 : i32 to index
          %get3A_141 = tpu.vector_load %arg10[%get3A_140] {strides = array<i32>} : memref<160xi32, #tpu.memory_space<vmem>>, vector<16xi32>,
          %mul3A_142 = arith.constant 16 : i32
          %mul3A_143 = arith.muli %mul3A_142, %add3A_137 : i32
          %add3A_144 = arith.constant 0 : i32
          %add3A_145 = arith.addi %mul3A_143, %add3A_144 : i32
          %add3A_146 = arith.constant 1 : i32
          %add3A_147 = arith.addi %add3A_145, %add3A_146 : i32
          %get3A_148 = arith.index_cast %add3A_145 : i32 to index
          %get3A_149 = arith.constant 0 : index
          %get3A_150 = tpu.vector_load %arg8[%get3A_148, %get3A_149] {strides = array<i32>} : memref<160x128xf32, #tpu.memory_space<vmem>>, vector<16xf32>,
          %get3A_151 = arith.index_cast %add3A_145 : i32 to index
          %get3A_152 = arith.constant 16 : index
          %get3A_153 = tpu.vector_load %arg8[%get3A_151, %get3A_152] {strides = array<i32>} : memref<160x128xf32, #tpu.memory_space<vmem>>, vector<16xf32>,
          %get3A_154 = arith.index_cast %add3A_145 : i32 to index
          %get3A_155 = arith.constant 32 : index
          %get3A_156 = tpu.vector_load %arg8[%get3A_154, %get3A_155] {strides = array<i32>} : memref<160x128xf32, #tpu.memory_space<vmem>>, vector<16xf32>,
          %get3A_157 = arith.index_cast %add3A_145 : i32 to index
          %get3A_158 = arith.constant 48 : index
          %get3A_159 = tpu.vector_load %arg8[%get3A_157, %get3A_158] {strides = array<i32>} : memref<160x128xf32, #tpu.memory_space<vmem>>, vector<16xf32>,
          %get3A_160 = arith.index_cast %add3A_145 : i32 to index
          %get3A_161 = arith.constant 64 : index
          %get3A_162 = tpu.vector_load %arg8[%get3A_160, %get3A_161] {strides = array<i32>} : memref<160x128xf32, #tpu.memory_space<vmem>>, vector<16xf32>,
          %get3A_163 = arith.index_cast %add3A_145 : i32 to index
          %get3A_164 = arith.constant 80 : index
          %get3A_165 = tpu.vector_load %arg8[%get3A_163, %get3A_164] {strides = array<i32>} : memref<160x128xf32, #tpu.memory_space<vmem>>, vector<16xf32>,
          %get3A_166 = arith.index_cast %add3A_145 : i32 to index
          %get3A_167 = arith.constant 96 : index
          %get3A_168 = tpu.vector_load %arg8[%get3A_166, %get3A_167] {strides = array<i32>} : memref<160x128xf32, #tpu.memory_space<vmem>>, vector<16xf32>,
          %get3A_169 = arith.index_cast %add3A_145 : i32 to index
          %get3A_170 = arith.constant 112 : index
          %get3A_171 = tpu.vector_load %arg8[%get3A_169, %get3A_170] {strides = array<i32>} : memref<160x128xf32, #tpu.memory_space<vmem>>, vector<16xf32>,
          %get3A_172 = arith.index_cast %add3A_147 : i32 to index
          %get3A_173 = arith.constant 0 : index
          %get3A_174 = tpu.vector_load %arg8[%get3A_172, %get3A_173] {strides = array<i32>} : memref<160x128xf32, #tpu.memory_space<vmem>>, vector<16xf32>,
          %get3A_175 = arith.index_cast %add3A_147 : i32 to index
          %get3A_176 = arith.constant 16 : index
          %get3A_177 = tpu.vector_load %arg8[%get3A_175, %get3A_176] {strides = array<i32>} : memref<160x128xf32, #tpu.memory_space<vmem>>, vector<16xf32>,
          %get3A_178 = arith.index_cast %add3A_147 : i32 to index
          %get3A_179 = arith.constant 32 : index
          %get3A_180 = tpu.vector_load %arg8[%get3A_178, %get3A_179] {strides = array<i32>} : memref<160x128xf32, #tpu.memory_space<vmem>>, vector<16xf32>,
          %get3A_181 = arith.index_cast %add3A_147 : i32 to index
          %get3A_182 = arith.constant 48 : index
          %get3A_183 = tpu.vector_load %arg8[%get3A_181, %get3A_182] {strides = array<i32>} : memref<160x128xf32, #tpu.memory_space<vmem>>, vector<16xf32>,
          %get3A_184 = arith.index_cast %add3A_147 : i32 to index
          %get3A_185 = arith.constant 64 : index
          %get3A_186 = tpu.vector_load %arg8[%get3A_184, %get3A_185] {strides = array<i32>} : memref<160x128xf32, #tpu.memory_space<vmem>>, vector<16xf32>,
          %get3A_187 = arith.index_cast %add3A_147 : i32 to index
          %get3A_188 = arith.constant 80 : index
          %get3A_189 = tpu.vector_load %arg8[%get3A_187, %get3A_188] {strides = array<i32>} : memref<160x128xf32, #tpu.memory_space<vmem>>, vector<16xf32>,
          %get3A_190 = arith.index_cast %add3A_147 : i32 to index
          %get3A_191 = arith.constant 96 : index
          %get3A_192 = tpu.vector_load %arg8[%get3A_190, %get3A_191] {strides = array<i32>} : memref<160x128xf32, #tpu.memory_space<vmem>>, vector<16xf32>,
          %get3A_193 = arith.index_cast %add3A_147 : i32 to index
          %get3A_194 = arith.constant 112 : index
          %get3A_195 = tpu.vector_load %arg8[%get3A_193, %get3A_194] {strides = array<i32>} : memref<160x128xf32, #tpu.memory_space<vmem>>, vector<16xf32>,
          %mul3A_196 = arith.mulf %get3A_150, %get3A_1 : vector<16xf32>
          %mul3A_197 = arith.mulf %get3A_153, %get3A_3 : vector<16xf32>
          %mul3A_198 = arith.mulf %get3A_156, %get3A_5 : vector<16xf32>
          %mul3A_199 = arith.mulf %get3A_159, %get3A_7 : vector<16xf32>
          %mul3A_200 = arith.mulf %get3A_162, %get3A_9 : vector<16xf32>
          %mul3A_201 = arith.mulf %get3A_165, %get3A_11 : vector<16xf32>
          %mul3A_202 = arith.mulf %get3A_168, %get3A_13 : vector<16xf32>
          %mul3A_203 = arith.mulf %get3A_171, %get3A_15 : vector<16xf32>
          %mul3A_204 = arith.mulf %get3A_174, %get3A_1 : vector<16xf32>
          %mul3A_205 = arith.mulf %get3A_177, %get3A_3 : vector<16xf32>
          %mul3A_206 = arith.mulf %get3A_180, %get3A_5 : vector<16xf32>
          %mul3A_207 = arith.mulf %get3A_183, %get3A_7 : vector<16xf32>
          %mul3A_208 = arith.mulf %get3A_186, %get3A_9 : vector<16xf32>
          %mul3A_209 = arith.mulf %get3A_189, %get3A_11 : vector<16xf32>
          %mul3A_210 = arith.mulf %get3A_192, %get3A_13 : vector<16xf32>
          %mul3A_211 = arith.mulf %get3A_195, %get3A_15 : vector<16xf32>
          %add3A_212 = arith.addf %mul3A_196, %mul3A_197 : vector<16xf32>
          %add3A_213 = arith.addf %mul3A_198, %mul3A_199 : vector<16xf32>
          %add3A_214 = arith.addf %add3A_212, %add3A_213 : vector<16xf32>
          %add3A_215 = arith.addf %mul3A_200, %mul3A_201 : vector<16xf32>
          %add3A_216 = arith.addf %mul3A_202, %mul3A_203 : vector<16xf32>
          %add3A_217 = arith.addf %add3A_215, %add3A_216 : vector<16xf32>
          %add3A_218 = arith.addf %add3A_214, %add3A_217 : vector<16xf32>
          %add3A_219 = arith.addf %mul3A_204, %mul3A_205 : vector<16xf32>
          %add3A_220 = arith.addf %mul3A_206, %mul3A_207 : vector<16xf32>
          %add3A_221 = arith.addf %add3A_219, %add3A_220 : vector<16xf32>
          %add3A_222 = arith.addf %mul3A_208, %mul3A_209 : vector<16xf32>
          %add3A_223 = arith.addf %mul3A_210, %mul3A_211 : vector<16xf32>
          %add3A_224 = arith.addf %add3A_222, %add3A_223 : vector<16xf32>
          %add3A_225 = arith.addf %add3A_221, %add3A_224 : vector<16xf32>
          %lt3A_226 = arith.constant 0 : i32
          %lt3A_227 = vector.broadcast %lt3A_226 : i32 to vector<16xi32>
          %lt3A_228 = arith.cmpi slt, %xor3A_55, %lt3A_227 : vector<16xi32>
          %add3A_229 = arith.constant 16 : i32
          %add3A_230 = vector.broadcast %add3A_229 : i32 to vector<16xi32>
          %add3A_231 = arith.addi %xor3A_55, %add3A_230 : vector<16xi32>
          %select_n3A = arith.select %lt3A_228, %add3A_231, %xor3A_55 : vector<16xi1>, vector<16xi32>
          %broadcast_in_dim3A_232 = vector.shape_cast %select_n3A : vector<16xi32> to vector<16x1xi32>
          %gather3A = vector.shape_cast %broadcast_in_dim3A_232 : vector<16x1xi32> to vector<16xi32>
          %gather3A_233 = tpu.dynamic_gather %add3A_218[%gather3A] in [0] : vector<16xf32>, vector<16xi32> -> vector<16xf32>
          %add3A_234 = arith.addf %add3A_218, %gather3A_233 : vector<16xf32>
          %lt3A_235 = arith.constant 0 : i32
          %lt3A_236 = vector.broadcast %lt3A_235 : i32 to vector<16xi32>
          %lt3A_237 = arith.cmpi slt, %xor3A_55, %lt3A_236 : vector<16xi32>
          %add3A_238 = arith.constant 16 : i32
          %add3A_239 = vector.broadcast %add3A_238 : i32 to vector<16xi32>
          %add3A_240 = arith.addi %xor3A_55, %add3A_239 : vector<16xi32>
          %select_n3A_241 = arith.select %lt3A_237, %add3A_240, %xor3A_55 : vector<16xi1>, vector<16xi32>
          %broadcast_in_dim3A_242 = vector.shape_cast %select_n3A_241 : vector<16xi32> to vector<16x1xi32>
          %gather3A_243 = vector.shape_cast %broadcast_in_dim3A_242 : vector<16x1xi32> to vector<16xi32>
          %gather3A_244 = tpu.dynamic_gather %add3A_225[%gather3A_243] in [0] : vector<16xf32>, vector<16xi32> -> vector<16xf32>
          %add3A_245 = arith.addf %add3A_225, %gather3A_244 : vector<16xf32>
          %lt3A_246 = arith.constant 0 : i32
          %lt3A_247 = vector.broadcast %lt3A_246 : i32 to vector<16xi32>
          %lt3A_248 = arith.cmpi slt, %xor3A_58, %lt3A_247 : vector<16xi32>
          %add3A_249 = arith.constant 16 : i32
          %add3A_250 = vector.broadcast %add3A_249 : i32 to vector<16xi32>
          %add3A_251 = arith.addi %xor3A_58, %add3A_250 : vector<16xi32>
          %select_n3A_252 = arith.select %lt3A_248, %add3A_251, %xor3A_58 : vector<16xi1>, vector<16xi32>
          %broadcast_in_dim3A_253 = vector.shape_cast %select_n3A_252 : vector<16xi32> to vector<16x1xi32>
          %gather3A_254 = vector.shape_cast %broadcast_in_dim3A_253 : vector<16x1xi32> to vector<16xi32>
          %gather3A_255 = tpu.dynamic_gather %add3A_234[%gather3A_254] in [0] : vector<16xf32>, vector<16xi32> -> vector<16xf32>
          %add3A_256 = arith.addf %add3A_234, %gather3A_255 : vector<16xf32>
          %lt3A_257 = arith.constant 0 : i32
          %lt3A_258 = vector.broadcast %lt3A_257 : i32 to vector<16xi32>
          %lt3A_259 = arith.cmpi slt, %xor3A_58, %lt3A_258 : vector<16xi32>
          %add3A_260 = arith.constant 16 : i32
          %add3A_261 = vector.broadcast %add3A_260 : i32 to vector<16xi32>
          %add3A_262 = arith.addi %xor3A_58, %add3A_261 : vector<16xi32>
          %select_n3A_263 = arith.select %lt3A_259, %add3A_262, %xor3A_58 : vector<16xi1>, vector<16xi32>
          %broadcast_in_dim3A_264 = vector.shape_cast %select_n3A_263 : vector<16xi32> to vector<16x1xi32>
          %gather3A_265 = vector.shape_cast %broadcast_in_dim3A_264 : vector<16x1xi32> to vector<16xi32>
          %gather3A_266 = tpu.dynamic_gather %add3A_245[%gather3A_265] in [0] : vector<16xf32>, vector<16xi32> -> vector<16xf32>
          %add3A_267 = arith.addf %add3A_245, %gather3A_266 : vector<16xf32>
          %lt3A_268 = arith.constant 0 : i32
          %lt3A_269 = vector.broadcast %lt3A_268 : i32 to vector<16xi32>
          %lt3A_270 = arith.cmpi slt, %xor3A_61, %lt3A_269 : vector<16xi32>
          %add3A_271 = arith.constant 16 : i32
          %add3A_272 = vector.broadcast %add3A_271 : i32 to vector<16xi32>
          %add3A_273 = arith.addi %xor3A_61, %add3A_272 : vector<16xi32>
          %select_n3A_274 = arith.select %lt3A_270, %add3A_273, %xor3A_61 : vector<16xi1>, vector<16xi32>
          %broadcast_in_dim3A_275 = vector.shape_cast %select_n3A_274 : vector<16xi32> to vector<16x1xi32>
          %gather3A_276 = vector.shape_cast %broadcast_in_dim3A_275 : vector<16x1xi32> to vector<16xi32>
          %gather3A_277 = tpu.dynamic_gather %add3A_256[%gather3A_276] in [0] : vector<16xf32>, vector<16xi32> -> vector<16xf32>
          %add3A_278 = arith.addf %add3A_256, %gather3A_277 : vector<16xf32>
          %lt3A_279 = arith.constant 0 : i32
          %lt3A_280 = vector.broadcast %lt3A_279 : i32 to vector<16xi32>
          %lt3A_281 = arith.cmpi slt, %xor3A_61, %lt3A_280 : vector<16xi32>
          %add3A_282 = arith.constant 16 : i32
          %add3A_283 = vector.broadcast %add3A_282 : i32 to vector<16xi32>
          %add3A_284 = arith.addi %xor3A_61, %add3A_283 : vector<16xi32>
          %select_n3A_285 = arith.select %lt3A_281, %add3A_284, %xor3A_61 : vector<16xi1>, vector<16xi32>
          %broadcast_in_dim3A_286 = vector.shape_cast %select_n3A_285 : vector<16xi32> to vector<16x1xi32>
          %gather3A_287 = vector.shape_cast %broadcast_in_dim3A_286 : vector<16x1xi32> to vector<16xi32>
          %gather3A_288 = tpu.dynamic_gather %add3A_267[%gather3A_287] in [0] : vector<16xf32>, vector<16xi32> -> vector<16xf32>
          %add3A_289 = arith.addf %add3A_267, %gather3A_288 : vector<16xf32>
          %lt3A_290 = arith.constant 0 : i32
          %lt3A_291 = vector.broadcast %lt3A_290 : i32 to vector<16xi32>
          %lt3A_292 = arith.cmpi slt, %xor3A_64, %lt3A_291 : vector<16xi32>
          %add3A_293 = arith.constant 16 : i32
          %add3A_294 = vector.broadcast %add3A_293 : i32 to vector<16xi32>
          %add3A_295 = arith.addi %xor3A_64, %add3A_294 : vector<16xi32>
          %select_n3A_296 = arith.select %lt3A_292, %add3A_295, %xor3A_64 : vector<16xi1>, vector<16xi32>
          %broadcast_in_dim3A_297 = vector.shape_cast %select_n3A_296 : vector<16xi32> to vector<16x1xi32>
          %gather3A_298 = vector.shape_cast %broadcast_in_dim3A_297 : vector<16x1xi32> to vector<16xi32>
          %gather3A_299 = tpu.dynamic_gather %add3A_278[%gather3A_298] in [0] : vector<16xf32>, vector<16xi32> -> vector<16xf32>
          %add3A_300 = arith.addf %add3A_278, %gather3A_299 : vector<16xf32>
          %lt3A_301 = arith.constant 0 : i32
          %lt3A_302 = vector.broadcast %lt3A_301 : i32 to vector<16xi32>
          %lt3A_303 = arith.cmpi slt, %xor3A_64, %lt3A_302 : vector<16xi32>
          %add3A_304 = arith.constant 16 : i32
          %add3A_305 = vector.broadcast %add3A_304 : i32 to vector<16xi32>
          %add3A_306 = arith.addi %xor3A_64, %add3A_305 : vector<16xi32>
          %select_n3A_307 = arith.select %lt3A_303, %add3A_306, %xor3A_64 : vector<16xi1>, vector<16xi32>
          %broadcast_in_dim3A_308 = vector.shape_cast %select_n3A_307 : vector<16xi32> to vector<16x1xi32>
          %gather3A_309 = vector.shape_cast %broadcast_in_dim3A_308 : vector<16x1xi32> to vector<16xi32>
          %gather3A_310 = tpu.dynamic_gather %add3A_289[%gather3A_309] in [0] : vector<16xf32>, vector<16xi32> -> vector<16xf32>
          %add3A_311 = arith.addf %add3A_289, %gather3A_310 : vector<16xf32>
          %exp3A = math.exp %add3A_300 : vector<16xf32>
          %exp3A_312 = math.exp %add3A_311 : vector<16xf32>
          %broadcast_in_dim3A_313 = arith.constant 0 : i32
          %broadcast_in_dim3A_314 = vector.broadcast %broadcast_in_dim3A_313 : i32 to vector<16xi32>
          %lt3A_315 = arith.constant 0 : i32
          %lt3A_316 = vector.broadcast %lt3A_315 : i32 to vector<16xi32>
          %lt3A_317 = arith.cmpi slt, %broadcast_in_dim3A_314, %lt3A_316 : vector<16xi32>
          %add3A_318 = arith.constant 16 : i32
          %add3A_319 = vector.broadcast %add3A_318 : i32 to vector<16xi32>
          %add3A_320 = arith.addi %broadcast_in_dim3A_314, %add3A_319 : vector<16xi32>
          %select_n3A_321 = arith.select %lt3A_317, %add3A_320, %broadcast_in_dim3A_314 : vector<16xi1>, vector<16xi32>
          %broadcast_in_dim3A_322 = vector.shape_cast %select_n3A_321 : vector<16xi32> to vector<16x1xi32>
          %gather3A_323 = vector.shape_cast %broadcast_in_dim3A_322 : vector<16x1xi32> to vector<16xi32>
          %gather3A_324 = tpu.dynamic_gather %get3A_141[%gather3A_323] in [0] : vector<16xi32>, vector<16xi32> -> vector<16xi32>
          %broadcast_in_dim3A_325 = arith.constant 1 : i32
          %broadcast_in_dim3A_326 = vector.broadcast %broadcast_in_dim3A_325 : i32 to vector<16xi32>
          %lt3A_327 = arith.constant 0 : i32
          %lt3A_328 = vector.broadcast %lt3A_327 : i32 to vector<16xi32>
          %lt3A_329 = arith.cmpi slt, %broadcast_in_dim3A_326, %lt3A_328 : vector<16xi32>
          %add3A_330 = arith.constant 16 : i32
          %add3A_331 = vector.broadcast %add3A_330 : i32 to vector<16xi32>
          %add3A_332 = arith.addi %broadcast_in_dim3A_326, %add3A_331 : vector<16xi32>
          %select_n3A_333 = arith.select %lt3A_329, %add3A_332, %broadcast_in_dim3A_326 : vector<16xi1>, vector<16xi32>
          %broadcast_in_dim3A_334 = vector.shape_cast %select_n3A_333 : vector<16xi32> to vector<16x1xi32>
          %gather3A_335 = vector.shape_cast %broadcast_in_dim3A_334 : vector<16x1xi32> to vector<16xi32>
          %gather3A_336 = tpu.dynamic_gather %get3A_141[%gather3A_335] in [0] : vector<16xi32>, vector<16xi32> -> vector<16xi32>
          %mul3A_337 = arith.mulf %exp3A, %get3A_150 : vector<16xf32>
          tpu.vector_store_idx %arg12[%gather3A_324, %add3A_18], %mul3A_337 {add = true} : memref<64x128xf32, #tpu.memory_space<vmem>>[vector<16xi32>, vector<16xi32>], vector<16xf32>,
          %mul3A_338 = arith.mulf %exp3A_312, %get3A_174 : vector<16xf32>
          tpu.vector_store_idx %arg12[%gather3A_336, %add3A_18], %mul3A_338 {add = true} : memref<64x128xf32, #tpu.memory_space<vmem>>[vector<16xi32>, vector<16xi32>], vector<16xf32>,
          %mul3A_339 = arith.mulf %exp3A, %get3A_153 : vector<16xf32>
          tpu.vector_store_idx %arg12[%gather3A_324, %add3A_22], %mul3A_339 {add = true} : memref<64x128xf32, #tpu.memory_space<vmem>>[vector<16xi32>, vector<16xi32>], vector<16xf32>,
          %mul3A_340 = arith.mulf %exp3A_312, %get3A_177 : vector<16xf32>
          tpu.vector_store_idx %arg12[%gather3A_336, %add3A_22], %mul3A_340 {add = true} : memref<64x128xf32, #tpu.memory_space<vmem>>[vector<16xi32>, vector<16xi32>], vector<16xf32>,
          %mul3A_341 = arith.mulf %exp3A, %get3A_156 : vector<16xf32>
          tpu.vector_store_idx %arg12[%gather3A_324, %add3A_26], %mul3A_341 {add = true} : memref<64x128xf32, #tpu.memory_space<vmem>>[vector<16xi32>, vector<16xi32>], vector<16xf32>,
          %mul3A_342 = arith.mulf %exp3A_312, %get3A_180 : vector<16xf32>
          tpu.vector_store_idx %arg12[%gather3A_336, %add3A_26], %mul3A_342 {add = true} : memref<64x128xf32, #tpu.memory_space<vmem>>[vector<16xi32>, vector<16xi32>], vector<16xf32>,
          %mul3A_343 = arith.mulf %exp3A, %get3A_159 : vector<16xf32>
          tpu.vector_store_idx %arg12[%gather3A_324, %add3A_30], %mul3A_343 {add = true} : memref<64x128xf32, #tpu.memory_space<vmem>>[vector<16xi32>, vector<16xi32>], vector<16xf32>,
          %mul3A_344 = arith.mulf %exp3A_312, %get3A_183 : vector<16xf32>
          tpu.vector_store_idx %arg12[%gather3A_336, %add3A_30], %mul3A_344 {add = true} : memref<64x128xf32, #tpu.memory_space<vmem>>[vector<16xi32>, vector<16xi32>], vector<16xf32>,
          %mul3A_345 = arith.mulf %exp3A, %get3A_162 : vector<16xf32>
          tpu.vector_store_idx %arg12[%gather3A_324, %add3A_34], %mul3A_345 {add = true} : memref<64x128xf32, #tpu.memory_space<vmem>>[vector<16xi32>, vector<16xi32>], vector<16xf32>,
          %mul3A_346 = arith.mulf %exp3A_312, %get3A_186 : vector<16xf32>
          tpu.vector_store_idx %arg12[%gather3A_336, %add3A_34], %mul3A_346 {add = true} : memref<64x128xf32, #tpu.memory_space<vmem>>[vector<16xi32>, vector<16xi32>], vector<16xf32>,
          %mul3A_347 = arith.mulf %exp3A, %get3A_165 : vector<16xf32>
          tpu.vector_store_idx %arg12[%gather3A_324, %add3A_38], %mul3A_347 {add = true} : memref<64x128xf32, #tpu.memory_space<vmem>>[vector<16xi32>, vector<16xi32>], vector<16xf32>,
          %mul3A_348 = arith.mulf %exp3A_312, %get3A_189 : vector<16xf32>
          tpu.vector_store_idx %arg12[%gather3A_336, %add3A_38], %mul3A_348 {add = true} : memref<64x128xf32, #tpu.memory_space<vmem>>[vector<16xi32>, vector<16xi32>], vector<16xf32>,
          %mul3A_349 = arith.mulf %exp3A, %get3A_168 : vector<16xf32>
          tpu.vector_store_idx %arg12[%gather3A_324, %add3A_42], %mul3A_349 {add = true} : memref<64x128xf32, #tpu.memory_space<vmem>>[vector<16xi32>, vector<16xi32>], vector<16xf32>,
          %mul3A_350 = arith.mulf %exp3A_312, %get3A_192 : vector<16xf32>
          tpu.vector_store_idx %arg12[%gather3A_336, %add3A_42], %mul3A_350 {add = true} : memref<64x128xf32, #tpu.memory_space<vmem>>[vector<16xi32>, vector<16xi32>], vector<16xf32>,
          %mul3A_351 = arith.mulf %exp3A, %get3A_171 : vector<16xf32>
          tpu.vector_store_idx %arg12[%gather3A_324, %add3A_46], %mul3A_351 {add = true} : memref<64x128xf32, #tpu.memory_space<vmem>>[vector<16xi32>, vector<16xi32>], vector<16xf32>,
          %mul3A_352 = arith.mulf %exp3A_312, %get3A_195 : vector<16xf32>
          tpu.vector_store_idx %arg12[%gather3A_336, %add3A_46], %mul3A_352 {add = true} : memref<64x128xf32, #tpu.memory_space<vmem>>[vector<16xi32>, vector<16xi32>], vector<16xf32>,
          %add3A_353 = arith.addf %exp3A, %exp3A_312 : vector<16xf32>
          %add3A_354 = arith.addf %broadcast_in_dim3A_47, %add3A_353 : vector<16xf32>
          %mul3A_355 = arith.constant 16 : i32
          %mul3A_356 = arith.muli %mul3A_355, %add3A_137 : i32
          %add3A_357 = arith.constant 2 : i32
          %add3A_358 = arith.addi %mul3A_356, %add3A_357 : i32
          %add3A_359 = arith.constant 1 : i32
          %add3A_360 = arith.addi %add3A_358, %add3A_359 : i32
          %get3A_361 = arith.index_cast %add3A_358 : i32 to index
          %get3A_362 = arith.constant 0 : index
          %get3A_363 = tpu.vector_load %arg8[%get3A_361, %get3A_362] {strides = array<i32>} : memref<160x128xf32, #tpu.memory_space<vmem>>, vector<16xf32>,
          %get3A_364 = arith.index_cast %add3A_358 : i32 to index
          %get3A_365 = arith.constant 16 : index
          %get3A_366 = tpu.vector_load %arg8[%get3A_364, %get3A_365] {strides = array<i32>} : memref<160x128xf32, #tpu.memory_space<vmem>>, vector<16xf32>,
          %get3A_367 = arith.index_cast %add3A_358 : i32 to index
          %get3A_368 = arith.constant 32 : index
          %get3A_369 = tpu.vector_load %arg8[%get3A_367, %get3A_368] {strides = array<i32>} : memref<160x128xf32, #tpu.memory_space<vmem>>, vector<16xf32>,
          %get3A_370 = arith.index_cast %add3A_358 : i32 to index
          %get3A_371 = arith.constant 48 : index
          %get3A_372 = tpu.vector_load %arg8[%get3A_370, %get3A_371] {strides = array<i32>} : memref<160x128xf32, #tpu.memory_space<vmem>>, vector<16xf32>,
          %get3A_373 = arith.index_cast %add3A_358 : i32 to index
          %get3A_374 = arith.constant 64 : index
          %get3A_375 = tpu.vector_load %arg8[%get3A_373, %get3A_374] {strides = array<i32>} : memref<160x128xf32, #tpu.memory_space<vmem>>, vector<16xf32>,
          %get3A_376 = arith.index_cast %add3A_358 : i32 to index
          %get3A_377 = arith.constant 80 : index
          %get3A_378 = tpu.vector_load %arg8[%get3A_376, %get3A_377] {strides = array<i32>} : memref<160x128xf32, #tpu.memory_space<vmem>>, vector<16xf32>,
          %get3A_379 = arith.index_cast %add3A_358 : i32 to index
          %get3A_380 = arith.constant 96 : index
          %get3A_381 = tpu.vector_load %arg8[%get3A_379, %get3A_380] {strides = array<i32>} : memref<160x128xf32, #tpu.memory_space<vmem>>, vector<16xf32>,
          %get3A_382 = arith.index_cast %add3A_358 : i32 to index
          %get3A_383 = arith.constant 112 : index
          %get3A_384 = tpu.vector_load %arg8[%get3A_382, %get3A_383] {strides = array<i32>} : memref<160x128xf32, #tpu.memory_space<vmem>>, vector<16xf32>,
          %get3A_385 = arith.index_cast %add3A_360 : i32 to index
          %get3A_386 = arith.constant 0 : index
          %get3A_387 = tpu.vector_load %arg8[%get3A_385, %get3A_386] {strides = array<i32>} : memref<160x128xf32, #tpu.memory_space<vmem>>, vector<16xf32>,
          %get3A_388 = arith.index_cast %add3A_360 : i32 to index
          %get3A_389 = arith.constant 16 : index
          %get3A_390 = tpu.vector_load %arg8[%get3A_388, %get3A_389] {strides = array<i32>} : memref<160x128xf32, #tpu.memory_space<vmem>>, vector<16xf32>,
          %get3A_391 = arith.index_cast %add3A_360 : i32 to index
          %get3A_392 = arith.constant 32 : index
          %get3A_393 = tpu.vector_load %arg8[%get3A_391, %get3A_392] {strides = array<i32>} : memref<160x128xf32, #tpu.memory_space<vmem>>, vector<16xf32>,
          %get3A_394 = arith.index_cast %add3A_360 : i32 to index
          %get3A_395 = arith.constant 48 : index
          %get3A_396 = tpu.vector_load %arg8[%get3A_394, %get3A_395] {strides = array<i32>} : memref<160x128xf32, #tpu.memory_space<vmem>>, vector<16xf32>,
          %get3A_397 = arith.index_cast %add3A_360 : i32 to index
          %get3A_398 = arith.constant 64 : index
          %get3A_399 = tpu.vector_load %arg8[%get3A_397, %get3A_398] {strides = array<i32>} : memref<160x128xf32, #tpu.memory_space<vmem>>, vector<16xf32>,
          %get3A_400 = arith.index_cast %add3A_360 : i32 to index
          %get3A_401 = arith.constant 80 : index
          %get3A_402 = tpu.vector_load %arg8[%get3A_400, %get3A_401] {strides = array<i32>} : memref<160x128xf32, #tpu.memory_space<vmem>>, vector<16xf32>,
          %get3A_403 = arith.index_cast %add3A_360 : i32 to index
          %get3A_404 = arith.constant 96 : index
          %get3A_405 = tpu.vector_load %arg8[%get3A_403, %get3A_404] {strides = array<i32>} : memref<160x128xf32, #tpu.memory_space<vmem>>, vector<16xf32>,
          %get3A_406 = arith.index_cast %add3A_360 : i32 to index
          %get3A_407 = arith.constant 112 : index
          %get3A_408 = tpu.vector_load %arg8[%get3A_406, %get3A_407] {strides = array<i32>} : memref<160x128xf32, #tpu.memory_space<vmem>>, vector<16xf32>,
          %mul3A_409 = arith.mulf %get3A_363, %get3A_1 : vector<16xf32>
          %mul3A_410 = arith.mulf %get3A_366, %get3A_3 : vector<16xf32>
          %mul3A_411 = arith.mulf %get3A_369, %get3A_5 : vector<16xf32>
          %mul3A_412 = arith.mulf %get3A_372, %get3A_7 : vector<16xf32>
          %mul3A_413 = arith.mulf %get3A_375, %get3A_9 : vector<16xf32>
          %mul3A_414 = arith.mulf %get3A_378, %get3A_11 : vector<16xf32>
          %mul3A_415 = arith.mulf %get3A_381, %get3A_13 : vector<16xf32>
          %mul3A_416 = arith.mulf %get3A_384, %get3A_15 : vector<16xf32>
          %mul3A_417 = arith.mulf %get3A_387, %get3A_1 : vector<16xf32>
          %mul3A_418 = arith.mulf %get3A_390, %get3A_3 : vector<16xf32>
          %mul3A_419 = arith.mulf %get3A_393, %get3A_5 : vector<16xf32>
          %mul3A_420 = arith.mulf %get3A_396, %get3A_7 : vector<16xf32>
          %mul3A_421 = arith.mulf %get3A_399, %get3A_9 : vector<16xf32>
          %mul3A_422 = arith.mulf %get3A_402, %get3A_11 : vector<16xf32>
          %mul3A_423 = arith.mulf %get3A_405, %get3A_13 : vector<16xf32>
          %mul3A_424 = arith.mulf %get3A_408, %get3A_15 : vector<16xf32>
          %add3A_425 = arith.addf %mul3A_409, %mul3A_410 : vector<16xf32>
          %add3A_426 = arith.addf %mul3A_411, %mul3A_412 : vector<16xf32>
          %add3A_427 = arith.addf %add3A_425, %add3A_426 : vector<16xf32>
          %add3A_428 = arith.addf %mul3A_413, %mul3A_414 : vector<16xf32>
          %add3A_429 = arith.addf %mul3A_415, %mul3A_416 : vector<16xf32>
          %add3A_430 = arith.addf %add3A_428, %add3A_429 : vector<16xf32>
          %add3A_431 = arith.addf %add3A_427, %add3A_430 : vector<16xf32>
          %add3A_432 = arith.addf %mul3A_417, %mul3A_418 : vector<16xf32>
          %add3A_433 = arith.addf %mul3A_419, %mul3A_420 : vector<16xf32>
          %add3A_434 = arith.addf %add3A_432, %add3A_433 : vector<16xf32>
          %add3A_435 = arith.addf %mul3A_421, %mul3A_422 : vector<16xf32>
          %add3A_436 = arith.addf %mul3A_423, %mul3A_424 : vector<16xf32>
          %add3A_437 = arith.addf %add3A_435, %add3A_436 : vector<16xf32>
          %add3A_438 = arith.addf %add3A_434, %add3A_437 : vector<16xf32>
          %lt3A_439 = arith.constant 0 : i32
          %lt3A_440 = vector.broadcast %lt3A_439 : i32 to vector<16xi32>
          %lt3A_441 = arith.cmpi slt, %xor3A_55, %lt3A_440 : vector<16xi32>
          %add3A_442 = arith.constant 16 : i32
          %add3A_443 = vector.broadcast %add3A_442 : i32 to vector<16xi32>
          %add3A_444 = arith.addi %xor3A_55, %add3A_443 : vector<16xi32>
          %select_n3A_445 = arith.select %lt3A_441, %add3A_444, %xor3A_55 : vector<16xi1>, vector<16xi32>
          %broadcast_in_dim3A_446 = vector.shape_cast %select_n3A_445 : vector<16xi32> to vector<16x1xi32>
          %gather3A_447 = vector.shape_cast %broadcast_in_dim3A_446 : vector<16x1xi32> to vector<16xi32>
          %gather3A_448 = tpu.dynamic_gather %add3A_431[%gather3A_447] in [0] : vector<16xf32>, vector<16xi32> -> vector<16xf32>
          %add3A_449 = arith.addf %add3A_431, %gather3A_448 : vector<16xf32>
          %lt3A_450 = arith.constant 0 : i32
          %lt3A_451 = vector.broadcast %lt3A_450 : i32 to vector<16xi32>
          %lt3A_452 = arith.cmpi slt, %xor3A_55, %lt3A_451 : vector<16xi32>
          %add3A_453 = arith.constant 16 : i32
          %add3A_454 = vector.broadcast %add3A_453 : i32 to vector<16xi32>
          %add3A_455 = arith.addi %xor3A_55, %add3A_454 : vector<16xi32>
          %select_n3A_456 = arith.select %lt3A_452, %add3A_455, %xor3A_55 : vector<16xi1>, vector<16xi32>
          %broadcast_in_dim3A_457 = vector.shape_cast %select_n3A_456 : vector<16xi32> to vector<16x1xi32>
          %gather3A_458 = vector.shape_cast %broadcast_in_dim3A_457 : vector<16x1xi32> to vector<16xi32>
          %gather3A_459 = tpu.dynamic_gather %add3A_438[%gather3A_458] in [0] : vector<16xf32>, vector<16xi32> -> vector<16xf32>
          %add3A_460 = arith.addf %add3A_438, %gather3A_459 : vector<16xf32>
          %lt3A_461 = arith.constant 0 : i32
          %lt3A_462 = vector.broadcast %lt3A_461 : i32 to vector<16xi32>
          %lt3A_463 = arith.cmpi slt, %xor3A_58, %lt3A_462 : vector<16xi32>
          %add3A_464 = arith.constant 16 : i32
          %add3A_465 = vector.broadcast %add3A_464 : i32 to vector<16xi32>
          %add3A_466 = arith.addi %xor3A_58, %add3A_465 : vector<16xi32>
          %select_n3A_467 = arith.select %lt3A_463, %add3A_466, %xor3A_58 : vector<16xi1>, vector<16xi32>
          %broadcast_in_dim3A_468 = vector.shape_cast %select_n3A_467 : vector<16xi32> to vector<16x1xi32>
          %gather3A_469 = vector.shape_cast %broadcast_in_dim3A_468 : vector<16x1xi32> to vector<16xi32>
          %gather3A_470 = tpu.dynamic_gather %add3A_449[%gather3A_469] in [0] : vector<16xf32>, vector<16xi32> -> vector<16xf32>
          %add3A_471 = arith.addf %add3A_449, %gather3A_470 : vector<16xf32>
          %lt3A_472 = arith.constant 0 : i32
          %lt3A_473 = vector.broadcast %lt3A_472 : i32 to vector<16xi32>
          %lt3A_474 = arith.cmpi slt, %xor3A_58, %lt3A_473 : vector<16xi32>
          %add3A_475 = arith.constant 16 : i32
          %add3A_476 = vector.broadcast %add3A_475 : i32 to vector<16xi32>
          %add3A_477 = arith.addi %xor3A_58, %add3A_476 : vector<16xi32>
          %select_n3A_478 = arith.select %lt3A_474, %add3A_477, %xor3A_58 : vector<16xi1>, vector<16xi32>
          %broadcast_in_dim3A_479 = vector.shape_cast %select_n3A_478 : vector<16xi32> to vector<16x1xi32>
          %gather3A_480 = vector.shape_cast %broadcast_in_dim3A_479 : vector<16x1xi32> to vector<16xi32>
          %gather3A_481 = tpu.dynamic_gather %add3A_460[%gather3A_480] in [0] : vector<16xf32>, vector<16xi32> -> vector<16xf32>
          %add3A_482 = arith.addf %add3A_460, %gather3A_481 : vector<16xf32>
          %lt3A_483 = arith.constant 0 : i32
          %lt3A_484 = vector.broadcast %lt3A_483 : i32 to vector<16xi32>
          %lt3A_485 = arith.cmpi slt, %xor3A_61, %lt3A_484 : vector<16xi32>
          %add3A_486 = arith.constant 16 : i32
          %add3A_487 = vector.broadcast %add3A_486 : i32 to vector<16xi32>
          %add3A_488 = arith.addi %xor3A_61, %add3A_487 : vector<16xi32>
          %select_n3A_489 = arith.select %lt3A_485, %add3A_488, %xor3A_61 : vector<16xi1>, vector<16xi32>
          %broadcast_in_dim3A_490 = vector.shape_cast %select_n3A_489 : vector<16xi32> to vector<16x1xi32>
          %gather3A_491 = vector.shape_cast %broadcast_in_dim3A_490 : vector<16x1xi32> to vector<16xi32>
          %gather3A_492 = tpu.dynamic_gather %add3A_471[%gather3A_491] in [0] : vector<16xf32>, vector<16xi32> -> vector<16xf32>
          %add3A_493 = arith.addf %add3A_471, %gather3A_492 : vector<16xf32>
          %lt3A_494 = arith.constant 0 : i32
          %lt3A_495 = vector.broadcast %lt3A_494 : i32 to vector<16xi32>
          %lt3A_496 = arith.cmpi slt, %xor3A_61, %lt3A_495 : vector<16xi32>
          %add3A_497 = arith.constant 16 : i32
          %add3A_498 = vector.broadcast %add3A_497 : i32 to vector<16xi32>
          %add3A_499 = arith.addi %xor3A_61, %add3A_498 : vector<16xi32>
          %select_n3A_500 = arith.select %lt3A_496, %add3A_499, %xor3A_61 : vector<16xi1>, vector<16xi32>
          %broadcast_in_dim3A_501 = vector.shape_cast %select_n3A_500 : vector<16xi32> to vector<16x1xi32>
          %gather3A_502 = vector.shape_cast %broadcast_in_dim3A_501 : vector<16x1xi32> to vector<16xi32>
          %gather3A_503 = tpu.dynamic_gather %add3A_482[%gather3A_502] in [0] : vector<16xf32>, vector<16xi32> -> vector<16xf32>
          %add3A_504 = arith.addf %add3A_482, %gather3A_503 : vector<16xf32>
          %lt3A_505 = arith.constant 0 : i32
          %lt3A_506 = vector.broadcast %lt3A_505 : i32 to vector<16xi32>
          %lt3A_507 = arith.cmpi slt, %xor3A_64, %lt3A_506 : vector<16xi32>
          %add3A_508 = arith.constant 16 : i32
          %add3A_509 = vector.broadcast %add3A_508 : i32 to vector<16xi32>
          %add3A_510 = arith.addi %xor3A_64, %add3A_509 : vector<16xi32>
          %select_n3A_511 = arith.select %lt3A_507, %add3A_510, %xor3A_64 : vector<16xi1>, vector<16xi32>
          %broadcast_in_dim3A_512 = vector.shape_cast %select_n3A_511 : vector<16xi32> to vector<16x1xi32>
          %gather3A_513 = vector.shape_cast %broadcast_in_dim3A_512 : vector<16x1xi32> to vector<16xi32>
          %gather3A_514 = tpu.dynamic_gather %add3A_493[%gather3A_513] in [0] : vector<16xf32>, vector<16xi32> -> vector<16xf32>
          %add3A_515 = arith.addf %add3A_493, %gather3A_514 : vector<16xf32>
          %lt3A_516 = arith.constant 0 : i32
          %lt3A_517 = vector.broadcast %lt3A_516 : i32 to vector<16xi32>
          %lt3A_518 = arith.cmpi slt, %xor3A_64, %lt3A_517 : vector<16xi32>
          %add3A_519 = arith.constant 16 : i32
          %add3A_520 = vector.broadcast %add3A_519 : i32 to vector<16xi32>
          %add3A_521 = arith.addi %xor3A_64, %add3A_520 : vector<16xi32>
          %select_n3A_522 = arith.select %lt3A_518, %add3A_521, %xor3A_64 : vector<16xi1>, vector<16xi32>
          %broadcast_in_dim3A_523 = vector.shape_cast %select_n3A_522 : vector<16xi32> to vector<16x1xi32>
          %gather3A_524 = vector.shape_cast %broadcast_in_dim3A_523 : vector<16x1xi32> to vector<16xi32>
          %gather3A_525 = tpu.dynamic_gather %add3A_504[%gather3A_524] in [0] : vector<16xf32>, vector<16xi32> -> vector<16xf32>
          %add3A_526 = arith.addf %add3A_504, %gather3A_525 : vector<16xf32>
          %exp3A_527 = math.exp %add3A_515 : vector<16xf32>
          %exp3A_528 = math.exp %add3A_526 : vector<16xf32>
          %broadcast_in_dim3A_529 = arith.constant 2 : i32
          %broadcast_in_dim3A_530 = vector.broadcast %broadcast_in_dim3A_529 : i32 to vector<16xi32>
          %lt3A_531 = arith.constant 0 : i32
          %lt3A_532 = vector.broadcast %lt3A_531 : i32 to vector<16xi32>
          %lt3A_533 = arith.cmpi slt, %broadcast_in_dim3A_530, %lt3A_532 : vector<16xi32>
          %add3A_534 = arith.constant 16 : i32
          %add3A_535 = vector.broadcast %add3A_534 : i32 to vector<16xi32>
          %add3A_536 = arith.addi %broadcast_in_dim3A_530, %add3A_535 : vector<16xi32>
          %select_n3A_537 = arith.select %lt3A_533, %add3A_536, %broadcast_in_dim3A_530 : vector<16xi1>, vector<16xi32>
          %broadcast_in_dim3A_538 = vector.shape_cast %select_n3A_537 : vector<16xi32> to vector<16x1xi32>
          %gather3A_539 = vector.shape_cast %broadcast_in_dim3A_538 : vector<16x1xi32> to vector<16xi32>
          %gather3A_540 = tpu.dynamic_gather %get3A_141[%gather3A_539] in [0] : vector<16xi32>, vector<16xi32> -> vector<16xi32>
          %broadcast_in_dim3A_541 = arith.constant 3 : i32
          %broadcast_in_dim3A_542 = vector.broadcast %broadcast_in_dim3A_541 : i32 to vector<16xi32>
          %lt3A_543 = arith.constant 0 : i32
          %lt3A_544 = vector.broadcast %lt3A_543 : i32 to vector<16xi32>
          %lt3A_545 = arith.cmpi slt, %broadcast_in_dim3A_542, %lt3A_544 : vector<16xi32>
          %add3A_546 = arith.constant 16 : i32
          %add3A_547 = vector.broadcast %add3A_546 : i32 to vector<16xi32>
          %add3A_548 = arith.addi %broadcast_in_dim3A_542, %add3A_547 : vector<16xi32>
          %select_n3A_549 = arith.select %lt3A_545, %add3A_548, %broadcast_in_dim3A_542 : vector<16xi1>, vector<16xi32>
          %broadcast_in_dim3A_550 = vector.shape_cast %select_n3A_549 : vector<16xi32> to vector<16x1xi32>
          %gather3A_551 = vector.shape_cast %broadcast_in_dim3A_550 : vector<16x1xi32> to vector<16xi32>
          %gather3A_552 = tpu.dynamic_gather %get3A_141[%gather3A_551] in [0] : vector<16xi32>, vector<16xi32> -> vector<16xi32>
          %mul3A_553 = arith.mulf %exp3A_527, %get3A_363 : vector<16xf32>
          tpu.vector_store_idx %arg12[%gather3A_540, %add3A_18], %mul3A_553 {add = true} : memref<64x128xf32, #tpu.memory_space<vmem>>[vector<16xi32>, vector<16xi32>], vector<16xf32>,
          %mul3A_554 = arith.mulf %exp3A_528, %get3A_387 : vector<16xf32>
          tpu.vector_store_idx %arg12[%gather3A_552, %add3A_18], %mul3A_554 {add = true} : memref<64x128xf32, #tpu.memory_space<vmem>>[vector<16xi32>, vector<16xi32>], vector<16xf32>,
          %mul3A_555 = arith.mulf %exp3A_527, %get3A_366 : vector<16xf32>
          tpu.vector_store_idx %arg12[%gather3A_540, %add3A_22], %mul3A_555 {add = true} : memref<64x128xf32, #tpu.memory_space<vmem>>[vector<16xi32>, vector<16xi32>], vector<16xf32>,
          %mul3A_556 = arith.mulf %exp3A_528, %get3A_390 : vector<16xf32>
          tpu.vector_store_idx %arg12[%gather3A_552, %add3A_22], %mul3A_556 {add = true} : memref<64x128xf32, #tpu.memory_space<vmem>>[vector<16xi32>, vector<16xi32>], vector<16xf32>,
          %mul3A_557 = arith.mulf %exp3A_527, %get3A_369 : vector<16xf32>
          tpu.vector_store_idx %arg12[%gather3A_540, %add3A_26], %mul3A_557 {add = true} : memref<64x128xf32, #tpu.memory_space<vmem>>[vector<16xi32>, vector<16xi32>], vector<16xf32>,
          %mul3A_558 = arith.mulf %exp3A_528, %get3A_393 : vector<16xf32>
          tpu.vector_store_idx %arg12[%gather3A_552, %add3A_26], %mul3A_558 {add = true} : memref<64x128xf32, #tpu.memory_space<vmem>>[vector<16xi32>, vector<16xi32>], vector<16xf32>,
          %mul3A_559 = arith.mulf %exp3A_527, %get3A_372 : vector<16xf32>
          tpu.vector_store_idx %arg12[%gather3A_540, %add3A_30], %mul3A_559 {add = true} : memref<64x128xf32, #tpu.memory_space<vmem>>[vector<16xi32>, vector<16xi32>], vector<16xf32>,
          %mul3A_560 = arith.mulf %exp3A_528, %get3A_396 : vector<16xf32>
          tpu.vector_store_idx %arg12[%gather3A_552, %add3A_30], %mul3A_560 {add = true} : memref<64x128xf32, #tpu.memory_space<vmem>>[vector<16xi32>, vector<16xi32>], vector<16xf32>,
          %mul3A_561 = arith.mulf %exp3A_527, %get3A_375 : vector<16xf32>
          tpu.vector_store_idx %arg12[%gather3A_540, %add3A_34], %mul3A_561 {add = true} : memref<64x128xf32, #tpu.memory_space<vmem>>[vector<16xi32>, vector<16xi32>], vector<16xf32>,
          %mul3A_562 = arith.mulf %exp3A_528, %get3A_399 : vector<16xf32>
          tpu.vector_store_idx %arg12[%gather3A_552, %add3A_34], %mul3A_562 {add = true} : memref<64x128xf32, #tpu.memory_space<vmem>>[vector<16xi32>, vector<16xi32>], vector<16xf32>,
          %mul3A_563 = arith.mulf %exp3A_527, %get3A_378 : vector<16xf32>
          tpu.vector_store_idx %arg12[%gather3A_540, %add3A_38], %mul3A_563 {add = true} : memref<64x128xf32, #tpu.memory_space<vmem>>[vector<16xi32>, vector<16xi32>], vector<16xf32>,
          %mul3A_564 = arith.mulf %exp3A_528, %get3A_402 : vector<16xf32>
          tpu.vector_store_idx %arg12[%gather3A_552, %add3A_38], %mul3A_564 {add = true} : memref<64x128xf32, #tpu.memory_space<vmem>>[vector<16xi32>, vector<16xi32>], vector<16xf32>,
          %mul3A_565 = arith.mulf %exp3A_527, %get3A_381 : vector<16xf32>
          tpu.vector_store_idx %arg12[%gather3A_540, %add3A_42], %mul3A_565 {add = true} : memref<64x128xf32, #tpu.memory_space<vmem>>[vector<16xi32>, vector<16xi32>], vector<16xf32>,
          %mul3A_566 = arith.mulf %exp3A_528, %get3A_405 : vector<16xf32>
          tpu.vector_store_idx %arg12[%gather3A_552, %add3A_42], %mul3A_566 {add = true} : memref<64x128xf32, #tpu.memory_space<vmem>>[vector<16xi32>, vector<16xi32>], vector<16xf32>,
          %mul3A_567 = arith.mulf %exp3A_527, %get3A_384 : vector<16xf32>
          tpu.vector_store_idx %arg12[%gather3A_540, %add3A_46], %mul3A_567 {add = true} : memref<64x128xf32, #tpu.memory_space<vmem>>[vector<16xi32>, vector<16xi32>], vector<16xf32>,
          %mul3A_568 = arith.mulf %exp3A_528, %get3A_408 : vector<16xf32>
          tpu.vector_store_idx %arg12[%gather3A_552, %add3A_46], %mul3A_568 {add = true} : memref<64x128xf32, #tpu.memory_space<vmem>>[vector<16xi32>, vector<16xi32>], vector<16xf32>,
          %add3A_569 = arith.addf %exp3A_527, %exp3A_528 : vector<16xf32>
          %add3A_570 = arith.addf %add3A_354, %add3A_569 : vector<16xf32>
          %mul3A_571 = arith.constant 16 : i32
          %mul3A_572 = arith.muli %mul3A_571, %add3A_137 : i32
          %add3A_573 = arith.constant 4 : i32
          %add3A_574 = arith.addi %mul3A_572, %add3A_573 : i32
          %add3A_575 = arith.constant 1 : i32
          %add3A_576 = arith.addi %add3A_574, %add3A_575 : i32
          %get3A_577 = arith.index_cast %add3A_574 : i32 to index
          %get3A_578 = arith.constant 0 : index
          %get3A_579 = tpu.vector_load %arg8[%get3A_577, %get3A_578] {strides = array<i32>} : memref<160x128xf32, #tpu.memory_space<vmem>>, vector<16xf32>,
          %get3A_580 = arith.index_cast %add3A_574 : i32 to index
          %get3A_581 = arith.constant 16 : index
          %get3A_582 = tpu.vector_load %arg8[%get3A_580, %get3A_581] {strides = array<i32>} : memref<160x128xf32, #tpu.memory_space<vmem>>, vector<16xf32>,
          %get3A_583 = arith.index_cast %add3A_574 : i32 to index
          %get3A_584 = arith.constant 32 : index
          %get3A_585 = tpu.vector_load %arg8[%get3A_583, %get3A_584] {strides = array<i32>} : memref<160x128xf32, #tpu.memory_space<vmem>>, vector<16xf32>,
          %get3A_586 = arith.index_cast %add3A_574 : i32 to index
          %get3A_587 = arith.constant 48 : index
          %get3A_588 = tpu.vector_load %arg8[%get3A_586, %get3A_587] {strides = array<i32>} : memref<160x128xf32, #tpu.memory_space<vmem>>, vector<16xf32>,
          %get3A_589 = arith.index_cast %add3A_574 : i32 to index
          %get3A_590 = arith.constant 64 : index
          %get3A_591 = tpu.vector_load %arg8[%get3A_589, %get3A_590] {strides = array<i32>} : memref<160x128xf32, #tpu.memory_space<vmem>>, vector<16xf32>,
          %get3A_592 = arith.index_cast %add3A_574 : i32 to index
          %get3A_593 = arith.constant 80 : index
          %get3A_594 = tpu.vector_load %arg8[%get3A_592, %get3A_593] {strides = array<i32>} : memref<160x128xf32, #tpu.memory_space<vmem>>, vector<16xf32>,
          %get3A_595 = arith.index_cast %add3A_574 : i32 to index
          %get3A_596 = arith.constant 96 : index
          %get3A_597 = tpu.vector_load %arg8[%get3A_595, %get3A_596] {strides = array<i32>} : memref<160x128xf32, #tpu.memory_space<vmem>>, vector<16xf32>,
          %get3A_598 = arith.index_cast %add3A_574 : i32 to index
          %get3A_599 = arith.constant 112 : index
          %get3A_600 = tpu.vector_load %arg8[%get3A_598, %get3A_599] {strides = array<i32>} : memref<160x128xf32, #tpu.memory_space<vmem>>, vector<16xf32>,
          %get3A_601 = arith.index_cast %add3A_576 : i32 to index
          %get3A_602 = arith.constant 0 : index
          %get3A_603 = tpu.vector_load %arg8[%get3A_601, %get3A_602] {strides = array<i32>} : memref<160x128xf32, #tpu.memory_space<vmem>>, vector<16xf32>,
          %get3A_604 = arith.index_cast %add3A_576 : i32 to index
          %get3A_605 = arith.constant 16 : index
          %get3A_606 = tpu.vector_load %arg8[%get3A_604, %get3A_605] {strides = array<i32>} : memref<160x128xf32, #tpu.memory_space<vmem>>, vector<16xf32>,
          %get3A_607 = arith.index_cast %add3A_576 : i32 to index
          %get3A_608 = arith.constant 32 : index
          %get3A_609 = tpu.vector_load %arg8[%get3A_607, %get3A_608] {strides = array<i32>} : memref<160x128xf32, #tpu.memory_space<vmem>>, vector<16xf32>,
          %get3A_610 = arith.index_cast %add3A_576 : i32 to index
          %get3A_611 = arith.constant 48 : index
          %get3A_612 = tpu.vector_load %arg8[%get3A_610, %get3A_611] {strides = array<i32>} : memref<160x128xf32, #tpu.memory_space<vmem>>, vector<16xf32>,
          %get3A_613 = arith.index_cast %add3A_576 : i32 to index
          %get3A_614 = arith.constant 64 : index
          %get3A_615 = tpu.vector_load %arg8[%get3A_613, %get3A_614] {strides = array<i32>} : memref<160x128xf32, #tpu.memory_space<vmem>>, vector<16xf32>,
          %get3A_616 = arith.index_cast %add3A_576 : i32 to index
          %get3A_617 = arith.constant 80 : index
          %get3A_618 = tpu.vector_load %arg8[%get3A_616, %get3A_617] {strides = array<i32>} : memref<160x128xf32, #tpu.memory_space<vmem>>, vector<16xf32>,
          %get3A_619 = arith.index_cast %add3A_576 : i32 to index
          %get3A_620 = arith.constant 96 : index
          %get3A_621 = tpu.vector_load %arg8[%get3A_619, %get3A_620] {strides = array<i32>} : memref<160x128xf32, #tpu.memory_space<vmem>>, vector<16xf32>,
          %get3A_622 = arith.index_cast %add3A_576 : i32 to index
          %get3A_623 = arith.constant 112 : index
          %get3A_624 = tpu.vector_load %arg8[%get3A_622, %get3A_623] {strides = array<i32>} : memref<160x128xf32, #tpu.memory_space<vmem>>, vector<16xf32>,
          %mul3A_625 = arith.mulf %get3A_579, %get3A_1 : vector<16xf32>
          %mul3A_626 = arith.mulf %get3A_582, %get3A_3 : vector<16xf32>
          %mul3A_627 = arith.mulf %get3A_585, %get3A_5 : vector<16xf32>
          %mul3A_628 = arith.mulf %get3A_588, %get3A_7 : vector<16xf32>
          %mul3A_629 = arith.mulf %get3A_591, %get3A_9 : vector<16xf32>
          %mul3A_630 = arith.mulf %get3A_594, %get3A_11 : vector<16xf32>
          %mul3A_631 = arith.mulf %get3A_597, %get3A_13 : vector<16xf32>
          %mul3A_632 = arith.mulf %get3A_600, %get3A_15 : vector<16xf32>
          %mul3A_633 = arith.mulf %get3A_603, %get3A_1 : vector<16xf32>
          %mul3A_634 = arith.mulf %get3A_606, %get3A_3 : vector<16xf32>
          %mul3A_635 = arith.mulf %get3A_609, %get3A_5 : vector<16xf32>
          %mul3A_636 = arith.mulf %get3A_612, %get3A_7 : vector<16xf32>
          %mul3A_637 = arith.mulf %get3A_615, %get3A_9 : vector<16xf32>
          %mul3A_638 = arith.mulf %get3A_618, %get3A_11 : vector<16xf32>
          %mul3A_639 = arith.mulf %get3A_621, %get3A_13 : vector<16xf32>
          %mul3A_640 = arith.mulf %get3A_624, %get3A_15 : vector<16xf32>
          %add3A_641 = arith.addf %mul3A_625, %mul3A_626 : vector<16xf32>
          %add3A_642 = arith.addf %mul3A_627, %mul3A_628 : vector<16xf32>
          %add3A_643 = arith.addf %add3A_641, %add3A_642 : vector<16xf32>
          %add3A_644 = arith.addf %mul3A_629, %mul3A_630 : vector<16xf32>
          %add3A_645 = arith.addf %mul3A_631, %mul3A_632 : vector<16xf32>
          %add3A_646 = arith.addf %add3A_644, %add3A_645 : vector<16xf32>
          %add3A_647 = arith.addf %add3A_643, %add3A_646 : vector<16xf32>
          %add3A_648 = arith.addf %mul3A_633, %mul3A_634 : vector<16xf32>
          %add3A_649 = arith.addf %mul3A_635, %mul3A_636 : vector<16xf32>
          %add3A_650 = arith.addf %add3A_648, %add3A_649 : vector<16xf32>
          %add3A_651 = arith.addf %mul3A_637, %mul3A_638 : vector<16xf32>
          %add3A_652 = arith.addf %mul3A_639, %mul3A_640 : vector<16xf32>
          %add3A_653 = arith.addf %add3A_651, %add3A_652 : vector<16xf32>
          %add3A_654 = arith.addf %add3A_650, %add3A_653 : vector<16xf32>
          %lt3A_655 = arith.constant 0 : i32
          %lt3A_656 = vector.broadcast %lt3A_655 : i32 to vector<16xi32>
          %lt3A_657 = arith.cmpi slt, %xor3A_55, %lt3A_656 : vector<16xi32>
          %add3A_658 = arith.constant 16 : i32
          %add3A_659 = vector.broadcast %add3A_658 : i32 to vector<16xi32>
          %add3A_660 = arith.addi %xor3A_55, %add3A_659 : vector<16xi32>
          %select_n3A_661 = arith.select %lt3A_657, %add3A_660, %xor3A_55 : vector<16xi1>, vector<16xi32>
          %broadcast_in_dim3A_662 = vector.shape_cast %select_n3A_661 : vector<16xi32> to vector<16x1xi32>
          %gather3A_663 = vector.shape_cast %broadcast_in_dim3A_662 : vector<16x1xi32> to vector<16xi32>
          %gather3A_664 = tpu.dynamic_gather %add3A_647[%gather3A_663] in [0] : vector<16xf32>, vector<16xi32> -> vector<16xf32>
          %add3A_665 = arith.addf %add3A_647, %gather3A_664 : vector<16xf32>
          %lt3A_666 = arith.constant 0 : i32
          %lt3A_667 = vector.broadcast %lt3A_666 : i32 to vector<16xi32>
          %lt3A_668 = arith.cmpi slt, %xor3A_55, %lt3A_667 : vector<16xi32>
          %add3A_669 = arith.constant 16 : i32
          %add3A_670 = vector.broadcast %add3A_669 : i32 to vector<16xi32>
          %add3A_671 = arith.addi %xor3A_55, %add3A_670 : vector<16xi32>
          %select_n3A_672 = arith.select %lt3A_668, %add3A_671, %xor3A_55 : vector<16xi1>, vector<16xi32>
          %broadcast_in_dim3A_673 = vector.shape_cast %select_n3A_672 : vector<16xi32> to vector<16x1xi32>
          %gather3A_674 = vector.shape_cast %broadcast_in_dim3A_673 : vector<16x1xi32> to vector<16xi32>
          %gather3A_675 = tpu.dynamic_gather %add3A_654[%gather3A_674] in [0] : vector<16xf32>, vector<16xi32> -> vector<16xf32>
          %add3A_676 = arith.addf %add3A_654, %gather3A_675 : vector<16xf32>
          %lt3A_677 = arith.constant 0 : i32
          %lt3A_678 = vector.broadcast %lt3A_677 : i32 to vector<16xi32>
          %lt3A_679 = arith.cmpi slt, %xor3A_58, %lt3A_678 : vector<16xi32>
          %add3A_680 = arith.constant 16 : i32
          %add3A_681 = vector.broadcast %add3A_680 : i32 to vector<16xi32>
          %add3A_682 = arith.addi %xor3A_58, %add3A_681 : vector<16xi32>
          %select_n3A_683 = arith.select %lt3A_679, %add3A_682, %xor3A_58 : vector<16xi1>, vector<16xi32>
          %broadcast_in_dim3A_684 = vector.shape_cast %select_n3A_683 : vector<16xi32> to vector<16x1xi32>
          %gather3A_685 = vector.shape_cast %broadcast_in_dim3A_684 : vector<16x1xi32> to vector<16xi32>
          %gather3A_686 = tpu.dynamic_gather %add3A_665[%gather3A_685] in [0] : vector<16xf32>, vector<16xi32> -> vector<16xf32>
          %add3A_687 = arith.addf %add3A_665, %gather3A_686 : vector<16xf32>
          %lt3A_688 = arith.constant 0 : i32
          %lt3A_689 = vector.broadcast %lt3A_688 : i32 to vector<16xi32>
          %lt3A_690 = arith.cmpi slt, %xor3A_58, %lt3A_689 : vector<16xi32>
          %add3A_691 = arith.constant 16 : i32
          %add3A_692 = vector.broadcast %add3A_691 : i32 to vector<16xi32>
          %add3A_693 = arith.addi %xor3A_58, %add3A_692 : vector<16xi32>
          %select_n3A_694 = arith.select %lt3A_690, %add3A_693, %xor3A_58 : vector<16xi1>, vector<16xi32>
          %broadcast_in_dim3A_695 = vector.shape_cast %select_n3A_694 : vector<16xi32> to vector<16x1xi32>
          %gather3A_696 = vector.shape_cast %broadcast_in_dim3A_695 : vector<16x1xi32> to vector<16xi32>
          %gather3A_697 = tpu.dynamic_gather %add3A_676[%gather3A_696] in [0] : vector<16xf32>, vector<16xi32> -> vector<16xf32>
          %add3A_698 = arith.addf %add3A_676, %gather3A_697 : vector<16xf32>
          %lt3A_699 = arith.constant 0 : i32
          %lt3A_700 = vector.broadcast %lt3A_699 : i32 to vector<16xi32>
          %lt3A_701 = arith.cmpi slt, %xor3A_61, %lt3A_700 : vector<16xi32>
          %add3A_702 = arith.constant 16 : i32
          %add3A_703 = vector.broadcast %add3A_702 : i32 to vector<16xi32>
          %add3A_704 = arith.addi %xor3A_61, %add3A_703 : vector<16xi32>
          %select_n3A_705 = arith.select %lt3A_701, %add3A_704, %xor3A_61 : vector<16xi1>, vector<16xi32>
          %broadcast_in_dim3A_706 = vector.shape_cast %select_n3A_705 : vector<16xi32> to vector<16x1xi32>
          %gather3A_707 = vector.shape_cast %broadcast_in_dim3A_706 : vector<16x1xi32> to vector<16xi32>
          %gather3A_708 = tpu.dynamic_gather %add3A_687[%gather3A_707] in [0] : vector<16xf32>, vector<16xi32> -> vector<16xf32>
          %add3A_709 = arith.addf %add3A_687, %gather3A_708 : vector<16xf32>
          %lt3A_710 = arith.constant 0 : i32
          %lt3A_711 = vector.broadcast %lt3A_710 : i32 to vector<16xi32>
          %lt3A_712 = arith.cmpi slt, %xor3A_61, %lt3A_711 : vector<16xi32>
          %add3A_713 = arith.constant 16 : i32
          %add3A_714 = vector.broadcast %add3A_713 : i32 to vector<16xi32>
          %add3A_715 = arith.addi %xor3A_61, %add3A_714 : vector<16xi32>
          %select_n3A_716 = arith.select %lt3A_712, %add3A_715, %xor3A_61 : vector<16xi1>, vector<16xi32>
          %broadcast_in_dim3A_717 = vector.shape_cast %select_n3A_716 : vector<16xi32> to vector<16x1xi32>
          %gather3A_718 = vector.shape_cast %broadcast_in_dim3A_717 : vector<16x1xi32> to vector<16xi32>
          %gather3A_719 = tpu.dynamic_gather %add3A_698[%gather3A_718] in [0] : vector<16xf32>, vector<16xi32> -> vector<16xf32>
          %add3A_720 = arith.addf %add3A_698, %gather3A_719 : vector<16xf32>
          %lt3A_721 = arith.constant 0 : i32
          %lt3A_722 = vector.broadcast %lt3A_721 : i32 to vector<16xi32>
          %lt3A_723 = arith.cmpi slt, %xor3A_64, %lt3A_722 : vector<16xi32>
          %add3A_724 = arith.constant 16 : i32
          %add3A_725 = vector.broadcast %add3A_724 : i32 to vector<16xi32>
          %add3A_726 = arith.addi %xor3A_64, %add3A_725 : vector<16xi32>
          %select_n3A_727 = arith.select %lt3A_723, %add3A_726, %xor3A_64 : vector<16xi1>, vector<16xi32>
          %broadcast_in_dim3A_728 = vector.shape_cast %select_n3A_727 : vector<16xi32> to vector<16x1xi32>
          %gather3A_729 = vector.shape_cast %broadcast_in_dim3A_728 : vector<16x1xi32> to vector<16xi32>
          %gather3A_730 = tpu.dynamic_gather %add3A_709[%gather3A_729] in [0] : vector<16xf32>, vector<16xi32> -> vector<16xf32>
          %add3A_731 = arith.addf %add3A_709, %gather3A_730 : vector<16xf32>
          %lt3A_732 = arith.constant 0 : i32
          %lt3A_733 = vector.broadcast %lt3A_732 : i32 to vector<16xi32>
          %lt3A_734 = arith.cmpi slt, %xor3A_64, %lt3A_733 : vector<16xi32>
          %add3A_735 = arith.constant 16 : i32
          %add3A_736 = vector.broadcast %add3A_735 : i32 to vector<16xi32>
          %add3A_737 = arith.addi %xor3A_64, %add3A_736 : vector<16xi32>
          %select_n3A_738 = arith.select %lt3A_734, %add3A_737, %xor3A_64 : vector<16xi1>, vector<16xi32>
          %broadcast_in_dim3A_739 = vector.shape_cast %select_n3A_738 : vector<16xi32> to vector<16x1xi32>
          %gather3A_740 = vector.shape_cast %broadcast_in_dim3A_739 : vector<16x1xi32> to vector<16xi32>
          %gather3A_741 = tpu.dynamic_gather %add3A_720[%gather3A_740] in [0] : vector<16xf32>, vector<16xi32> -> vector<16xf32>
          %add3A_742 = arith.addf %add3A_720, %gather3A_741 : vector<16xf32>
          %exp3A_743 = math.exp %add3A_731 : vector<16xf32>
          %exp3A_744 = math.exp %add3A_742 : vector<16xf32>
          %broadcast_in_dim3A_745 = arith.constant 4 : i32
          %broadcast_in_dim3A_746 = vector.broadcast %broadcast_in_dim3A_745 : i32 to vector<16xi32>
          %lt3A_747 = arith.constant 0 : i32
          %lt3A_748 = vector.broadcast %lt3A_747 : i32 to vector<16xi32>
          %lt3A_749 = arith.cmpi slt, %broadcast_in_dim3A_746, %lt3A_748 : vector<16xi32>
          %add3A_750 = arith.constant 16 : i32
          %add3A_751 = vector.broadcast %add3A_750 : i32 to vector<16xi32>
          %add3A_752 = arith.addi %broadcast_in_dim3A_746, %add3A_751 : vector<16xi32>
          %select_n3A_753 = arith.select %lt3A_749, %add3A_752, %broadcast_in_dim3A_746 : vector<16xi1>, vector<16xi32>
          %broadcast_in_dim3A_754 = vector.shape_cast %select_n3A_753 : vector<16xi32> to vector<16x1xi32>
          %gather3A_755 = vector.shape_cast %broadcast_in_dim3A_754 : vector<16x1xi32> to vector<16xi32>
          %gather3A_756 = tpu.dynamic_gather %get3A_141[%gather3A_755] in [0] : vector<16xi32>, vector<16xi32> -> vector<16xi32>
          %broadcast_in_dim3A_757 = arith.constant 5 : i32
          %broadcast_in_dim3A_758 = vector.broadcast %broadcast_in_dim3A_757 : i32 to vector<16xi32>
          %lt3A_759 = arith.constant 0 : i32
          %lt3A_760 = vector.broadcast %lt3A_759 : i32 to vector<16xi32>
          %lt3A_761 = arith.cmpi slt, %broadcast_in_dim3A_758, %lt3A_760 : vector<16xi32>
          %add3A_762 = arith.constant 16 : i32
          %add3A_763 = vector.broadcast %add3A_762 : i32 to vector<16xi32>
          %add3A_764 = arith.addi %broadcast_in_dim3A_758, %add3A_763 : vector<16xi32>
          %select_n3A_765 = arith.select %lt3A_761, %add3A_764, %broadcast_in_dim3A_758 : vector<16xi1>, vector<16xi32>
          %broadcast_in_dim3A_766 = vector.shape_cast %select_n3A_765 : vector<16xi32> to vector<16x1xi32>
          %gather3A_767 = vector.shape_cast %broadcast_in_dim3A_766 : vector<16x1xi32> to vector<16xi32>
          %gather3A_768 = tpu.dynamic_gather %get3A_141[%gather3A_767] in [0] : vector<16xi32>, vector<16xi32> -> vector<16xi32>
          %mul3A_769 = arith.mulf %exp3A_743, %get3A_579 : vector<16xf32>
          tpu.vector_store_idx %arg12[%gather3A_756, %add3A_18], %mul3A_769 {add = true} : memref<64x128xf32, #tpu.memory_space<vmem>>[vector<16xi32>, vector<16xi32>], vector<16xf32>,
          %mul3A_770 = arith.mulf %exp3A_744, %get3A_603 : vector<16xf32>
          tpu.vector_store_idx %arg12[%gather3A_768, %add3A_18], %mul3A_770 {add = true} : memref<64x128xf32, #tpu.memory_space<vmem>>[vector<16xi32>, vector<16xi32>], vector<16xf32>,
          %mul3A_771 = arith.mulf %exp3A_743, %get3A_582 : vector<16xf32>
          tpu.vector_store_idx %arg12[%gather3A_756, %add3A_22], %mul3A_771 {add = true} : memref<64x128xf32, #tpu.memory_space<vmem>>[vector<16xi32>, vector<16xi32>], vector<16xf32>,
          %mul3A_772 = arith.mulf %exp3A_744, %get3A_606 : vector<16xf32>
          tpu.vector_store_idx %arg12[%gather3A_768, %add3A_22], %mul3A_772 {add = true} : memref<64x128xf32, #tpu.memory_space<vmem>>[vector<16xi32>, vector<16xi32>], vector<16xf32>,
          %mul3A_773 = arith.mulf %exp3A_743, %get3A_585 : vector<16xf32>
          tpu.vector_store_idx %arg12[%gather3A_756, %add3A_26], %mul3A_773 {add = true} : memref<64x128xf32, #tpu.memory_space<vmem>>[vector<16xi32>, vector<16xi32>], vector<16xf32>,
          %mul3A_774 = arith.mulf %exp3A_744, %get3A_609 : vector<16xf32>
          tpu.vector_store_idx %arg12[%gather3A_768, %add3A_26], %mul3A_774 {add = true} : memref<64x128xf32, #tpu.memory_space<vmem>>[vector<16xi32>, vector<16xi32>], vector<16xf32>,
          %mul3A_775 = arith.mulf %exp3A_743, %get3A_588 : vector<16xf32>
          tpu.vector_store_idx %arg12[%gather3A_756, %add3A_30], %mul3A_775 {add = true} : memref<64x128xf32, #tpu.memory_space<vmem>>[vector<16xi32>, vector<16xi32>], vector<16xf32>,
          %mul3A_776 = arith.mulf %exp3A_744, %get3A_612 : vector<16xf32>
          tpu.vector_store_idx %arg12[%gather3A_768, %add3A_30], %mul3A_776 {add = true} : memref<64x128xf32, #tpu.memory_space<vmem>>[vector<16xi32>, vector<16xi32>], vector<16xf32>,
          %mul3A_777 = arith.mulf %exp3A_743, %get3A_591 : vector<16xf32>
          tpu.vector_store_idx %arg12[%gather3A_756, %add3A_34], %mul3A_777 {add = true} : memref<64x128xf32, #tpu.memory_space<vmem>>[vector<16xi32>, vector<16xi32>], vector<16xf32>,
          %mul3A_778 = arith.mulf %exp3A_744, %get3A_615 : vector<16xf32>
          tpu.vector_store_idx %arg12[%gather3A_768, %add3A_34], %mul3A_778 {add = true} : memref<64x128xf32, #tpu.memory_space<vmem>>[vector<16xi32>, vector<16xi32>], vector<16xf32>,
          %mul3A_779 = arith.mulf %exp3A_743, %get3A_594 : vector<16xf32>
          tpu.vector_store_idx %arg12[%gather3A_756, %add3A_38], %mul3A_779 {add = true} : memref<64x128xf32, #tpu.memory_space<vmem>>[vector<16xi32>, vector<16xi32>], vector<16xf32>,
          %mul3A_780 = arith.mulf %exp3A_744, %get3A_618 : vector<16xf32>
          tpu.vector_store_idx %arg12[%gather3A_768, %add3A_38], %mul3A_780 {add = true} : memref<64x128xf32, #tpu.memory_space<vmem>>[vector<16xi32>, vector<16xi32>], vector<16xf32>,
          %mul3A_781 = arith.mulf %exp3A_743, %get3A_597 : vector<16xf32>
          tpu.vector_store_idx %arg12[%gather3A_756, %add3A_42], %mul3A_781 {add = true} : memref<64x128xf32, #tpu.memory_space<vmem>>[vector<16xi32>, vector<16xi32>], vector<16xf32>,
          %mul3A_782 = arith.mulf %exp3A_744, %get3A_621 : vector<16xf32>
          tpu.vector_store_idx %arg12[%gather3A_768, %add3A_42], %mul3A_782 {add = true} : memref<64x128xf32, #tpu.memory_space<vmem>>[vector<16xi32>, vector<16xi32>], vector<16xf32>,
          %mul3A_783 = arith.mulf %exp3A_743, %get3A_600 : vector<16xf32>
          tpu.vector_store_idx %arg12[%gather3A_756, %add3A_46], %mul3A_783 {add = true} : memref<64x128xf32, #tpu.memory_space<vmem>>[vector<16xi32>, vector<16xi32>], vector<16xf32>,
          %mul3A_784 = arith.mulf %exp3A_744, %get3A_624 : vector<16xf32>
          tpu.vector_store_idx %arg12[%gather3A_768, %add3A_46], %mul3A_784 {add = true} : memref<64x128xf32, #tpu.memory_space<vmem>>[vector<16xi32>, vector<16xi32>], vector<16xf32>,
          %add3A_785 = arith.addf %exp3A_743, %exp3A_744 : vector<16xf32>
          %add3A_786 = arith.addf %add3A_570, %add3A_785 : vector<16xf32>
          %mul3A_787 = arith.constant 16 : i32
          %mul3A_788 = arith.muli %mul3A_787, %add3A_137 : i32
          %add3A_789 = arith.constant 6 : i32
          %add3A_790 = arith.addi %mul3A_788, %add3A_789 : i32
          %add3A_791 = arith.constant 1 : i32
          %add3A_792 = arith.addi %add3A_790, %add3A_791 : i32
          %get3A_793 = arith.index_cast %add3A_790 : i32 to index
          %get3A_794 = arith.constant 0 : index
          %get3A_795 = tpu.vector_load %arg8[%get3A_793, %get3A_794] {strides = array<i32>} : memref<160x128xf32, #tpu.memory_space<vmem>>, vector<16xf32>,
          %get3A_796 = arith.index_cast %add3A_790 : i32 to index
          %get3A_797 = arith.constant 16 : index
          %get3A_798 = tpu.vector_load %arg8[%get3A_796, %get3A_797] {strides = array<i32>} : memref<160x128xf32, #tpu.memory_space<vmem>>, vector<16xf32>,
          %get3A_799 = arith.index_cast %add3A_790 : i32 to index
          %get3A_800 = arith.constant 32 : index
          %get3A_801 = tpu.vector_load %arg8[%get3A_799, %get3A_800] {strides = array<i32>} : memref<160x128xf32, #tpu.memory_space<vmem>>, vector<16xf32>,
          %get3A_802 = arith.index_cast %add3A_790 : i32 to index
          %get3A_803 = arith.constant 48 : index
          %get3A_804 = tpu.vector_load %arg8[%get3A_802, %get3A_803] {strides = array<i32>} : memref<160x128xf32, #tpu.memory_space<vmem>>, vector<16xf32>,
          %get3A_805 = arith.index_cast %add3A_790 : i32 to index
          %get3A_806 = arith.constant 64 : index
          %get3A_807 = tpu.vector_load %arg8[%get3A_805, %get3A_806] {strides = array<i32>} : memref<160x128xf32, #tpu.memory_space<vmem>>, vector<16xf32>,
          %get3A_808 = arith.index_cast %add3A_790 : i32 to index
          %get3A_809 = arith.constant 80 : index
          %get3A_810 = tpu.vector_load %arg8[%get3A_808, %get3A_809] {strides = array<i32>} : memref<160x128xf32, #tpu.memory_space<vmem>>, vector<16xf32>,
          %get3A_811 = arith.index_cast %add3A_790 : i32 to index
          %get3A_812 = arith.constant 96 : index
          %get3A_813 = tpu.vector_load %arg8[%get3A_811, %get3A_812] {strides = array<i32>} : memref<160x128xf32, #tpu.memory_space<vmem>>, vector<16xf32>,
          %get3A_814 = arith.index_cast %add3A_790 : i32 to index
          %get3A_815 = arith.constant 112 : index
          %get3A_816 = tpu.vector_load %arg8[%get3A_814, %get3A_815] {strides = array<i32>} : memref<160x128xf32, #tpu.memory_space<vmem>>, vector<16xf32>,
          %get3A_817 = arith.index_cast %add3A_792 : i32 to index
          %get3A_818 = arith.constant 0 : index
          %get3A_819 = tpu.vector_load %arg8[%get3A_817, %get3A_818] {strides = array<i32>} : memref<160x128xf32, #tpu.memory_space<vmem>>, vector<16xf32>,
          %get3A_820 = arith.index_cast %add3A_792 : i32 to index
          %get3A_821 = arith.constant 16 : index
          %get3A_822 = tpu.vector_load %arg8[%get3A_820, %get3A_821] {strides = array<i32>} : memref<160x128xf32, #tpu.memory_space<vmem>>, vector<16xf32>,
          %get3A_823 = arith.index_cast %add3A_792 : i32 to index
          %get3A_824 = arith.constant 32 : index
          %get3A_825 = tpu.vector_load %arg8[%get3A_823, %get3A_824] {strides = array<i32>} : memref<160x128xf32, #tpu.memory_space<vmem>>, vector<16xf32>,
          %get3A_826 = arith.index_cast %add3A_792 : i32 to index
          %get3A_827 = arith.constant 48 : index
          %get3A_828 = tpu.vector_load %arg8[%get3A_826, %get3A_827] {strides = array<i32>} : memref<160x128xf32, #tpu.memory_space<vmem>>, vector<16xf32>,
          %get3A_829 = arith.index_cast %add3A_792 : i32 to index
          %get3A_830 = arith.constant 64 : index
          %get3A_831 = tpu.vector_load %arg8[%get3A_829, %get3A_830] {strides = array<i32>} : memref<160x128xf32, #tpu.memory_space<vmem>>, vector<16xf32>,
          %get3A_832 = arith.index_cast %add3A_792 : i32 to index
          %get3A_833 = arith.constant 80 : index
          %get3A_834 = tpu.vector_load %arg8[%get3A_832, %get3A_833] {strides = array<i32>} : memref<160x128xf32, #tpu.memory_space<vmem>>, vector<16xf32>,
          %get3A_835 = arith.index_cast %add3A_792 : i32 to index
          %get3A_836 = arith.constant 96 : index
          %get3A_837 = tpu.vector_load %arg8[%get3A_835, %get3A_836] {strides = array<i32>} : memref<160x128xf32, #tpu.memory_space<vmem>>, vector<16xf32>,
          %get3A_838 = arith.index_cast %add3A_792 : i32 to index
          %get3A_839 = arith.constant 112 : index
          %get3A_840 = tpu.vector_load %arg8[%get3A_838, %get3A_839] {strides = array<i32>} : memref<160x128xf32, #tpu.memory_space<vmem>>, vector<16xf32>,
          %mul3A_841 = arith.mulf %get3A_795, %get3A_1 : vector<16xf32>
          %mul3A_842 = arith.mulf %get3A_798, %get3A_3 : vector<16xf32>
          %mul3A_843 = arith.mulf %get3A_801, %get3A_5 : vector<16xf32>
          %mul3A_844 = arith.mulf %get3A_804, %get3A_7 : vector<16xf32>
          %mul3A_845 = arith.mulf %get3A_807, %get3A_9 : vector<16xf32>
          %mul3A_846 = arith.mulf %get3A_810, %get3A_11 : vector<16xf32>
          %mul3A_847 = arith.mulf %get3A_813, %get3A_13 : vector<16xf32>
          %mul3A_848 = arith.mulf %get3A_816, %get3A_15 : vector<16xf32>
          %mul3A_849 = arith.mulf %get3A_819, %get3A_1 : vector<16xf32>
          %mul3A_850 = arith.mulf %get3A_822, %get3A_3 : vector<16xf32>
          %mul3A_851 = arith.mulf %get3A_825, %get3A_5 : vector<16xf32>
          %mul3A_852 = arith.mulf %get3A_828, %get3A_7 : vector<16xf32>
          %mul3A_853 = arith.mulf %get3A_831, %get3A_9 : vector<16xf32>
          %mul3A_854 = arith.mulf %get3A_834, %get3A_11 : vector<16xf32>
          %mul3A_855 = arith.mulf %get3A_837, %get3A_13 : vector<16xf32>
          %mul3A_856 = arith.mulf %get3A_840, %get3A_15 : vector<16xf32>
          %add3A_857 = arith.addf %mul3A_841, %mul3A_842 : vector<16xf32>
          %add3A_858 = arith.addf %mul3A_843, %mul3A_844 : vector<16xf32>
          %add3A_859 = arith.addf %add3A_857, %add3A_858 : vector<16xf32>
          %add3A_860 = arith.addf %mul3A_845, %mul3A_846 : vector<16xf32>
          %add3A_861 = arith.addf %mul3A_847, %mul3A_848 : vector<16xf32>
          %add3A_862 = arith.addf %add3A_860, %add3A_861 : vector<16xf32>
          %add3A_863 = arith.addf %add3A_859, %add3A_862 : vector<16xf32>
          %add3A_864 = arith.addf %mul3A_849, %mul3A_850 : vector<16xf32>
          %add3A_865 = arith.addf %mul3A_851, %mul3A_852 : vector<16xf32>
          %add3A_866 = arith.addf %add3A_864, %add3A_865 : vector<16xf32>
          %add3A_867 = arith.addf %mul3A_853, %mul3A_854 : vector<16xf32>
          %add3A_868 = arith.addf %mul3A_855, %mul3A_856 : vector<16xf32>
          %add3A_869 = arith.addf %add3A_867, %add3A_868 : vector<16xf32>
          %add3A_870 = arith.addf %add3A_866, %add3A_869 : vector<16xf32>
          %lt3A_871 = arith.constant 0 : i32
          %lt3A_872 = vector.broadcast %lt3A_871 : i32 to vector<16xi32>
          %lt3A_873 = arith.cmpi slt, %xor3A_55, %lt3A_872 : vector<16xi32>
          %add3A_874 = arith.constant 16 : i32
          %add3A_875 = vector.broadcast %add3A_874 : i32 to vector<16xi32>
          %add3A_876 = arith.addi %xor3A_55, %add3A_875 : vector<16xi32>
          %select_n3A_877 = arith.select %lt3A_873, %add3A_876, %xor3A_55 : vector<16xi1>, vector<16xi32>
          %broadcast_in_dim3A_878 = vector.shape_cast %select_n3A_877 : vector<16xi32> to vector<16x1xi32>
          %gather3A_879 = vector.shape_cast %broadcast_in_dim3A_878 : vector<16x1xi32> to vector<16xi32>
          %gather3A_880 = tpu.dynamic_gather %add3A_863[%gather3A_879] in [0] : vector<16xf32>, vector<16xi32> -> vector<16xf32>
          %add3A_881 = arith.addf %add3A_863, %gather3A_880 : vector<16xf32>
          %lt3A_882 = arith.constant 0 : i32
          %lt3A_883 = vector.broadcast %lt3A_882 : i32 to vector<16xi32>
          %lt3A_884 = arith.cmpi slt, %xor3A_55, %lt3A_883 : vector<16xi32>
          %add3A_885 = arith.constant 16 : i32
          %add3A_886 = vector.broadcast %add3A_885 : i32 to vector<16xi32>
          %add3A_887 = arith.addi %xor3A_55, %add3A_886 : vector<16xi32>
          %select_n3A_888 = arith.select %lt3A_884, %add3A_887, %xor3A_55 : vector<16xi1>, vector<16xi32>
          %broadcast_in_dim3A_889 = vector.shape_cast %select_n3A_888 : vector<16xi32> to vector<16x1xi32>
          %gather3A_890 = vector.shape_cast %broadcast_in_dim3A_889 : vector<16x1xi32> to vector<16xi32>
          %gather3A_891 = tpu.dynamic_gather %add3A_870[%gather3A_890] in [0] : vector<16xf32>, vector<16xi32> -> vector<16xf32>
          %add3A_892 = arith.addf %add3A_870, %gather3A_891 : vector<16xf32>
          %lt3A_893 = arith.constant 0 : i32
          %lt3A_894 = vector.broadcast %lt3A_893 : i32 to vector<16xi32>
          %lt3A_895 = arith.cmpi slt, %xor3A_58, %lt3A_894 : vector<16xi32>
          %add3A_896 = arith.constant 16 : i32
          %add3A_897 = vector.broadcast %add3A_896 : i32 to vector<16xi32>
          %add3A_898 = arith.addi %xor3A_58, %add3A_897 : vector<16xi32>
          %select_n3A_899 = arith.select %lt3A_895, %add3A_898, %xor3A_58 : vector<16xi1>, vector<16xi32>
          %broadcast_in_dim3A_900 = vector.shape_cast %select_n3A_899 : vector<16xi32> to vector<16x1xi32>
          %gather3A_901 = vector.shape_cast %broadcast_in_dim3A_900 : vector<16x1xi32> to vector<16xi32>
          %gather3A_902 = tpu.dynamic_gather %add3A_881[%gather3A_901] in [0] : vector<16xf32>, vector<16xi32> -> vector<16xf32>
          %add3A_903 = arith.addf %add3A_881, %gather3A_902 : vector<16xf32>
          %lt3A_904 = arith.constant 0 : i32
          %lt3A_905 = vector.broadcast %lt3A_904 : i32 to vector<16xi32>
          %lt3A_906 = arith.cmpi slt, %xor3A_58, %lt3A_905 : vector<16xi32>
          %add3A_907 = arith.constant 16 : i32
          %add3A_908 = vector.broadcast %add3A_907 : i32 to vector<16xi32>
          %add3A_909 = arith.addi %xor3A_58, %add3A_908 : vector<16xi32>
          %select_n3A_910 = arith.select %lt3A_906, %add3A_909, %xor3A_58 : vector<16xi1>, vector<16xi32>
          %broadcast_in_dim3A_911 = vector.shape_cast %select_n3A_910 : vector<16xi32> to vector<16x1xi32>
          %gather3A_912 = vector.shape_cast %broadcast_in_dim3A_911 : vector<16x1xi32> to vector<16xi32>
          %gather3A_913 = tpu.dynamic_gather %add3A_892[%gather3A_912] in [0] : vector<16xf32>, vector<16xi32> -> vector<16xf32>
          %add3A_914 = arith.addf %add3A_892, %gather3A_913 : vector<16xf32>
          %lt3A_915 = arith.constant 0 : i32
          %lt3A_916 = vector.broadcast %lt3A_915 : i32 to vector<16xi32>
          %lt3A_917 = arith.cmpi slt, %xor3A_61, %lt3A_916 : vector<16xi32>
          %add3A_918 = arith.constant 16 : i32
          %add3A_919 = vector.broadcast %add3A_918 : i32 to vector<16xi32>
          %add3A_920 = arith.addi %xor3A_61, %add3A_919 : vector<16xi32>
          %select_n3A_921 = arith.select %lt3A_917, %add3A_920, %xor3A_61 : vector<16xi1>, vector<16xi32>
          %broadcast_in_dim3A_922 = vector.shape_cast %select_n3A_921 : vector<16xi32> to vector<16x1xi32>
          %gather3A_923 = vector.shape_cast %broadcast_in_dim3A_922 : vector<16x1xi32> to vector<16xi32>
          %gather3A_924 = tpu.dynamic_gather %add3A_903[%gather3A_923] in [0] : vector<16xf32>, vector<16xi32> -> vector<16xf32>
          %add3A_925 = arith.addf %add3A_903, %gather3A_924 : vector<16xf32>
          %lt3A_926 = arith.constant 0 : i32
          %lt3A_927 = vector.broadcast %lt3A_926 : i32 to vector<16xi32>
          %lt3A_928 = arith.cmpi slt, %xor3A_61, %lt3A_927 : vector<16xi32>
          %add3A_929 = arith.constant 16 : i32
          %add3A_930 = vector.broadcast %add3A_929 : i32 to vector<16xi32>
          %add3A_931 = arith.addi %xor3A_61, %add3A_930 : vector<16xi32>
          %select_n3A_932 = arith.select %lt3A_928, %add3A_931, %xor3A_61 : vector<16xi1>, vector<16xi32>
          %broadcast_in_dim3A_933 = vector.shape_cast %select_n3A_932 : vector<16xi32> to vector<16x1xi32>
          %gather3A_934 = vector.shape_cast %broadcast_in_dim3A_933 : vector<16x1xi32> to vector<16xi32>
          %gather3A_935 = tpu.dynamic_gather %add3A_914[%gather3A_934] in [0] : vector<16xf32>, vector<16xi32> -> vector<16xf32>
          %add3A_936 = arith.addf %add3A_914, %gather3A_935 : vector<16xf32>
          %lt3A_937 = arith.constant 0 : i32
          %lt3A_938 = vector.broadcast %lt3A_937 : i32 to vector<16xi32>
          %lt3A_939 = arith.cmpi slt, %xor3A_64, %lt3A_938 : vector<16xi32>
          %add3A_940 = arith.constant 16 : i32
          %add3A_941 = vector.broadcast %add3A_940 : i32 to vector<16xi32>
          %add3A_942 = arith.addi %xor3A_64, %add3A_941 : vector<16xi32>
          %select_n3A_943 = arith.select %lt3A_939, %add3A_942, %xor3A_64 : vector<16xi1>, vector<16xi32>
          %broadcast_in_dim3A_944 = vector.shape_cast %select_n3A_943 : vector<16xi32> to vector<16x1xi32>
          %gather3A_945 = vector.shape_cast %broadcast_in_dim3A_944 : vector<16x1xi32> to vector<16xi32>
          %gather3A_946 = tpu.dynamic_gather %add3A_925[%gather3A_945] in [0] : vector<16xf32>, vector<16xi32> -> vector<16xf32>
          %add3A_947 = arith.addf %add3A_925, %gather3A_946 : vector<16xf32>
          %lt3A_948 = arith.constant 0 : i32
          %lt3A_949 = vector.broadcast %lt3A_948 : i32 to vector<16xi32>
          %lt3A_950 = arith.cmpi slt, %xor3A_64, %lt3A_949 : vector<16xi32>
          %add3A_951 = arith.constant 16 : i32
          %add3A_952 = vector.broadcast %add3A_951 : i32 to vector<16xi32>
          %add3A_953 = arith.addi %xor3A_64, %add3A_952 : vector<16xi32>
          %select_n3A_954 = arith.select %lt3A_950, %add3A_953, %xor3A_64 : vector<16xi1>, vector<16xi32>
          %broadcast_in_dim3A_955 = vector.shape_cast %select_n3A_954 : vector<16xi32> to vector<16x1xi32>
          %gather3A_956 = vector.shape_cast %broadcast_in_dim3A_955 : vector<16x1xi32> to vector<16xi32>
          %gather3A_957 = tpu.dynamic_gather %add3A_936[%gather3A_956] in [0] : vector<16xf32>, vector<16xi32> -> vector<16xf32>
          %add3A_958 = arith.addf %add3A_936, %gather3A_957 : vector<16xf32>
          %exp3A_959 = math.exp %add3A_947 : vector<16xf32>
          %exp3A_960 = math.exp %add3A_958 : vector<16xf32>
          %broadcast_in_dim3A_961 = arith.constant 6 : i32
          %broadcast_in_dim3A_962 = vector.broadcast %broadcast_in_dim3A_961 : i32 to vector<16xi32>
          %lt3A_963 = arith.constant 0 : i32
          %lt3A_964 = vector.broadcast %lt3A_963 : i32 to vector<16xi32>
          %lt3A_965 = arith.cmpi slt, %broadcast_in_dim3A_962, %lt3A_964 : vector<16xi32>
          %add3A_966 = arith.constant 16 : i32
          %add3A_967 = vector.broadcast %add3A_966 : i32 to vector<16xi32>
          %add3A_968 = arith.addi %broadcast_in_dim3A_962, %add3A_967 : vector<16xi32>
          %select_n3A_969 = arith.select %lt3A_965, %add3A_968, %broadcast_in_dim3A_962 : vector<16xi1>, vector<16xi32>
          %broadcast_in_dim3A_970 = vector.shape_cast %select_n3A_969 : vector<16xi32> to vector<16x1xi32>
          %gather3A_971 = vector.shape_cast %broadcast_in_dim3A_970 : vector<16x1xi32> to vector<16xi32>
          %gather3A_972 = tpu.dynamic_gather %get3A_141[%gather3A_971] in [0] : vector<16xi32>, vector<16xi32> -> vector<16xi32>
          %broadcast_in_dim3A_973 = arith.constant 7 : i32
          %broadcast_in_dim3A_974 = vector.broadcast %broadcast_in_dim3A_973 : i32 to vector<16xi32>
          %lt3A_975 = arith.constant 0 : i32
          %lt3A_976 = vector.broadcast %lt3A_975 : i32 to vector<16xi32>
          %lt3A_977 = arith.cmpi slt, %broadcast_in_dim3A_974, %lt3A_976 : vector<16xi32>
          %add3A_978 = arith.constant 16 : i32
          %add3A_979 = vector.broadcast %add3A_978 : i32 to vector<16xi32>
          %add3A_980 = arith.addi %broadcast_in_dim3A_974, %add3A_979 : vector<16xi32>
          %select_n3A_981 = arith.select %lt3A_977, %add3A_980, %broadcast_in_dim3A_974 : vector<16xi1>, vector<16xi32>
          %broadcast_in_dim3A_982 = vector.shape_cast %select_n3A_981 : vector<16xi32> to vector<16x1xi32>
          %gather3A_983 = vector.shape_cast %broadcast_in_dim3A_982 : vector<16x1xi32> to vector<16xi32>
          %gather3A_984 = tpu.dynamic_gather %get3A_141[%gather3A_983] in [0] : vector<16xi32>, vector<16xi32> -> vector<16xi32>
          %mul3A_985 = arith.mulf %exp3A_959, %get3A_795 : vector<16xf32>
          tpu.vector_store_idx %arg12[%gather3A_972, %add3A_18], %mul3A_985 {add = true} : memref<64x128xf32, #tpu.memory_space<vmem>>[vector<16xi32>, vector<16xi32>], vector<16xf32>,
          %mul3A_986 = arith.mulf %exp3A_960, %get3A_819 : vector<16xf32>
          tpu.vector_store_idx %arg12[%gather3A_984, %add3A_18], %mul3A_986 {add = true} : memref<64x128xf32, #tpu.memory_space<vmem>>[vector<16xi32>, vector<16xi32>], vector<16xf32>,
          %mul3A_987 = arith.mulf %exp3A_959, %get3A_798 : vector<16xf32>
          tpu.vector_store_idx %arg12[%gather3A_972, %add3A_22], %mul3A_987 {add = true} : memref<64x128xf32, #tpu.memory_space<vmem>>[vector<16xi32>, vector<16xi32>], vector<16xf32>,
          %mul3A_988 = arith.mulf %exp3A_960, %get3A_822 : vector<16xf32>
          tpu.vector_store_idx %arg12[%gather3A_984, %add3A_22], %mul3A_988 {add = true} : memref<64x128xf32, #tpu.memory_space<vmem>>[vector<16xi32>, vector<16xi32>], vector<16xf32>,
          %mul3A_989 = arith.mulf %exp3A_959, %get3A_801 : vector<16xf32>
          tpu.vector_store_idx %arg12[%gather3A_972, %add3A_26], %mul3A_989 {add = true} : memref<64x128xf32, #tpu.memory_space<vmem>>[vector<16xi32>, vector<16xi32>], vector<16xf32>,
          %mul3A_990 = arith.mulf %exp3A_960, %get3A_825 : vector<16xf32>
          tpu.vector_store_idx %arg12[%gather3A_984, %add3A_26], %mul3A_990 {add = true} : memref<64x128xf32, #tpu.memory_space<vmem>>[vector<16xi32>, vector<16xi32>], vector<16xf32>,
          %mul3A_991 = arith.mulf %exp3A_959, %get3A_804 : vector<16xf32>
          tpu.vector_store_idx %arg12[%gather3A_972, %add3A_30], %mul3A_991 {add = true} : memref<64x128xf32, #tpu.memory_space<vmem>>[vector<16xi32>, vector<16xi32>], vector<16xf32>,
          %mul3A_992 = arith.mulf %exp3A_960, %get3A_828 : vector<16xf32>
          tpu.vector_store_idx %arg12[%gather3A_984, %add3A_30], %mul3A_992 {add = true} : memref<64x128xf32, #tpu.memory_space<vmem>>[vector<16xi32>, vector<16xi32>], vector<16xf32>,
          %mul3A_993 = arith.mulf %exp3A_959, %get3A_807 : vector<16xf32>
          tpu.vector_store_idx %arg12[%gather3A_972, %add3A_34], %mul3A_993 {add = true} : memref<64x128xf32, #tpu.memory_space<vmem>>[vector<16xi32>, vector<16xi32>], vector<16xf32>,
          %mul3A_994 = arith.mulf %exp3A_960, %get3A_831 : vector<16xf32>
          tpu.vector_store_idx %arg12[%gather3A_984, %add3A_34], %mul3A_994 {add = true} : memref<64x128xf32, #tpu.memory_space<vmem>>[vector<16xi32>, vector<16xi32>], vector<16xf32>,
          %mul3A_995 = arith.mulf %exp3A_959, %get3A_810 : vector<16xf32>
          tpu.vector_store_idx %arg12[%gather3A_972, %add3A_38], %mul3A_995 {add = true} : memref<64x128xf32, #tpu.memory_space<vmem>>[vector<16xi32>, vector<16xi32>], vector<16xf32>,
          %mul3A_996 = arith.mulf %exp3A_960, %get3A_834 : vector<16xf32>
          tpu.vector_store_idx %arg12[%gather3A_984, %add3A_38], %mul3A_996 {add = true} : memref<64x128xf32, #tpu.memory_space<vmem>>[vector<16xi32>, vector<16xi32>], vector<16xf32>,
          %mul3A_997 = arith.mulf %exp3A_959, %get3A_813 : vector<16xf32>
          tpu.vector_store_idx %arg12[%gather3A_972, %add3A_42], %mul3A_997 {add = true} : memref<64x128xf32, #tpu.memory_space<vmem>>[vector<16xi32>, vector<16xi32>], vector<16xf32>,
          %mul3A_998 = arith.mulf %exp3A_960, %get3A_837 : vector<16xf32>
          tpu.vector_store_idx %arg12[%gather3A_984, %add3A_42], %mul3A_998 {add = true} : memref<64x128xf32, #tpu.memory_space<vmem>>[vector<16xi32>, vector<16xi32>], vector<16xf32>,
          %mul3A_999 = arith.mulf %exp3A_959, %get3A_816 : vector<16xf32>
          tpu.vector_store_idx %arg12[%gather3A_972, %add3A_46], %mul3A_999 {add = true} : memref<64x128xf32, #tpu.memory_space<vmem>>[vector<16xi32>, vector<16xi32>], vector<16xf32>,
          %mul3A_1000 = arith.mulf %exp3A_960, %get3A_840 : vector<16xf32>
          tpu.vector_store_idx %arg12[%gather3A_984, %add3A_46], %mul3A_1000 {add = true} : memref<64x128xf32, #tpu.memory_space<vmem>>[vector<16xi32>, vector<16xi32>], vector<16xf32>,
          %add3A_1001 = arith.addf %exp3A_959, %exp3A_960 : vector<16xf32>
          %add3A_1002 = arith.addf %add3A_786, %add3A_1001 : vector<16xf32>
          %mul3A_1003 = arith.constant 16 : i32
          %mul3A_1004 = arith.muli %mul3A_1003, %add3A_137 : i32
          %add3A_1005 = arith.constant 8 : i32
          %add3A_1006 = arith.addi %mul3A_1004, %add3A_1005 : i32
          %add3A_1007 = arith.constant 1 : i32
          %add3A_1008 = arith.addi %add3A_1006, %add3A_1007 : i32
          %get3A_1009 = arith.index_cast %add3A_1006 : i32 to index
          %get3A_1010 = arith.constant 0 : index
          %get3A_1011 = tpu.vector_load %arg8[%get3A_1009, %get3A_1010] {strides = array<i32>} : memref<160x128xf32, #tpu.memory_space<vmem>>, vector<16xf32>,
          %get3A_1012 = arith.index_cast %add3A_1006 : i32 to index
          %get3A_1013 = arith.constant 16 : index
          %get3A_1014 = tpu.vector_load %arg8[%get3A_1012, %get3A_1013] {strides = array<i32>} : memref<160x128xf32, #tpu.memory_space<vmem>>, vector<16xf32>,
          %get3A_1015 = arith.index_cast %add3A_1006 : i32 to index
          %get3A_1016 = arith.constant 32 : index
          %get3A_1017 = tpu.vector_load %arg8[%get3A_1015, %get3A_1016] {strides = array<i32>} : memref<160x128xf32, #tpu.memory_space<vmem>>, vector<16xf32>,
          %get3A_1018 = arith.index_cast %add3A_1006 : i32 to index
          %get3A_1019 = arith.constant 48 : index
          %get3A_1020 = tpu.vector_load %arg8[%get3A_1018, %get3A_1019] {strides = array<i32>} : memref<160x128xf32, #tpu.memory_space<vmem>>, vector<16xf32>,
          %get3A_1021 = arith.index_cast %add3A_1006 : i32 to index
          %get3A_1022 = arith.constant 64 : index
          %get3A_1023 = tpu.vector_load %arg8[%get3A_1021, %get3A_1022] {strides = array<i32>} : memref<160x128xf32, #tpu.memory_space<vmem>>, vector<16xf32>,
          %get3A_1024 = arith.index_cast %add3A_1006 : i32 to index
          %get3A_1025 = arith.constant 80 : index
          %get3A_1026 = tpu.vector_load %arg8[%get3A_1024, %get3A_1025] {strides = array<i32>} : memref<160x128xf32, #tpu.memory_space<vmem>>, vector<16xf32>,
          %get3A_1027 = arith.index_cast %add3A_1006 : i32 to index
          %get3A_1028 = arith.constant 96 : index
          %get3A_1029 = tpu.vector_load %arg8[%get3A_1027, %get3A_1028] {strides = array<i32>} : memref<160x128xf32, #tpu.memory_space<vmem>>, vector<16xf32>,
          %get3A_1030 = arith.index_cast %add3A_1006 : i32 to index
          %get3A_1031 = arith.constant 112 : index
          %get3A_1032 = tpu.vector_load %arg8[%get3A_1030, %get3A_1031] {strides = array<i32>} : memref<160x128xf32, #tpu.memory_space<vmem>>, vector<16xf32>,
          %get3A_1033 = arith.index_cast %add3A_1008 : i32 to index
          %get3A_1034 = arith.constant 0 : index
          %get3A_1035 = tpu.vector_load %arg8[%get3A_1033, %get3A_1034] {strides = array<i32>} : memref<160x128xf32, #tpu.memory_space<vmem>>, vector<16xf32>,
          %get3A_1036 = arith.index_cast %add3A_1008 : i32 to index
          %get3A_1037 = arith.constant 16 : index
          %get3A_1038 = tpu.vector_load %arg8[%get3A_1036, %get3A_1037] {strides = array<i32>} : memref<160x128xf32, #tpu.memory_space<vmem>>, vector<16xf32>,
          %get3A_1039 = arith.index_cast %add3A_1008 : i32 to index
          %get3A_1040 = arith.constant 32 : index
          %get3A_1041 = tpu.vector_load %arg8[%get3A_1039, %get3A_1040] {strides = array<i32>} : memref<160x128xf32, #tpu.memory_space<vmem>>, vector<16xf32>,
          %get3A_1042 = arith.index_cast %add3A_1008 : i32 to index
          %get3A_1043 = arith.constant 48 : index
          %get3A_1044 = tpu.vector_load %arg8[%get3A_1042, %get3A_1043] {strides = array<i32>} : memref<160x128xf32, #tpu.memory_space<vmem>>, vector<16xf32>,
          %get3A_1045 = arith.index_cast %add3A_1008 : i32 to index
          %get3A_1046 = arith.constant 64 : index
          %get3A_1047 = tpu.vector_load %arg8[%get3A_1045, %get3A_1046] {strides = array<i32>} : memref<160x128xf32, #tpu.memory_space<vmem>>, vector<16xf32>,
          %get3A_1048 = arith.index_cast %add3A_1008 : i32 to index
          %get3A_1049 = arith.constant 80 : index
          %get3A_1050 = tpu.vector_load %arg8[%get3A_1048, %get3A_1049] {strides = array<i32>} : memref<160x128xf32, #tpu.memory_space<vmem>>, vector<16xf32>,
          %get3A_1051 = arith.index_cast %add3A_1008 : i32 to index
          %get3A_1052 = arith.constant 96 : index
          %get3A_1053 = tpu.vector_load %arg8[%get3A_1051, %get3A_1052] {strides = array<i32>} : memref<160x128xf32, #tpu.memory_space<vmem>>, vector<16xf32>,
          %get3A_1054 = arith.index_cast %add3A_1008 : i32 to index
          %get3A_1055 = arith.constant 112 : index
          %get3A_1056 = tpu.vector_load %arg8[%get3A_1054, %get3A_1055] {strides = array<i32>} : memref<160x128xf32, #tpu.memory_space<vmem>>, vector<16xf32>,
          %mul3A_1057 = arith.mulf %get3A_1011, %get3A_1 : vector<16xf32>
          %mul3A_1058 = arith.mulf %get3A_1014, %get3A_3 : vector<16xf32>
          %mul3A_1059 = arith.mulf %get3A_1017, %get3A_5 : vector<16xf32>
          %mul3A_1060 = arith.mulf %get3A_1020, %get3A_7 : vector<16xf32>
          %mul3A_1061 = arith.mulf %get3A_1023, %get3A_9 : vector<16xf32>
          %mul3A_1062 = arith.mulf %get3A_1026, %get3A_11 : vector<16xf32>
          %mul3A_1063 = arith.mulf %get3A_1029, %get3A_13 : vector<16xf32>
          %mul3A_1064 = arith.mulf %get3A_1032, %get3A_15 : vector<16xf32>
          %mul3A_1065 = arith.mulf %get3A_1035, %get3A_1 : vector<16xf32>
          %mul3A_1066 = arith.mulf %get3A_1038, %get3A_3 : vector<16xf32>
          %mul3A_1067 = arith.mulf %get3A_1041, %get3A_5 : vector<16xf32>
          %mul3A_1068 = arith.mulf %get3A_1044, %get3A_7 : vector<16xf32>
          %mul3A_1069 = arith.mulf %get3A_1047, %get3A_9 : vector<16xf32>
          %mul3A_1070 = arith.mulf %get3A_1050, %get3A_11 : vector<16xf32>
          %mul3A_1071 = arith.mulf %get3A_1053, %get3A_13 : vector<16xf32>
          %mul3A_1072 = arith.mulf %get3A_1056, %get3A_15 : vector<16xf32>
          %add3A_1073 = arith.addf %mul3A_1057, %mul3A_1058 : vector<16xf32>
          %add3A_1074 = arith.addf %mul3A_1059, %mul3A_1060 : vector<16xf32>
          %add3A_1075 = arith.addf %add3A_1073, %add3A_1074 : vector<16xf32>
          %add3A_1076 = arith.addf %mul3A_1061, %mul3A_1062 : vector<16xf32>
          %add3A_1077 = arith.addf %mul3A_1063, %mul3A_1064 : vector<16xf32>
          %add3A_1078 = arith.addf %add3A_1076, %add3A_1077 : vector<16xf32>
          %add3A_1079 = arith.addf %add3A_1075, %add3A_1078 : vector<16xf32>
          %add3A_1080 = arith.addf %mul3A_1065, %mul3A_1066 : vector<16xf32>
          %add3A_1081 = arith.addf %mul3A_1067, %mul3A_1068 : vector<16xf32>
          %add3A_1082 = arith.addf %add3A_1080, %add3A_1081 : vector<16xf32>
          %add3A_1083 = arith.addf %mul3A_1069, %mul3A_1070 : vector<16xf32>
          %add3A_1084 = arith.addf %mul3A_1071, %mul3A_1072 : vector<16xf32>
          %add3A_1085 = arith.addf %add3A_1083, %add3A_1084 : vector<16xf32>
          %add3A_1086 = arith.addf %add3A_1082, %add3A_1085 : vector<16xf32>
          %lt3A_1087 = arith.constant 0 : i32
          %lt3A_1088 = vector.broadcast %lt3A_1087 : i32 to vector<16xi32>
          %lt3A_1089 = arith.cmpi slt, %xor3A_55, %lt3A_1088 : vector<16xi32>
          %add3A_1090 = arith.constant 16 : i32
          %add3A_1091 = vector.broadcast %add3A_1090 : i32 to vector<16xi32>
          %add3A_1092 = arith.addi %xor3A_55, %add3A_1091 : vector<16xi32>
          %select_n3A_1093 = arith.select %lt3A_1089, %add3A_1092, %xor3A_55 : vector<16xi1>, vector<16xi32>
          %broadcast_in_dim3A_1094 = vector.shape_cast %select_n3A_1093 : vector<16xi32> to vector<16x1xi32>
          %gather3A_1095 = vector.shape_cast %broadcast_in_dim3A_1094 : vector<16x1xi32> to vector<16xi32>
          %gather3A_1096 = tpu.dynamic_gather %add3A_1079[%gather3A_1095] in [0] : vector<16xf32>, vector<16xi32> -> vector<16xf32>
          %add3A_1097 = arith.addf %add3A_1079, %gather3A_1096 : vector<16xf32>
          %lt3A_1098 = arith.constant 0 : i32
          %lt3A_1099 = vector.broadcast %lt3A_1098 : i32 to vector<16xi32>
          %lt3A_1100 = arith.cmpi slt, %xor3A_55, %lt3A_1099 : vector<16xi32>
          %add3A_1101 = arith.constant 16 : i32
          %add3A_1102 = vector.broadcast %add3A_1101 : i32 to vector<16xi32>
          %add3A_1103 = arith.addi %xor3A_55, %add3A_1102 : vector<16xi32>
          %select_n3A_1104 = arith.select %lt3A_1100, %add3A_1103, %xor3A_55 : vector<16xi1>, vector<16xi32>
          %broadcast_in_dim3A_1105 = vector.shape_cast %select_n3A_1104 : vector<16xi32> to vector<16x1xi32>
          %gather3A_1106 = vector.shape_cast %broadcast_in_dim3A_1105 : vector<16x1xi32> to vector<16xi32>
          %gather3A_1107 = tpu.dynamic_gather %add3A_1086[%gather3A_1106] in [0] : vector<16xf32>, vector<16xi32> -> vector<16xf32>
          %add3A_1108 = arith.addf %add3A_1086, %gather3A_1107 : vector<16xf32>
          %lt3A_1109 = arith.constant 0 : i32
          %lt3A_1110 = vector.broadcast %lt3A_1109 : i32 to vector<16xi32>
          %lt3A_1111 = arith.cmpi slt, %xor3A_58, %lt3A_1110 : vector<16xi32>
          %add3A_1112 = arith.constant 16 : i32
          %add3A_1113 = vector.broadcast %add3A_1112 : i32 to vector<16xi32>
          %add3A_1114 = arith.addi %xor3A_58, %add3A_1113 : vector<16xi32>
          %select_n3A_1115 = arith.select %lt3A_1111, %add3A_1114, %xor3A_58 : vector<16xi1>, vector<16xi32>
          %broadcast_in_dim3A_1116 = vector.shape_cast %select_n3A_1115 : vector<16xi32> to vector<16x1xi32>
          %gather3A_1117 = vector.shape_cast %broadcast_in_dim3A_1116 : vector<16x1xi32> to vector<16xi32>
          %gather3A_1118 = tpu.dynamic_gather %add3A_1097[%gather3A_1117] in [0] : vector<16xf32>, vector<16xi32> -> vector<16xf32>
          %add3A_1119 = arith.addf %add3A_1097, %gather3A_1118 : vector<16xf32>
          %lt3A_1120 = arith.constant 0 : i32
          %lt3A_1121 = vector.broadcast %lt3A_1120 : i32 to vector<16xi32>
          %lt3A_1122 = arith.cmpi slt, %xor3A_58, %lt3A_1121 : vector<16xi32>
          %add3A_1123 = arith.constant 16 : i32
          %add3A_1124 = vector.broadcast %add3A_1123 : i32 to vector<16xi32>
          %add3A_1125 = arith.addi %xor3A_58, %add3A_1124 : vector<16xi32>
          %select_n3A_1126 = arith.select %lt3A_1122, %add3A_1125, %xor3A_58 : vector<16xi1>, vector<16xi32>
          %broadcast_in_dim3A_1127 = vector.shape_cast %select_n3A_1126 : vector<16xi32> to vector<16x1xi32>
          %gather3A_1128 = vector.shape_cast %broadcast_in_dim3A_1127 : vector<16x1xi32> to vector<16xi32>
          %gather3A_1129 = tpu.dynamic_gather %add3A_1108[%gather3A_1128] in [0] : vector<16xf32>, vector<16xi32> -> vector<16xf32>
          %add3A_1130 = arith.addf %add3A_1108, %gather3A_1129 : vector<16xf32>
          %lt3A_1131 = arith.constant 0 : i32
          %lt3A_1132 = vector.broadcast %lt3A_1131 : i32 to vector<16xi32>
          %lt3A_1133 = arith.cmpi slt, %xor3A_61, %lt3A_1132 : vector<16xi32>
          %add3A_1134 = arith.constant 16 : i32
          %add3A_1135 = vector.broadcast %add3A_1134 : i32 to vector<16xi32>
          %add3A_1136 = arith.addi %xor3A_61, %add3A_1135 : vector<16xi32>
          %select_n3A_1137 = arith.select %lt3A_1133, %add3A_1136, %xor3A_61 : vector<16xi1>, vector<16xi32>
          %broadcast_in_dim3A_1138 = vector.shape_cast %select_n3A_1137 : vector<16xi32> to vector<16x1xi32>
          %gather3A_1139 = vector.shape_cast %broadcast_in_dim3A_1138 : vector<16x1xi32> to vector<16xi32>
          %gather3A_1140 = tpu.dynamic_gather %add3A_1119[%gather3A_1139] in [0] : vector<16xf32>, vector<16xi32> -> vector<16xf32>
          %add3A_1141 = arith.addf %add3A_1119, %gather3A_1140 : vector<16xf32>
          %lt3A_1142 = arith.constant 0 : i32
          %lt3A_1143 = vector.broadcast %lt3A_1142 : i32 to vector<16xi32>
          %lt3A_1144 = arith.cmpi slt, %xor3A_61, %lt3A_1143 : vector<16xi32>
          %add3A_1145 = arith.constant 16 : i32
          %add3A_1146 = vector.broadcast %add3A_1145 : i32 to vector<16xi32>
          %add3A_1147 = arith.addi %xor3A_61, %add3A_1146 : vector<16xi32>
          %select_n3A_1148 = arith.select %lt3A_1144, %add3A_1147, %xor3A_61 : vector<16xi1>, vector<16xi32>
          %broadcast_in_dim3A_1149 = vector.shape_cast %select_n3A_1148 : vector<16xi32> to vector<16x1xi32>
          %gather3A_1150 = vector.shape_cast %broadcast_in_dim3A_1149 : vector<16x1xi32> to vector<16xi32>
          %gather3A_1151 = tpu.dynamic_gather %add3A_1130[%gather3A_1150] in [0] : vector<16xf32>, vector<16xi32> -> vector<16xf32>
          %add3A_1152 = arith.addf %add3A_1130, %gather3A_1151 : vector<16xf32>
          %lt3A_1153 = arith.constant 0 : i32
          %lt3A_1154 = vector.broadcast %lt3A_1153 : i32 to vector<16xi32>
          %lt3A_1155 = arith.cmpi slt, %xor3A_64, %lt3A_1154 : vector<16xi32>
          %add3A_1156 = arith.constant 16 : i32
          %add3A_1157 = vector.broadcast %add3A_1156 : i32 to vector<16xi32>
          %add3A_1158 = arith.addi %xor3A_64, %add3A_1157 : vector<16xi32>
          %select_n3A_1159 = arith.select %lt3A_1155, %add3A_1158, %xor3A_64 : vector<16xi1>, vector<16xi32>
          %broadcast_in_dim3A_1160 = vector.shape_cast %select_n3A_1159 : vector<16xi32> to vector<16x1xi32>
          %gather3A_1161 = vector.shape_cast %broadcast_in_dim3A_1160 : vector<16x1xi32> to vector<16xi32>
          %gather3A_1162 = tpu.dynamic_gather %add3A_1141[%gather3A_1161] in [0] : vector<16xf32>, vector<16xi32> -> vector<16xf32>
          %add3A_1163 = arith.addf %add3A_1141, %gather3A_1162 : vector<16xf32>
          %lt3A_1164 = arith.constant 0 : i32
          %lt3A_1165 = vector.broadcast %lt3A_1164 : i32 to vector<16xi32>
          %lt3A_1166 = arith.cmpi slt, %xor3A_64, %lt3A_1165 : vector<16xi32>
          %add3A_1167 = arith.constant 16 : i32
          %add3A_1168 = vector.broadcast %add3A_1167 : i32 to vector<16xi32>
          %add3A_1169 = arith.addi %xor3A_64, %add3A_1168 : vector<16xi32>
          %select_n3A_1170 = arith.select %lt3A_1166, %add3A_1169, %xor3A_64 : vector<16xi1>, vector<16xi32>
          %broadcast_in_dim3A_1171 = vector.shape_cast %select_n3A_1170 : vector<16xi32> to vector<16x1xi32>
          %gather3A_1172 = vector.shape_cast %broadcast_in_dim3A_1171 : vector<16x1xi32> to vector<16xi32>
          %gather3A_1173 = tpu.dynamic_gather %add3A_1152[%gather3A_1172] in [0] : vector<16xf32>, vector<16xi32> -> vector<16xf32>
          %add3A_1174 = arith.addf %add3A_1152, %gather3A_1173 : vector<16xf32>
          %exp3A_1175 = math.exp %add3A_1163 : vector<16xf32>
          %exp3A_1176 = math.exp %add3A_1174 : vector<16xf32>
          %broadcast_in_dim3A_1177 = arith.constant 8 : i32
          %broadcast_in_dim3A_1178 = vector.broadcast %broadcast_in_dim3A_1177 : i32 to vector<16xi32>
          %lt3A_1179 = arith.constant 0 : i32
          %lt3A_1180 = vector.broadcast %lt3A_1179 : i32 to vector<16xi32>
          %lt3A_1181 = arith.cmpi slt, %broadcast_in_dim3A_1178, %lt3A_1180 : vector<16xi32>
          %add3A_1182 = arith.constant 16 : i32
          %add3A_1183 = vector.broadcast %add3A_1182 : i32 to vector<16xi32>
          %add3A_1184 = arith.addi %broadcast_in_dim3A_1178, %add3A_1183 : vector<16xi32>
          %select_n3A_1185 = arith.select %lt3A_1181, %add3A_1184, %broadcast_in_dim3A_1178 : vector<16xi1>, vector<16xi32>
          %broadcast_in_dim3A_1186 = vector.shape_cast %select_n3A_1185 : vector<16xi32> to vector<16x1xi32>
          %gather3A_1187 = vector.shape_cast %broadcast_in_dim3A_1186 : vector<16x1xi32> to vector<16xi32>
          %gather3A_1188 = tpu.dynamic_gather %get3A_141[%gather3A_1187] in [0] : vector<16xi32>, vector<16xi32> -> vector<16xi32>
          %broadcast_in_dim3A_1189 = arith.constant 9 : i32
          %broadcast_in_dim3A_1190 = vector.broadcast %broadcast_in_dim3A_1189 : i32 to vector<16xi32>
          %lt3A_1191 = arith.constant 0 : i32
          %lt3A_1192 = vector.broadcast %lt3A_1191 : i32 to vector<16xi32>
          %lt3A_1193 = arith.cmpi slt, %broadcast_in_dim3A_1190, %lt3A_1192 : vector<16xi32>
          %add3A_1194 = arith.constant 16 : i32
          %add3A_1195 = vector.broadcast %add3A_1194 : i32 to vector<16xi32>
          %add3A_1196 = arith.addi %broadcast_in_dim3A_1190, %add3A_1195 : vector<16xi32>
          %select_n3A_1197 = arith.select %lt3A_1193, %add3A_1196, %broadcast_in_dim3A_1190 : vector<16xi1>, vector<16xi32>
          %broadcast_in_dim3A_1198 = vector.shape_cast %select_n3A_1197 : vector<16xi32> to vector<16x1xi32>
          %gather3A_1199 = vector.shape_cast %broadcast_in_dim3A_1198 : vector<16x1xi32> to vector<16xi32>
          %gather3A_1200 = tpu.dynamic_gather %get3A_141[%gather3A_1199] in [0] : vector<16xi32>, vector<16xi32> -> vector<16xi32>
          %mul3A_1201 = arith.mulf %exp3A_1175, %get3A_1011 : vector<16xf32>
          tpu.vector_store_idx %arg12[%gather3A_1188, %add3A_18], %mul3A_1201 {add = true} : memref<64x128xf32, #tpu.memory_space<vmem>>[vector<16xi32>, vector<16xi32>], vector<16xf32>,
          %mul3A_1202 = arith.mulf %exp3A_1176, %get3A_1035 : vector<16xf32>
          tpu.vector_store_idx %arg12[%gather3A_1200, %add3A_18], %mul3A_1202 {add = true} : memref<64x128xf32, #tpu.memory_space<vmem>>[vector<16xi32>, vector<16xi32>], vector<16xf32>,
          %mul3A_1203 = arith.mulf %exp3A_1175, %get3A_1014 : vector<16xf32>
          tpu.vector_store_idx %arg12[%gather3A_1188, %add3A_22], %mul3A_1203 {add = true} : memref<64x128xf32, #tpu.memory_space<vmem>>[vector<16xi32>, vector<16xi32>], vector<16xf32>,
          %mul3A_1204 = arith.mulf %exp3A_1176, %get3A_1038 : vector<16xf32>
          tpu.vector_store_idx %arg12[%gather3A_1200, %add3A_22], %mul3A_1204 {add = true} : memref<64x128xf32, #tpu.memory_space<vmem>>[vector<16xi32>, vector<16xi32>], vector<16xf32>,
          %mul3A_1205 = arith.mulf %exp3A_1175, %get3A_1017 : vector<16xf32>
          tpu.vector_store_idx %arg12[%gather3A_1188, %add3A_26], %mul3A_1205 {add = true} : memref<64x128xf32, #tpu.memory_space<vmem>>[vector<16xi32>, vector<16xi32>], vector<16xf32>,
          %mul3A_1206 = arith.mulf %exp3A_1176, %get3A_1041 : vector<16xf32>
          tpu.vector_store_idx %arg12[%gather3A_1200, %add3A_26], %mul3A_1206 {add = true} : memref<64x128xf32, #tpu.memory_space<vmem>>[vector<16xi32>, vector<16xi32>], vector<16xf32>,
          %mul3A_1207 = arith.mulf %exp3A_1175, %get3A_1020 : vector<16xf32>
          tpu.vector_store_idx %arg12[%gather3A_1188, %add3A_30], %mul3A_1207 {add = true} : memref<64x128xf32, #tpu.memory_space<vmem>>[vector<16xi32>, vector<16xi32>], vector<16xf32>,
          %mul3A_1208 = arith.mulf %exp3A_1176, %get3A_1044 : vector<16xf32>
          tpu.vector_store_idx %arg12[%gather3A_1200, %add3A_30], %mul3A_1208 {add = true} : memref<64x128xf32, #tpu.memory_space<vmem>>[vector<16xi32>, vector<16xi32>], vector<16xf32>,
          %mul3A_1209 = arith.mulf %exp3A_1175, %get3A_1023 : vector<16xf32>
          tpu.vector_store_idx %arg12[%gather3A_1188, %add3A_34], %mul3A_1209 {add = true} : memref<64x128xf32, #tpu.memory_space<vmem>>[vector<16xi32>, vector<16xi32>], vector<16xf32>,
          %mul3A_1210 = arith.mulf %exp3A_1176, %get3A_1047 : vector<16xf32>
          tpu.vector_store_idx %arg12[%gather3A_1200, %add3A_34], %mul3A_1210 {add = true} : memref<64x128xf32, #tpu.memory_space<vmem>>[vector<16xi32>, vector<16xi32>], vector<16xf32>,
          %mul3A_1211 = arith.mulf %exp3A_1175, %get3A_1026 : vector<16xf32>
          tpu.vector_store_idx %arg12[%gather3A_1188, %add3A_38], %mul3A_1211 {add = true} : memref<64x128xf32, #tpu.memory_space<vmem>>[vector<16xi32>, vector<16xi32>], vector<16xf32>,
          %mul3A_1212 = arith.mulf %exp3A_1176, %get3A_1050 : vector<16xf32>
          tpu.vector_store_idx %arg12[%gather3A_1200, %add3A_38], %mul3A_1212 {add = true} : memref<64x128xf32, #tpu.memory_space<vmem>>[vector<16xi32>, vector<16xi32>], vector<16xf32>,
          %mul3A_1213 = arith.mulf %exp3A_1175, %get3A_1029 : vector<16xf32>
          tpu.vector_store_idx %arg12[%gather3A_1188, %add3A_42], %mul3A_1213 {add = true} : memref<64x128xf32, #tpu.memory_space<vmem>>[vector<16xi32>, vector<16xi32>], vector<16xf32>,
          %mul3A_1214 = arith.mulf %exp3A_1176, %get3A_1053 : vector<16xf32>
          tpu.vector_store_idx %arg12[%gather3A_1200, %add3A_42], %mul3A_1214 {add = true} : memref<64x128xf32, #tpu.memory_space<vmem>>[vector<16xi32>, vector<16xi32>], vector<16xf32>,
          %mul3A_1215 = arith.mulf %exp3A_1175, %get3A_1032 : vector<16xf32>
          tpu.vector_store_idx %arg12[%gather3A_1188, %add3A_46], %mul3A_1215 {add = true} : memref<64x128xf32, #tpu.memory_space<vmem>>[vector<16xi32>, vector<16xi32>], vector<16xf32>,
          %mul3A_1216 = arith.mulf %exp3A_1176, %get3A_1056 : vector<16xf32>
          tpu.vector_store_idx %arg12[%gather3A_1200, %add3A_46], %mul3A_1216 {add = true} : memref<64x128xf32, #tpu.memory_space<vmem>>[vector<16xi32>, vector<16xi32>], vector<16xf32>,
          %add3A_1217 = arith.addf %exp3A_1175, %exp3A_1176 : vector<16xf32>
          %add3A_1218 = arith.addf %add3A_1002, %add3A_1217 : vector<16xf32>
          %mul3A_1219 = arith.constant 16 : i32
          %mul3A_1220 = arith.muli %mul3A_1219, %add3A_137 : i32
          %add3A_1221 = arith.constant 10 : i32
          %add3A_1222 = arith.addi %mul3A_1220, %add3A_1221 : i32
          %add3A_1223 = arith.constant 1 : i32
          %add3A_1224 = arith.addi %add3A_1222, %add3A_1223 : i32
          %get3A_1225 = arith.index_cast %add3A_1222 : i32 to index
          %get3A_1226 = arith.constant 0 : index
          %get3A_1227 = tpu.vector_load %arg8[%get3A_1225, %get3A_1226] {strides = array<i32>} : memref<160x128xf32, #tpu.memory_space<vmem>>, vector<16xf32>,
          %get3A_1228 = arith.index_cast %add3A_1222 : i32 to index
          %get3A_1229 = arith.constant 16 : index
          %get3A_1230 = tpu.vector_load %arg8[%get3A_1228, %get3A_1229] {strides = array<i32>} : memref<160x128xf32, #tpu.memory_space<vmem>>, vector<16xf32>,
          %get3A_1231 = arith.index_cast %add3A_1222 : i32 to index
          %get3A_1232 = arith.constant 32 : index
          %get3A_1233 = tpu.vector_load %arg8[%get3A_1231, %get3A_1232] {strides = array<i32>} : memref<160x128xf32, #tpu.memory_space<vmem>>, vector<16xf32>,
          %get3A_1234 = arith.index_cast %add3A_1222 : i32 to index
          %get3A_1235 = arith.constant 48 : index
          %get3A_1236 = tpu.vector_load %arg8[%get3A_1234, %get3A_1235] {strides = array<i32>} : memref<160x128xf32, #tpu.memory_space<vmem>>, vector<16xf32>,
          %get3A_1237 = arith.index_cast %add3A_1222 : i32 to index
          %get3A_1238 = arith.constant 64 : index
          %get3A_1239 = tpu.vector_load %arg8[%get3A_1237, %get3A_1238] {strides = array<i32>} : memref<160x128xf32, #tpu.memory_space<vmem>>, vector<16xf32>,
          %get3A_1240 = arith.index_cast %add3A_1222 : i32 to index
          %get3A_1241 = arith.constant 80 : index
          %get3A_1242 = tpu.vector_load %arg8[%get3A_1240, %get3A_1241] {strides = array<i32>} : memref<160x128xf32, #tpu.memory_space<vmem>>, vector<16xf32>,
          %get3A_1243 = arith.index_cast %add3A_1222 : i32 to index
          %get3A_1244 = arith.constant 96 : index
          %get3A_1245 = tpu.vector_load %arg8[%get3A_1243, %get3A_1244] {strides = array<i32>} : memref<160x128xf32, #tpu.memory_space<vmem>>, vector<16xf32>,
          %get3A_1246 = arith.index_cast %add3A_1222 : i32 to index
          %get3A_1247 = arith.constant 112 : index
          %get3A_1248 = tpu.vector_load %arg8[%get3A_1246, %get3A_1247] {strides = array<i32>} : memref<160x128xf32, #tpu.memory_space<vmem>>, vector<16xf32>,
          %get3A_1249 = arith.index_cast %add3A_1224 : i32 to index
          %get3A_1250 = arith.constant 0 : index
          %get3A_1251 = tpu.vector_load %arg8[%get3A_1249, %get3A_1250] {strides = array<i32>} : memref<160x128xf32, #tpu.memory_space<vmem>>, vector<16xf32>,
          %get3A_1252 = arith.index_cast %add3A_1224 : i32 to index
          %get3A_1253 = arith.constant 16 : index
          %get3A_1254 = tpu.vector_load %arg8[%get3A_1252, %get3A_1253] {strides = array<i32>} : memref<160x128xf32, #tpu.memory_space<vmem>>, vector<16xf32>,
          %get3A_1255 = arith.index_cast %add3A_1224 : i32 to index
          %get3A_1256 = arith.constant 32 : index
          %get3A_1257 = tpu.vector_load %arg8[%get3A_1255, %get3A_1256] {strides = array<i32>} : memref<160x128xf32, #tpu.memory_space<vmem>>, vector<16xf32>,
          %get3A_1258 = arith.index_cast %add3A_1224 : i32 to index
          %get3A_1259 = arith.constant 48 : index
          %get3A_1260 = tpu.vector_load %arg8[%get3A_1258, %get3A_1259] {strides = array<i32>} : memref<160x128xf32, #tpu.memory_space<vmem>>, vector<16xf32>,
          %get3A_1261 = arith.index_cast %add3A_1224 : i32 to index
          %get3A_1262 = arith.constant 64 : index
          %get3A_1263 = tpu.vector_load %arg8[%get3A_1261, %get3A_1262] {strides = array<i32>} : memref<160x128xf32, #tpu.memory_space<vmem>>, vector<16xf32>,
          %get3A_1264 = arith.index_cast %add3A_1224 : i32 to index
          %get3A_1265 = arith.constant 80 : index
          %get3A_1266 = tpu.vector_load %arg8[%get3A_1264, %get3A_1265] {strides = array<i32>} : memref<160x128xf32, #tpu.memory_space<vmem>>, vector<16xf32>,
          %get3A_1267 = arith.index_cast %add3A_1224 : i32 to index
          %get3A_1268 = arith.constant 96 : index
          %get3A_1269 = tpu.vector_load %arg8[%get3A_1267, %get3A_1268] {strides = array<i32>} : memref<160x128xf32, #tpu.memory_space<vmem>>, vector<16xf32>,
          %get3A_1270 = arith.index_cast %add3A_1224 : i32 to index
          %get3A_1271 = arith.constant 112 : index
          %get3A_1272 = tpu.vector_load %arg8[%get3A_1270, %get3A_1271] {strides = array<i32>} : memref<160x128xf32, #tpu.memory_space<vmem>>, vector<16xf32>,
          %mul3A_1273 = arith.mulf %get3A_1227, %get3A_1 : vector<16xf32>
          %mul3A_1274 = arith.mulf %get3A_1230, %get3A_3 : vector<16xf32>
          %mul3A_1275 = arith.mulf %get3A_1233, %get3A_5 : vector<16xf32>
          %mul3A_1276 = arith.mulf %get3A_1236, %get3A_7 : vector<16xf32>
          %mul3A_1277 = arith.mulf %get3A_1239, %get3A_9 : vector<16xf32>
          %mul3A_1278 = arith.mulf %get3A_1242, %get3A_11 : vector<16xf32>
          %mul3A_1279 = arith.mulf %get3A_1245, %get3A_13 : vector<16xf32>
          %mul3A_1280 = arith.mulf %get3A_1248, %get3A_15 : vector<16xf32>
          %mul3A_1281 = arith.mulf %get3A_1251, %get3A_1 : vector<16xf32>
          %mul3A_1282 = arith.mulf %get3A_1254, %get3A_3 : vector<16xf32>
          %mul3A_1283 = arith.mulf %get3A_1257, %get3A_5 : vector<16xf32>
          %mul3A_1284 = arith.mulf %get3A_1260, %get3A_7 : vector<16xf32>
          %mul3A_1285 = arith.mulf %get3A_1263, %get3A_9 : vector<16xf32>
          %mul3A_1286 = arith.mulf %get3A_1266, %get3A_11 : vector<16xf32>
          %mul3A_1287 = arith.mulf %get3A_1269, %get3A_13 : vector<16xf32>
          %mul3A_1288 = arith.mulf %get3A_1272, %get3A_15 : vector<16xf32>
          %add3A_1289 = arith.addf %mul3A_1273, %mul3A_1274 : vector<16xf32>
          %add3A_1290 = arith.addf %mul3A_1275, %mul3A_1276 : vector<16xf32>
          %add3A_1291 = arith.addf %add3A_1289, %add3A_1290 : vector<16xf32>
          %add3A_1292 = arith.addf %mul3A_1277, %mul3A_1278 : vector<16xf32>
          %add3A_1293 = arith.addf %mul3A_1279, %mul3A_1280 : vector<16xf32>
          %add3A_1294 = arith.addf %add3A_1292, %add3A_1293 : vector<16xf32>
          %add3A_1295 = arith.addf %add3A_1291, %add3A_1294 : vector<16xf32>
          %add3A_1296 = arith.addf %mul3A_1281, %mul3A_1282 : vector<16xf32>
          %add3A_1297 = arith.addf %mul3A_1283, %mul3A_1284 : vector<16xf32>
          %add3A_1298 = arith.addf %add3A_1296, %add3A_1297 : vector<16xf32>
          %add3A_1299 = arith.addf %mul3A_1285, %mul3A_1286 : vector<16xf32>
          %add3A_1300 = arith.addf %mul3A_1287, %mul3A_1288 : vector<16xf32>
          %add3A_1301 = arith.addf %add3A_1299, %add3A_1300 : vector<16xf32>
          %add3A_1302 = arith.addf %add3A_1298, %add3A_1301 : vector<16xf32>
          %lt3A_1303 = arith.constant 0 : i32
          %lt3A_1304 = vector.broadcast %lt3A_1303 : i32 to vector<16xi32>
          %lt3A_1305 = arith.cmpi slt, %xor3A_55, %lt3A_1304 : vector<16xi32>
          %add3A_1306 = arith.constant 16 : i32
          %add3A_1307 = vector.broadcast %add3A_1306 : i32 to vector<16xi32>
          %add3A_1308 = arith.addi %xor3A_55, %add3A_1307 : vector<16xi32>
          %select_n3A_1309 = arith.select %lt3A_1305, %add3A_1308, %xor3A_55 : vector<16xi1>, vector<16xi32>
          %broadcast_in_dim3A_1310 = vector.shape_cast %select_n3A_1309 : vector<16xi32> to vector<16x1xi32>
          %gather3A_1311 = vector.shape_cast %broadcast_in_dim3A_1310 : vector<16x1xi32> to vector<16xi32>
          %gather3A_1312 = tpu.dynamic_gather %add3A_1295[%gather3A_1311] in [0] : vector<16xf32>, vector<16xi32> -> vector<16xf32>
          %add3A_1313 = arith.addf %add3A_1295, %gather3A_1312 : vector<16xf32>
          %lt3A_1314 = arith.constant 0 : i32
          %lt3A_1315 = vector.broadcast %lt3A_1314 : i32 to vector<16xi32>
          %lt3A_1316 = arith.cmpi slt, %xor3A_55, %lt3A_1315 : vector<16xi32>
          %add3A_1317 = arith.constant 16 : i32
          %add3A_1318 = vector.broadcast %add3A_1317 : i32 to vector<16xi32>
          %add3A_1319 = arith.addi %xor3A_55, %add3A_1318 : vector<16xi32>
          %select_n3A_1320 = arith.select %lt3A_1316, %add3A_1319, %xor3A_55 : vector<16xi1>, vector<16xi32>
          %broadcast_in_dim3A_1321 = vector.shape_cast %select_n3A_1320 : vector<16xi32> to vector<16x1xi32>
          %gather3A_1322 = vector.shape_cast %broadcast_in_dim3A_1321 : vector<16x1xi32> to vector<16xi32>
          %gather3A_1323 = tpu.dynamic_gather %add3A_1302[%gather3A_1322] in [0] : vector<16xf32>, vector<16xi32> -> vector<16xf32>
          %add3A_1324 = arith.addf %add3A_1302, %gather3A_1323 : vector<16xf32>
          %lt3A_1325 = arith.constant 0 : i32
          %lt3A_1326 = vector.broadcast %lt3A_1325 : i32 to vector<16xi32>
          %lt3A_1327 = arith.cmpi slt, %xor3A_58, %lt3A_1326 : vector<16xi32>
          %add3A_1328 = arith.constant 16 : i32
          %add3A_1329 = vector.broadcast %add3A_1328 : i32 to vector<16xi32>
          %add3A_1330 = arith.addi %xor3A_58, %add3A_1329 : vector<16xi32>
          %select_n3A_1331 = arith.select %lt3A_1327, %add3A_1330, %xor3A_58 : vector<16xi1>, vector<16xi32>
          %broadcast_in_dim3A_1332 = vector.shape_cast %select_n3A_1331 : vector<16xi32> to vector<16x1xi32>
          %gather3A_1333 = vector.shape_cast %broadcast_in_dim3A_1332 : vector<16x1xi32> to vector<16xi32>
          %gather3A_1334 = tpu.dynamic_gather %add3A_1313[%gather3A_1333] in [0] : vector<16xf32>, vector<16xi32> -> vector<16xf32>
          %add3A_1335 = arith.addf %add3A_1313, %gather3A_1334 : vector<16xf32>
          %lt3A_1336 = arith.constant 0 : i32
          %lt3A_1337 = vector.broadcast %lt3A_1336 : i32 to vector<16xi32>
          %lt3A_1338 = arith.cmpi slt, %xor3A_58, %lt3A_1337 : vector<16xi32>
          %add3A_1339 = arith.constant 16 : i32
          %add3A_1340 = vector.broadcast %add3A_1339 : i32 to vector<16xi32>
          %add3A_1341 = arith.addi %xor3A_58, %add3A_1340 : vector<16xi32>
          %select_n3A_1342 = arith.select %lt3A_1338, %add3A_1341, %xor3A_58 : vector<16xi1>, vector<16xi32>
          %broadcast_in_dim3A_1343 = vector.shape_cast %select_n3A_1342 : vector<16xi32> to vector<16x1xi32>
          %gather3A_1344 = vector.shape_cast %broadcast_in_dim3A_1343 : vector<16x1xi32> to vector<16xi32>
          %gather3A_1345 = tpu.dynamic_gather %add3A_1324[%gather3A_1344] in [0] : vector<16xf32>, vector<16xi32> -> vector<16xf32>
          %add3A_1346 = arith.addf %add3A_1324, %gather3A_1345 : vector<16xf32>
          %lt3A_1347 = arith.constant 0 : i32
          %lt3A_1348 = vector.broadcast %lt3A_1347 : i32 to vector<16xi32>
          %lt3A_1349 = arith.cmpi slt, %xor3A_61, %lt3A_1348 : vector<16xi32>
          %add3A_1350 = arith.constant 16 : i32
          %add3A_1351 = vector.broadcast %add3A_1350 : i32 to vector<16xi32>
          %add3A_1352 = arith.addi %xor3A_61, %add3A_1351 : vector<16xi32>
          %select_n3A_1353 = arith.select %lt3A_1349, %add3A_1352, %xor3A_61 : vector<16xi1>, vector<16xi32>
          %broadcast_in_dim3A_1354 = vector.shape_cast %select_n3A_1353 : vector<16xi32> to vector<16x1xi32>
          %gather3A_1355 = vector.shape_cast %broadcast_in_dim3A_1354 : vector<16x1xi32> to vector<16xi32>
          %gather3A_1356 = tpu.dynamic_gather %add3A_1335[%gather3A_1355] in [0] : vector<16xf32>, vector<16xi32> -> vector<16xf32>
          %add3A_1357 = arith.addf %add3A_1335, %gather3A_1356 : vector<16xf32>
          %lt3A_1358 = arith.constant 0 : i32
          %lt3A_1359 = vector.broadcast %lt3A_1358 : i32 to vector<16xi32>
          %lt3A_1360 = arith.cmpi slt, %xor3A_61, %lt3A_1359 : vector<16xi32>
          %add3A_1361 = arith.constant 16 : i32
          %add3A_1362 = vector.broadcast %add3A_1361 : i32 to vector<16xi32>
          %add3A_1363 = arith.addi %xor3A_61, %add3A_1362 : vector<16xi32>
          %select_n3A_1364 = arith.select %lt3A_1360, %add3A_1363, %xor3A_61 : vector<16xi1>, vector<16xi32>
          %broadcast_in_dim3A_1365 = vector.shape_cast %select_n3A_1364 : vector<16xi32> to vector<16x1xi32>
          %gather3A_1366 = vector.shape_cast %broadcast_in_dim3A_1365 : vector<16x1xi32> to vector<16xi32>
          %gather3A_1367 = tpu.dynamic_gather %add3A_1346[%gather3A_1366] in [0] : vector<16xf32>, vector<16xi32> -> vector<16xf32>
          %add3A_1368 = arith.addf %add3A_1346, %gather3A_1367 : vector<16xf32>
          %lt3A_1369 = arith.constant 0 : i32
          %lt3A_1370 = vector.broadcast %lt3A_1369 : i32 to vector<16xi32>
          %lt3A_1371 = arith.cmpi slt, %xor3A_64, %lt3A_1370 : vector<16xi32>
          %add3A_1372 = arith.constant 16 : i32
          %add3A_1373 = vector.broadcast %add3A_1372 : i32 to vector<16xi32>
          %add3A_1374 = arith.addi %xor3A_64, %add3A_1373 : vector<16xi32>
          %select_n3A_1375 = arith.select %lt3A_1371, %add3A_1374, %xor3A_64 : vector<16xi1>, vector<16xi32>
          %broadcast_in_dim3A_1376 = vector.shape_cast %select_n3A_1375 : vector<16xi32> to vector<16x1xi32>
          %gather3A_1377 = vector.shape_cast %broadcast_in_dim3A_1376 : vector<16x1xi32> to vector<16xi32>
          %gather3A_1378 = tpu.dynamic_gather %add3A_1357[%gather3A_1377] in [0] : vector<16xf32>, vector<16xi32> -> vector<16xf32>
          %add3A_1379 = arith.addf %add3A_1357, %gather3A_1378 : vector<16xf32>
          %lt3A_1380 = arith.constant 0 : i32
          %lt3A_1381 = vector.broadcast %lt3A_1380 : i32 to vector<16xi32>
          %lt3A_1382 = arith.cmpi slt, %xor3A_64, %lt3A_1381 : vector<16xi32>
          %add3A_1383 = arith.constant 16 : i32
          %add3A_1384 = vector.broadcast %add3A_1383 : i32 to vector<16xi32>
          %add3A_1385 = arith.addi %xor3A_64, %add3A_1384 : vector<16xi32>
          %select_n3A_1386 = arith.select %lt3A_1382, %add3A_1385, %xor3A_64 : vector<16xi1>, vector<16xi32>
          %broadcast_in_dim3A_1387 = vector.shape_cast %select_n3A_1386 : vector<16xi32> to vector<16x1xi32>
          %gather3A_1388 = vector.shape_cast %broadcast_in_dim3A_1387 : vector<16x1xi32> to vector<16xi32>
          %gather3A_1389 = tpu.dynamic_gather %add3A_1368[%gather3A_1388] in [0] : vector<16xf32>, vector<16xi32> -> vector<16xf32>
          %add3A_1390 = arith.addf %add3A_1368, %gather3A_1389 : vector<16xf32>
          %exp3A_1391 = math.exp %add3A_1379 : vector<16xf32>
          %exp3A_1392 = math.exp %add3A_1390 : vector<16xf32>
          %broadcast_in_dim3A_1393 = arith.constant 10 : i32
          %broadcast_in_dim3A_1394 = vector.broadcast %broadcast_in_dim3A_1393 : i32 to vector<16xi32>
          %lt3A_1395 = arith.constant 0 : i32
          %lt3A_1396 = vector.broadcast %lt3A_1395 : i32 to vector<16xi32>
          %lt3A_1397 = arith.cmpi slt, %broadcast_in_dim3A_1394, %lt3A_1396 : vector<16xi32>
          %add3A_1398 = arith.constant 16 : i32
          %add3A_1399 = vector.broadcast %add3A_1398 : i32 to vector<16xi32>
          %add3A_1400 = arith.addi %broadcast_in_dim3A_1394, %add3A_1399 : vector<16xi32>
          %select_n3A_1401 = arith.select %lt3A_1397, %add3A_1400, %broadcast_in_dim3A_1394 : vector<16xi1>, vector<16xi32>
          %broadcast_in_dim3A_1402 = vector.shape_cast %select_n3A_1401 : vector<16xi32> to vector<16x1xi32>
          %gather3A_1403 = vector.shape_cast %broadcast_in_dim3A_1402 : vector<16x1xi32> to vector<16xi32>
          %gather3A_1404 = tpu.dynamic_gather %get3A_141[%gather3A_1403] in [0] : vector<16xi32>, vector<16xi32> -> vector<16xi32>
          %broadcast_in_dim3A_1405 = arith.constant 11 : i32
          %broadcast_in_dim3A_1406 = vector.broadcast %broadcast_in_dim3A_1405 : i32 to vector<16xi32>
          %lt3A_1407 = arith.constant 0 : i32
          %lt3A_1408 = vector.broadcast %lt3A_1407 : i32 to vector<16xi32>
          %lt3A_1409 = arith.cmpi slt, %broadcast_in_dim3A_1406, %lt3A_1408 : vector<16xi32>
          %add3A_1410 = arith.constant 16 : i32
          %add3A_1411 = vector.broadcast %add3A_1410 : i32 to vector<16xi32>
          %add3A_1412 = arith.addi %broadcast_in_dim3A_1406, %add3A_1411 : vector<16xi32>
          %select_n3A_1413 = arith.select %lt3A_1409, %add3A_1412, %broadcast_in_dim3A_1406 : vector<16xi1>, vector<16xi32>
          %broadcast_in_dim3A_1414 = vector.shape_cast %select_n3A_1413 : vector<16xi32> to vector<16x1xi32>
          %gather3A_1415 = vector.shape_cast %broadcast_in_dim3A_1414 : vector<16x1xi32> to vector<16xi32>
          %gather3A_1416 = tpu.dynamic_gather %get3A_141[%gather3A_1415] in [0] : vector<16xi32>, vector<16xi32> -> vector<16xi32>
          %mul3A_1417 = arith.mulf %exp3A_1391, %get3A_1227 : vector<16xf32>
          tpu.vector_store_idx %arg12[%gather3A_1404, %add3A_18], %mul3A_1417 {add = true} : memref<64x128xf32, #tpu.memory_space<vmem>>[vector<16xi32>, vector<16xi32>], vector<16xf32>,
          %mul3A_1418 = arith.mulf %exp3A_1392, %get3A_1251 : vector<16xf32>
          tpu.vector_store_idx %arg12[%gather3A_1416, %add3A_18], %mul3A_1418 {add = true} : memref<64x128xf32, #tpu.memory_space<vmem>>[vector<16xi32>, vector<16xi32>], vector<16xf32>,
          %mul3A_1419 = arith.mulf %exp3A_1391, %get3A_1230 : vector<16xf32>
          tpu.vector_store_idx %arg12[%gather3A_1404, %add3A_22], %mul3A_1419 {add = true} : memref<64x128xf32, #tpu.memory_space<vmem>>[vector<16xi32>, vector<16xi32>], vector<16xf32>,
          %mul3A_1420 = arith.mulf %exp3A_1392, %get3A_1254 : vector<16xf32>
          tpu.vector_store_idx %arg12[%gather3A_1416, %add3A_22], %mul3A_1420 {add = true} : memref<64x128xf32, #tpu.memory_space<vmem>>[vector<16xi32>, vector<16xi32>], vector<16xf32>,
          %mul3A_1421 = arith.mulf %exp3A_1391, %get3A_1233 : vector<16xf32>
          tpu.vector_store_idx %arg12[%gather3A_1404, %add3A_26], %mul3A_1421 {add = true} : memref<64x128xf32, #tpu.memory_space<vmem>>[vector<16xi32>, vector<16xi32>], vector<16xf32>,
          %mul3A_1422 = arith.mulf %exp3A_1392, %get3A_1257 : vector<16xf32>
          tpu.vector_store_idx %arg12[%gather3A_1416, %add3A_26], %mul3A_1422 {add = true} : memref<64x128xf32, #tpu.memory_space<vmem>>[vector<16xi32>, vector<16xi32>], vector<16xf32>,
          %mul3A_1423 = arith.mulf %exp3A_1391, %get3A_1236 : vector<16xf32>
          tpu.vector_store_idx %arg12[%gather3A_1404, %add3A_30], %mul3A_1423 {add = true} : memref<64x128xf32, #tpu.memory_space<vmem>>[vector<16xi32>, vector<16xi32>], vector<16xf32>,
          %mul3A_1424 = arith.mulf %exp3A_1392, %get3A_1260 : vector<16xf32>
          tpu.vector_store_idx %arg12[%gather3A_1416, %add3A_30], %mul3A_1424 {add = true} : memref<64x128xf32, #tpu.memory_space<vmem>>[vector<16xi32>, vector<16xi32>], vector<16xf32>,
          %mul3A_1425 = arith.mulf %exp3A_1391, %get3A_1239 : vector<16xf32>
          tpu.vector_store_idx %arg12[%gather3A_1404, %add3A_34], %mul3A_1425 {add = true} : memref<64x128xf32, #tpu.memory_space<vmem>>[vector<16xi32>, vector<16xi32>], vector<16xf32>,
          %mul3A_1426 = arith.mulf %exp3A_1392, %get3A_1263 : vector<16xf32>
          tpu.vector_store_idx %arg12[%gather3A_1416, %add3A_34], %mul3A_1426 {add = true} : memref<64x128xf32, #tpu.memory_space<vmem>>[vector<16xi32>, vector<16xi32>], vector<16xf32>,
          %mul3A_1427 = arith.mulf %exp3A_1391, %get3A_1242 : vector<16xf32>
          tpu.vector_store_idx %arg12[%gather3A_1404, %add3A_38], %mul3A_1427 {add = true} : memref<64x128xf32, #tpu.memory_space<vmem>>[vector<16xi32>, vector<16xi32>], vector<16xf32>,
          %mul3A_1428 = arith.mulf %exp3A_1392, %get3A_1266 : vector<16xf32>
          tpu.vector_store_idx %arg12[%gather3A_1416, %add3A_38], %mul3A_1428 {add = true} : memref<64x128xf32, #tpu.memory_space<vmem>>[vector<16xi32>, vector<16xi32>], vector<16xf32>,
          %mul3A_1429 = arith.mulf %exp3A_1391, %get3A_1245 : vector<16xf32>
          tpu.vector_store_idx %arg12[%gather3A_1404, %add3A_42], %mul3A_1429 {add = true} : memref<64x128xf32, #tpu.memory_space<vmem>>[vector<16xi32>, vector<16xi32>], vector<16xf32>,
          %mul3A_1430 = arith.mulf %exp3A_1392, %get3A_1269 : vector<16xf32>
          tpu.vector_store_idx %arg12[%gather3A_1416, %add3A_42], %mul3A_1430 {add = true} : memref<64x128xf32, #tpu.memory_space<vmem>>[vector<16xi32>, vector<16xi32>], vector<16xf32>,
          %mul3A_1431 = arith.mulf %exp3A_1391, %get3A_1248 : vector<16xf32>
          tpu.vector_store_idx %arg12[%gather3A_1404, %add3A_46], %mul3A_1431 {add = true} : memref<64x128xf32, #tpu.memory_space<vmem>>[vector<16xi32>, vector<16xi32>], vector<16xf32>,
          %mul3A_1432 = arith.mulf %exp3A_1392, %get3A_1272 : vector<16xf32>
          tpu.vector_store_idx %arg12[%gather3A_1416, %add3A_46], %mul3A_1432 {add = true} : memref<64x128xf32, #tpu.memory_space<vmem>>[vector<16xi32>, vector<16xi32>], vector<16xf32>,
          %add3A_1433 = arith.addf %exp3A_1391, %exp3A_1392 : vector<16xf32>
          %add3A_1434 = arith.addf %add3A_1218, %add3A_1433 : vector<16xf32>
          %mul3A_1435 = arith.constant 16 : i32
          %mul3A_1436 = arith.muli %mul3A_1435, %add3A_137 : i32
          %add3A_1437 = arith.constant 12 : i32
          %add3A_1438 = arith.addi %mul3A_1436, %add3A_1437 : i32
          %add3A_1439 = arith.constant 1 : i32
          %add3A_1440 = arith.addi %add3A_1438, %add3A_1439 : i32
          %get3A_1441 = arith.index_cast %add3A_1438 : i32 to index
          %get3A_1442 = arith.constant 0 : index
          %get3A_1443 = tpu.vector_load %arg8[%get3A_1441, %get3A_1442] {strides = array<i32>} : memref<160x128xf32, #tpu.memory_space<vmem>>, vector<16xf32>,
          %get3A_1444 = arith.index_cast %add3A_1438 : i32 to index
          %get3A_1445 = arith.constant 16 : index
          %get3A_1446 = tpu.vector_load %arg8[%get3A_1444, %get3A_1445] {strides = array<i32>} : memref<160x128xf32, #tpu.memory_space<vmem>>, vector<16xf32>,
          %get3A_1447 = arith.index_cast %add3A_1438 : i32 to index
          %get3A_1448 = arith.constant 32 : index
          %get3A_1449 = tpu.vector_load %arg8[%get3A_1447, %get3A_1448] {strides = array<i32>} : memref<160x128xf32, #tpu.memory_space<vmem>>, vector<16xf32>,
          %get3A_1450 = arith.index_cast %add3A_1438 : i32 to index
          %get3A_1451 = arith.constant 48 : index
          %get3A_1452 = tpu.vector_load %arg8[%get3A_1450, %get3A_1451] {strides = array<i32>} : memref<160x128xf32, #tpu.memory_space<vmem>>, vector<16xf32>,
          %get3A_1453 = arith.index_cast %add3A_1438 : i32 to index
          %get3A_1454 = arith.constant 64 : index
          %get3A_1455 = tpu.vector_load %arg8[%get3A_1453, %get3A_1454] {strides = array<i32>} : memref<160x128xf32, #tpu.memory_space<vmem>>, vector<16xf32>,
          %get3A_1456 = arith.index_cast %add3A_1438 : i32 to index
          %get3A_1457 = arith.constant 80 : index
          %get3A_1458 = tpu.vector_load %arg8[%get3A_1456, %get3A_1457] {strides = array<i32>} : memref<160x128xf32, #tpu.memory_space<vmem>>, vector<16xf32>,
          %get3A_1459 = arith.index_cast %add3A_1438 : i32 to index
          %get3A_1460 = arith.constant 96 : index
          %get3A_1461 = tpu.vector_load %arg8[%get3A_1459, %get3A_1460] {strides = array<i32>} : memref<160x128xf32, #tpu.memory_space<vmem>>, vector<16xf32>,
          %get3A_1462 = arith.index_cast %add3A_1438 : i32 to index
          %get3A_1463 = arith.constant 112 : index
          %get3A_1464 = tpu.vector_load %arg8[%get3A_1462, %get3A_1463] {strides = array<i32>} : memref<160x128xf32, #tpu.memory_space<vmem>>, vector<16xf32>,
          %get3A_1465 = arith.index_cast %add3A_1440 : i32 to index
          %get3A_1466 = arith.constant 0 : index
          %get3A_1467 = tpu.vector_load %arg8[%get3A_1465, %get3A_1466] {strides = array<i32>} : memref<160x128xf32, #tpu.memory_space<vmem>>, vector<16xf32>,
          %get3A_1468 = arith.index_cast %add3A_1440 : i32 to index
          %get3A_1469 = arith.constant 16 : index
          %get3A_1470 = tpu.vector_load %arg8[%get3A_1468, %get3A_1469] {strides = array<i32>} : memref<160x128xf32, #tpu.memory_space<vmem>>, vector<16xf32>,
          %get3A_1471 = arith.index_cast %add3A_1440 : i32 to index
          %get3A_1472 = arith.constant 32 : index
          %get3A_1473 = tpu.vector_load %arg8[%get3A_1471, %get3A_1472] {strides = array<i32>} : memref<160x128xf32, #tpu.memory_space<vmem>>, vector<16xf32>,
          %get3A_1474 = arith.index_cast %add3A_1440 : i32 to index
          %get3A_1475 = arith.constant 48 : index
          %get3A_1476 = tpu.vector_load %arg8[%get3A_1474, %get3A_1475] {strides = array<i32>} : memref<160x128xf32, #tpu.memory_space<vmem>>, vector<16xf32>,
          %get3A_1477 = arith.index_cast %add3A_1440 : i32 to index
          %get3A_1478 = arith.constant 64 : index
          %get3A_1479 = tpu.vector_load %arg8[%get3A_1477, %get3A_1478] {strides = array<i32>} : memref<160x128xf32, #tpu.memory_space<vmem>>, vector<16xf32>,
          %get3A_1480 = arith.index_cast %add3A_1440 : i32 to index
          %get3A_1481 = arith.constant 80 : index
          %get3A_1482 = tpu.vector_load %arg8[%get3A_1480, %get3A_1481] {strides = array<i32>} : memref<160x128xf32, #tpu.memory_space<vmem>>, vector<16xf32>,
          %get3A_1483 = arith.index_cast %add3A_1440 : i32 to index
          %get3A_1484 = arith.constant 96 : index
          %get3A_1485 = tpu.vector_load %arg8[%get3A_1483, %get3A_1484] {strides = array<i32>} : memref<160x128xf32, #tpu.memory_space<vmem>>, vector<16xf32>,
          %get3A_1486 = arith.index_cast %add3A_1440 : i32 to index
          %get3A_1487 = arith.constant 112 : index
          %get3A_1488 = tpu.vector_load %arg8[%get3A_1486, %get3A_1487] {strides = array<i32>} : memref<160x128xf32, #tpu.memory_space<vmem>>, vector<16xf32>,
          %mul3A_1489 = arith.mulf %get3A_1443, %get3A_1 : vector<16xf32>
          %mul3A_1490 = arith.mulf %get3A_1446, %get3A_3 : vector<16xf32>
          %mul3A_1491 = arith.mulf %get3A_1449, %get3A_5 : vector<16xf32>
          %mul3A_1492 = arith.mulf %get3A_1452, %get3A_7 : vector<16xf32>
          %mul3A_1493 = arith.mulf %get3A_1455, %get3A_9 : vector<16xf32>
          %mul3A_1494 = arith.mulf %get3A_1458, %get3A_11 : vector<16xf32>
          %mul3A_1495 = arith.mulf %get3A_1461, %get3A_13 : vector<16xf32>
          %mul3A_1496 = arith.mulf %get3A_1464, %get3A_15 : vector<16xf32>
          %mul3A_1497 = arith.mulf %get3A_1467, %get3A_1 : vector<16xf32>
          %mul3A_1498 = arith.mulf %get3A_1470, %get3A_3 : vector<16xf32>
          %mul3A_1499 = arith.mulf %get3A_1473, %get3A_5 : vector<16xf32>
          %mul3A_1500 = arith.mulf %get3A_1476, %get3A_7 : vector<16xf32>
          %mul3A_1501 = arith.mulf %get3A_1479, %get3A_9 : vector<16xf32>
          %mul3A_1502 = arith.mulf %get3A_1482, %get3A_11 : vector<16xf32>
          %mul3A_1503 = arith.mulf %get3A_1485, %get3A_13 : vector<16xf32>
          %mul3A_1504 = arith.mulf %get3A_1488, %get3A_15 : vector<16xf32>
          %add3A_1505 = arith.addf %mul3A_1489, %mul3A_1490 : vector<16xf32>
          %add3A_1506 = arith.addf %mul3A_1491, %mul3A_1492 : vector<16xf32>
          %add3A_1507 = arith.addf %add3A_1505, %add3A_1506 : vector<16xf32>
          %add3A_1508 = arith.addf %mul3A_1493, %mul3A_1494 : vector<16xf32>
          %add3A_1509 = arith.addf %mul3A_1495, %mul3A_1496 : vector<16xf32>
          %add3A_1510 = arith.addf %add3A_1508, %add3A_1509 : vector<16xf32>
          %add3A_1511 = arith.addf %add3A_1507, %add3A_1510 : vector<16xf32>
          %add3A_1512 = arith.addf %mul3A_1497, %mul3A_1498 : vector<16xf32>
          %add3A_1513 = arith.addf %mul3A_1499, %mul3A_1500 : vector<16xf32>
          %add3A_1514 = arith.addf %add3A_1512, %add3A_1513 : vector<16xf32>
          %add3A_1515 = arith.addf %mul3A_1501, %mul3A_1502 : vector<16xf32>
          %add3A_1516 = arith.addf %mul3A_1503, %mul3A_1504 : vector<16xf32>
          %add3A_1517 = arith.addf %add3A_1515, %add3A_1516 : vector<16xf32>
          %add3A_1518 = arith.addf %add3A_1514, %add3A_1517 : vector<16xf32>
          %lt3A_1519 = arith.constant 0 : i32
          %lt3A_1520 = vector.broadcast %lt3A_1519 : i32 to vector<16xi32>
          %lt3A_1521 = arith.cmpi slt, %xor3A_55, %lt3A_1520 : vector<16xi32>
          %add3A_1522 = arith.constant 16 : i32
          %add3A_1523 = vector.broadcast %add3A_1522 : i32 to vector<16xi32>
          %add3A_1524 = arith.addi %xor3A_55, %add3A_1523 : vector<16xi32>
          %select_n3A_1525 = arith.select %lt3A_1521, %add3A_1524, %xor3A_55 : vector<16xi1>, vector<16xi32>
          %broadcast_in_dim3A_1526 = vector.shape_cast %select_n3A_1525 : vector<16xi32> to vector<16x1xi32>
          %gather3A_1527 = vector.shape_cast %broadcast_in_dim3A_1526 : vector<16x1xi32> to vector<16xi32>
          %gather3A_1528 = tpu.dynamic_gather %add3A_1511[%gather3A_1527] in [0] : vector<16xf32>, vector<16xi32> -> vector<16xf32>
          %add3A_1529 = arith.addf %add3A_1511, %gather3A_1528 : vector<16xf32>
          %lt3A_1530 = arith.constant 0 : i32
          %lt3A_1531 = vector.broadcast %lt3A_1530 : i32 to vector<16xi32>
          %lt3A_1532 = arith.cmpi slt, %xor3A_55, %lt3A_1531 : vector<16xi32>
          %add3A_1533 = arith.constant 16 : i32
          %add3A_1534 = vector.broadcast %add3A_1533 : i32 to vector<16xi32>
          %add3A_1535 = arith.addi %xor3A_55, %add3A_1534 : vector<16xi32>
          %select_n3A_1536 = arith.select %lt3A_1532, %add3A_1535, %xor3A_55 : vector<16xi1>, vector<16xi32>
          %broadcast_in_dim3A_1537 = vector.shape_cast %select_n3A_1536 : vector<16xi32> to vector<16x1xi32>
          %gather3A_1538 = vector.shape_cast %broadcast_in_dim3A_1537 : vector<16x1xi32> to vector<16xi32>
          %gather3A_1539 = tpu.dynamic_gather %add3A_1518[%gather3A_1538] in [0] : vector<16xf32>, vector<16xi32> -> vector<16xf32>
          %add3A_1540 = arith.addf %add3A_1518, %gather3A_1539 : vector<16xf32>
          %lt3A_1541 = arith.constant 0 : i32
          %lt3A_1542 = vector.broadcast %lt3A_1541 : i32 to vector<16xi32>
          %lt3A_1543 = arith.cmpi slt, %xor3A_58, %lt3A_1542 : vector<16xi32>
          %add3A_1544 = arith.constant 16 : i32
          %add3A_1545 = vector.broadcast %add3A_1544 : i32 to vector<16xi32>
          %add3A_1546 = arith.addi %xor3A_58, %add3A_1545 : vector<16xi32>
          %select_n3A_1547 = arith.select %lt3A_1543, %add3A_1546, %xor3A_58 : vector<16xi1>, vector<16xi32>
          %broadcast_in_dim3A_1548 = vector.shape_cast %select_n3A_1547 : vector<16xi32> to vector<16x1xi32>
          %gather3A_1549 = vector.shape_cast %broadcast_in_dim3A_1548 : vector<16x1xi32> to vector<16xi32>
          %gather3A_1550 = tpu.dynamic_gather %add3A_1529[%gather3A_1549] in [0] : vector<16xf32>, vector<16xi32> -> vector<16xf32>
          %add3A_1551 = arith.addf %add3A_1529, %gather3A_1550 : vector<16xf32>
          %lt3A_1552 = arith.constant 0 : i32
          %lt3A_1553 = vector.broadcast %lt3A_1552 : i32 to vector<16xi32>
          %lt3A_1554 = arith.cmpi slt, %xor3A_58, %lt3A_1553 : vector<16xi32>
          %add3A_1555 = arith.constant 16 : i32
          %add3A_1556 = vector.broadcast %add3A_1555 : i32 to vector<16xi32>
          %add3A_1557 = arith.addi %xor3A_58, %add3A_1556 : vector<16xi32>
          %select_n3A_1558 = arith.select %lt3A_1554, %add3A_1557, %xor3A_58 : vector<16xi1>, vector<16xi32>
          %broadcast_in_dim3A_1559 = vector.shape_cast %select_n3A_1558 : vector<16xi32> to vector<16x1xi32>
          %gather3A_1560 = vector.shape_cast %broadcast_in_dim3A_1559 : vector<16x1xi32> to vector<16xi32>
          %gather3A_1561 = tpu.dynamic_gather %add3A_1540[%gather3A_1560] in [0] : vector<16xf32>, vector<16xi32> -> vector<16xf32>
          %add3A_1562 = arith.addf %add3A_1540, %gather3A_1561 : vector<16xf32>
          %lt3A_1563 = arith.constant 0 : i32
          %lt3A_1564 = vector.broadcast %lt3A_1563 : i32 to vector<16xi32>
          %lt3A_1565 = arith.cmpi slt, %xor3A_61, %lt3A_1564 : vector<16xi32>
          %add3A_1566 = arith.constant 16 : i32
          %add3A_1567 = vector.broadcast %add3A_1566 : i32 to vector<16xi32>
          %add3A_1568 = arith.addi %xor3A_61, %add3A_1567 : vector<16xi32>
          %select_n3A_1569 = arith.select %lt3A_1565, %add3A_1568, %xor3A_61 : vector<16xi1>, vector<16xi32>
          %broadcast_in_dim3A_1570 = vector.shape_cast %select_n3A_1569 : vector<16xi32> to vector<16x1xi32>
          %gather3A_1571 = vector.shape_cast %broadcast_in_dim3A_1570 : vector<16x1xi32> to vector<16xi32>
          %gather3A_1572 = tpu.dynamic_gather %add3A_1551[%gather3A_1571] in [0] : vector<16xf32>, vector<16xi32> -> vector<16xf32>
          %add3A_1573 = arith.addf %add3A_1551, %gather3A_1572 : vector<16xf32>
          %lt3A_1574 = arith.constant 0 : i32
          %lt3A_1575 = vector.broadcast %lt3A_1574 : i32 to vector<16xi32>
          %lt3A_1576 = arith.cmpi slt, %xor3A_61, %lt3A_1575 : vector<16xi32>
          %add3A_1577 = arith.constant 16 : i32
          %add3A_1578 = vector.broadcast %add3A_1577 : i32 to vector<16xi32>
          %add3A_1579 = arith.addi %xor3A_61, %add3A_1578 : vector<16xi32>
          %select_n3A_1580 = arith.select %lt3A_1576, %add3A_1579, %xor3A_61 : vector<16xi1>, vector<16xi32>
          %broadcast_in_dim3A_1581 = vector.shape_cast %select_n3A_1580 : vector<16xi32> to vector<16x1xi32>
          %gather3A_1582 = vector.shape_cast %broadcast_in_dim3A_1581 : vector<16x1xi32> to vector<16xi32>
          %gather3A_1583 = tpu.dynamic_gather %add3A_1562[%gather3A_1582] in [0] : vector<16xf32>, vector<16xi32> -> vector<16xf32>
          %add3A_1584 = arith.addf %add3A_1562, %gather3A_1583 : vector<16xf32>
          %lt3A_1585 = arith.constant 0 : i32
          %lt3A_1586 = vector.broadcast %lt3A_1585 : i32 to vector<16xi32>
          %lt3A_1587 = arith.cmpi slt, %xor3A_64, %lt3A_1586 : vector<16xi32>
          %add3A_1588 = arith.constant 16 : i32
          %add3A_1589 = vector.broadcast %add3A_1588 : i32 to vector<16xi32>
          %add3A_1590 = arith.addi %xor3A_64, %add3A_1589 : vector<16xi32>
          %select_n3A_1591 = arith.select %lt3A_1587, %add3A_1590, %xor3A_64 : vector<16xi1>, vector<16xi32>
          %broadcast_in_dim3A_1592 = vector.shape_cast %select_n3A_1591 : vector<16xi32> to vector<16x1xi32>
          %gather3A_1593 = vector.shape_cast %broadcast_in_dim3A_1592 : vector<16x1xi32> to vector<16xi32>
          %gather3A_1594 = tpu.dynamic_gather %add3A_1573[%gather3A_1593] in [0] : vector<16xf32>, vector<16xi32> -> vector<16xf32>
          %add3A_1595 = arith.addf %add3A_1573, %gather3A_1594 : vector<16xf32>
          %lt3A_1596 = arith.constant 0 : i32
          %lt3A_1597 = vector.broadcast %lt3A_1596 : i32 to vector<16xi32>
          %lt3A_1598 = arith.cmpi slt, %xor3A_64, %lt3A_1597 : vector<16xi32>
          %add3A_1599 = arith.constant 16 : i32
          %add3A_1600 = vector.broadcast %add3A_1599 : i32 to vector<16xi32>
          %add3A_1601 = arith.addi %xor3A_64, %add3A_1600 : vector<16xi32>
          %select_n3A_1602 = arith.select %lt3A_1598, %add3A_1601, %xor3A_64 : vector<16xi1>, vector<16xi32>
          %broadcast_in_dim3A_1603 = vector.shape_cast %select_n3A_1602 : vector<16xi32> to vector<16x1xi32>
          %gather3A_1604 = vector.shape_cast %broadcast_in_dim3A_1603 : vector<16x1xi32> to vector<16xi32>
          %gather3A_1605 = tpu.dynamic_gather %add3A_1584[%gather3A_1604] in [0] : vector<16xf32>, vector<16xi32> -> vector<16xf32>
          %add3A_1606 = arith.addf %add3A_1584, %gather3A_1605 : vector<16xf32>
          %exp3A_1607 = math.exp %add3A_1595 : vector<16xf32>
          %exp3A_1608 = math.exp %add3A_1606 : vector<16xf32>
          %broadcast_in_dim3A_1609 = arith.constant 12 : i32
          %broadcast_in_dim3A_1610 = vector.broadcast %broadcast_in_dim3A_1609 : i32 to vector<16xi32>
          %lt3A_1611 = arith.constant 0 : i32
          %lt3A_1612 = vector.broadcast %lt3A_1611 : i32 to vector<16xi32>
          %lt3A_1613 = arith.cmpi slt, %broadcast_in_dim3A_1610, %lt3A_1612 : vector<16xi32>
          %add3A_1614 = arith.constant 16 : i32
          %add3A_1615 = vector.broadcast %add3A_1614 : i32 to vector<16xi32>
          %add3A_1616 = arith.addi %broadcast_in_dim3A_1610, %add3A_1615 : vector<16xi32>
          %select_n3A_1617 = arith.select %lt3A_1613, %add3A_1616, %broadcast_in_dim3A_1610 : vector<16xi1>, vector<16xi32>
          %broadcast_in_dim3A_1618 = vector.shape_cast %select_n3A_1617 : vector<16xi32> to vector<16x1xi32>
          %gather3A_1619 = vector.shape_cast %broadcast_in_dim3A_1618 : vector<16x1xi32> to vector<16xi32>
          %gather3A_1620 = tpu.dynamic_gather %get3A_141[%gather3A_1619] in [0] : vector<16xi32>, vector<16xi32> -> vector<16xi32>
          %broadcast_in_dim3A_1621 = arith.constant 13 : i32
          %broadcast_in_dim3A_1622 = vector.broadcast %broadcast_in_dim3A_1621 : i32 to vector<16xi32>
          %lt3A_1623 = arith.constant 0 : i32
          %lt3A_1624 = vector.broadcast %lt3A_1623 : i32 to vector<16xi32>
          %lt3A_1625 = arith.cmpi slt, %broadcast_in_dim3A_1622, %lt3A_1624 : vector<16xi32>
          %add3A_1626 = arith.constant 16 : i32
          %add3A_1627 = vector.broadcast %add3A_1626 : i32 to vector<16xi32>
          %add3A_1628 = arith.addi %broadcast_in_dim3A_1622, %add3A_1627 : vector<16xi32>
          %select_n3A_1629 = arith.select %lt3A_1625, %add3A_1628, %broadcast_in_dim3A_1622 : vector<16xi1>, vector<16xi32>
          %broadcast_in_dim3A_1630 = vector.shape_cast %select_n3A_1629 : vector<16xi32> to vector<16x1xi32>
          %gather3A_1631 = vector.shape_cast %broadcast_in_dim3A_1630 : vector<16x1xi32> to vector<16xi32>
          %gather3A_1632 = tpu.dynamic_gather %get3A_141[%gather3A_1631] in [0] : vector<16xi32>, vector<16xi32> -> vector<16xi32>
          %mul3A_1633 = arith.mulf %exp3A_1607, %get3A_1443 : vector<16xf32>
          tpu.vector_store_idx %arg12[%gather3A_1620, %add3A_18], %mul3A_1633 {add = true} : memref<64x128xf32, #tpu.memory_space<vmem>>[vector<16xi32>, vector<16xi32>], vector<16xf32>,
          %mul3A_1634 = arith.mulf %exp3A_1608, %get3A_1467 : vector<16xf32>
          tpu.vector_store_idx %arg12[%gather3A_1632, %add3A_18], %mul3A_1634 {add = true} : memref<64x128xf32, #tpu.memory_space<vmem>>[vector<16xi32>, vector<16xi32>], vector<16xf32>,
          %mul3A_1635 = arith.mulf %exp3A_1607, %get3A_1446 : vector<16xf32>
          tpu.vector_store_idx %arg12[%gather3A_1620, %add3A_22], %mul3A_1635 {add = true} : memref<64x128xf32, #tpu.memory_space<vmem>>[vector<16xi32>, vector<16xi32>], vector<16xf32>,
          %mul3A_1636 = arith.mulf %exp3A_1608, %get3A_1470 : vector<16xf32>
          tpu.vector_store_idx %arg12[%gather3A_1632, %add3A_22], %mul3A_1636 {add = true} : memref<64x128xf32, #tpu.memory_space<vmem>>[vector<16xi32>, vector<16xi32>], vector<16xf32>,
          %mul3A_1637 = arith.mulf %exp3A_1607, %get3A_1449 : vector<16xf32>
          tpu.vector_store_idx %arg12[%gather3A_1620, %add3A_26], %mul3A_1637 {add = true} : memref<64x128xf32, #tpu.memory_space<vmem>>[vector<16xi32>, vector<16xi32>], vector<16xf32>,
          %mul3A_1638 = arith.mulf %exp3A_1608, %get3A_1473 : vector<16xf32>
          tpu.vector_store_idx %arg12[%gather3A_1632, %add3A_26], %mul3A_1638 {add = true} : memref<64x128xf32, #tpu.memory_space<vmem>>[vector<16xi32>, vector<16xi32>], vector<16xf32>,
          %mul3A_1639 = arith.mulf %exp3A_1607, %get3A_1452 : vector<16xf32>
          tpu.vector_store_idx %arg12[%gather3A_1620, %add3A_30], %mul3A_1639 {add = true} : memref<64x128xf32, #tpu.memory_space<vmem>>[vector<16xi32>, vector<16xi32>], vector<16xf32>,
          %mul3A_1640 = arith.mulf %exp3A_1608, %get3A_1476 : vector<16xf32>
          tpu.vector_store_idx %arg12[%gather3A_1632, %add3A_30], %mul3A_1640 {add = true} : memref<64x128xf32, #tpu.memory_space<vmem>>[vector<16xi32>, vector<16xi32>], vector<16xf32>,
          %mul3A_1641 = arith.mulf %exp3A_1607, %get3A_1455 : vector<16xf32>
          tpu.vector_store_idx %arg12[%gather3A_1620, %add3A_34], %mul3A_1641 {add = true} : memref<64x128xf32, #tpu.memory_space<vmem>>[vector<16xi32>, vector<16xi32>], vector<16xf32>,
          %mul3A_1642 = arith.mulf %exp3A_1608, %get3A_1479 : vector<16xf32>
          tpu.vector_store_idx %arg12[%gather3A_1632, %add3A_34], %mul3A_1642 {add = true} : memref<64x128xf32, #tpu.memory_space<vmem>>[vector<16xi32>, vector<16xi32>], vector<16xf32>,
          %mul3A_1643 = arith.mulf %exp3A_1607, %get3A_1458 : vector<16xf32>
          tpu.vector_store_idx %arg12[%gather3A_1620, %add3A_38], %mul3A_1643 {add = true} : memref<64x128xf32, #tpu.memory_space<vmem>>[vector<16xi32>, vector<16xi32>], vector<16xf32>,
          %mul3A_1644 = arith.mulf %exp3A_1608, %get3A_1482 : vector<16xf32>
          tpu.vector_store_idx %arg12[%gather3A_1632, %add3A_38], %mul3A_1644 {add = true} : memref<64x128xf32, #tpu.memory_space<vmem>>[vector<16xi32>, vector<16xi32>], vector<16xf32>,
          %mul3A_1645 = arith.mulf %exp3A_1607, %get3A_1461 : vector<16xf32>
          tpu.vector_store_idx %arg12[%gather3A_1620, %add3A_42], %mul3A_1645 {add = true} : memref<64x128xf32, #tpu.memory_space<vmem>>[vector<16xi32>, vector<16xi32>], vector<16xf32>,
          %mul3A_1646 = arith.mulf %exp3A_1608, %get3A_1485 : vector<16xf32>
          tpu.vector_store_idx %arg12[%gather3A_1632, %add3A_42], %mul3A_1646 {add = true} : memref<64x128xf32, #tpu.memory_space<vmem>>[vector<16xi32>, vector<16xi32>], vector<16xf32>,
          %mul3A_1647 = arith.mulf %exp3A_1607, %get3A_1464 : vector<16xf32>
          tpu.vector_store_idx %arg12[%gather3A_1620, %add3A_46], %mul3A_1647 {add = true} : memref<64x128xf32, #tpu.memory_space<vmem>>[vector<16xi32>, vector<16xi32>], vector<16xf32>,
          %mul3A_1648 = arith.mulf %exp3A_1608, %get3A_1488 : vector<16xf32>
          tpu.vector_store_idx %arg12[%gather3A_1632, %add3A_46], %mul3A_1648 {add = true} : memref<64x128xf32, #tpu.memory_space<vmem>>[vector<16xi32>, vector<16xi32>], vector<16xf32>,
          %add3A_1649 = arith.addf %exp3A_1607, %exp3A_1608 : vector<16xf32>
          %add3A_1650 = arith.addf %add3A_1434, %add3A_1649 : vector<16xf32>
          %mul3A_1651 = arith.constant 16 : i32
          %mul3A_1652 = arith.muli %mul3A_1651, %add3A_137 : i32
          %add3A_1653 = arith.constant 14 : i32
          %add3A_1654 = arith.addi %mul3A_1652, %add3A_1653 : i32
          %add3A_1655 = arith.constant 1 : i32
          %add3A_1656 = arith.addi %add3A_1654, %add3A_1655 : i32
          %get3A_1657 = arith.index_cast %add3A_1654 : i32 to index
          %get3A_1658 = arith.constant 0 : index
          %get3A_1659 = tpu.vector_load %arg8[%get3A_1657, %get3A_1658] {strides = array<i32>} : memref<160x128xf32, #tpu.memory_space<vmem>>, vector<16xf32>,
          %get3A_1660 = arith.index_cast %add3A_1654 : i32 to index
          %get3A_1661 = arith.constant 16 : index
          %get3A_1662 = tpu.vector_load %arg8[%get3A_1660, %get3A_1661] {strides = array<i32>} : memref<160x128xf32, #tpu.memory_space<vmem>>, vector<16xf32>,
          %get3A_1663 = arith.index_cast %add3A_1654 : i32 to index
          %get3A_1664 = arith.constant 32 : index
          %get3A_1665 = tpu.vector_load %arg8[%get3A_1663, %get3A_1664] {strides = array<i32>} : memref<160x128xf32, #tpu.memory_space<vmem>>, vector<16xf32>,
          %get3A_1666 = arith.index_cast %add3A_1654 : i32 to index
          %get3A_1667 = arith.constant 48 : index
          %get3A_1668 = tpu.vector_load %arg8[%get3A_1666, %get3A_1667] {strides = array<i32>} : memref<160x128xf32, #tpu.memory_space<vmem>>, vector<16xf32>,
          %get3A_1669 = arith.index_cast %add3A_1654 : i32 to index
          %get3A_1670 = arith.constant 64 : index
          %get3A_1671 = tpu.vector_load %arg8[%get3A_1669, %get3A_1670] {strides = array<i32>} : memref<160x128xf32, #tpu.memory_space<vmem>>, vector<16xf32>,
          %get3A_1672 = arith.index_cast %add3A_1654 : i32 to index
          %get3A_1673 = arith.constant 80 : index
          %get3A_1674 = tpu.vector_load %arg8[%get3A_1672, %get3A_1673] {strides = array<i32>} : memref<160x128xf32, #tpu.memory_space<vmem>>, vector<16xf32>,
          %get3A_1675 = arith.index_cast %add3A_1654 : i32 to index
          %get3A_1676 = arith.constant 96 : index
          %get3A_1677 = tpu.vector_load %arg8[%get3A_1675, %get3A_1676] {strides = array<i32>} : memref<160x128xf32, #tpu.memory_space<vmem>>, vector<16xf32>,
          %get3A_1678 = arith.index_cast %add3A_1654 : i32 to index
          %get3A_1679 = arith.constant 112 : index
          %get3A_1680 = tpu.vector_load %arg8[%get3A_1678, %get3A_1679] {strides = array<i32>} : memref<160x128xf32, #tpu.memory_space<vmem>>, vector<16xf32>,
          %get3A_1681 = arith.index_cast %add3A_1656 : i32 to index
          %get3A_1682 = arith.constant 0 : index
          %get3A_1683 = tpu.vector_load %arg8[%get3A_1681, %get3A_1682] {strides = array<i32>} : memref<160x128xf32, #tpu.memory_space<vmem>>, vector<16xf32>,
          %get3A_1684 = arith.index_cast %add3A_1656 : i32 to index
          %get3A_1685 = arith.constant 16 : index
          %get3A_1686 = tpu.vector_load %arg8[%get3A_1684, %get3A_1685] {strides = array<i32>} : memref<160x128xf32, #tpu.memory_space<vmem>>, vector<16xf32>,
          %get3A_1687 = arith.index_cast %add3A_1656 : i32 to index
          %get3A_1688 = arith.constant 32 : index
          %get3A_1689 = tpu.vector_load %arg8[%get3A_1687, %get3A_1688] {strides = array<i32>} : memref<160x128xf32, #tpu.memory_space<vmem>>, vector<16xf32>,
          %get3A_1690 = arith.index_cast %add3A_1656 : i32 to index
          %get3A_1691 = arith.constant 48 : index
          %get3A_1692 = tpu.vector_load %arg8[%get3A_1690, %get3A_1691] {strides = array<i32>} : memref<160x128xf32, #tpu.memory_space<vmem>>, vector<16xf32>,
          %get3A_1693 = arith.index_cast %add3A_1656 : i32 to index
          %get3A_1694 = arith.constant 64 : index
          %get3A_1695 = tpu.vector_load %arg8[%get3A_1693, %get3A_1694] {strides = array<i32>} : memref<160x128xf32, #tpu.memory_space<vmem>>, vector<16xf32>,
          %get3A_1696 = arith.index_cast %add3A_1656 : i32 to index
          %get3A_1697 = arith.constant 80 : index
          %get3A_1698 = tpu.vector_load %arg8[%get3A_1696, %get3A_1697] {strides = array<i32>} : memref<160x128xf32, #tpu.memory_space<vmem>>, vector<16xf32>,
          %get3A_1699 = arith.index_cast %add3A_1656 : i32 to index
          %get3A_1700 = arith.constant 96 : index
          %get3A_1701 = tpu.vector_load %arg8[%get3A_1699, %get3A_1700] {strides = array<i32>} : memref<160x128xf32, #tpu.memory_space<vmem>>, vector<16xf32>,
          %get3A_1702 = arith.index_cast %add3A_1656 : i32 to index
          %get3A_1703 = arith.constant 112 : index
          %get3A_1704 = tpu.vector_load %arg8[%get3A_1702, %get3A_1703] {strides = array<i32>} : memref<160x128xf32, #tpu.memory_space<vmem>>, vector<16xf32>,
          %mul3A_1705 = arith.mulf %get3A_1659, %get3A_1 : vector<16xf32>
          %mul3A_1706 = arith.mulf %get3A_1662, %get3A_3 : vector<16xf32>
          %mul3A_1707 = arith.mulf %get3A_1665, %get3A_5 : vector<16xf32>
          %mul3A_1708 = arith.mulf %get3A_1668, %get3A_7 : vector<16xf32>
          %mul3A_1709 = arith.mulf %get3A_1671, %get3A_9 : vector<16xf32>
          %mul3A_1710 = arith.mulf %get3A_1674, %get3A_11 : vector<16xf32>
          %mul3A_1711 = arith.mulf %get3A_1677, %get3A_13 : vector<16xf32>
          %mul3A_1712 = arith.mulf %get3A_1680, %get3A_15 : vector<16xf32>
          %mul3A_1713 = arith.mulf %get3A_1683, %get3A_1 : vector<16xf32>
          %mul3A_1714 = arith.mulf %get3A_1686, %get3A_3 : vector<16xf32>
          %mul3A_1715 = arith.mulf %get3A_1689, %get3A_5 : vector<16xf32>
          %mul3A_1716 = arith.mulf %get3A_1692, %get3A_7 : vector<16xf32>
          %mul3A_1717 = arith.mulf %get3A_1695, %get3A_9 : vector<16xf32>
          %mul3A_1718 = arith.mulf %get3A_1698, %get3A_11 : vector<16xf32>
          %mul3A_1719 = arith.mulf %get3A_1701, %get3A_13 : vector<16xf32>
          %mul3A_1720 = arith.mulf %get3A_1704, %get3A_15 : vector<16xf32>
          %add3A_1721 = arith.addf %mul3A_1705, %mul3A_1706 : vector<16xf32>
          %add3A_1722 = arith.addf %mul3A_1707, %mul3A_1708 : vector<16xf32>
          %add3A_1723 = arith.addf %add3A_1721, %add3A_1722 : vector<16xf32>
          %add3A_1724 = arith.addf %mul3A_1709, %mul3A_1710 : vector<16xf32>
          %add3A_1725 = arith.addf %mul3A_1711, %mul3A_1712 : vector<16xf32>
          %add3A_1726 = arith.addf %add3A_1724, %add3A_1725 : vector<16xf32>
          %add3A_1727 = arith.addf %add3A_1723, %add3A_1726 : vector<16xf32>
          %add3A_1728 = arith.addf %mul3A_1713, %mul3A_1714 : vector<16xf32>
          %add3A_1729 = arith.addf %mul3A_1715, %mul3A_1716 : vector<16xf32>
          %add3A_1730 = arith.addf %add3A_1728, %add3A_1729 : vector<16xf32>
          %add3A_1731 = arith.addf %mul3A_1717, %mul3A_1718 : vector<16xf32>
          %add3A_1732 = arith.addf %mul3A_1719, %mul3A_1720 : vector<16xf32>
          %add3A_1733 = arith.addf %add3A_1731, %add3A_1732 : vector<16xf32>
          %add3A_1734 = arith.addf %add3A_1730, %add3A_1733 : vector<16xf32>
          %lt3A_1735 = arith.constant 0 : i32
          %lt3A_1736 = vector.broadcast %lt3A_1735 : i32 to vector<16xi32>
          %lt3A_1737 = arith.cmpi slt, %xor3A_55, %lt3A_1736 : vector<16xi32>
          %add3A_1738 = arith.constant 16 : i32
          %add3A_1739 = vector.broadcast %add3A_1738 : i32 to vector<16xi32>
          %add3A_1740 = arith.addi %xor3A_55, %add3A_1739 : vector<16xi32>
          %select_n3A_1741 = arith.select %lt3A_1737, %add3A_1740, %xor3A_55 : vector<16xi1>, vector<16xi32>
          %broadcast_in_dim3A_1742 = vector.shape_cast %select_n3A_1741 : vector<16xi32> to vector<16x1xi32>
          %gather3A_1743 = vector.shape_cast %broadcast_in_dim3A_1742 : vector<16x1xi32> to vector<16xi32>
          %gather3A_1744 = tpu.dynamic_gather %add3A_1727[%gather3A_1743] in [0] : vector<16xf32>, vector<16xi32> -> vector<16xf32>
          %add3A_1745 = arith.addf %add3A_1727, %gather3A_1744 : vector<16xf32>
          %lt3A_1746 = arith.constant 0 : i32
          %lt3A_1747 = vector.broadcast %lt3A_1746 : i32 to vector<16xi32>
          %lt3A_1748 = arith.cmpi slt, %xor3A_55, %lt3A_1747 : vector<16xi32>
          %add3A_1749 = arith.constant 16 : i32
          %add3A_1750 = vector.broadcast %add3A_1749 : i32 to vector<16xi32>
          %add3A_1751 = arith.addi %xor3A_55, %add3A_1750 : vector<16xi32>
          %select_n3A_1752 = arith.select %lt3A_1748, %add3A_1751, %xor3A_55 : vector<16xi1>, vector<16xi32>
          %broadcast_in_dim3A_1753 = vector.shape_cast %select_n3A_1752 : vector<16xi32> to vector<16x1xi32>
          %gather3A_1754 = vector.shape_cast %broadcast_in_dim3A_1753 : vector<16x1xi32> to vector<16xi32>
          %gather3A_1755 = tpu.dynamic_gather %add3A_1734[%gather3A_1754] in [0] : vector<16xf32>, vector<16xi32> -> vector<16xf32>
          %add3A_1756 = arith.addf %add3A_1734, %gather3A_1755 : vector<16xf32>
          %lt3A_1757 = arith.constant 0 : i32
          %lt3A_1758 = vector.broadcast %lt3A_1757 : i32 to vector<16xi32>
          %lt3A_1759 = arith.cmpi slt, %xor3A_58, %lt3A_1758 : vector<16xi32>
          %add3A_1760 = arith.constant 16 : i32
          %add3A_1761 = vector.broadcast %add3A_1760 : i32 to vector<16xi32>
          %add3A_1762 = arith.addi %xor3A_58, %add3A_1761 : vector<16xi32>
          %select_n3A_1763 = arith.select %lt3A_1759, %add3A_1762, %xor3A_58 : vector<16xi1>, vector<16xi32>
          %broadcast_in_dim3A_1764 = vector.shape_cast %select_n3A_1763 : vector<16xi32> to vector<16x1xi32>
          %gather3A_1765 = vector.shape_cast %broadcast_in_dim3A_1764 : vector<16x1xi32> to vector<16xi32>
          %gather3A_1766 = tpu.dynamic_gather %add3A_1745[%gather3A_1765] in [0] : vector<16xf32>, vector<16xi32> -> vector<16xf32>
          %add3A_1767 = arith.addf %add3A_1745, %gather3A_1766 : vector<16xf32>
          %lt3A_1768 = arith.constant 0 : i32
          %lt3A_1769 = vector.broadcast %lt3A_1768 : i32 to vector<16xi32>
          %lt3A_1770 = arith.cmpi slt, %xor3A_58, %lt3A_1769 : vector<16xi32>
          %add3A_1771 = arith.constant 16 : i32
          %add3A_1772 = vector.broadcast %add3A_1771 : i32 to vector<16xi32>
          %add3A_1773 = arith.addi %xor3A_58, %add3A_1772 : vector<16xi32>
          %select_n3A_1774 = arith.select %lt3A_1770, %add3A_1773, %xor3A_58 : vector<16xi1>, vector<16xi32>
          %broadcast_in_dim3A_1775 = vector.shape_cast %select_n3A_1774 : vector<16xi32> to vector<16x1xi32>
          %gather3A_1776 = vector.shape_cast %broadcast_in_dim3A_1775 : vector<16x1xi32> to vector<16xi32>
          %gather3A_1777 = tpu.dynamic_gather %add3A_1756[%gather3A_1776] in [0] : vector<16xf32>, vector<16xi32> -> vector<16xf32>
          %add3A_1778 = arith.addf %add3A_1756, %gather3A_1777 : vector<16xf32>
          %lt3A_1779 = arith.constant 0 : i32
          %lt3A_1780 = vector.broadcast %lt3A_1779 : i32 to vector<16xi32>
          %lt3A_1781 = arith.cmpi slt, %xor3A_61, %lt3A_1780 : vector<16xi32>
          %add3A_1782 = arith.constant 16 : i32
          %add3A_1783 = vector.broadcast %add3A_1782 : i32 to vector<16xi32>
          %add3A_1784 = arith.addi %xor3A_61, %add3A_1783 : vector<16xi32>
          %select_n3A_1785 = arith.select %lt3A_1781, %add3A_1784, %xor3A_61 : vector<16xi1>, vector<16xi32>
          %broadcast_in_dim3A_1786 = vector.shape_cast %select_n3A_1785 : vector<16xi32> to vector<16x1xi32>
          %gather3A_1787 = vector.shape_cast %broadcast_in_dim3A_1786 : vector<16x1xi32> to vector<16xi32>
          %gather3A_1788 = tpu.dynamic_gather %add3A_1767[%gather3A_1787] in [0] : vector<16xf32>, vector<16xi32> -> vector<16xf32>
          %add3A_1789 = arith.addf %add3A_1767, %gather3A_1788 : vector<16xf32>
          %lt3A_1790 = arith.constant 0 : i32
          %lt3A_1791 = vector.broadcast %lt3A_1790 : i32 to vector<16xi32>
          %lt3A_1792 = arith.cmpi slt, %xor3A_61, %lt3A_1791 : vector<16xi32>
          %add3A_1793 = arith.constant 16 : i32
          %add3A_1794 = vector.broadcast %add3A_1793 : i32 to vector<16xi32>
          %add3A_1795 = arith.addi %xor3A_61, %add3A_1794 : vector<16xi32>
          %select_n3A_1796 = arith.select %lt3A_1792, %add3A_1795, %xor3A_61 : vector<16xi1>, vector<16xi32>
          %broadcast_in_dim3A_1797 = vector.shape_cast %select_n3A_1796 : vector<16xi32> to vector<16x1xi32>
          %gather3A_1798 = vector.shape_cast %broadcast_in_dim3A_1797 : vector<16x1xi32> to vector<16xi32>
          %gather3A_1799 = tpu.dynamic_gather %add3A_1778[%gather3A_1798] in [0] : vector<16xf32>, vector<16xi32> -> vector<16xf32>
          %add3A_1800 = arith.addf %add3A_1778, %gather3A_1799 : vector<16xf32>
          %lt3A_1801 = arith.constant 0 : i32
          %lt3A_1802 = vector.broadcast %lt3A_1801 : i32 to vector<16xi32>
          %lt3A_1803 = arith.cmpi slt, %xor3A_64, %lt3A_1802 : vector<16xi32>
          %add3A_1804 = arith.constant 16 : i32
          %add3A_1805 = vector.broadcast %add3A_1804 : i32 to vector<16xi32>
          %add3A_1806 = arith.addi %xor3A_64, %add3A_1805 : vector<16xi32>
          %select_n3A_1807 = arith.select %lt3A_1803, %add3A_1806, %xor3A_64 : vector<16xi1>, vector<16xi32>
          %broadcast_in_dim3A_1808 = vector.shape_cast %select_n3A_1807 : vector<16xi32> to vector<16x1xi32>
          %gather3A_1809 = vector.shape_cast %broadcast_in_dim3A_1808 : vector<16x1xi32> to vector<16xi32>
          %gather3A_1810 = tpu.dynamic_gather %add3A_1789[%gather3A_1809] in [0] : vector<16xf32>, vector<16xi32> -> vector<16xf32>
          %add3A_1811 = arith.addf %add3A_1789, %gather3A_1810 : vector<16xf32>
          %lt3A_1812 = arith.constant 0 : i32
          %lt3A_1813 = vector.broadcast %lt3A_1812 : i32 to vector<16xi32>
          %lt3A_1814 = arith.cmpi slt, %xor3A_64, %lt3A_1813 : vector<16xi32>
          %add3A_1815 = arith.constant 16 : i32
          %add3A_1816 = vector.broadcast %add3A_1815 : i32 to vector<16xi32>
          %add3A_1817 = arith.addi %xor3A_64, %add3A_1816 : vector<16xi32>
          %select_n3A_1818 = arith.select %lt3A_1814, %add3A_1817, %xor3A_64 : vector<16xi1>, vector<16xi32>
          %broadcast_in_dim3A_1819 = vector.shape_cast %select_n3A_1818 : vector<16xi32> to vector<16x1xi32>
          %gather3A_1820 = vector.shape_cast %broadcast_in_dim3A_1819 : vector<16x1xi32> to vector<16xi32>
          %gather3A_1821 = tpu.dynamic_gather %add3A_1800[%gather3A_1820] in [0] : vector<16xf32>, vector<16xi32> -> vector<16xf32>
          %add3A_1822 = arith.addf %add3A_1800, %gather3A_1821 : vector<16xf32>
          %exp3A_1823 = math.exp %add3A_1811 : vector<16xf32>
          %exp3A_1824 = math.exp %add3A_1822 : vector<16xf32>
          %broadcast_in_dim3A_1825 = arith.constant 14 : i32
          %broadcast_in_dim3A_1826 = vector.broadcast %broadcast_in_dim3A_1825 : i32 to vector<16xi32>
          %lt3A_1827 = arith.constant 0 : i32
          %lt3A_1828 = vector.broadcast %lt3A_1827 : i32 to vector<16xi32>
          %lt3A_1829 = arith.cmpi slt, %broadcast_in_dim3A_1826, %lt3A_1828 : vector<16xi32>
          %add3A_1830 = arith.constant 16 : i32
          %add3A_1831 = vector.broadcast %add3A_1830 : i32 to vector<16xi32>
          %add3A_1832 = arith.addi %broadcast_in_dim3A_1826, %add3A_1831 : vector<16xi32>
          %select_n3A_1833 = arith.select %lt3A_1829, %add3A_1832, %broadcast_in_dim3A_1826 : vector<16xi1>, vector<16xi32>
          %broadcast_in_dim3A_1834 = vector.shape_cast %select_n3A_1833 : vector<16xi32> to vector<16x1xi32>
          %gather3A_1835 = vector.shape_cast %broadcast_in_dim3A_1834 : vector<16x1xi32> to vector<16xi32>
          %gather3A_1836 = tpu.dynamic_gather %get3A_141[%gather3A_1835] in [0] : vector<16xi32>, vector<16xi32> -> vector<16xi32>
          %broadcast_in_dim3A_1837 = arith.constant 15 : i32
          %broadcast_in_dim3A_1838 = vector.broadcast %broadcast_in_dim3A_1837 : i32 to vector<16xi32>
          %lt3A_1839 = arith.constant 0 : i32
          %lt3A_1840 = vector.broadcast %lt3A_1839 : i32 to vector<16xi32>
          %lt3A_1841 = arith.cmpi slt, %broadcast_in_dim3A_1838, %lt3A_1840 : vector<16xi32>
          %add3A_1842 = arith.constant 16 : i32
          %add3A_1843 = vector.broadcast %add3A_1842 : i32 to vector<16xi32>
          %add3A_1844 = arith.addi %broadcast_in_dim3A_1838, %add3A_1843 : vector<16xi32>
          %select_n3A_1845 = arith.select %lt3A_1841, %add3A_1844, %broadcast_in_dim3A_1838 : vector<16xi1>, vector<16xi32>
          %broadcast_in_dim3A_1846 = vector.shape_cast %select_n3A_1845 : vector<16xi32> to vector<16x1xi32>
          %gather3A_1847 = vector.shape_cast %broadcast_in_dim3A_1846 : vector<16x1xi32> to vector<16xi32>
          %gather3A_1848 = tpu.dynamic_gather %get3A_141[%gather3A_1847] in [0] : vector<16xi32>, vector<16xi32> -> vector<16xi32>
          %mul3A_1849 = arith.mulf %exp3A_1823, %get3A_1659 : vector<16xf32>
          tpu.vector_store_idx %arg12[%gather3A_1836, %add3A_18], %mul3A_1849 {add = true} : memref<64x128xf32, #tpu.memory_space<vmem>>[vector<16xi32>, vector<16xi32>], vector<16xf32>,
          %mul3A_1850 = arith.mulf %exp3A_1824, %get3A_1683 : vector<16xf32>
          tpu.vector_store_idx %arg12[%gather3A_1848, %add3A_18], %mul3A_1850 {add = true} : memref<64x128xf32, #tpu.memory_space<vmem>>[vector<16xi32>, vector<16xi32>], vector<16xf32>,
          %mul3A_1851 = arith.mulf %exp3A_1823, %get3A_1662 : vector<16xf32>
          tpu.vector_store_idx %arg12[%gather3A_1836, %add3A_22], %mul3A_1851 {add = true} : memref<64x128xf32, #tpu.memory_space<vmem>>[vector<16xi32>, vector<16xi32>], vector<16xf32>,
          %mul3A_1852 = arith.mulf %exp3A_1824, %get3A_1686 : vector<16xf32>
          tpu.vector_store_idx %arg12[%gather3A_1848, %add3A_22], %mul3A_1852 {add = true} : memref<64x128xf32, #tpu.memory_space<vmem>>[vector<16xi32>, vector<16xi32>], vector<16xf32>,
          %mul3A_1853 = arith.mulf %exp3A_1823, %get3A_1665 : vector<16xf32>
          tpu.vector_store_idx %arg12[%gather3A_1836, %add3A_26], %mul3A_1853 {add = true} : memref<64x128xf32, #tpu.memory_space<vmem>>[vector<16xi32>, vector<16xi32>], vector<16xf32>,
          %mul3A_1854 = arith.mulf %exp3A_1824, %get3A_1689 : vector<16xf32>
          tpu.vector_store_idx %arg12[%gather3A_1848, %add3A_26], %mul3A_1854 {add = true} : memref<64x128xf32, #tpu.memory_space<vmem>>[vector<16xi32>, vector<16xi32>], vector<16xf32>,
          %mul3A_1855 = arith.mulf %exp3A_1823, %get3A_1668 : vector<16xf32>
          tpu.vector_store_idx %arg12[%gather3A_1836, %add3A_30], %mul3A_1855 {add = true} : memref<64x128xf32, #tpu.memory_space<vmem>>[vector<16xi32>, vector<16xi32>], vector<16xf32>,
          %mul3A_1856 = arith.mulf %exp3A_1824, %get3A_1692 : vector<16xf32>
          tpu.vector_store_idx %arg12[%gather3A_1848, %add3A_30], %mul3A_1856 {add = true} : memref<64x128xf32, #tpu.memory_space<vmem>>[vector<16xi32>, vector<16xi32>], vector<16xf32>,
          %mul3A_1857 = arith.mulf %exp3A_1823, %get3A_1671 : vector<16xf32>
          tpu.vector_store_idx %arg12[%gather3A_1836, %add3A_34], %mul3A_1857 {add = true} : memref<64x128xf32, #tpu.memory_space<vmem>>[vector<16xi32>, vector<16xi32>], vector<16xf32>,
          %mul3A_1858 = arith.mulf %exp3A_1824, %get3A_1695 : vector<16xf32>
          tpu.vector_store_idx %arg12[%gather3A_1848, %add3A_34], %mul3A_1858 {add = true} : memref<64x128xf32, #tpu.memory_space<vmem>>[vector<16xi32>, vector<16xi32>], vector<16xf32>,
          %mul3A_1859 = arith.mulf %exp3A_1823, %get3A_1674 : vector<16xf32>
          tpu.vector_store_idx %arg12[%gather3A_1836, %add3A_38], %mul3A_1859 {add = true} : memref<64x128xf32, #tpu.memory_space<vmem>>[vector<16xi32>, vector<16xi32>], vector<16xf32>,
          %mul3A_1860 = arith.mulf %exp3A_1824, %get3A_1698 : vector<16xf32>
          tpu.vector_store_idx %arg12[%gather3A_1848, %add3A_38], %mul3A_1860 {add = true} : memref<64x128xf32, #tpu.memory_space<vmem>>[vector<16xi32>, vector<16xi32>], vector<16xf32>,
          %mul3A_1861 = arith.mulf %exp3A_1823, %get3A_1677 : vector<16xf32>
          tpu.vector_store_idx %arg12[%gather3A_1836, %add3A_42], %mul3A_1861 {add = true} : memref<64x128xf32, #tpu.memory_space<vmem>>[vector<16xi32>, vector<16xi32>], vector<16xf32>,
          %mul3A_1862 = arith.mulf %exp3A_1824, %get3A_1701 : vector<16xf32>
          tpu.vector_store_idx %arg12[%gather3A_1848, %add3A_42], %mul3A_1862 {add = true} : memref<64x128xf32, #tpu.memory_space<vmem>>[vector<16xi32>, vector<16xi32>], vector<16xf32>,
          %mul3A_1863 = arith.mulf %exp3A_1823, %get3A_1680 : vector<16xf32>
          tpu.vector_store_idx %arg12[%gather3A_1836, %add3A_46], %mul3A_1863 {add = true} : memref<64x128xf32, #tpu.memory_space<vmem>>[vector<16xi32>, vector<16xi32>], vector<16xf32>,
          %mul3A_1864 = arith.mulf %exp3A_1824, %get3A_1704 : vector<16xf32>
          tpu.vector_store_idx %arg12[%gather3A_1848, %add3A_46], %mul3A_1864 {add = true} : memref<64x128xf32, #tpu.memory_space<vmem>>[vector<16xi32>, vector<16xi32>], vector<16xf32>,
          %add3A_1865 = arith.addf %exp3A_1823, %exp3A_1824 : vector<16xf32>
          %add3A_1866 = arith.addf %add3A_1650, %add3A_1865 : vector<16xf32>
          %get3A_1867 = arith.constant 0 : index
          %get3A_1868 = tpu.vector_load %arg13[%get3A_1867] {strides = array<i32>} : memref<16xf32, #tpu.memory_space<vmem>>, vector<16xf32>,
          %add3A_1869 = arith.addf %get3A_1868, %add3A_1866 : vector<16xf32>
          %swap3A_1870 = arith.constant 0 : index
          %swap3A_1871 = tpu.vector_load %arg13[%swap3A_1870] {strides = array<i32>} : memref<16xf32, #tpu.memory_space<vmem>>, vector<16xf32>,
          tpu.vector_store %arg13[%swap3A_1870], %add3A_1869 {strides = array<i32>} : memref<16xf32, #tpu.memory_space<vmem>>, vector<16xf32>,
        }
        %scan3A_132 = arith.constant 10 : i32
      } else {
      }
    }
    %scan3A_78 = arith.constant 10 : i32
    "tpu.region"() ({
      %run_scoped3A = tpu.sem_alloc : memref<!tpu.dma_semaphore, #tpu.memory_space<semaphore_mem>>
      %dma_start3A_79 = arith.constant 0 : i32
      %dma_start3A_80 = arith.constant 0 : i32
      %dma_start3A_81 = tpu.memref_slice %arg5[%add3A, %dma_start3A_79, %dma_start3A_80] : memref<32x64x128xf32, #tpu.memory_space<hbm>> -> memref<1x64x128xf32, #tpu.memory_space<hbm>>
      %dma_start3A_82 = tpu.memref_squeeze %dma_start3A_81 : memref<1x64x128xf32, #tpu.memory_space<hbm>> -> memref<64x128xf32, #tpu.memory_space<hbm>>
      %dma_start3A_83 = arith.constant 0 : i32
      %dma_start3A_84 = arith.constant 0 : i32
      %dma_start3A_85 = tpu.memref_slice %arg5[%add3A, %dma_start3A_83, %dma_start3A_84] : memref<32x64x128xf32, #tpu.memory_space<hbm>> -> memref<1x64x128xf32, #tpu.memory_space<hbm>>
      %dma_start3A_86 = tpu.memref_squeeze %dma_start3A_85 : memref<1x64x128xf32, #tpu.memory_space<hbm>> -> memref<64x128xf32, #tpu.memory_space<hbm>>
      tpu.enqueue_dma source(%arg12 : memref<64x128xf32, #tpu.memory_space<vmem>>) target(%dma_start3A_86 : memref<64x128xf32, #tpu.memory_space<hbm>>) target_semaphore(%run_scoped3A : memref<!tpu.dma_semaphore, #tpu.memory_space<semaphore_mem>>)
      %dma_wait3A = arith.constant 0 : i32
      %dma_wait3A_87 = arith.constant 0 : i32
      %dma_wait3A_88 = tpu.memref_slice %arg5[%add3A, %dma_wait3A, %dma_wait3A_87] : memref<32x64x128xf32, #tpu.memory_space<hbm>> -> memref<1x64x128xf32, #tpu.memory_space<hbm>>
      %dma_wait3A_89 = tpu.memref_squeeze %dma_wait3A_88 : memref<1x64x128xf32, #tpu.memory_space<hbm>> -> memref<64x128xf32, #tpu.memory_space<hbm>>
      %dma_wait3A_90 = arith.constant 0 : i32
      %dma_wait3A_91 = arith.constant 0 : i32
      %dma_wait3A_92 = tpu.memref_slice %arg5[%add3A, %dma_wait3A_90, %dma_wait3A_91] : memref<32x64x128xf32, #tpu.memory_space<hbm>> -> memref<1x64x128xf32, #tpu.memory_space<hbm>>
      %dma_wait3A_93 = tpu.memref_squeeze %dma_wait3A_92 : memref<1x64x128xf32, #tpu.memory_space<hbm>> -> memref<64x128xf32, #tpu.memory_space<hbm>>
      tpu.wait_dma2 semaphore(%run_scoped3A : memref<!tpu.dma_semaphore, #tpu.memory_space<semaphore_mem>>) src(%arg12 : memref<64x128xf32, #tpu.memory_space<vmem>>) dst(%dma_wait3A_93 : memref<64x128xf32, #tpu.memory_space<hbm>>)
      tpu.yield
    }) : () -> ()
    "tpu.region"() ({
      %run_scoped3A = tpu.sem_alloc : memref<!tpu.dma_semaphore, #tpu.memory_space<semaphore_mem>>
      %dma_start3A_79 = arith.constant 0 : i32
      %dma_start3A_80 = tpu.memref_slice %arg6[%add3A, %dma_start3A_79] : memref<32x16xf32, #tpu.memory_space<hbm>> -> memref<1x16xf32, #tpu.memory_space<hbm>>
      %dma_start3A_81 = tpu.memref_squeeze %dma_start3A_80 : memref<1x16xf32, #tpu.memory_space<hbm>> -> memref<16xf32, #tpu.memory_space<hbm>>
      %dma_start3A_82 = arith.constant 0 : i32
      %dma_start3A_83 = tpu.memref_slice %arg6[%add3A, %dma_start3A_82] : memref<32x16xf32, #tpu.memory_space<hbm>> -> memref<1x16xf32, #tpu.memory_space<hbm>>
      %dma_start3A_84 = tpu.memref_squeeze %dma_start3A_83 : memref<1x16xf32, #tpu.memory_space<hbm>> -> memref<16xf32, #tpu.memory_space<hbm>>
      tpu.enqueue_dma source(%arg13 : memref<16xf32, #tpu.memory_space<vmem>>) target(%dma_start3A_84 : memref<16xf32, #tpu.memory_space<hbm>>) target_semaphore(%run_scoped3A : memref<!tpu.dma_semaphore, #tpu.memory_space<semaphore_mem>>)
      %dma_wait3A = arith.constant 0 : i32
      %dma_wait3A_85 = tpu.memref_slice %arg6[%add3A, %dma_wait3A] : memref<32x16xf32, #tpu.memory_space<hbm>> -> memref<1x16xf32, #tpu.memory_space<hbm>>
      %dma_wait3A_86 = tpu.memref_squeeze %dma_wait3A_85 : memref<1x16xf32, #tpu.memory_space<hbm>> -> memref<16xf32, #tpu.memory_space<hbm>>
      %dma_wait3A_87 = arith.constant 0 : i32
      %dma_wait3A_88 = tpu.memref_slice %arg6[%add3A, %dma_wait3A_87] : memref<32x16xf32, #tpu.memory_space<hbm>> -> memref<1x16xf32, #tpu.memory_space<hbm>>
      %dma_wait3A_89 = tpu.memref_squeeze %dma_wait3A_88 : memref<1x16xf32, #tpu.memory_space<hbm>> -> memref<16xf32, #tpu.memory_space<hbm>>
      tpu.wait_dma2 semaphore(%run_scoped3A : memref<!tpu.dma_semaphore, #tpu.memory_space<semaphore_mem>>) src(%arg13 : memref<16xf32, #tpu.memory_space<vmem>>) dst(%dma_wait3A_89 : memref<16xf32, #tpu.memory_space<hbm>>)
      tpu.yield
    }) : () -> ()
    return
  }
}

module attributes {stable_mosaic.version = 14 : i64} {
  func.func @_finish_body(%arg0: memref<32x64x128xf32, #tpu.memory_space<vmem>>, %arg1: memref<32x16xf32, #tpu.memory_space<vmem>>, %arg2: memref<64x128xf32, #tpu.memory_space<vmem>>) attributes {dimension_semantics = [], scalar_prefetch = 0 : i64, scratch_operands = 0 : i64, tpu.core_type = #tpu.core_type<tc>} {
    %get3A = arith.constant 0 : index
    %get3A_0 = arith.constant 0 : index
    %get3A_1 = vector.load %arg1[%get3A, %get3A_0] : memref<32x16xf32, #tpu.memory_space<vmem>>, vector<32x16xf32>
    %reduce_sum3A = vector.shape_cast %get3A_1 : vector<32x16xf32> to vector<1x32x16xf32>
    %reduce_sum3A_2 = arith.constant dense<0.000000e+00> : vector<1xf32>
    %reduce_sum3A_3 = vector.multi_reduction <add>, %reduce_sum3A, %reduce_sum3A_2 [1, 2] : vector<1x32x16xf32> to vector<1xf32>
    %reduce_sum3A_4 = vector.shape_cast %reduce_sum3A_3 : vector<1xf32> to vector<1x1x1xf32>
    %reduce_sum3A_5 = vector.extract %reduce_sum3A_4[0, 0, 0] : f32 from vector<1x1x1xf32>
    %mul3A = arith.constant 6.250000e-02 : f32
    %mul3A_6 = arith.mulf %reduce_sum3A_5, %mul3A : f32
    %get3A_7 = arith.constant 0 : index
    %get3A_8 = arith.constant 0 : index
    %get3A_9 = arith.constant 0 : index
    %get3A_10 = vector.load %arg0[%get3A_7, %get3A_8, %get3A_9] : memref<32x64x128xf32, #tpu.memory_space<vmem>>, vector<32x64x128xf32>
    %reduce_sum3A_11 = arith.constant dense<0.000000e+00> : vector<64x128xf32>
    %reduce_sum3A_12 = vector.multi_reduction <add>, %get3A_10, %reduce_sum3A_11 [0] : vector<32x64x128xf32> to vector<64x128xf32>
    %div3A = vector.broadcast %mul3A_6 : f32 to vector<64x128xf32>
    %div3A_13 = arith.divf %reduce_sum3A_12, %div3A : vector<64x128xf32>
    %swap3A = arith.constant 0 : index
    %swap3A_14 = arith.constant 0 : index
    %swap3A_15 = vector.load %arg2[%swap3A, %swap3A_14] : memref<64x128xf32, #tpu.memory_space<vmem>>, vector<64x128xf32>
    tpu.vector_store %arg2[%swap3A, %swap3A_14], %div3A_13 {strides = array<i32>} : memref<64x128xf32, #tpu.memory_space<vmem>>, vector<64x128xf32>,
    return
  }
}

</mosaic_0001>

<sc_bundles>
// kernel: kernel.4.cloned.1.call-start
scs
__scs_entry_jumppad:
0x0: {  	(pc) =	sbr.rel $0x88, $3  }
0x1: {  	(tag) =	ssettag $0x0;
	lr =	simm.s32 $0x1  }
0x2: {  	[smem:$0x3F9E] =	sst lr;
	_ =	strace $0xD0000000  }
0x3: {  	_ = 	snop  }
0x4: {  	_ = 	snop  }
0x5: {  	_ = 	snop  }
0x6: {  	_ = 	snop  }
0x7: {  	_ = 	snop  }
__scs_overlays_trampoline_lowered:
0x8: {  	[smem:$0x3FAD] =	sst s0  }
0x9: {  	[smem:$0x3FAE] =	sst s1  }
0xa: {  	[smem:$0x3FAF] =	sst s2  }
0xb: {  	[smem:$0x3FB0] =	sst s3  }
0xc: {  	[smem:$0x3FB1] =	sst s4  }
0xd: {  	[smem:$0x3FB2] =	sst s5  }
0xe: {  	[smem:$0x3FB3] =	sst s6  }
0xf: {  	[smem:$0x3FB4] =	sst s7  }
0x10: {  	[smem:$0x3FB5] =	sst s8  }
0x11: {  	[smem:$0x3FB6] =	sst s9;
	s0 =	simm.s32 @!p0 $0x0  }
0x12: {  	s1 =	sld [smem:$0x3F9C];
	s0 =	simm.s32 @p0 $0x1  }
0x13: {  	[smem:$0x3FB7] =	sst s0;
	s0 =	simm.s32 @!p1 $0x0  }
0x14: {  	s2 =	sld [smem:$0x3F9B];
	s0 =	simm.s32 @p1 $0x1  }
0x15: {  	[smem:$0x3FB8] =	sst s0;
	s0 =	simm.s32 @!p2 $0x0  }
0x16: {  	s3 =	sld [smem:$0x3FDB];
	s0 =	simm.s32 @p2 $0x1  }
0x17: {  	s4 =	simm.s32 $0x1BF5;
	[smem:$0x3FBA] =	sst s0  }
0x18: {  	s0 =	sld [smem:$0x3F9D];
	_ =	swait.ge [sflag:s4], $0x0  }
0x19: {  	s7 =	sld [smem:$0x3F9E]  }
0x1a: {  	s8 =	sadd.s32 $0xFFFFE003, lr  }
0x1b: {  	s9 =	sadd.s32 $0xFFFFFEF7, lr;
	s5 =	simm.s32 $0xFFFFFFFF;
	p2 =	slt.u32 s8, $0xFFFFF086  }
0x1c: {  	p1 =	slt.u32 s9, $0xF7A;
	s5 =	simm.s32 @!p2 $0x0  }
0x1d: {  	s5 =	simm.s32 @p1 $0x1;
	p0 =	seq.s32 s7, s2  }
0x1e: {  	s7 =	smul.u32 @!p0 $0xF7A, s2;
	p2 =	seq.s32 @!p0 s5, $0x0  }
0x1f: {  	s9 =	smul.u32 $0xF7A, s1;
	s8 =	simm.s32 @!p0 $0x1BF5;
	p2 =	por !p2, p0  }
0x20: {  	[sflag:s8] =	ssyncset.s32 @!p0 $0xFFFFF086;
	s6 =	sadd.s32 @!p0 s3, s7;
	s7 =	simm.s32 @!p0 $0x108  }
0x21: {  	s3 =	sadd.s32 s3, s9;
	s6 =	sadd.s32 @!p0 $0x88, s6;
	s7 =	simm.s32 @p2 $0x1082  }
0x22: {  	[simem:s7], [sflag:s8] =	dma.local @!p0 [hbm:s6], $0xF7A  }
0x23: {  	s9 =	sor.u32 $0xD0000000, s2;
	s6 =	simm.s32 $0x108;
	_ =	swait.ge @!p0 [sflag:s8], $0x0  }
0x24: {  	s3 =	sadd.s32 $0x88, s3;
	s6 =	simm.s32 @!p1 $0x1082;
	[sflag:s4] =	ssyncset.s32 $0xFFFFF086  }
0x25: {  	[simem:s6], [sflag:s4] =	dma.local [hbm:s3], $0xF7A  }
0x26: {  	[smem:$0x3F9E] =	sst s1;
	(tag) =	ssettag s2;
	_ =	strace s9  }
0x27: {  	s1 =	sld [smem:$0x3FAE]  }
0x28: {  	s2 =	sld [smem:$0x3FAF]  }
0x29: {  	s4 =	sld [smem:$0x3FB1]  }
0x2a: {  	p0 =	seq.s32 s5, $0x0;
	s5 =	sld [smem:$0x3FB2]  }
0x2b: {  	s6 =	sld [smem:$0x3FB3]  }
0x2c: {  	s7 =	sld [smem:$0x3FB4]  }
0x2d: {  	s3 =	simm.s32 $0x108;
	s8 =	sld [smem:$0x3FB5]  }
0x2e: {  	s3 =	simm.s32 @!p0 $0x1082;
	s9 =	sld [smem:$0x3FB6]  }
0x2f: {  	lr =	sadd.s32 s0, s3;
	s0 =	sld [smem:$0x3FAD]  }
0x30: {  	s3 =	sld [smem:$0x3FB0]  }
0x31: {  	[smem:$0x3FB9] =	sst s10  }
0x32: {  	s10 =	sld [smem:$0x3FB7];
	_ =	sdelay $0x3  }
0x33: {  	p0 =	seq.s32 s10, $0x1;
	s10 =	sld [smem:$0x3FB9];
	_ =	sdelay $0x3  }
0x34: {  	[smem:$0x3FB9] =	sst s10  }
0x35: {  	s10 =	sld [smem:$0x3FB8];
	_ =	sdelay $0x3  }
0x36: {  	p1 =	seq.s32 s10, $0x1;
	s10 =	sld [smem:$0x3FB9];
	_ =	sdelay $0x3  }
0x37: {  	[smem:$0x3FB9] =	sst s10  }
0x38: {  	s10 =	sld [smem:$0x3FBA]  }
0x39: {  	_ = 	snop;
	(pc) =	sbr.ind lr, $3  }
0x3a: {  	_ = 	snop  }
0x3b: {  	_ = 	snop  }
0x3c: {  	p2 =	seq.s32 s10, $0x1;
	s10 =	sld [smem:$0x3FB9]  }
0x3d: {  	_ =	shalt  }
0x3e: {  	_ =	shalt  }
0x3f: {  	_ =	shalt  }
0x40: {  	_ =	shalt  }
0x41: {  	_ =	shalt  }
0x42: {  	_ =	shalt  }
0x43: {  	_ =	shalt  }
0x44: {  	_ =	shalt  }
0x45: {  	_ =	shalt  }
0x46: {  	_ =	shalt  }
0x47: {  	_ =	shalt  }
0x48: {  	_ =	shalt  }
0x49: {  	_ =	shalt  }
0x4a: {  	_ =	shalt  }
0x4b: {  	_ =	shalt  }
0x4c: {  	_ =	shalt  }
0x4d: {  	_ =	shalt  }
0x4e: {  	_ =	shalt  }
0x4f: {  	_ =	shalt  }
0x50: {  	_ =	shalt  }
0x51: {  	_ =	shalt  }
0x52: {  	_ =	shalt  }
0x53: {  	_ =	shalt  }
0x54: {  	_ =	shalt  }
0x55: {  	_ =	shalt  }
0x56: {  	_ =	shalt  }
0x57: {  	_ =	shalt  }
0x58: {  	_ =	shalt  }
0x59: {  	_ =	shalt  }
0x5a: {  	_ =	shalt  }
0x5b: {  	_ =	shalt  }
0x5c: {  	_ =	shalt  }
0x5d: {  	_ =	shalt  }
0x5e: {  	_ =	shalt  }
0x5f: {  	_ =	shalt  }
0x60: {  	_ =	shalt  }
0x61: {  	_ =	shalt  }
0x62: {  	_ =	shalt  }
0x63: {  	_ =	shalt  }
0x64: {  	_ =	shalt  }
0x65: {  	_ =	shalt  }
0x66: {  	_ =	shalt  }
0x67: {  	_ =	shalt  }
0x68: {  	_ =	shalt  }
0x69: {  	_ =	shalt  }
0x6a: {  	_ =	shalt  }
0x6b: {  	_ =	shalt  }
0x6c: {  	_ =	shalt  }
0x6d: {  	_ =	shalt  }
0x6e: {  	_ =	shalt  }
0x6f: {  	_ =	shalt  }
0x70: {  	_ =	shalt  }
0x71: {  	_ =	shalt  }
0x72: {  	_ =	shalt  }
0x73: {  	_ =	shalt  }
0x74: {  	_ =	shalt  }
0x75: {  	_ =	shalt  }
0x76: {  	_ =	shalt  }
0x77: {  	_ =	shalt  }
0x78: {  	_ =	shalt  }
0x79: {  	_ =	shalt  }
0x7a: {  	_ =	shalt  }
0x7b: {  	_ =	shalt  }
0x7c: {  	_ =	shalt  }
0x7d: {  	_ =	shalt  }
0x7e: {  	_ =	shalt  }
0x7f: {  	_ =	shalt  }
0x80: {  	_ =	shalt  }
0x81: {  	_ =	shalt  }
0x82: {  	_ =	shalt  }
0x83: {  	_ =	shalt  }
0x84: {  	_ =	shalt  }
0x85: {  	_ =	shalt  }
0x86: {  	_ =	shalt  }
0x87: {  	_ =	shalt  }
.Lfunc_end0:
.L_simem_size_0:
called_computation_lowered:
.L_overlay_start_0:
0x88: {  	s2 =	sld [smem:$0x3FD9]  }
0x89: {  	s3 =	sld [smem:$0x3FFE];
	_ =	sdelay $0x1  }
0x8a: {  	s1 =	srdreg.scid  }
0x8b: {  	s0 =	sand.u32 $0x1, s1  }
0x8c: {  	s17 =	sshll.u32 s0, $0xA;
	s2 =	sadd.s32 s3, s2  }
0x8d: {  	s2 =	sadd.s32 s2, s17  }
0x8e: {  	[smem:$0x3FC5] =	sst s2  }
0x8f: {  	_ = 	snop  }
0x90: {  	s2 =	sld [smem:$0x3FC9]  }
0x91: {  	s18 =	sld [smem:$0x3FC8]  }
0x92: {  	s4 =	sld [smem:$0x3FC7]  }
0x93: {  	s5 =	sld [smem:$0x3FD0];
	(tm) =	ssettm $0x1  }
0x94: {  	s6 =	sld [smem:$0x3FFB];
	_ =	sdelay $0x3  }
0x95: {  	_ =	strace s6  }
0x96: {  	s6 =	sld [smem:$0x3FFC];
	_ =	sdelay $0x3  }
0x97: {  	_ =	strace s6  }
0x98: {  	s6 =	sld [smem:$0x3FFD];
	_ =	sdelay $0x3  }
0x99: {  	_ =	strace s6  }
0x9a: {  	_ =	strace $0x8FFFFFFF  }
0x9b: {  	s19 =	sld [smem:$0x3FDB];
	_ =	sdelay $0x1  }
0x9c: {  	s7 =	simm.s32 $_scs_section_size  }
0x9d: {  	s8 =	simm.s32 $_size__tile_overlayer_lowered;
	s9 =	simm.s32 $_tile_overlayer_lowered  }
0x9e: {  	s22 =	simm.s32 $0x1BFF;
	s21 =	sshll.u32 s9, $0x1;
	s6 =	sadd.s32 s7, s19  }
0x9f: {  	s10 =	simm.s32 $0x0;
	s20 =	sshll.u32 s8, $0x1;
	s8 =	sadd.s32 s21, s6  }
0xa0: {  	[timem:s10], [sflag:s22] =	dma.local [hbm:s8], s20  }
0xa1: {  	_ =	swait.ge [sflag:s22], s20  }
0xa2: {  	s7 =	ssub.s32 $0x0, s20;
	[sflag:s22] =	ssyncset.done $0x0  }
0xa3: {  	[sflag:s22] =	ssyncadd.s32 s7;
	_ =	sdelay $0x1  }
0xa4: {  	s23 =	simm.s32 $0x1B8B  }
0xa5: {  	_ =	swait.ge [sflag:s23], $0x1  }
0xa6: {  	[sflag:s23] =	ssyncset.done $0x0  }
0xa7: {  	s25 =	simm.s32 $0x1B8E;
	s24 =	sld [smem:$0x3FFE];
	[sflag:s23] =	ssyncadd.s32 $0xFFFFFFFF  }
0xa8: {  	s26 =	simm.s32 $execute0_lowered;
	[smem:$0x3FD2] =	sst s25  }
0xa9: {  	s8 =	sshll.u32 s26, $0x1;
	_ =	strace $0x80000046;
	[dreg:$0x1] =	wrdreg $0xFFFFFFFF  }
0xaa: {  	s28 =	simm.s32 $_size_execute0_lowered;
	s6 =	sadd.s32 s6, s8;
	[dreg:$0x0] =	wrdreg $0x0  }
0xab: {  	s8 =	sshll.u32 s28, $0x1;
	[dreg:$0x2] =	wrdreg s6  }
0xac: {  	[dreg:$0x3] =	wrdreg s8  }
0xad: {  	[dreg:$0x4] =	wrdreg $0xC0  }
0xae: {  	_ =	task [dreg:s10], $0x5FFFF  }
0xaf: {  	[dreg:$0x1] =	wrdreg $0xFFFFFFFF  }
0xb0: {  	[dreg:$0x0] =	wrdreg $0x60  }
0xb1: {  	[dreg:$0x2] =	wrdreg s2  }
0xb2: {  	[dreg:$0x3] =	wrdreg s18  }
0xb3: {  	[dreg:$0x4] =	wrdreg s4  }
0xb4: {  	[dreg:$0x5] =	wrdreg s24  }
0xb5: {  	[dreg:$0x6] =	wrdreg s5  }
0xb6: {  	[dreg:$0x7] =	wrdreg $0x9  }
0xb7: {  	_ =	task.clear_ibuf [dreg:s10], $0x8FFFF;
	_ =	strace $0x90000046  }
0xb8: {  	s29 =	simm.s32 $0x9;
	_ =	strace $0x80000048  }
0xb9: {  	_ =	swait.ge [sflag:s29], $0x1  }
0xba: {  	[sflag:s29] =	ssyncadd.s32 $0xFFFFFFFF  }
0xbb: {  	_ =	strace $0x90000048  }
0xbc: {  	_ =	sfence  }
0xbd: {  	s30 =	sld [smem:$0x0];
	_ =	sdelay $0x2  }
0xbe: {  	s31 =	sshll.u32 s1, $0xD;
	s1 =	sshrl.u32 s1, $0x2  }
0xbf: {  	s3 =	sand.u32 $0x4000, s31;
	s1 =	sadd.s32 s1, s30  }
0xc0: {  	s0 =	sor.u32 s3, s0;
	s1 =	sshll.u32 s1, $0x11  }
0xc1: {  	s0 =	sor.u32 s1, s0  }
0xc2: {  	s0 =	sadd.s32 $0x8F2B, s0  }
0xc3: {  	[sflag:s0] =	ssyncadd.remote.s32 $0x1  }
0xc4: {  	_ =	sfence.sel $0xFFFF  }
0xc5: {  	[dreg:$0x0] =	wrdreg $0xFFFFFFFF;
	(pc) =	sbr.abs _section_cstart, $3  }
0xc6: {  	[dreg:$0x1] =	wrdreg $0xFFFFFFFF  }
0xc7: {  	_ =	task.clear_ibuf [dreg:s10], $0x2FFFF;
	_ =	strace $0x9FFFFFFF  }
0xc8: {  	(tm) =	ssettm $0x7FFFFFFF  }
0xc9: {  	_ =	shalt  }
tec
execute0_lowered:
.L_overlay_start_1:
0x0: {  	(tag) =	ssettag $0x1  }
0x1: {  	v0 =	vimm.s32 $0xFEDCBA98  }
0x2: {  	v1 =	vimm.s32 $0x76543210;
	v2 =	vimm.s32 $0xBA98FEDC;
	v3 =	vimm.s32 $0x32107654  }
0x3: {  	v4 =	vimm.s32 $0xDCFE98BA;
	s0 =	rddreg [dreg:$0x0];
	v5 =	vimm.s32 $0x54761032;
	v6 =	vimm.s32 $0xEFCDAB89  }
0x4: {  	v7 =	vimm.s32 $0x67452301;
	s1 =	rddreg [dreg:$0x1];
	v17 =	vimm.s32 $0x0;
	v18 =	vimm.s32 $0x1  }
0x5: {  	s2 =	rddreg [dreg:$0x2];
	v24 =	vimm.s32 $0x7;
	v20 =	vimm.s32 $0x2;
	v21 =	vimm.s32 $0x3  }
0x6: {  	s7 =	rddreg [dreg:$0x3];
	v22 =	vimm.s32 $0x4;
	v23 =	vimm.s32 $0x5;
	v25 =	vimm.s32 $0x6  }
0x7: {  	s10 =	rddreg [dreg:$0x4];
	v26 =	vimm.s32 $0x8;
	v27 =	vimm.s32 $0x9;
	v28 =	vimm.s32 $0xA  }
0x8: {  	s3 =	rddreg [dreg:$0x5];
	v0 =	vunpack.c.l.s4.s8 v0;
	v1 =	vunpack.c.l.s4.s8 v1;
	v2 =	vunpack.c.l.s4.s8 v2  }
0x9: {  	s5 =	simm.s32 $0x0;
	s6 =	srdreg.scid;
	s4 =	stileid.u32;
	v3 =	vunpack.c.l.s4.s8 v3;
	v4 =	vunpack.c.l.s4.s8 v4;
	v5 =	vunpack.c.l.s4.s8 v5  }
0xa: {  	s14 =	simm.s32 $0xA000;
	s15 =	simm.s32 $0x1;
	s16 =	simm.s32 $0xA280;
	v6 =	vunpack.c.l.s4.s8 v6;
	v7 =	vunpack.c.l.s4.s8 v7;
	v0 =	vunpack.c.0.s8.s32 v0  }
0xb: {  	s17 =	simm.s32 $0x2;
	s8 =	sand.u32 $0x1, s6;
	s29 =	sshll.u32 s4, $0x1;
	v2 =	vunpack.c.0.s8.s32 v2;
	v3 =	vunpack.c.0.s8.s32 v3;
	v4 =	vunpack.c.0.s8.s32 v4  }
0xc: {  	s18 =	simm.s32 $0xC280;
	[smem:$0x7FF] =	sst s5;
	s6 =	sor.u32 s8, s29;
	v5 =	vunpack.c.0.s8.s32 v5;
	v6 =	vunpack.c.0.s8.s32 v6;
	v7 =	vunpack.c.0.s8.s32 v7  }
0xd: {  	s19 =	simm.s32 $0x0;
	_ =	strace $0x80000047;
	v1 =	vunpack.c.0.s8.s32 v1;
	s11 =	smul.u32 $0xA00, s6;
	v2 =	vcombine.low v3, v2;
	v3 =	vand.u32 $0xF, v0  }
.Ltmp0:
0xe: {  	s8 =	ssub.s32 $0x2, s8;
	s9 =	sshll.u32 s6, $0xA;
	v4 =	vcombine.low v5, v4;
	v5 =	vcombine.low v7, v6;
	v7 =	vlaneseq.u32;
	(pc) =	sbr.rel .LBB2_1-.Ltmp0, $4  }
0xf: {  	s30 =	sshrl.u32 s8, $0x1;
	s12 =	smul.u32 $0x14, s6;
	s31 =	sshll.u32 s6, $0x4;
	v0 =	vimm.f32 $0.0e+00;
	v1 =	vcombine.low v3, v1;
	v9 =	vor.u32 $0x10, v7  }
0x10: {  	s9 =	sadd.s32 s9, s7;
	s13 =	ssub.s32 s8, s30;
	s10 =	sadd.s32 s10, s31;
	v10 =	vor.u32 $0x20, v7;
	v11 =	vor.u32 $0x30, v7;
	v12 =	vor.u32 $0x40, v7  }
0x11: {  	s7 =	sadd.s32 s0, s11;
	s8 =	sadd.s32 s1, s12;
	s9 =	sadd.s32 $0xC00, s9;
	v13 =	vor.u32 $0x50, v7;
	v14 =	vor.u32 $0x60, v7;
	v15 =	vor.u32 $0x70, v7  }
0x12: {  	s11 =	smax.u32 s13, $0x1;
	s12 =	simm.s32 $0xA200;
	s13 =	simm.s32 $0x3;
	v2 =	vand.u32 $0xF, v2;
	v3 =	vand.u32 $0xF, v4;
	v4 =	vand.u32 $0xF, v5  }
.LBB2_12:
0x13: {  	[hbm4b:s9+s5] =	stream.linear.scatter [tilespmem:s16], [sflag:$0x3], $0x2000, $0x38;
	[tilespmem:$0xC300] =	vst v63  }
0x14: {  	s19 =	sadd.s32 $0x1, s19;
	_ =	swait.ge [sflag:s13], $0x2000  }
0x15: {  	p0 =	sne.s32 s19, s11;
	[sflag:s13] =	ssyncset.done $0x0  }
.Ltmp1:
0x16: {  	[sflag:s13] =	ssyncadd.s32 $0xFFFFE000;
	(pc) =	sbr.rel @!p0 .LBB2_13-.Ltmp1, $4  }
0x17: {  	[hbm4b:s10+s5] =	stream.linear.scatter [tilespmem:s18], [sflag:$0x3], $0x80, $0x38;
	[tilespmem:$0xC300] =	vst v63  }
0x18: {  	_ =	swait.ge [sflag:s13], $0x80  }
0x19: {  	[sflag:s13] =	ssyncset.done $0x0  }
0x1a: {  	[sflag:s13] =	ssyncadd.s32 $0xFFFFFF80  }
.LBB2_1:
0x1b: {  	[tilespmem:s12], [sflag:$0x3] =	stream.linear.gather [hbm4b:s2+s5], $0x80, $0x38;
	[tilespmem:$0xC300] =	vst v63  }
0x1c: {  	_ =	swait.ge [sflag:s13], $0x80  }
0x1d: {  	[sflag:s13] =	ssyncset.done $0x0  }
0x1e: {  	[sflag:s13] =	ssyncadd.s32 $0xFFFFFF80  }
0x1f: {  	v29 =	vld [tilespmem:$0xA200]  }
0x20: {  	v30 =	vld [tilespmem:$0xA210]  }
0x21: {  	v31 =	vld [tilespmem:$0xA220]  }
0x22: {  	v32 =	vld [tilespmem:$0xA230]  }
0x23: {  	v33 =	vld [tilespmem:$0xA240]  }
0x24: {  	v34 =	vld [tilespmem:$0xA250]  }
0x25: {  	v35 =	vld [tilespmem:$0xA260]  }
0x26: {  	s20 =	simm.s32 $0x0;
	s21 =	simm.s32 $0x200;
	v36 =	vld [tilespmem:$0xA270]  }
.LBB2_2:
0x27: {  	p0 =	sne.s32 s21, $0x7E00;
	[tilespmem:s20+$0xA2F0] =	vst v0  }
0x28: {  	[tilespmem:s20+$0xA280] =	vst v0  }
0x29: {  	[tilespmem:s20+$0xA290] =	vst v0  }
.Ltmp2:
0x2a: {  	[tilespmem:s20+$0xA2A0] =	vst v0;
	(pc) =	sbr.rel @p0 .LBB2_2-.Ltmp2, $4  }
0x2b: {  	[tilespmem:s20+$0xA2B0] =	vst v0  }
0x2c: {  	[tilespmem:s20+$0xA2C0] =	vst v0  }
0x2d: {  	[tilespmem:s20+$0xA2D0] =	vst v0  }
0x2e: {  	[tilespmem:s20+$0xA2E0] =	vst v0;
	s20 =	sshra.s32 s21, $0x2;
	s21 =	sadd.s32 $0x200, s21  }
0x2f: {  	[tilespmem:s20+$0xA2F0] =	vst v0  }
0x30: {  	[tilespmem:s20+$0xA280] =	vst v0  }
0x31: {  	[tilespmem:s20+$0xA290] =	vst v0  }
0x32: {  	[tilespmem:s20+$0xA2A0] =	vst v0  }
0x33: {  	[tilespmem:s20+$0xA2B0] =	vst v0  }
0x34: {  	[tilespmem:s20+$0xA2C0] =	vst v0  }
0x35: {  	[tilespmem:s20+$0xA2D0] =	vst v0  }
.Ltmp3:
0x36: {  	[tilespmem:s20+$0xA2E0] =	vst v0;
	(pc) =	sbr.rel .LBB2_4-.Ltmp3, $4  }
0x37: {  	s20 =	simm.s32 $0x0;
	[tilespmem:$0xC280] =	vst v0  }
0x38: {  	[tilespmem:s20], [sflag:$0x1] =	stream.linear.gather [hbm4b:s7+s20], $0x5000, $0x38;
	[tilespmem:$0xC300] =	vst v63  }
0x39: {  	_ = 	snop  }
0x3a: {  	[tilespmem:s14], [sflag:$0x1] =	stream.linear.gather [hbm4b:s8+s20], $0xA0, $0x38;
	[tilespmem:$0xC300] =	vst v63  }
.LBB2_11:
0x3b: {  	s20 =	sadd.s32 $0x1, s20  }
0x3c: {  	p0 =	sne.s32 s20, $0xA  }
.Ltmp4:
0x3d: {  	_ = 	snop;
	(pc) =	sbr.rel @!p0 .LBB2_12-.Ltmp4, $4  }
0x3e: {  	v17 =	vimm.s32 $0x0;
	v18 =	vimm.s32 $0x1  }
0x3f: {  	v24 =	vimm.s32 $0x7;
	v20 =	vimm.s32 $0x2;
	v21 =	vimm.s32 $0x3  }
0x40: {  	v22 =	vimm.s32 $0x4;
	v23 =	vimm.s32 $0x5;
	v25 =	vimm.s32 $0x6  }
0x41: {  	v26 =	vimm.s32 $0x8;
	v27 =	vimm.s32 $0x9;
	v28 =	vimm.s32 $0xA  }
.LBB2_4:
0x42: {  	s21 =	sshll.u32 s20, $0x6  }
0x43: {  	s21 =	sor.u32 s6, s21  }
0x44: {  	s22 =	sor.u32 $0x20, s21  }
0x45: {  	p0 =	sgt.u32 s22, $0x270  }
0x46: {  	s23 =	smul.u32 @!p0 $0xA00, s22  }
0x47: {  	s24 =	simm.s32 @!p0 $0x0  }
0x48: {  	s25 =	simm.s32 @!p0 $0x5000;
	s26 =	smul.u32 @!p0 $0x14, s22;
	s23 =	sadd.s32 @!p0 s0, s23  }
0x49: {  	[tilespmem:s25], [sflag:$0x2] =	stream.linear.gather @!p0 [hbm4b:s23+s24], $0x5000, $0x38;
	[tilespmem:$0xC300] =	vst v63  }
0x4a: {  	s23 =	sadd.s32 @!p0 s1, s26;
	s25 =	simm.s32 @!p0 $0xA100  }
0x4b: {  	[tilespmem:s25], [sflag:$0x2] =	stream.linear.gather @!p0 [hbm4b:s23+s24], $0xA0, $0x38;
	[tilespmem:$0xC300] =	vst v63  }
0x4c: {  	_ =	swait.ge [sflag:s15], $0x5000  }
0x4d: {  	[sflag:s15] =	ssyncset.done $0x0  }
0x4e: {  	[sflag:s15] =	ssyncadd.s32 $0xFFFFB000  }
0x4f: {  	_ =	swait.ge [sflag:s15], $0xA0  }
0x50: {  	[sflag:s15] =	ssyncset.done $0x0  }
0x51: {  	s23 =	simm.s32 $0x400;
	s24 =	simm.s32 $0x0;
	[sflag:s15] =	ssyncadd.s32 $0xFFFFFF60  }
.LBB2_5:
0x52: {  	v40 =	vld [tilespmem:s23+$0xFFFFFC00]  }
0x53: {  	v41 =	vld [tilespmem:s23+$0xFFFFFC10]  }
0x54: {  	v42 =	vld [tilespmem:s23+$0xFFFFFC20]  }
0x55: {  	v43 =	vld [tilespmem:s23+$0xFFFFFC30]  }
0x56: {  	v44 =	vld [tilespmem:s23+$0xFFFFFC40]  }
0x57: {  	v45 =	vld [tilespmem:s23+$0xFFFFFC50]  }
0x58: {  	v46 =	vld [tilespmem:s23+$0xFFFFFC60]  }
0x59: {  	v47 =	vld [tilespmem:s23+$0xFFFFFC70]  }
0x5a: {  	v48 =	vld [tilespmem:s23+$0xFFFFFC80]  }
0x5b: {  	v49 =	vld [tilespmem:s23+$0xFFFFFC90]  }
0x5c: {  	v50 =	vld [tilespmem:s23+$0xFFFFFCA0]  }
0x5d: {  	v51 =	vld [tilespmem:s23+$0xFFFFFCB0]  }
0x5e: {  	v52 =	vld [tilespmem:s23+$0xFFFFFCC0];
	v37 =	vmul.f32 v40, v29;
	v38 =	vmul.f32 v41, v30  }
0x5f: {  	v53 =	vld [tilespmem:s23+$0xFFFFFCD0];
	v39 =	vmul.f32 v42, v31;
	v54 =	vmul.f32 v43, v32  }
0x60: {  	v55 =	vld [tilespmem:s23+$0xFFFFFCE0];
	v56 =	vmul.f32 v44, v33;
	v57 =	vmul.f32 v45, v34  }
0x61: {  	v58 =	vld [tilespmem:s23+$0xFFFFFCF0];
	v59 =	vmul.f32 v46, v35;
	v60 =	vmul.f32 v47, v36  }
0x62: {  	v61 =	vmul.f32 v48, v29;
	v62 =	vmul.f32 v49, v30  }
0x63: {  	v63 =	vmul.f32 v50, v31;
	v5 =	vmul.f32 v51, v32  }
0x64: {  	v6 =	vmul.f32 v52, v33;
	v8 =	vmul.f32 v53, v34  }
0x65: {  	v16 =	vmul.f32 v55, v35;
	v37 =	vadd.f32 v38, v37;
	v38 =	vadd.f32 v54, v39  }
0x66: {  	v39 =	vmul.f32 v58, v36;
	v54 =	vadd.f32 v57, v56;
	v56 =	vadd.f32 v60, v59  }
0x67: {  	v60 =	vadd.f32 v62, v61;
	v5 =	vadd.f32 v5, v63  }
0x68: {  	v6 =	vadd.f32 v8, v6;
	v8 =	vadd.f32 v39, v16  }
0x69: {  	v16 =	vadd.f32 v38, v37;
	v61 =	vadd.f32 v56, v54  }
0x6a: {  	v5 =	vadd.f32 v5, v60;
	v6 =	vadd.f32 v8, v6  }
0x6b: {  	v8 =	vadd.f32 v61, v16  }
0x6c: {  	v5 =	vadd.f32 v6, v5  }
0x6d: {  	v6 =	vperm.xlane v8, v1  }
0x6e: {  	v16 =	vperm.xlane v5, v1  }
0x6f: {  	v6 =	vadd.f32 v6, v8  }
0x70: {  	v5 =	vadd.f32 v5, v16  }
0x71: {  	v8 =	vperm.xlane v6, v2  }
0x72: {  	v16 =	vperm.xlane v5, v2  }
0x73: {  	v6 =	vadd.f32 v8, v6  }
0x74: {  	v5 =	vadd.f32 v5, v16  }
0x75: {  	v8 =	vperm.xlane v6, v3  }
0x76: {  	v16 =	vperm.xlane v5, v3  }
0x77: {  	v6 =	vadd.f32 v8, v6  }
0x78: {  	v5 =	vadd.f32 v16, v5  }
0x79: {  	v8 =	vperm.xlane v6, v4  }
0x7a: {  	v16 =	vperm.xlane v5, v4  }
0x7b: {  	v6 =	vadd.f32 v8, v6  }
0x7c: {  	v5 =	vadd.f32 v16, v5  }
0x7d: {  	s25 =	sshra.s32 s24, $0x2;
	v6 =	vmul.f32 $1.442695020e+00, v6  }
0x7e: {  	v39 =	vld [tilespmem:s25+$0xA000];
	v5 =	vmul.f32 $1.442695020e+00, v5  }
0x7f: {  	(erf) = vpow2.f32 v6  }
0x80: {  	(erf) = vpow2.f32 v5;
	_ =	sdelay $0x2  }
0x81: {  	v5 =	vperm.xlane v39, v17  }
0x82: {  	v6 =	vperm.xlane v39, v18  }
0x83: {  	v5 =	vshll.u32 v5, $0x7  }
0x84: {  	v6 =	vshll.u32 v6, $0x7;
	v8 =	vor.u32 v7, v5  }
0x85: {  	v16 =	vor.u32 v7, v6  }
0x86: {  	v62 =	vor.u32 v9, v5;
	v37 =	vpop (erf)  }
0x87: {  	v63 =	vor.u32 v9, v6;
	v40 =	vmul.f32 v37, v40;
	v38 =	vpop (erf)  }
0x88: {  	v57 =	vor.u32 v10, v5;
	v48 =	vmul.f32 v38, v48  }
0x89: {  	v60 =	vor.u32 v10, v6;
	[tilespmem:v8+s16+$0x0] =	vst.idx.add.f32.msk $0xffff, v40;
	v8 =	vmul.f32 v37, v41  }
0x8a: {  	v61 =	vor.u32 v11, v5;
	[tilespmem:v16+s16+$0x0] =	vst.idx.add.f32.msk $0xffff, v48;
	v16 =	vmul.f32 v38, v49  }
0x8b: {  	[tilespmem:v62+s16+$0x0] =	vst.idx.add.f32.msk $0xffff, v8;
	v8 =	vmul.f32 v37, v42;
	v62 =	vor.u32 v11, v6  }
0x8c: {  	[tilespmem:v63+s16+$0x0] =	vst.idx.add.f32.msk $0xffff, v16;
	v16 =	vmul.f32 v38, v50;
	v63 =	vor.u32 v12, v5  }
0x8d: {  	v54 =	vor.u32 v12, v6;
	[tilespmem:v57+s16+$0x0] =	vst.idx.add.f32.msk $0xffff, v8;
	v8 =	vmul.f32 v37, v43  }
0x8e: {  	v56 =	vor.u32 v13, v5;
	[tilespmem:v60+s16+$0x0] =	vst.idx.add.f32.msk $0xffff, v16;
	v16 =	vmul.f32 v38, v51  }
0x8f: {  	v57 =	vor.u32 v13, v6;
	[tilespmem:v61+s16+$0x0] =	vst.idx.add.f32.msk $0xffff, v8;
	v8 =	vmul.f32 v37, v44  }
0x90: {  	v59 =	vor.u32 v14, v5;
	[tilespmem:v62+s16+$0x0] =	vst.idx.add.f32.msk $0xffff, v16;
	v16 =	vmul.f32 v38, v52  }
0x91: {  	v60 =	vor.u32 v14, v6;
	[tilespmem:v63+s16+$0x0] =	vst.idx.add.f32.msk $0xffff, v8;
	v8 =	vmul.f32 v37, v45  }
0x92: {  	v5 =	vor.u32 v15, v5;
	[tilespmem:v54+s16+$0x0] =	vst.idx.add.f32.msk $0xffff, v16;
	v16 =	vmul.f32 v38, v53  }
0x93: {  	v6 =	vor.u32 v15, v6;
	[tilespmem:v56+s16+$0x0] =	vst.idx.add.f32.msk $0xffff, v8;
	v8 =	vmul.f32 v37, v46  }
0x94: {  	[tilespmem:v57+s16+$0x0] =	vst.idx.add.f32.msk $0xffff, v16;
	v16 =	vmul.f32 v38, v55  }
0x95: {  	[tilespmem:v59+s16+$0x0] =	vst.idx.add.f32.msk $0xffff, v8;
	v8 =	vmul.f32 v37, v47  }
0x96: {  	[tilespmem:v60+s16+$0x0] =	vst.idx.add.f32.msk $0xffff, v16;
	v16 =	vmul.f32 v38, v58  }
0x97: {  	[tilespmem:v5+s16+$0x0] =	vst.idx.add.f32.msk $0xffff, v8  }
0x98: {  	[tilespmem:v6+s16+$0x0] =	vst.idx.add.f32.msk $0xffff, v16  }
0x99: {  	v5 =	vld [tilespmem:s23+$0xFFFFFD00]  }
0x9a: {  	v6 =	vld [tilespmem:s23+$0xFFFFFD10]  }
0x9b: {  	v8 =	vld [tilespmem:s23+$0xFFFFFD20]  }
0x9c: {  	v16 =	vld [tilespmem:s23+$0xFFFFFD30]  }
0x9d: {  	v42 =	vld [tilespmem:s23+$0xFFFFFD40]  }
0x9e: {  	v43 =	vld [tilespmem:s23+$0xFFFFFD50]  }
0x9f: {  	v44 =	vld [tilespmem:s23+$0xFFFFFD60]  }
0xa0: {  	v45 =	vld [tilespmem:s23+$0xFFFFFD70]  }
0xa1: {  	v46 =	vld [tilespmem:s23+$0xFFFFFD80]  }
0xa2: {  	v47 =	vld [tilespmem:s23+$0xFFFFFD90]  }
0xa3: {  	v48 =	vld [tilespmem:s23+$0xFFFFFDA0]  }
0xa4: {  	v49 =	vld [tilespmem:s23+$0xFFFFFDB0]  }
0xa5: {  	v50 =	vld [tilespmem:s23+$0xFFFFFDC0];
	v40 =	vmul.f32 v5, v29;
	v41 =	vmul.f32 v6, v30  }
0xa6: {  	v51 =	vld [tilespmem:s23+$0xFFFFFDD0];
	v52 =	vmul.f32 v8, v31;
	v53 =	vmul.f32 v16, v32  }
0xa7: {  	v54 =	vld [tilespmem:s23+$0xFFFFFDE0];
	v55 =	vmul.f32 v42, v33;
	v56 =	vmul.f32 v43, v34  }
0xa8: {  	v57 =	vld [tilespmem:s23+$0xFFFFFDF0];
	v58 =	vmul.f32 v44, v35;
	v59 =	vmul.f32 v45, v36  }
0xa9: {  	v60 =	vmul.f32 v46, v29;
	v61 =	vmul.f32 v47, v30  }
0xaa: {  	v62 =	vmul.f32 v48, v31;
	v63 =	vmul.f32 v49, v32  }
0xab: {  	v17 =	vmul.f32 v50, v33;
	v18 =	vmul.f32 v51, v34  }
0xac: {  	v19 =	vmul.f32 v54, v35;
	v40 =	vadd.f32 v41, v40;
	v41 =	vadd.f32 v53, v52  }
0xad: {  	v52 =	vmul.f32 v57, v36;
	v53 =	vadd.f32 v56, v55;
	v55 =	vadd.f32 v59, v58  }
0xae: {  	v61 =	vadd.f32 v61, v60;
	v63 =	vadd.f32 v63, v62  }
0xaf: {  	v17 =	vadd.f32 v18, v17;
	v18 =	vadd.f32 v52, v19  }
0xb0: {  	v19 =	vadd.f32 v41, v40;
	v55 =	vadd.f32 v55, v53  }
0xb1: {  	v58 =	vadd.f32 v63, v61;
	v17 =	vadd.f32 v18, v17  }
0xb2: {  	v18 =	vadd.f32 v55, v19  }
0xb3: {  	v17 =	vadd.f32 v17, v58  }
0xb4: {  	v19 =	vperm.xlane v18, v1  }
0xb5: {  	v59 =	vperm.xlane v17, v1  }
0xb6: {  	v18 =	vadd.f32 v19, v18  }
0xb7: {  	v17 =	vadd.f32 v17, v59  }
0xb8: {  	v19 =	vperm.xlane v18, v2  }
0xb9: {  	v40 =	vperm.xlane v17, v2  }
0xba: {  	v18 =	vadd.f32 v19, v18  }
0xbb: {  	v17 =	vadd.f32 v17, v40  }
0xbc: {  	v19 =	vperm.xlane v18, v3  }
0xbd: {  	v40 =	vperm.xlane v17, v3  }
0xbe: {  	v18 =	vadd.f32 v19, v18  }
0xbf: {  	v17 =	vadd.f32 v40, v17  }
0xc0: {  	v19 =	vperm.xlane v18, v4  }
0xc1: {  	v40 =	vperm.xlane v17, v4  }
0xc2: {  	v18 =	vadd.f32 v19, v18  }
0xc3: {  	v17 =	vadd.f32 v40, v17  }
0xc4: {  	v18 =	vmul.f32 $1.442695020e+00, v18  }
0xc5: {  	v17 =	vmul.f32 $1.442695020e+00, v17  }
0xc6: {  	(erf) = vpow2.f32 v18  }
0xc7: {  	(erf) = vpow2.f32 v17;
	_ =	sdelay $0x2  }
0xc8: {  	v17 =	vperm.xlane v39, v20  }
0xc9: {  	v18 =	vperm.xlane v39, v21  }
0xca: {  	v17 =	vshll.u32 v17, $0x7  }
0xcb: {  	v18 =	vshll.u32 v18, $0x7;
	v19 =	vor.u32 v7, v17  }
0xcc: {  	v60 =	vor.u32 v7, v18  }
0xcd: {  	v61 =	vor.u32 v9, v17;
	v40 =	vpop (erf)  }
0xce: {  	v62 =	vor.u32 v9, v18;
	v5 =	vmul.f32 v40, v5;
	v41 =	vpop (erf)  }
0xcf: {  	v63 =	vor.u32 v10, v17;
	v46 =	vmul.f32 v41, v46  }
0xd0: {  	[tilespmem:v19+s16+$0x0] =	vst.idx.add.f32.msk $0xffff, v5;
	v5 =	vmul.f32 v40, v6;
	v6 =	vor.u32 v10, v18  }
0xd1: {  	v52 =	vor.u32 v11, v17;
	v19 =	vmul.f32 v41, v47;
	[tilespmem:v60+s16+$0x0] =	vst.idx.add.f32.msk $0xffff, v46  }
0xd2: {  	[tilespmem:v61+s16+$0x0] =	vst.idx.add.f32.msk $0xffff, v5;
	v5 =	vmul.f32 v40, v8;
	v8 =	vor.u32 v11, v18  }
0xd3: {  	v55 =	vor.u32 v12, v17;
	[tilespmem:v62+s16+$0x0] =	vst.idx.add.f32.msk $0xffff, v19;
	v19 =	vmul.f32 v41, v48  }
0xd4: {  	[tilespmem:v63+s16+$0x0] =	vst.idx.add.f32.msk $0xffff, v5;
	v5 =	vmul.f32 v40, v16;
	v16 =	vor.u32 v12, v18  }
0xd5: {  	[tilespmem:v6+s16+$0x0] =	vst.idx.add.f32.msk $0xffff, v19;
	v6 =	vmul.f32 v41, v49;
	v19 =	vor.u32 v13, v17  }
0xd6: {  	v58 =	vor.u32 v13, v18;
	[tilespmem:v52+s16+$0x0] =	vst.idx.add.f32.msk $0xffff, v5;
	v5 =	vmul.f32 v40, v42  }
0xd7: {  	[tilespmem:v8+s16+$0x0] =	vst.idx.add.f32.msk $0xffff, v6;
	v6 =	vmul.f32 v41, v50;
	v8 =	vor.u32 v14, v17  }
0xd8: {  	v59 =	vor.u32 v14, v18;
	[tilespmem:v55+s16+$0x0] =	vst.idx.add.f32.msk $0xffff, v5;
	v5 =	vmul.f32 v40, v43  }
0xd9: {  	[tilespmem:v16+s16+$0x0] =	vst.idx.add.f32.msk $0xffff, v6;
	v6 =	vmul.f32 v41, v51;
	v16 =	vor.u32 v15, v17  }
0xda: {  	v17 =	vor.u32 v15, v18;
	[tilespmem:v19+s16+$0x0] =	vst.idx.add.f32.msk $0xffff, v5;
	v5 =	vmul.f32 v40, v44  }
0xdb: {  	[tilespmem:v58+s16+$0x0] =	vst.idx.add.f32.msk $0xffff, v6;
	v6 =	vmul.f32 v41, v54  }
0xdc: {  	[tilespmem:v8+s16+$0x0] =	vst.idx.add.f32.msk $0xffff, v5;
	v5 =	vmul.f32 v40, v45  }
0xdd: {  	[tilespmem:v59+s16+$0x0] =	vst.idx.add.f32.msk $0xffff, v6;
	v6 =	vmul.f32 v41, v57  }
0xde: {  	[tilespmem:v16+s16+$0x0] =	vst.idx.add.f32.msk $0xffff, v5  }
0xdf: {  	[tilespmem:v17+s16+$0x0] =	vst.idx.add.f32.msk $0xffff, v6  }
0xe0: {  	v5 =	vld [tilespmem:s23+$0xFFFFFE00]  }
0xe1: {  	v6 =	vld [tilespmem:s23+$0xFFFFFE10]  }
0xe2: {  	v8 =	vld [tilespmem:s23+$0xFFFFFE20]  }
0xe3: {  	v16 =	vld [tilespmem:s23+$0xFFFFFE30]  }
0xe4: {  	v17 =	vld [tilespmem:s23+$0xFFFFFE40]  }
0xe5: {  	v18 =	vld [tilespmem:s23+$0xFFFFFE50]  }
0xe6: {  	v19 =	vld [tilespmem:s23+$0xFFFFFE60]  }
0xe7: {  	v44 =	vld [tilespmem:s23+$0xFFFFFE70]  }
0xe8: {  	v45 =	vld [tilespmem:s23+$0xFFFFFE80]  }
0xe9: {  	v46 =	vld [tilespmem:s23+$0xFFFFFE90]  }
0xea: {  	v47 =	vld [tilespmem:s23+$0xFFFFFEA0]  }
0xeb: {  	v48 =	vld [tilespmem:s23+$0xFFFFFEB0]  }
0xec: {  	v49 =	vld [tilespmem:s23+$0xFFFFFEC0];
	v42 =	vmul.f32 v5, v29;
	v43 =	vmul.f32 v6, v30  }
0xed: {  	v50 =	vld [tilespmem:s23+$0xFFFFFED0];
	v51 =	vmul.f32 v8, v31;
	v52 =	vmul.f32 v16, v32  }
0xee: {  	v53 =	vld [tilespmem:s23+$0xFFFFFEE0];
	v54 =	vmul.f32 v17, v33;
	v55 =	vmul.f32 v18, v34  }
0xef: {  	v56 =	vld [tilespmem:s23+$0xFFFFFEF0];
	v57 =	vmul.f32 v19, v35;
	v58 =	vmul.f32 v44, v36  }
0xf0: {  	v59 =	vmul.f32 v45, v29;
	v60 =	vmul.f32 v46, v30  }
0xf1: {  	v61 =	vmul.f32 v47, v31;
	v62 =	vmul.f32 v48, v32  }
0xf2: {  	v63 =	vmul.f32 v49, v33;
	v20 =	vmul.f32 v50, v34  }
0xf3: {  	v21 =	vmul.f32 v53, v35;
	v42 =	vadd.f32 v43, v42;
	v43 =	vadd.f32 v52, v51  }
0xf4: {  	v51 =	vmul.f32 v56, v36;
	v52 =	vadd.f32 v55, v54;
	v54 =	vadd.f32 v58, v57  }
0xf5: {  	v60 =	vadd.f32 v60, v59;
	v62 =	vadd.f32 v62, v61  }
0xf6: {  	v20 =	vadd.f32 v20, v63;
	v21 =	vadd.f32 v51, v21  }
0xf7: {  	v42 =	vadd.f32 v43, v42;
	v54 =	vadd.f32 v54, v52  }
0xf8: {  	v58 =	vadd.f32 v62, v60;
	v20 =	vadd.f32 v21, v20  }
0xf9: {  	v21 =	vadd.f32 v54, v42  }
0xfa: {  	v20 =	vadd.f32 v20, v58  }
0xfb: {  	v42 =	vperm.xlane v21, v1  }
0xfc: {  	v59 =	vperm.xlane v20, v1  }
0xfd: {  	v21 =	vadd.f32 v42, v21  }
0xfe: {  	v20 =	vadd.f32 v20, v59  }
0xff: {  	v42 =	vperm.xlane v21, v2  }
0x100: {  	v43 =	vperm.xlane v20, v2  }
0x101: {  	v21 =	vadd.f32 v42, v21  }
0x102: {  	v20 =	vadd.f32 v20, v43  }
0x103: {  	v42 =	vperm.xlane v21, v3  }
0x104: {  	v43 =	vperm.xlane v20, v3  }
0x105: {  	v21 =	vadd.f32 v42, v21  }
0x106: {  	v20 =	vadd.f32 v43, v20  }
0x107: {  	v42 =	vperm.xlane v21, v4  }
0x108: {  	v43 =	vperm.xlane v20, v4  }
0x109: {  	v21 =	vadd.f32 v42, v21  }
0x10a: {  	v20 =	vadd.f32 v43, v20  }
0x10b: {  	v21 =	vmul.f32 $1.442695020e+00, v21  }
0x10c: {  	v20 =	vmul.f32 $1.442695020e+00, v20  }
0x10d: {  	(erf) = vpow2.f32 v21  }
0x10e: {  	(erf) = vpow2.f32 v20;
	_ =	sdelay $0x2  }
0x10f: {  	v20 =	vperm.xlane v39, v22  }
0x110: {  	v21 =	vperm.xlane v39, v23  }
0x111: {  	v20 =	vshll.u32 v20, $0x7  }
0x112: {  	v21 =	vshll.u32 v21, $0x7;
	v51 =	vor.u32 v7, v20  }
0x113: {  	v60 =	vor.u32 v7, v21  }
0x114: {  	v61 =	vor.u32 v9, v20;
	v42 =	vpop (erf)  }
0x115: {  	v62 =	vor.u32 v9, v21;
	v5 =	vmul.f32 v42, v5;
	v43 =	vpop (erf)  }
0x116: {  	v63 =	vor.u32 v10, v20;
	v45 =	vmul.f32 v43, v45  }
0x117: {  	[tilespmem:v51+s16+$0x0] =	vst.idx.add.f32.msk $0xffff, v5;
	v5 =	vmul.f32 v42, v6;
	v6 =	vor.u32 v10, v21  }
0x118: {  	v52 =	vor.u32 v11, v20;
	v51 =	vmul.f32 v43, v46;
	[tilespmem:v60+s16+$0x0] =	vst.idx.add.f32.msk $0xffff, v45  }
0x119: {  	[tilespmem:v61+s16+$0x0] =	vst.idx.add.f32.msk $0xffff, v5;
	v5 =	vmul.f32 v42, v8;
	v8 =	vor.u32 v11, v21  }
0x11a: {  	v58 =	vor.u32 v12, v20;
	v55 =	vmul.f32 v43, v47;
	[tilespmem:v62+s16+$0x0] =	vst.idx.add.f32.msk $0xffff, v51  }
0x11b: {  	[tilespmem:v63+s16+$0x0] =	vst.idx.add.f32.msk $0xffff, v5;
	v5 =	vmul.f32 v42, v16;
	v16 =	vor.u32 v12, v21  }
0x11c: {  	v59 =	vor.u32 v13, v20;
	[tilespmem:v6+s16+$0x0] =	vst.idx.add.f32.msk $0xffff, v55;
	v6 =	vmul.f32 v43, v48  }
0x11d: {  	[tilespmem:v52+s16+$0x0] =	vst.idx.add.f32.msk $0xffff, v5;
	v5 =	vmul.f32 v42, v17;
	v17 =	vor.u32 v13, v21  }
0x11e: {  	[tilespmem:v8+s16+$0x0] =	vst.idx.add.f32.msk $0xffff, v6;
	v6 =	vmul.f32 v43, v49;
	v8 =	vor.u32 v14, v20  }
0x11f: {  	[tilespmem:v58+s16+$0x0] =	vst.idx.add.f32.msk $0xffff, v5;
	v5 =	vmul.f32 v42, v18;
	v18 =	vor.u32 v14, v21  }
0x120: {  	[tilespmem:v16+s16+$0x0] =	vst.idx.add.f32.msk $0xffff, v6;
	v6 =	vmul.f32 v43, v50;
	v16 =	vor.u32 v15, v20  }
0x121: {  	[tilespmem:v59+s16+$0x0] =	vst.idx.add.f32.msk $0xffff, v5;
	v5 =	vmul.f32 v42, v19;
	v19 =	vor.u32 v15, v21  }
0x122: {  	[tilespmem:v17+s16+$0x0] =	vst.idx.add.f32.msk $0xffff, v6;
	v6 =	vmul.f32 v43, v53  }
0x123: {  	[tilespmem:v8+s16+$0x0] =	vst.idx.add.f32.msk $0xffff, v5;
	v5 =	vmul.f32 v42, v44  }
0x124: {  	[tilespmem:v18+s16+$0x0] =	vst.idx.add.f32.msk $0xffff, v6;
	v6 =	vmul.f32 v43, v56  }
0x125: {  	[tilespmem:v16+s16+$0x0] =	vst.idx.add.f32.msk $0xffff, v5  }
0x126: {  	[tilespmem:v19+s16+$0x0] =	vst.idx.add.f32.msk $0xffff, v6  }
0x127: {  	v5 =	vld [tilespmem:s23+$0xFFFFFF00]  }
0x128: {  	v6 =	vld [tilespmem:s23+$0xFFFFFF10]  }
0x129: {  	v8 =	vld [tilespmem:s23+$0xFFFFFF20]  }
0x12a: {  	v16 =	vld [tilespmem:s23+$0xFFFFFF30]  }
0x12b: {  	v17 =	vld [tilespmem:s23+$0xFFFFFF40]  }
0x12c: {  	v18 =	vld [tilespmem:s23+$0xFFFFFF50]  }
0x12d: {  	v19 =	vld [tilespmem:s23+$0xFFFFFF60]  }
0x12e: {  	v20 =	vld [tilespmem:s23+$0xFFFFFF70]  }
0x12f: {  	v21 =	vld [tilespmem:s23+$0xFFFFFF80]  }
0x130: {  	v46 =	vld [tilespmem:s23+$0xFFFFFF90]  }
0x131: {  	v47 =	vld [tilespmem:s23+$0xFFFFFFA0]  }
0x132: {  	v48 =	vld [tilespmem:s23+$0xFFFFFFB0]  }
0x133: {  	v49 =	vld [tilespmem:s23+$0xFFFFFFC0];
	v44 =	vmul.f32 v5, v29;
	v45 =	vmul.f32 v6, v30  }
0x134: {  	v50 =	vld [tilespmem:s23+$0xFFFFFFD0];
	v51 =	vmul.f32 v8, v31;
	v52 =	vmul.f32 v16, v32  }
0x135: {  	v53 =	vld [tilespmem:s23+$0xFFFFFFE0];
	v54 =	vmul.f32 v17, v33;
	v55 =	vmul.f32 v18, v34  }
0x136: {  	v56 =	vld [tilespmem:s23+$0xFFFFFFF0];
	v57 =	vmul.f32 v19, v35;
	v58 =	vmul.f32 v20, v36  }
0x137: {  	v59 =	vmul.f32 v21, v29;
	v60 =	vmul.f32 v46, v30  }
0x138: {  	v61 =	vmul.f32 v47, v31;
	v62 =	vmul.f32 v48, v32  }
0x139: {  	v63 =	vmul.f32 v49, v33;
	v22 =	vmul.f32 v50, v34  }
0x13a: {  	v23 =	vmul.f32 v53, v35;
	v44 =	vadd.f32 v45, v44;
	v45 =	vadd.f32 v52, v51  }
0x13b: {  	v51 =	vmul.f32 v56, v36;
	v52 =	vadd.f32 v55, v54;
	v54 =	vadd.f32 v58, v57  }
0x13c: {  	v60 =	vadd.f32 v60, v59;
	v62 =	vadd.f32 v62, v61  }
0x13d: {  	v22 =	vadd.f32 v22, v63;
	v23 =	vadd.f32 v51, v23  }
0x13e: {  	v44 =	vadd.f32 v45, v44;
	v54 =	vadd.f32 v54, v52  }
0x13f: {  	v58 =	vadd.f32 v62, v60;
	v22 =	vadd.f32 v23, v22  }
0x140: {  	v23 =	vadd.f32 v54, v44  }
0x141: {  	v22 =	vadd.f32 v22, v58  }
0x142: {  	v44 =	vperm.xlane v23, v1  }
0x143: {  	v59 =	vperm.xlane v22, v1  }
0x144: {  	v23 =	vadd.f32 v44, v23  }
0x145: {  	v22 =	vadd.f32 v22, v59  }
0x146: {  	v44 =	vperm.xlane v23, v2  }
0x147: {  	v45 =	vperm.xlane v22, v2  }
0x148: {  	v23 =	vadd.f32 v44, v23  }
0x149: {  	v22 =	vadd.f32 v22, v45  }
0x14a: {  	v44 =	vperm.xlane v23, v3  }
0x14b: {  	v45 =	vperm.xlane v22, v3  }
0x14c: {  	v23 =	vadd.f32 v44, v23  }
0x14d: {  	v22 =	vadd.f32 v45, v22  }
0x14e: {  	v44 =	vperm.xlane v23, v4  }
0x14f: {  	v45 =	vperm.xlane v22, v4  }
0x150: {  	v23 =	vadd.f32 v44, v23  }
0x151: {  	v22 =	vadd.f32 v45, v22  }
0x152: {  	v23 =	vmul.f32 $1.442695020e+00, v23  }
0x153: {  	v22 =	vmul.f32 $1.442695020e+00, v22  }
0x154: {  	(erf) = vpow2.f32 v23  }
0x155: {  	(erf) = vpow2.f32 v22;
	_ =	sdelay $0x2  }
0x156: {  	v22 =	vperm.xlane v39, v25  }
0x157: {  	v23 =	vperm.xlane v39, v24  }
0x158: {  	v22 =	vshll.u32 v22, $0x7  }
0x159: {  	v23 =	vshll.u32 v23, $0x7;
	v51 =	vor.u32 v7, v22  }
0x15a: {  	v60 =	vor.u32 v7, v23  }
0x15b: {  	v61 =	vor.u32 v9, v22;
	v44 =	vpop (erf)  }
0x15c: {  	v62 =	vor.u32 v9, v23;
	v5 =	vmul.f32 v44, v5;
	v45 =	vpop (erf)  }
0x15d: {  	v63 =	vor.u32 v10, v22;
	v21 =	vmul.f32 v45, v21  }
0x15e: {  	[tilespmem:v51+s16+$0x0] =	vst.idx.add.f32.msk $0xffff, v5;
	v5 =	vmul.f32 v44, v6;
	v6 =	vor.u32 v10, v23  }
0x15f: {  	v58 =	vor.u32 v11, v22;
	[tilespmem:v60+s16+$0x0] =	vst.idx.add.f32.msk $0xffff, v21;
	v21 =	vmul.f32 v45, v46  }
0x160: {  	[tilespmem:v61+s16+$0x0] =	vst.idx.add.f32.msk $0xffff, v5;
	v5 =	vmul.f32 v44, v8;
	v8 =	vor.u32 v11, v23  }
0x161: {  	v59 =	vor.u32 v12, v22;
	[tilespmem:v62+s16+$0x0] =	vst.idx.add.f32.msk $0xffff, v21;
	v21 =	vmul.f32 v45, v47  }
0x162: {  	[tilespmem:v63+s16+$0x0] =	vst.idx.add.f32.msk $0xffff, v5;
	v5 =	vmul.f32 v44, v16;
	v16 =	vor.u32 v12, v23  }
0x163: {  	[tilespmem:v6+s16+$0x0] =	vst.idx.add.f32.msk $0xffff, v21;
	v6 =	vmul.f32 v45, v48;
	v21 =	vor.u32 v13, v22  }
0x164: {  	[tilespmem:v58+s16+$0x0] =	vst.idx.add.f32.msk $0xffff, v5;
	v5 =	vmul.f32 v44, v17;
	v17 =	vor.u32 v13, v23  }
0x165: {  	[tilespmem:v8+s16+$0x0] =	vst.idx.add.f32.msk $0xffff, v6;
	v6 =	vmul.f32 v45, v49;
	v8 =	vor.u32 v14, v22  }
0x166: {  	[tilespmem:v59+s16+$0x0] =	vst.idx.add.f32.msk $0xffff, v5;
	v5 =	vmul.f32 v44, v18;
	v18 =	vor.u32 v14, v23  }
0x167: {  	[tilespmem:v16+s16+$0x0] =	vst.idx.add.f32.msk $0xffff, v6;
	v6 =	vmul.f32 v45, v50;
	v16 =	vor.u32 v15, v22  }
0x168: {  	[tilespmem:v21+s16+$0x0] =	vst.idx.add.f32.msk $0xffff, v5;
	v5 =	vmul.f32 v44, v19;
	v19 =	vor.u32 v15, v23  }
0x169: {  	[tilespmem:v17+s16+$0x0] =	vst.idx.add.f32.msk $0xffff, v6;
	v6 =	vmul.f32 v45, v53  }
0x16a: {  	[tilespmem:v8+s16+$0x0] =	vst.idx.add.f32.msk $0xffff, v5;
	v5 =	vmul.f32 v44, v20  }
0x16b: {  	[tilespmem:v18+s16+$0x0] =	vst.idx.add.f32.msk $0xffff, v6;
	v6 =	vmul.f32 v45, v56  }
0x16c: {  	[tilespmem:v16+s16+$0x0] =	vst.idx.add.f32.msk $0xffff, v5  }
0x16d: {  	[tilespmem:v19+s16+$0x0] =	vst.idx.add.f32.msk $0xffff, v6  }
0x16e: {  	v5 =	vld [tilespmem:s23+$0x0]  }
0x16f: {  	v6 =	vld [tilespmem:s23+$0x10]  }
0x170: {  	v8 =	vld [tilespmem:s23+$0x20]  }
0x171: {  	v16 =	vld [tilespmem:s23+$0x30]  }
0x172: {  	v17 =	vld [tilespmem:s23+$0x40]  }
0x173: {  	v18 =	vld [tilespmem:s23+$0x50]  }
0x174: {  	v19 =	vld [tilespmem:s23+$0x60]  }
0x175: {  	v20 =	vld [tilespmem:s23+$0x70]  }
0x176: {  	v21 =	vld [tilespmem:s23+$0x80]  }
0x177: {  	v22 =	vld [tilespmem:s23+$0x90]  }
0x178: {  	v23 =	vld [tilespmem:s23+$0xA0]  }
0x179: {  	v48 =	vld [tilespmem:s23+$0xB0]  }
0x17a: {  	v49 =	vld [tilespmem:s23+$0xC0];
	v46 =	vmul.f32 v5, v29;
	v47 =	vmul.f32 v6, v30  }
0x17b: {  	v50 =	vld [tilespmem:s23+$0xD0];
	v51 =	vmul.f32 v8, v31;
	v52 =	vmul.f32 v16, v32  }
0x17c: {  	v53 =	vld [tilespmem:s23+$0xE0];
	v54 =	vmul.f32 v17, v33;
	v55 =	vmul.f32 v18, v34  }
0x17d: {  	v56 =	vld [tilespmem:s23+$0xF0];
	v57 =	vmul.f32 v19, v35;
	v58 =	vmul.f32 v20, v36  }
0x17e: {  	v59 =	vmul.f32 v21, v29;
	v60 =	vmul.f32 v22, v30  }
0x17f: {  	v61 =	vmul.f32 v23, v31;
	v62 =	vmul.f32 v48, v32  }
0x180: {  	v63 =	vmul.f32 v49, v33;
	v24 =	vmul.f32 v50, v34  }
0x181: {  	v25 =	vmul.f32 v53, v35;
	v46 =	vadd.f32 v47, v46;
	v47 =	vadd.f32 v52, v51  }
0x182: {  	v51 =	vmul.f32 v56, v36;
	v52 =	vadd.f32 v55, v54;
	v54 =	vadd.f32 v58, v57  }
0x183: {  	v60 =	vadd.f32 v60, v59;
	v62 =	vadd.f32 v62, v61  }
0x184: {  	v24 =	vadd.f32 v24, v63;
	v25 =	vadd.f32 v51, v25  }
0x185: {  	v46 =	vadd.f32 v47, v46;
	v54 =	vadd.f32 v54, v52  }
0x186: {  	v58 =	vadd.f32 v62, v60;
	v24 =	vadd.f32 v25, v24  }
0x187: {  	v25 =	vadd.f32 v54, v46  }
0x188: {  	v24 =	vadd.f32 v24, v58  }
0x189: {  	v46 =	vperm.xlane v25, v1  }
0x18a: {  	v59 =	vperm.xlane v24, v1  }
0x18b: {  	v25 =	vadd.f32 v46, v25  }
0x18c: {  	v24 =	vadd.f32 v24, v59  }
0x18d: {  	v46 =	vperm.xlane v25, v2  }
0x18e: {  	v47 =	vperm.xlane v24, v2  }
0x18f: {  	v25 =	vadd.f32 v46, v25  }
0x190: {  	v24 =	vadd.f32 v24, v47  }
0x191: {  	v46 =	vperm.xlane v25, v3  }
0x192: {  	v47 =	vperm.xlane v24, v3  }
0x193: {  	v25 =	vadd.f32 v46, v25  }
0x194: {  	v24 =	vadd.f32 v47, v24  }
0x195: {  	v46 =	vperm.xlane v25, v4  }
0x196: {  	v47 =	vperm.xlane v24, v4  }
0x197: {  	v25 =	vadd.f32 v46, v25  }
0x198: {  	v24 =	vadd.f32 v47, v24  }
0x199: {  	v25 =	vmul.f32 $1.442695020e+00, v25  }
0x19a: {  	v24 =	vmul.f32 $1.442695020e+00, v24  }
0x19b: {  	(erf) = vpow2.f32 v25  }
0x19c: {  	(erf) = vpow2.f32 v24;
	_ =	sdelay $0x2  }
0x19d: {  	v24 =	vperm.xlane v39, v26  }
0x19e: {  	v25 =	vperm.xlane v39, v27  }
0x19f: {  	v24 =	vshll.u32 v24, $0x7  }
0x1a0: {  	v25 =	vshll.u32 v25, $0x7;
	v51 =	vor.u32 v7, v24  }
0x1a1: {  	v60 =	vor.u32 v7, v25  }
0x1a2: {  	v61 =	vor.u32 v9, v24;
	v46 =	vpop (erf)  }
0x1a3: {  	v62 =	vor.u32 v9, v25;
	v5 =	vmul.f32 v46, v5;
	v47 =	vpop (erf)  }
0x1a4: {  	v63 =	vor.u32 v10, v24;
	v21 =	vmul.f32 v47, v21  }
0x1a5: {  	[tilespmem:v51+s16+$0x0] =	vst.idx.add.f32.msk $0xffff, v5;
	v5 =	vmul.f32 v46, v6;
	v6 =	vor.u32 v10, v25  }
0x1a6: {  	[tilespmem:v60+s16+$0x0] =	vst.idx.add.f32.msk $0xffff, v21;
	v21 =	vmul.f32 v47, v22;
	v22 =	vor.u32 v11, v24  }
0x1a7: {  	[tilespmem:v61+s16+$0x0] =	vst.idx.add.f32.msk $0xffff, v5;
	v5 =	vmul.f32 v46, v8;
	v8 =	vor.u32 v11, v25  }
0x1a8: {  	[tilespmem:v62+s16+$0x0] =	vst.idx.add.f32.msk $0xffff, v21;
	v21 =	vmul.f32 v47, v23;
	v23 =	vor.u32 v12, v24  }
0x1a9: {  	[tilespmem:v63+s16+$0x0] =	vst.idx.add.f32.msk $0xffff, v5;
	v5 =	vmul.f32 v46, v16;
	v16 =	vor.u32 v12, v25  }
0x1aa: {  	[tilespmem:v6+s16+$0x0] =	vst.idx.add.f32.msk $0xffff, v21;
	v6 =	vmul.f32 v47, v48;
	v21 =	vor.u32 v13, v24  }
0x1ab: {  	[tilespmem:v22+s16+$0x0] =	vst.idx.add.f32.msk $0xffff, v5;
	v5 =	vmul.f32 v46, v17;
	v17 =	vor.u32 v13, v25  }
0x1ac: {  	[tilespmem:v8+s16+$0x0] =	vst.idx.add.f32.msk $0xffff, v6;
	v6 =	vmul.f32 v47, v49;
	v8 =	vor.u32 v14, v24  }
0x1ad: {  	[tilespmem:v23+s16+$0x0] =	vst.idx.add.f32.msk $0xffff, v5;
	v5 =	vmul.f32 v46, v18;
	v18 =	vor.u32 v14, v25  }
0x1ae: {  	[tilespmem:v16+s16+$0x0] =	vst.idx.add.f32.msk $0xffff, v6;
	v6 =	vmul.f32 v47, v50;
	v16 =	vor.u32 v15, v24  }
0x1af: {  	[tilespmem:v21+s16+$0x0] =	vst.idx.add.f32.msk $0xffff, v5;
	v5 =	vmul.f32 v46, v19;
	v19 =	vor.u32 v15, v25  }
0x1b0: {  	[tilespmem:v17+s16+$0x0] =	vst.idx.add.f32.msk $0xffff, v6;
	v6 =	vmul.f32 v47, v53  }
0x1b1: {  	[tilespmem:v8+s16+$0x0] =	vst.idx.add.f32.msk $0xffff, v5;
	v5 =	vmul.f32 v46, v20  }
0x1b2: {  	[tilespmem:v18+s16+$0x0] =	vst.idx.add.f32.msk $0xffff, v6;
	v6 =	vmul.f32 v47, v56  }
0x1b3: {  	[tilespmem:v16+s16+$0x0] =	vst.idx.add.f32.msk $0xffff, v5  }
0x1b4: {  	[tilespmem:v19+s16+$0x0] =	vst.idx.add.f32.msk $0xffff, v6  }
0x1b5: {  	v5 =	vld [tilespmem:s23+$0x100]  }
0x1b6: {  	v6 =	vld [tilespmem:s23+$0x110]  }
0x1b7: {  	v8 =	vld [tilespmem:s23+$0x120]  }
0x1b8: {  	v16 =	vld [tilespmem:s23+$0x130]  }
0x1b9: {  	v17 =	vld [tilespmem:s23+$0x140]  }
0x1ba: {  	v18 =	vld [tilespmem:s23+$0x150]  }
0x1bb: {  	v19 =	vld [tilespmem:s23+$0x160]  }
0x1bc: {  	v20 =	vld [tilespmem:s23+$0x170]  }
0x1bd: {  	v21 =	vld [tilespmem:s23+$0x180]  }
0x1be: {  	v22 =	vld [tilespmem:s23+$0x190]  }
0x1bf: {  	v23 =	vld [tilespmem:s23+$0x1A0]  }
0x1c0: {  	v24 =	vld [tilespmem:s23+$0x1B0]  }
0x1c1: {  	v25 =	vld [tilespmem:s23+$0x1C0];
	v48 =	vmul.f32 v5, v29;
	v49 =	vmul.f32 v6, v30  }
0x1c2: {  	v50 =	vld [tilespmem:s23+$0x1D0];
	v51 =	vmul.f32 v8, v31;
	v52 =	vmul.f32 v16, v32  }
0x1c3: {  	v53 =	vld [tilespmem:s23+$0x1E0];
	v54 =	vmul.f32 v17, v33;
	v55 =	vmul.f32 v18, v34  }
0x1c4: {  	v56 =	vld [tilespmem:s23+$0x1F0];
	v57 =	vmul.f32 v19, v35;
	v58 =	vmul.f32 v20, v36  }
0x1c5: {  	v59 =	vmul.f32 v21, v29;
	v60 =	vmul.f32 v22, v30  }
0x1c6: {  	v61 =	vmul.f32 v23, v31;
	v62 =	vmul.f32 v24, v32  }
0x1c7: {  	v63 =	vmul.f32 v25, v33;
	v26 =	vmul.f32 v50, v34  }
0x1c8: {  	v27 =	vmul.f32 v53, v35;
	v48 =	vadd.f32 v49, v48;
	v49 =	vadd.f32 v52, v51  }
0x1c9: {  	v51 =	vmul.f32 v56, v36;
	v52 =	vadd.f32 v55, v54;
	v54 =	vadd.f32 v58, v57  }
0x1ca: {  	v60 =	vadd.f32 v60, v59;
	v62 =	vadd.f32 v62, v61  }
0x1cb: {  	v26 =	vadd.f32 v26, v63;
	v27 =	vadd.f32 v51, v27  }
0x1cc: {  	v48 =	vadd.f32 v49, v48;
	v54 =	vadd.f32 v54, v52  }
0x1cd: {  	v58 =	vadd.f32 v62, v60;
	v26 =	vadd.f32 v27, v26  }
0x1ce: {  	v27 =	vadd.f32 v54, v48  }
0x1cf: {  	v26 =	vadd.f32 v26, v58  }
0x1d0: {  	v48 =	vperm.xlane v27, v1  }
0x1d1: {  	v59 =	vperm.xlane v26, v1  }
0x1d2: {  	v27 =	vadd.f32 v48, v27  }
0x1d3: {  	v26 =	vadd.f32 v26, v59  }
0x1d4: {  	v48 =	vperm.xlane v27, v2  }
0x1d5: {  	v49 =	vperm.xlane v26, v2  }
0x1d6: {  	v27 =	vadd.f32 v48, v27  }
0x1d7: {  	v26 =	vadd.f32 v26, v49  }
0x1d8: {  	v48 =	vperm.xlane v27, v3  }
0x1d9: {  	v49 =	vperm.xlane v26, v3  }
0x1da: {  	v27 =	vadd.f32 v48, v27  }
0x1db: {  	v26 =	vadd.f32 v49, v26  }
0x1dc: {  	v48 =	vperm.xlane v27, v4  }
0x1dd: {  	v49 =	vperm.xlane v26, v4  }
0x1de: {  	v27 =	vadd.f32 v48, v27  }
0x1df: {  	v26 =	vadd.f32 v49, v26  }
0x1e0: {  	v27 =	vmul.f32 $1.442695020e+00, v27  }
0x1e1: {  	v26 =	vmul.f32 $1.442695020e+00, v26  }
0x1e2: {  	(erf) = vpow2.f32 v27  }
0x1e3: {  	(erf) = vpow2.f32 v26;
	_ =	sdelay $0x2  }
0x1e4: {  	v27 =	vimm.s32 $0xB;
	v26 =	vperm.xlane v39, v28  }
0x1e5: {  	v27 =	vperm.xlane v39, v27  }
0x1e6: {  	v26 =	vshll.u32 v26, $0x7  }
0x1e7: {  	v27 =	vshll.u32 v27, $0x7;
	v51 =	vor.u32 v7, v26  }
0x1e8: {  	v60 =	vor.u32 v7, v27  }
0x1e9: {  	v61 =	vor.u32 v9, v26;
	v48 =	vpop (erf)  }
0x1ea: {  	v62 =	vor.u32 v9, v27;
	v5 =	vmul.f32 v48, v5;
	v49 =	vpop (erf)  }
0x1eb: {  	v63 =	vor.u32 v10, v26;
	v21 =	vmul.f32 v49, v21  }
0x1ec: {  	[tilespmem:v51+s16+$0x0] =	vst.idx.add.f32.msk $0xffff, v5;
	v5 =	vmul.f32 v48, v6;
	v6 =	vor.u32 v10, v27  }
0x1ed: {  	[tilespmem:v60+s16+$0x0] =	vst.idx.add.f32.msk $0xffff, v21;
	v21 =	vmul.f32 v49, v22;
	v22 =	vor.u32 v11, v26  }
0x1ee: {  	[tilespmem:v61+s16+$0x0] =	vst.idx.add.f32.msk $0xffff, v5;
	v5 =	vmul.f32 v48, v8;
	v8 =	vor.u32 v11, v27  }
0x1ef: {  	[tilespmem:v62+s16+$0x0] =	vst.idx.add.f32.msk $0xffff, v21;
	v21 =	vmul.f32 v49, v23;
	v23 =	vor.u32 v12, v26  }
0x1f0: {  	[tilespmem:v63+s16+$0x0] =	vst.idx.add.f32.msk $0xffff, v5;
	v5 =	vmul.f32 v48, v16;
	v16 =	vor.u32 v12, v27  }
0x1f1: {  	[tilespmem:v6+s16+$0x0] =	vst.idx.add.f32.msk $0xffff, v21;
	v6 =	vmul.f32 v49, v24;
	v21 =	vor.u32 v13, v26  }
0x1f2: {  	[tilespmem:v22+s16+$0x0] =	vst.idx.add.f32.msk $0xffff, v5;
	v5 =	vmul.f32 v48, v17;
	v17 =	vor.u32 v13, v27  }
0x1f3: {  	[tilespmem:v8+s16+$0x0] =	vst.idx.add.f32.msk $0xffff, v6;
	v6 =	vmul.f32 v49, v25;
	v8 =	vor.u32 v14, v26  }
0x1f4: {  	[tilespmem:v23+s16+$0x0] =	vst.idx.add.f32.msk $0xffff, v5;
	v5 =	vmul.f32 v48, v18;
	v18 =	vor.u32 v14, v27  }
0x1f5: {  	[tilespmem:v16+s16+$0x0] =	vst.idx.add.f32.msk $0xffff, v6;
	v6 =	vmul.f32 v49, v50;
	v16 =	vor.u32 v15, v26  }
0x1f6: {  	[tilespmem:v21+s16+$0x0] =	vst.idx.add.f32.msk $0xffff, v5;
	v5 =	vmul.f32 v48, v19;
	v19 =	vor.u32 v15, v27  }
0x1f7: {  	[tilespmem:v17+s16+$0x0] =	vst.idx.add.f32.msk $0xffff, v6;
	v6 =	vmul.f32 v49, v53  }
0x1f8: {  	[tilespmem:v8+s16+$0x0] =	vst.idx.add.f32.msk $0xffff, v5;
	v5 =	vmul.f32 v48, v20  }
0x1f9: {  	[tilespmem:v18+s16+$0x0] =	vst.idx.add.f32.msk $0xffff, v6;
	v6 =	vmul.f32 v49, v56  }
0x1fa: {  	[tilespmem:v16+s16+$0x0] =	vst.idx.add.f32.msk $0xffff, v5  }
0x1fb: {  	[tilespmem:v19+s16+$0x0] =	vst.idx.add.f32.msk $0xffff, v6  }
0x1fc: {  	v5 =	vld [tilespmem:s23+$0x200]  }
0x1fd: {  	v6 =	vld [tilespmem:s23+$0x210]  }
0x1fe: {  	v8 =	vld [tilespmem:s23+$0x220]  }
0x1ff: {  	v16 =	vld [tilespmem:s23+$0x230]  }
0x200: {  	v17 =	vld [tilespmem:s23+$0x240]  }
0x201: {  	v18 =	vld [tilespmem:s23+$0x250]  }
0x202: {  	v19 =	vld [tilespmem:s23+$0x260]  }
0x203: {  	v20 =	vld [tilespmem:s23+$0x270]  }
0x204: {  	v21 =	vld [tilespmem:s23+$0x280]  }
0x205: {  	v22 =	vld [tilespmem:s23+$0x290]  }
0x206: {  	v23 =	vld [tilespmem:s23+$0x2A0]  }
0x207: {  	v24 =	vld [tilespmem:s23+$0x2B0]  }
0x208: {  	v25 =	vld [tilespmem:s23+$0x2C0];
	v26 =	vmul.f32 v5, v29;
	v27 =	vmul.f32 v6, v30  }
0x209: {  	v52 =	vld [tilespmem:s23+$0x2D0];
	v50 =	vmul.f32 v8, v31;
	v51 =	vmul.f32 v16, v32  }
0x20a: {  	v53 =	vld [tilespmem:s23+$0x2E0];
	v54 =	vmul.f32 v17, v33;
	v55 =	vmul.f32 v18, v34  }
0x20b: {  	v56 =	vld [tilespmem:s23+$0x2F0];
	v57 =	vmul.f32 v19, v35;
	v58 =	vmul.f32 v20, v36  }
0x20c: {  	v59 =	vmul.f32 v21, v29;
	v60 =	vmul.f32 v22, v30  }
0x20d: {  	v61 =	vmul.f32 v23, v31;
	v62 =	vmul.f32 v24, v32  }
0x20e: {  	v63 =	vmul.f32 v25, v33;
	v28 =	vmul.f32 v52, v34  }
0x20f: {  	v26 =	vadd.f32 v27, v26;
	v27 =	vmul.f32 v53, v35;
	v50 =	vadd.f32 v51, v50  }
0x210: {  	v51 =	vmul.f32 v56, v36;
	v54 =	vadd.f32 v55, v54;
	v55 =	vadd.f32 v58, v57  }
0x211: {  	v60 =	vadd.f32 v60, v59;
	v62 =	vadd.f32 v62, v61  }
0x212: {  	v28 =	vadd.f32 v28, v63;
	v27 =	vadd.f32 v51, v27  }
0x213: {  	v26 =	vadd.f32 v50, v26;
	v55 =	vadd.f32 v55, v54  }
0x214: {  	v59 =	vadd.f32 v62, v60;
	v27 =	vadd.f32 v27, v28  }
0x215: {  	v26 =	vadd.f32 v55, v26  }
0x216: {  	v27 =	vadd.f32 v27, v59  }
0x217: {  	v28 =	vperm.xlane v26, v1  }
0x218: {  	v60 =	vperm.xlane v27, v1  }
0x219: {  	v26 =	vadd.f32 v28, v26  }
0x21a: {  	v27 =	vadd.f32 v27, v60  }
0x21b: {  	v28 =	vperm.xlane v26, v2  }
0x21c: {  	v50 =	vperm.xlane v27, v2  }
0x21d: {  	v26 =	vadd.f32 v28, v26  }
0x21e: {  	v27 =	vadd.f32 v27, v50  }
0x21f: {  	v28 =	vperm.xlane v26, v3  }
0x220: {  	v50 =	vperm.xlane v27, v3  }
0x221: {  	v26 =	vadd.f32 v28, v26  }
0x222: {  	v27 =	vadd.f32 v50, v27  }
0x223: {  	v28 =	vperm.xlane v26, v4  }
0x224: {  	v50 =	vperm.xlane v27, v4  }
0x225: {  	v26 =	vadd.f32 v28, v26  }
0x226: {  	v27 =	vadd.f32 v50, v27  }
0x227: {  	v26 =	vmul.f32 $1.442695020e+00, v26  }
0x228: {  	v27 =	vmul.f32 $1.442695020e+00, v27  }
0x229: {  	(erf) = vpow2.f32 v26  }
0x22a: {  	(erf) = vpow2.f32 v27;
	_ =	sdelay $0x1  }
0x22b: {  	v26 =	vimm.s32 $0xC  }
0x22c: {  	v26 =	vperm.xlane v39, v26;
	v27 =	vimm.s32 $0xD  }
0x22d: {  	v27 =	vperm.xlane v39, v27  }
0x22e: {  	v26 =	vshll.u32 v26, $0x7  }
0x22f: {  	v28 =	vor.u32 v7, v26;
	v27 =	vshll.u32 v27, $0x7  }
0x230: {  	v61 =	vor.u32 v7, v27  }
0x231: {  	v62 =	vor.u32 v9, v26;
	v50 =	vpop (erf)  }
0x232: {  	v63 =	vor.u32 v9, v27;
	v5 =	vmul.f32 v50, v5;
	v51 =	vpop (erf)  }
0x233: {  	v60 =	vor.u32 v10, v26;
	v21 =	vmul.f32 v51, v21  }
0x234: {  	[tilespmem:v28+s16+$0x0] =	vst.idx.add.f32.msk $0xffff, v5;
	v5 =	vmul.f32 v50, v6;
	v6 =	vor.u32 v10, v27  }
0x235: {  	[tilespmem:v61+s16+$0x0] =	vst.idx.add.f32.msk $0xffff, v21;
	v21 =	vmul.f32 v51, v22;
	v22 =	vor.u32 v11, v26  }
0x236: {  	[tilespmem:v62+s16+$0x0] =	vst.idx.add.f32.msk $0xffff, v5;
	v5 =	vmul.f32 v50, v8;
	v8 =	vor.u32 v11, v27  }
0x237: {  	[tilespmem:v63+s16+$0x0] =	vst.idx.add.f32.msk $0xffff, v21;
	v21 =	vmul.f32 v51, v23;
	v23 =	vor.u32 v12, v26  }
0x238: {  	[tilespmem:v60+s16+$0x0] =	vst.idx.add.f32.msk $0xffff, v5;
	v5 =	vmul.f32 v50, v16;
	v16 =	vor.u32 v12, v27  }
0x239: {  	[tilespmem:v6+s16+$0x0] =	vst.idx.add.f32.msk $0xffff, v21;
	v6 =	vmul.f32 v51, v24;
	v21 =	vor.u32 v13, v26  }
0x23a: {  	[tilespmem:v22+s16+$0x0] =	vst.idx.add.f32.msk $0xffff, v5;
	v5 =	vmul.f32 v50, v17;
	v17 =	vor.u32 v13, v27  }
0x23b: {  	[tilespmem:v8+s16+$0x0] =	vst.idx.add.f32.msk $0xffff, v6;
	v6 =	vmul.f32 v51, v25;
	v8 =	vor.u32 v14, v26  }
0x23c: {  	[tilespmem:v23+s16+$0x0] =	vst.idx.add.f32.msk $0xffff, v5;
	v5 =	vmul.f32 v50, v18;
	v18 =	vor.u32 v14, v27  }
0x23d: {  	[tilespmem:v16+s16+$0x0] =	vst.idx.add.f32.msk $0xffff, v6;
	v6 =	vmul.f32 v51, v52;
	v16 =	vor.u32 v15, v26  }
0x23e: {  	[tilespmem:v21+s16+$0x0] =	vst.idx.add.f32.msk $0xffff, v5;
	v5 =	vmul.f32 v50, v19;
	v19 =	vor.u32 v15, v27  }
0x23f: {  	[tilespmem:v17+s16+$0x0] =	vst.idx.add.f32.msk $0xffff, v6;
	v6 =	vmul.f32 v51, v53  }
0x240: {  	[tilespmem:v8+s16+$0x0] =	vst.idx.add.f32.msk $0xffff, v5;
	v5 =	vmul.f32 v50, v20  }
0x241: {  	[tilespmem:v18+s16+$0x0] =	vst.idx.add.f32.msk $0xffff, v6;
	v6 =	vmul.f32 v51, v56  }
0x242: {  	[tilespmem:v16+s16+$0x0] =	vst.idx.add.f32.msk $0xffff, v5  }
0x243: {  	[tilespmem:v19+s16+$0x0] =	vst.idx.add.f32.msk $0xffff, v6  }
0x244: {  	v5 =	vld [tilespmem:s23+$0x300]  }
0x245: {  	v6 =	vld [tilespmem:s23+$0x310]  }
0x246: {  	v8 =	vld [tilespmem:s23+$0x320]  }
0x247: {  	v16 =	vld [tilespmem:s23+$0x330]  }
0x248: {  	v17 =	vld [tilespmem:s23+$0x340]  }
0x249: {  	v18 =	vld [tilespmem:s23+$0x350]  }
0x24a: {  	v19 =	vld [tilespmem:s23+$0x360]  }
0x24b: {  	v20 =	vld [tilespmem:s23+$0x370]  }
0x24c: {  	v21 =	vld [tilespmem:s23+$0x380]  }
0x24d: {  	v22 =	vld [tilespmem:s23+$0x390]  }
0x24e: {  	v23 =	vld [tilespmem:s23+$0x3A0]  }
0x24f: {  	v24 =	vld [tilespmem:s23+$0x3B0]  }
0x250: {  	v25 =	vld [tilespmem:s23+$0x3C0];
	v26 =	vmul.f32 v5, v29  }
0x251: {  	v27 =	vld [tilespmem:s23+$0x3D0];
	v28 =	vmul.f32 v6, v30;
	v52 =	vmul.f32 v8, v31  }
0x252: {  	v53 =	vld [tilespmem:s23+$0x3E0];
	v54 =	vmul.f32 v16, v32;
	v55 =	vmul.f32 v17, v33  }
0x253: {  	v56 =	vld [tilespmem:s23+$0x3F0];
	v57 =	vmul.f32 v18, v34;
	v58 =	vmul.f32 v19, v35  }
0x254: {  	v59 =	vmul.f32 v20, v36;
	v60 =	vmul.f32 v21, v29  }
0x255: {  	v61 =	vmul.f32 v22, v30;
	v62 =	vmul.f32 v23, v31  }
0x256: {  	v63 =	vmul.f32 v24, v32;
	v26 =	vadd.f32 v28, v26;
	v28 =	vmul.f32 v25, v33  }
0x257: {  	v52 =	vadd.f32 v54, v52;
	v54 =	vmul.f32 v27, v34;
	v55 =	vadd.f32 v57, v55  }
0x258: {  	v57 =	vmul.f32 v53, v35;
	v58 =	vadd.f32 v59, v58;
	v59 =	vmul.f32 v56, v36  }
0x259: {  	v60 =	vadd.f32 v61, v60;
	v61 =	vadd.f32 v63, v62  }
0x25a: {  	v28 =	vadd.f32 v54, v28;
	v54 =	vadd.f32 v59, v57  }
0x25b: {  	v26 =	vadd.f32 v52, v26;
	v52 =	vadd.f32 v58, v55  }
0x25c: {  	v61 =	vadd.f32 v61, v60;
	v28 =	vadd.f32 v54, v28  }
0x25d: {  	v26 =	vadd.f32 v52, v26  }
0x25e: {  	v28 =	vadd.f32 v28, v61  }
0x25f: {  	v52 =	vperm.xlane v26, v1  }
0x260: {  	v59 =	vperm.xlane v28, v1  }
0x261: {  	v26 =	vadd.f32 v52, v26  }
0x262: {  	v28 =	vadd.f32 v28, v59  }
0x263: {  	v52 =	vperm.xlane v26, v2  }
0x264: {  	v54 =	vperm.xlane v28, v2  }
0x265: {  	v26 =	vadd.f32 v52, v26  }
0x266: {  	v28 =	vadd.f32 v28, v54  }
0x267: {  	v52 =	vperm.xlane v26, v3  }
0x268: {  	v54 =	vperm.xlane v28, v3  }
0x269: {  	v26 =	vadd.f32 v52, v26  }
0x26a: {  	v28 =	vadd.f32 v54, v28  }
0x26b: {  	v52 =	vperm.xlane v26, v4  }
0x26c: {  	v54 =	vperm.xlane v28, v4  }
0x26d: {  	v26 =	vadd.f32 v52, v26  }
0x26e: {  	v28 =	vadd.f32 v54, v28  }
0x26f: {  	v26 =	vmul.f32 $1.442695020e+00, v26  }
0x270: {  	v28 =	vmul.f32 $1.442695020e+00, v28  }
0x271: {  	(erf) = vpow2.f32 v26  }
0x272: {  	(erf) = vpow2.f32 v28;
	_ =	sdelay $0x1  }
0x273: {  	v63 =	vimm.s32 $0xE  }
0x274: {  	v62 =	vimm.s32 $0xF;
	v26 =	vperm.xlane v39, v63  }
0x275: {  	v28 =	vperm.xlane v39, v62  }
0x276: {  	v26 =	vshll.u32 v26, $0x7  }
0x277: {  	v39 =	vor.u32 v7, v26;
	v28 =	vshll.u32 v28, $0x7  }
0x278: {  	v52 =	vor.u32 v7, v28  }
0x279: {  	v60 =	vor.u32 v9, v26;
	v54 =	vpop (erf)  }
0x27a: {  	v62 =	vor.u32 v9, v28;
	v5 =	vmul.f32 v54, v5;
	v61 =	vpop (erf)  }
0x27b: {  	v63 =	vor.u32 v10, v26;
	v21 =	vmul.f32 v61, v21  }
0x27c: {  	[tilespmem:v39+s16+$0x0] =	vst.idx.add.f32.msk $0xffff, v5;
	v5 =	vmul.f32 v54, v6;
	v6 =	vor.u32 v10, v28  }
0x27d: {  	[tilespmem:v52+s16+$0x0] =	vst.idx.add.f32.msk $0xffff, v21;
	v21 =	vmul.f32 v61, v22;
	v22 =	vor.u32 v11, v26  }
0x27e: {  	[tilespmem:v60+s16+$0x0] =	vst.idx.add.f32.msk $0xffff, v5;
	v5 =	vmul.f32 v54, v8;
	v8 =	vor.u32 v11, v28  }
0x27f: {  	[tilespmem:v62+s16+$0x0] =	vst.idx.add.f32.msk $0xffff, v21;
	v21 =	vmul.f32 v61, v23;
	v23 =	vor.u32 v12, v26  }
0x280: {  	[tilespmem:v63+s16+$0x0] =	vst.idx.add.f32.msk $0xffff, v5;
	v5 =	vmul.f32 v54, v16  }
0x281: {  	v16 =	vmul.f32 v61, v24;
	[tilespmem:v6+s16+$0x0] =	vst.idx.add.f32.msk $0xffff, v21;
	v6 =	vadd.f32 v38, v37  }
0x282: {  	[tilespmem:v22+s16+$0x0] =	vst.idx.add.f32.msk $0xffff, v5;
	v5 =	vmul.f32 v54, v17;
	v17 =	vor.u32 v12, v28  }
0x283: {  	[tilespmem:v8+s16+$0x0] =	vst.idx.add.f32.msk $0xffff, v16;
	v6 =	vadd.f32 $0.0e+00, v6;
	v8 =	vadd.f32 v41, v40;
	v16 =	vor.u32 v13, v26  }
0x284: {  	[tilespmem:v23+s16+$0x0] =	vst.idx.add.f32.msk $0xffff, v5  }
0x285: {  	v5 =	vadd.f32 v8, v6;
	v6 =	vmul.f32 v61, v25;
	v8 =	vor.u32 v13, v28  }
0x286: {  	v18 =	vmul.f32 v54, v18;
	v21 =	vadd.f32 v43, v42;
	v22 =	vor.u32 v14, v26  }
0x287: {  	[tilespmem:v17+s16+$0x0] =	vst.idx.add.f32.msk $0xffff, v6;
	v6 =	vor.u32 v14, v28  }
0x288: {  	v5 =	vadd.f32 v21, v5;
	[tilespmem:v16+s16+$0x0] =	vst.idx.add.f32.msk $0xffff, v18;
	v16 =	vmul.f32 v61, v27  }
0x289: {  	v17 =	vadd.f32 v45, v44;
	v18 =	vmul.f32 v54, v19;
	v19 =	vor.u32 v15, v26  }
0x28a: {  	[tilespmem:v8+s16+$0x0] =	vst.idx.add.f32.msk $0xffff, v16;
	v8 =	vmul.f32 v61, v53;
	v16 =	vor.u32 v15, v28  }
0x28b: {  	v5 =	vadd.f32 v17, v5;
	v17 =	vadd.f32 v47, v46;
	[tilespmem:v22+s16+$0x0] =	vst.idx.add.f32.msk $0xffff, v18  }
0x28c: {  	[tilespmem:v6+s16+$0x0] =	vst.idx.add.f32.msk $0xffff, v8;
	v6 =	vmul.f32 v54, v20  }
0x28d: {  	v5 =	vadd.f32 v17, v5;
	v17 =	vmul.f32 v61, v56;
	v8 =	vadd.f32 v49, v48  }
0x28e: {  	[tilespmem:v19+s16+$0x0] =	vst.idx.add.f32.msk $0xffff, v6  }
0x28f: {  	v5 =	vadd.f32 v8, v5;
	v6 =	vadd.f32 v51, v50;
	[tilespmem:v16+s16+$0x0] =	vst.idx.add.f32.msk $0xffff, v17  }
0x290: {  	v8 =	vld [tilespmem:$0xC280]  }
0x291: {  	v5 =	vadd.f32 v6, v5;
	v6 =	vadd.f32 v61, v54  }
0x292: {  	p1 =	sne.s32 s24, $0x240  }
.Ltmp5:
0x293: {  	v5 =	vadd.f32 v6, v5;
	(pc) =	sbr.rel @p1 .LBB2_5-.Ltmp5, $4  }
0x294: {  	v24 =	vimm.s32 $0x7;
	v23 =	vimm.s32 $0x5;
	v25 =	vimm.s32 $0x6  }
0x295: {  	v21 =	vimm.s32 $0x3;
	v27 =	vimm.s32 $0x9;
	v5 =	vadd.f32 v8, v5  }
0x296: {  	v26 =	vimm.s32 $0x8;
	v28 =	vimm.s32 $0xA;
	v22 =	vimm.s32 $0x4  }
0x297: {  	s24 =	sadd.s32 $0x40, s24;
	s23 =	sadd.s32 $0x800, s23;
	v18 =	vimm.s32 $0x1;
	v20 =	vimm.s32 $0x2;
	v17 =	vimm.s32 $0x0;
	[tilespmem:$0xC280] =	vst v5  }
0x298: {  	p1 =	sgt.u32 s22, $0x250  }
.Ltmp6:
0x299: {  	_ = 	snop;
	(pc) =	sbr.rel @p1 .LBB2_8-.Ltmp6, $1  }
0x29a: {  	_ =	sdelay $0x3  }
0x29b: {  	s21 =	sadd.s32 $0x40, s21  }
0x29c: {  	s22 =	smul.u32 $0xA00, s21  }
.Ltmp7:
0x29d: {  	_ = 	snop;
	(pc) =	sbr.rel .LBB2_9-.Ltmp7, $4  }
0x29e: {  	v52 =	vimm.s32 $0x0;
	v53 =	vimm.s32 $0x1;
	s21 =	smul.u32 $0x14, s21;
	s22 =	sadd.s32 s0, s22  }
0x29f: {  	v59 =	vimm.s32 $0x7;
	v55 =	vimm.s32 $0x2;
	v56 =	vimm.s32 $0x3;
	[tilespmem:s5], [sflag:$0x1] =	stream.linear.gather [hbm4b:s22+s5], $0x5000, $0x38;
	[tilespmem:$0xC300] =	vst v63  }
0x2a0: {  	v57 =	vimm.s32 $0x4;
	v58 =	vimm.s32 $0x5;
	v60 =	vimm.s32 $0x6;
	s21 =	sadd.s32 s1, s21  }
0x2a1: {  	v61 =	vimm.s32 $0x8;
	v62 =	vimm.s32 $0x9;
	v63 =	vimm.s32 $0xB;
	[tilespmem:s14], [sflag:$0x1] =	stream.linear.gather [hbm4b:s21+s5], $0xA0, $0x38;
	[tilespmem:$0xC300] =	vst v63  }
.LBB2_8:
.Ltmp8:
0x2a2: {  	(pc) =	sbr.rel @p0 .LBB2_11-.Ltmp8, $4  }
0x2a3: {  	v52 =	vimm.s32 $0x0;
	v53 =	vimm.s32 $0x1  }
0x2a4: {  	v59 =	vimm.s32 $0x7;
	v55 =	vimm.s32 $0x2;
	v56 =	vimm.s32 $0x3  }
0x2a5: {  	v57 =	vimm.s32 $0x4;
	v58 =	vimm.s32 $0x5;
	v60 =	vimm.s32 $0x6  }
0x2a6: {  	v61 =	vimm.s32 $0x8;
	v62 =	vimm.s32 $0x9;
	v63 =	vimm.s32 $0xB  }
.LBB2_9:
0x2a7: {  	_ =	swait.ge [sflag:s17], $0x5000  }
0x2a8: {  	[sflag:s17] =	ssyncset.done $0x0  }
0x2a9: {  	[sflag:s17] =	ssyncadd.s32 $0xFFFFB000  }
0x2aa: {  	_ =	swait.ge [sflag:s17], $0xA0  }
0x2ab: {  	[sflag:s17] =	ssyncset.done $0x0  }
0x2ac: {  	s21 =	simm.s32 $0x0;
	s22 =	simm.s32 $0x5400;
	[sflag:s17] =	ssyncadd.s32 $0xFFFFFF60  }
.LBB2_10:
0x2ad: {  	v5 =	vld [tilespmem:s22+$0xFFFFFC00]  }
0x2ae: {  	v6 =	vld [tilespmem:s22+$0xFFFFFC10]  }
0x2af: {  	v8 =	vld [tilespmem:s22+$0xFFFFFC20]  }
0x2b0: {  	v16 =	vld [tilespmem:s22+$0xFFFFFC30]  }
0x2b1: {  	v17 =	vld [tilespmem:s22+$0xFFFFFC40]  }
0x2b2: {  	v18 =	vld [tilespmem:s22+$0xFFFFFC50]  }
0x2b3: {  	v19 =	vld [tilespmem:s22+$0xFFFFFC60]  }
0x2b4: {  	v20 =	vld [tilespmem:s22+$0xFFFFFC70]  }
0x2b5: {  	v21 =	vld [tilespmem:s22+$0xFFFFFC80]  }
0x2b6: {  	v22 =	vld [tilespmem:s22+$0xFFFFFC90]  }
0x2b7: {  	v23 =	vld [tilespmem:s22+$0xFFFFFCA0]  }
0x2b8: {  	v24 =	vld [tilespmem:s22+$0xFFFFFCB0]  }
0x2b9: {  	v25 =	vld [tilespmem:s22+$0xFFFFFCC0];
	v26 =	vmul.f32 v5, v29;
	v27 =	vmul.f32 v6, v30  }
0x2ba: {  	v28 =	vld [tilespmem:s22+$0xFFFFFCD0];
	v37 =	vmul.f32 v8, v31;
	v38 =	vmul.f32 v16, v32  }
0x2bb: {  	v40 =	vld [tilespmem:s22+$0xFFFFFCE0];
	v39 =	vmul.f32 v17, v33;
	v41 =	vmul.f32 v18, v34  }
0x2bc: {  	v42 =	vld [tilespmem:s22+$0xFFFFFCF0];
	v43 =	vmul.f32 v19, v35;
	v44 =	vmul.f32 v20, v36  }
0x2bd: {  	v45 =	vmul.f32 v21, v29;
	v46 =	vmul.f32 v22, v30  }
0x2be: {  	v47 =	vmul.f32 v23, v31;
	v48 =	vmul.f32 v24, v32  }
0x2bf: {  	v49 =	vmul.f32 v25, v33;
	v50 =	vmul.f32 v28, v34  }
0x2c0: {  	v51 =	vmul.f32 v40, v35;
	v26 =	vadd.f32 v27, v26;
	v27 =	vadd.f32 v38, v37  }
0x2c1: {  	v37 =	vmul.f32 v42, v36;
	v38 =	vadd.f32 v41, v39;
	v39 =	vadd.f32 v44, v43  }
0x2c2: {  	v41 =	vadd.f32 v46, v45;
	v48 =	vadd.f32 v48, v47  }
0x2c3: {  	v54 =	vadd.f32 v50, v49;
	v37 =	vadd.f32 v37, v51  }
0x2c4: {  	v26 =	vadd.f32 v27, v26;
	v27 =	vadd.f32 v39, v38  }
0x2c5: {  	v47 =	vadd.f32 v48, v41;
	v37 =	vadd.f32 v37, v54  }
0x2c6: {  	v26 =	vadd.f32 v27, v26  }
0x2c7: {  	v27 =	vadd.f32 v37, v47  }
0x2c8: {  	v48 =	vperm.xlane v26, v1  }
0x2c9: {  	v38 =	vperm.xlane v27, v1  }
0x2ca: {  	v26 =	vadd.f32 v48, v26  }
0x2cb: {  	v27 =	vadd.f32 v27, v38  }
0x2cc: {  	v37 =	vperm.xlane v26, v2  }
0x2cd: {  	v38 =	vperm.xlane v27, v2  }
0x2ce: {  	v26 =	vadd.f32 v37, v26  }
0x2cf: {  	v27 =	vadd.f32 v27, v38  }
0x2d0: {  	v37 =	vperm.xlane v26, v3  }
0x2d1: {  	v38 =	vperm.xlane v27, v3  }
0x2d2: {  	v26 =	vadd.f32 v37, v26  }
0x2d3: {  	v27 =	vadd.f32 v38, v27  }
0x2d4: {  	v37 =	vperm.xlane v26, v4  }
0x2d5: {  	v38 =	vperm.xlane v27, v4  }
0x2d6: {  	v26 =	vadd.f32 v37, v26  }
0x2d7: {  	v27 =	vadd.f32 v38, v27  }
0x2d8: {  	s23 =	sshra.s32 s21, $0x2;
	v26 =	vmul.f32 $1.442695020e+00, v26  }
0x2d9: {  	v39 =	vld [tilespmem:s23+$0xA100];
	v27 =	vmul.f32 $1.442695020e+00, v27  }
0x2da: {  	(erf) = vpow2.f32 v26  }
0x2db: {  	(erf) = vpow2.f32 v27;
	_ =	sdelay $0x2  }
0x2dc: {  	v49 =	vperm.xlane v39, v52  }
0x2dd: {  	v27 =	vperm.xlane v39, v53  }
0x2de: {  	v26 =	vshll.u32 v49, $0x7  }
0x2df: {  	v50 =	vor.u32 v7, v26;
	v27 =	vshll.u32 v27, $0x7  }
0x2e0: {  	v51 =	vor.u32 v7, v27  }
0x2e1: {  	v52 =	vor.u32 v9, v26;
	v37 =	vpop (erf)  }
0x2e2: {  	v53 =	vor.u32 v9, v27;
	v5 =	vmul.f32 v37, v5;
	v38 =	vpop (erf)  }
0x2e3: {  	v54 =	vor.u32 v10, v26;
	v21 =	vmul.f32 v38, v21  }
0x2e4: {  	[tilespmem:v50+s16+$0x0] =	vst.idx.add.f32.msk $0xffff, v5;
	v5 =	vmul.f32 v37, v6;
	v6 =	vor.u32 v10, v27  }
0x2e5: {  	v43 =	vor.u32 v11, v26;
	v41 =	vmul.f32 v38, v22;
	[tilespmem:v51+s16+$0x0] =	vst.idx.add.f32.msk $0xffff, v21  }
0x2e6: {  	[tilespmem:v52+s16+$0x0] =	vst.idx.add.f32.msk $0xffff, v5;
	v5 =	vmul.f32 v37, v8;
	v8 =	vor.u32 v11, v27  }
0x2e7: {  	v45 =	vor.u32 v12, v26;
	v44 =	vmul.f32 v38, v23;
	[tilespmem:v53+s16+$0x0] =	vst.idx.add.f32.msk $0xffff, v41  }
0x2e8: {  	[tilespmem:v54+s16+$0x0] =	vst.idx.add.f32.msk $0xffff, v5;
	v5 =	vmul.f32 v37, v16;
	v16 =	vor.u32 v12, v27  }
0x2e9: {  	v46 =	vor.u32 v13, v26;
	[tilespmem:v6+s16+$0x0] =	vst.idx.add.f32.msk $0xffff, v44;
	v6 =	vmul.f32 v38, v24  }
0x2ea: {  	[tilespmem:v43+s16+$0x0] =	vst.idx.add.f32.msk $0xffff, v5;
	v5 =	vmul.f32 v37, v17;
	v17 =	vor.u32 v13, v27  }
0x2eb: {  	[tilespmem:v8+s16+$0x0] =	vst.idx.add.f32.msk $0xffff, v6;
	v6 =	vmul.f32 v38, v25;
	v8 =	vor.u32 v14, v26  }
0x2ec: {  	v47 =	vor.u32 v14, v27;
	[tilespmem:v45+s16+$0x0] =	vst.idx.add.f32.msk $0xffff, v5;
	v5 =	vmul.f32 v37, v18  }
0x2ed: {  	[tilespmem:v16+s16+$0x0] =	vst.idx.add.f32.msk $0xffff, v6;
	v6 =	vmul.f32 v38, v28;
	v16 =	vor.u32 v15, v26  }
0x2ee: {  	v48 =	vor.u32 v15, v27;
	[tilespmem:v46+s16+$0x0] =	vst.idx.add.f32.msk $0xffff, v5;
	v5 =	vmul.f32 v37, v19  }
0x2ef: {  	[tilespmem:v17+s16+$0x0] =	vst.idx.add.f32.msk $0xffff, v6;
	v6 =	vmul.f32 v38, v40  }
0x2f0: {  	[tilespmem:v8+s16+$0x0] =	vst.idx.add.f32.msk $0xffff, v5;
	v5 =	vmul.f32 v37, v20  }
0x2f1: {  	[tilespmem:v47+s16+$0x0] =	vst.idx.add.f32.msk $0xffff, v6;
	v6 =	vmul.f32 v38, v42  }
0x2f2: {  	[tilespmem:v16+s16+$0x0] =	vst.idx.add.f32.msk $0xffff, v5  }
0x2f3: {  	[tilespmem:v48+s16+$0x0] =	vst.idx.add.f32.msk $0xffff, v6  }
0x2f4: {  	v5 =	vld [tilespmem:s22+$0xFFFFFD00]  }
0x2f5: {  	v6 =	vld [tilespmem:s22+$0xFFFFFD10]  }
0x2f6: {  	v8 =	vld [tilespmem:s22+$0xFFFFFD20]  }
0x2f7: {  	v16 =	vld [tilespmem:s22+$0xFFFFFD30]  }
0x2f8: {  	v17 =	vld [tilespmem:s22+$0xFFFFFD40]  }
0x2f9: {  	v18 =	vld [tilespmem:s22+$0xFFFFFD50]  }
0x2fa: {  	v19 =	vld [tilespmem:s22+$0xFFFFFD60]  }
0x2fb: {  	v20 =	vld [tilespmem:s22+$0xFFFFFD70]  }
0x2fc: {  	v21 =	vld [tilespmem:s22+$0xFFFFFD80]  }
0x2fd: {  	v22 =	vld [tilespmem:s22+$0xFFFFFD90]  }
0x2fe: {  	v23 =	vld [tilespmem:s22+$0xFFFFFDA0]  }
0x2ff: {  	v24 =	vld [tilespmem:s22+$0xFFFFFDB0]  }
0x300: {  	v25 =	vld [tilespmem:s22+$0xFFFFFDC0];
	v26 =	vmul.f32 v5, v29;
	v27 =	vmul.f32 v6, v30  }
0x301: {  	v28 =	vld [tilespmem:s22+$0xFFFFFDD0];
	v40 =	vmul.f32 v8, v31;
	v41 =	vmul.f32 v16, v32  }
0x302: {  	v42 =	vld [tilespmem:s22+$0xFFFFFDE0];
	v43 =	vmul.f32 v17, v33;
	v44 =	vmul.f32 v18, v34  }
0x303: {  	v45 =	vld [tilespmem:s22+$0xFFFFFDF0];
	v46 =	vmul.f32 v19, v35;
	v47 =	vmul.f32 v20, v36  }
0x304: {  	v48 =	vmul.f32 v21, v29;
	v49 =	vmul.f32 v22, v30  }
0x305: {  	v50 =	vmul.f32 v23, v31;
	v51 =	vmul.f32 v24, v32  }
0x306: {  	v52 =	vmul.f32 v25, v33;
	v53 =	vmul.f32 v28, v34  }
0x307: {  	v54 =	vmul.f32 v42, v35;
	v26 =	vadd.f32 v27, v26;
	v27 =	vadd.f32 v41, v40  }
0x308: {  	v40 =	vmul.f32 v45, v36;
	v41 =	vadd.f32 v44, v43;
	v43 =	vadd.f32 v47, v46  }
0x309: {  	v49 =	vadd.f32 v49, v48;
	v51 =	vadd.f32 v51, v50  }
0x30a: {  	v48 =	vadd.f32 v53, v52;
	v40 =	vadd.f32 v40, v54  }
0x30b: {  	v26 =	vadd.f32 v27, v26;
	v27 =	vadd.f32 v43, v41  }
0x30c: {  	v49 =	vadd.f32 v51, v49;
	v40 =	vadd.f32 v40, v48  }
0x30d: {  	v26 =	vadd.f32 v27, v26  }
0x30e: {  	v27 =	vadd.f32 v40, v49  }
0x30f: {  	v50 =	vperm.xlane v26, v1  }
0x310: {  	v41 =	vperm.xlane v27, v1  }
0x311: {  	v26 =	vadd.f32 v50, v26  }
0x312: {  	v27 =	vadd.f32 v27, v41  }
0x313: {  	v40 =	vperm.xlane v26, v2  }
0x314: {  	v41 =	vperm.xlane v27, v2  }
0x315: {  	v26 =	vadd.f32 v40, v26  }
0x316: {  	v27 =	vadd.f32 v27, v41  }
0x317: {  	v40 =	vperm.xlane v26, v3  }
0x318: {  	v41 =	vperm.xlane v27, v3  }
0x319: {  	v26 =	vadd.f32 v40, v26  }
0x31a: {  	v27 =	vadd.f32 v41, v27  }
0x31b: {  	v40 =	vperm.xlane v26, v4  }
0x31c: {  	v41 =	vperm.xlane v27, v4  }
0x31d: {  	v26 =	vadd.f32 v40, v26  }
0x31e: {  	v27 =	vadd.f32 v41, v27  }
0x31f: {  	v26 =	vmul.f32 $1.442695020e+00, v26  }
0x320: {  	v27 =	vmul.f32 $1.442695020e+00, v27  }
0x321: {  	(erf) = vpow2.f32 v26  }
0x322: {  	(erf) = vpow2.f32 v27;
	_ =	sdelay $0x2  }
0x323: {  	v51 =	vperm.xlane v39, v55  }
0x324: {  	v27 =	vperm.xlane v39, v56  }
0x325: {  	v26 =	vshll.u32 v51, $0x7  }
0x326: {  	v52 =	vor.u32 v7, v26;
	v27 =	vshll.u32 v27, $0x7  }
0x327: {  	v53 =	vor.u32 v7, v27  }
0x328: {  	v54 =	vor.u32 v9, v26;
	v40 =	vpop (erf)  }
0x329: {  	v55 =	vor.u32 v9, v27;
	v5 =	vmul.f32 v40, v5;
	v41 =	vpop (erf)  }
0x32a: {  	v56 =	vor.u32 v10, v26;
	v21 =	vmul.f32 v41, v21  }
0x32b: {  	[tilespmem:v52+s16+$0x0] =	vst.idx.add.f32.msk $0xffff, v5;
	v5 =	vmul.f32 v40, v6;
	v6 =	vor.u32 v10, v27  }
0x32c: {  	v44 =	vor.u32 v11, v26;
	v43 =	vmul.f32 v41, v22;
	[tilespmem:v53+s16+$0x0] =	vst.idx.add.f32.msk $0xffff, v21  }
0x32d: {  	[tilespmem:v54+s16+$0x0] =	vst.idx.add.f32.msk $0xffff, v5;
	v5 =	vmul.f32 v40, v8;
	v8 =	vor.u32 v11, v27  }
0x32e: {  	v49 =	vor.u32 v12, v26;
	v47 =	vmul.f32 v41, v23;
	[tilespmem:v55+s16+$0x0] =	vst.idx.add.f32.msk $0xffff, v43  }
0x32f: {  	[tilespmem:v56+s16+$0x0] =	vst.idx.add.f32.msk $0xffff, v5;
	v5 =	vmul.f32 v40, v16;
	v16 =	vor.u32 v12, v27  }
0x330: {  	v50 =	vor.u32 v13, v26;
	[tilespmem:v6+s16+$0x0] =	vst.idx.add.f32.msk $0xffff, v47;
	v6 =	vmul.f32 v41, v24  }
0x331: {  	[tilespmem:v44+s16+$0x0] =	vst.idx.add.f32.msk $0xffff, v5;
	v5 =	vmul.f32 v40, v17;
	v17 =	vor.u32 v13, v27  }
0x332: {  	[tilespmem:v8+s16+$0x0] =	vst.idx.add.f32.msk $0xffff, v6;
	v6 =	vmul.f32 v41, v25;
	v8 =	vor.u32 v14, v26  }
0x333: {  	v51 =	vor.u32 v14, v27;
	[tilespmem:v49+s16+$0x0] =	vst.idx.add.f32.msk $0xffff, v5;
	v5 =	vmul.f32 v40, v18  }
0x334: {  	[tilespmem:v16+s16+$0x0] =	vst.idx.add.f32.msk $0xffff, v6;
	v6 =	vmul.f32 v41, v28;
	v16 =	vor.u32 v15, v26  }
0x335: {  	v52 =	vor.u32 v15, v27;
	[tilespmem:v50+s16+$0x0] =	vst.idx.add.f32.msk $0xffff, v5;
	v5 =	vmul.f32 v40, v19  }
0x336: {  	[tilespmem:v17+s16+$0x0] =	vst.idx.add.f32.msk $0xffff, v6;
	v6 =	vmul.f32 v41, v42  }
0x337: {  	[tilespmem:v8+s16+$0x0] =	vst.idx.add.f32.msk $0xffff, v5;
	v5 =	vmul.f32 v40, v20  }
0x338: {  	[tilespmem:v51+s16+$0x0] =	vst.idx.add.f32.msk $0xffff, v6;
	v6 =	vmul.f32 v41, v45  }
0x339: {  	[tilespmem:v16+s16+$0x0] =	vst.idx.add.f32.msk $0xffff, v5  }
0x33a: {  	[tilespmem:v52+s16+$0x0] =	vst.idx.add.f32.msk $0xffff, v6  }
0x33b: {  	v5 =	vld [tilespmem:s22+$0xFFFFFE00]  }
0x33c: {  	v6 =	vld [tilespmem:s22+$0xFFFFFE10]  }
0x33d: {  	v8 =	vld [tilespmem:s22+$0xFFFFFE20]  }
0x33e: {  	v16 =	vld [tilespmem:s22+$0xFFFFFE30]  }
0x33f: {  	v17 =	vld [tilespmem:s22+$0xFFFFFE40]  }
0x340: {  	v18 =	vld [tilespmem:s22+$0xFFFFFE50]  }
0x341: {  	v19 =	vld [tilespmem:s22+$0xFFFFFE60]  }
0x342: {  	v20 =	vld [tilespmem:s22+$0xFFFFFE70]  }
0x343: {  	v21 =	vld [tilespmem:s22+$0xFFFFFE80]  }
0x344: {  	v22 =	vld [tilespmem:s22+$0xFFFFFE90]  }
0x345: {  	v23 =	vld [tilespmem:s22+$0xFFFFFEA0]  }
0x346: {  	v24 =	vld [tilespmem:s22+$0xFFFFFEB0]  }
0x347: {  	v25 =	vld [tilespmem:s22+$0xFFFFFEC0];
	v26 =	vmul.f32 v5, v29;
	v27 =	vmul.f32 v6, v30  }
0x348: {  	v28 =	vld [tilespmem:s22+$0xFFFFFED0];
	v42 =	vmul.f32 v8, v31;
	v43 =	vmul.f32 v16, v32  }
0x349: {  	v44 =	vld [tilespmem:s22+$0xFFFFFEE0];
	v45 =	vmul.f32 v17, v33;
	v46 =	vmul.f32 v18, v34  }
0x34a: {  	v47 =	vld [tilespmem:s22+$0xFFFFFEF0];
	v48 =	vmul.f32 v19, v35;
	v49 =	vmul.f32 v20, v36  }
0x34b: {  	v50 =	vmul.f32 v21, v29;
	v51 =	vmul.f32 v22, v30  }
0x34c: {  	v52 =	vmul.f32 v23, v31;
	v53 =	vmul.f32 v24, v32  }
0x34d: {  	v54 =	vmul.f32 v25, v33;
	v55 =	vmul.f32 v28, v34  }
0x34e: {  	v56 =	vmul.f32 v44, v35;
	v26 =	vadd.f32 v27, v26;
	v27 =	vadd.f32 v43, v42  }
0x34f: {  	v42 =	vmul.f32 v47, v36;
	v43 =	vadd.f32 v46, v45;
	v45 =	vadd.f32 v49, v48  }
0x350: {  	v46 =	vadd.f32 v51, v50;
	v53 =	vadd.f32 v53, v52  }
0x351: {  	v55 =	vadd.f32 v55, v54;
	v42 =	vadd.f32 v42, v56  }
0x352: {  	v26 =	vadd.f32 v27, v26;
	v27 =	vadd.f32 v45, v43  }
0x353: {  	v51 =	vadd.f32 v53, v46;
	v42 =	vadd.f32 v42, v55  }
0x354: {  	v26 =	vadd.f32 v27, v26  }
0x355: {  	v27 =	vadd.f32 v42, v51  }
0x356: {  	v52 =	vperm.xlane v26, v1  }
0x357: {  	v43 =	vperm.xlane v27, v1  }
0x358: {  	v26 =	vadd.f32 v52, v26  }
0x359: {  	v27 =	vadd.f32 v27, v43  }
0x35a: {  	v42 =	vperm.xlane v26, v2  }
0x35b: {  	v43 =	vperm.xlane v27, v2  }
0x35c: {  	v26 =	vadd.f32 v42, v26  }
0x35d: {  	v27 =	vadd.f32 v27, v43  }
0x35e: {  	v42 =	vperm.xlane v26, v3  }
0x35f: {  	v43 =	vperm.xlane v27, v3  }
0x360: {  	v26 =	vadd.f32 v42, v26  }
0x361: {  	v27 =	vadd.f32 v43, v27  }
0x362: {  	v42 =	vperm.xlane v26, v4  }
0x363: {  	v43 =	vperm.xlane v27, v4  }
0x364: {  	v26 =	vadd.f32 v42, v26  }
0x365: {  	v27 =	vadd.f32 v43, v27  }
0x366: {  	v26 =	vmul.f32 $1.442695020e+00, v26  }
0x367: {  	v27 =	vmul.f32 $1.442695020e+00, v27  }
0x368: {  	(erf) = vpow2.f32 v26  }
0x369: {  	(erf) = vpow2.f32 v27;
	_ =	sdelay $0x2  }
0x36a: {  	v53 =	vperm.xlane v39, v57  }
0x36b: {  	v27 =	vperm.xlane v39, v58  }
0x36c: {  	v26 =	vshll.u32 v53, $0x7  }
0x36d: {  	v54 =	vor.u32 v7, v26;
	v27 =	vshll.u32 v27, $0x7  }
0x36e: {  	v55 =	vor.u32 v7, v27  }
0x36f: {  	v56 =	vor.u32 v9, v26;
	v42 =	vpop (erf)  }
0x370: {  	v57 =	vor.u32 v9, v27;
	v5 =	vmul.f32 v42, v5;
	v43 =	vpop (erf)  }
0x371: {  	v58 =	vor.u32 v10, v26;
	v21 =	vmul.f32 v43, v21  }
0x372: {  	[tilespmem:v54+s16+$0x0] =	vst.idx.add.f32.msk $0xffff, v5;
	v5 =	vmul.f32 v42, v6;
	v6 =	vor.u32 v10, v27  }
0x373: {  	v46 =	vor.u32 v11, v26;
	v45 =	vmul.f32 v43, v22;
	[tilespmem:v55+s16+$0x0] =	vst.idx.add.f32.msk $0xffff, v21  }
0x374: {  	[tilespmem:v56+s16+$0x0] =	vst.idx.add.f32.msk $0xffff, v5;
	v5 =	vmul.f32 v42, v8;
	v8 =	vor.u32 v11, v27  }
0x375: {  	v51 =	vor.u32 v12, v26;
	v49 =	vmul.f32 v43, v23;
	[tilespmem:v57+s16+$0x0] =	vst.idx.add.f32.msk $0xffff, v45  }
0x376: {  	[tilespmem:v58+s16+$0x0] =	vst.idx.add.f32.msk $0xffff, v5;
	v5 =	vmul.f32 v42, v16;
	v16 =	vor.u32 v12, v27  }
0x377: {  	v52 =	vor.u32 v13, v26;
	[tilespmem:v6+s16+$0x0] =	vst.idx.add.f32.msk $0xffff, v49;
	v6 =	vmul.f32 v43, v24  }
0x378: {  	[tilespmem:v46+s16+$0x0] =	vst.idx.add.f32.msk $0xffff, v5;
	v5 =	vmul.f32 v42, v17;
	v17 =	vor.u32 v13, v27  }
0x379: {  	[tilespmem:v8+s16+$0x0] =	vst.idx.add.f32.msk $0xffff, v6;
	v6 =	vmul.f32 v43, v25;
	v8 =	vor.u32 v14, v26  }
0x37a: {  	v53 =	vor.u32 v14, v27;
	[tilespmem:v51+s16+$0x0] =	vst.idx.add.f32.msk $0xffff, v5;
	v5 =	vmul.f32 v42, v18  }
0x37b: {  	[tilespmem:v16+s16+$0x0] =	vst.idx.add.f32.msk $0xffff, v6;
	v6 =	vmul.f32 v43, v28;
	v16 =	vor.u32 v15, v26  }
0x37c: {  	v54 =	vor.u32 v15, v27;
	[tilespmem:v52+s16+$0x0] =	vst.idx.add.f32.msk $0xffff, v5;
	v5 =	vmul.f32 v42, v19  }
0x37d: {  	[tilespmem:v17+s16+$0x0] =	vst.idx.add.f32.msk $0xffff, v6;
	v6 =	vmul.f32 v43, v44  }
0x37e: {  	[tilespmem:v8+s16+$0x0] =	vst.idx.add.f32.msk $0xffff, v5;
	v5 =	vmul.f32 v42, v20  }
0x37f: {  	[tilespmem:v53+s16+$0x0] =	vst.idx.add.f32.msk $0xffff, v6;
	v6 =	vmul.f32 v43, v47  }
0x380: {  	[tilespmem:v16+s16+$0x0] =	vst.idx.add.f32.msk $0xffff, v5  }
0x381: {  	[tilespmem:v54+s16+$0x0] =	vst.idx.add.f32.msk $0xffff, v6  }
0x382: {  	v5 =	vld [tilespmem:s22+$0xFFFFFF00]  }
0x383: {  	v6 =	vld [tilespmem:s22+$0xFFFFFF10]  }
0x384: {  	v8 =	vld [tilespmem:s22+$0xFFFFFF20]  }
0x385: {  	v16 =	vld [tilespmem:s22+$0xFFFFFF30]  }
0x386: {  	v17 =	vld [tilespmem:s22+$0xFFFFFF40]  }
0x387: {  	v18 =	vld [tilespmem:s22+$0xFFFFFF50]  }
0x388: {  	v19 =	vld [tilespmem:s22+$0xFFFFFF60]  }
0x389: {  	v20 =	vld [tilespmem:s22+$0xFFFFFF70]  }
0x38a: {  	v21 =	vld [tilespmem:s22+$0xFFFFFF80]  }
0x38b: {  	v22 =	vld [tilespmem:s22+$0xFFFFFF90]  }
0x38c: {  	v23 =	vld [tilespmem:s22+$0xFFFFFFA0]  }
0x38d: {  	v24 =	vld [tilespmem:s22+$0xFFFFFFB0]  }
0x38e: {  	v25 =	vld [tilespmem:s22+$0xFFFFFFC0];
	v26 =	vmul.f32 v5, v29;
	v27 =	vmul.f32 v6, v30  }
0x38f: {  	v28 =	vld [tilespmem:s22+$0xFFFFFFD0];
	v44 =	vmul.f32 v8, v31;
	v45 =	vmul.f32 v16, v32  }
0x390: {  	v46 =	vld [tilespmem:s22+$0xFFFFFFE0];
	v47 =	vmul.f32 v17, v33;
	v48 =	vmul.f32 v18, v34  }
0x391: {  	v49 =	vld [tilespmem:s22+$0xFFFFFFF0];
	v50 =	vmul.f32 v19, v35;
	v51 =	vmul.f32 v20, v36  }
0x392: {  	v52 =	vmul.f32 v21, v29;
	v53 =	vmul.f32 v22, v30  }
0x393: {  	v54 =	vmul.f32 v23, v31;
	v55 =	vmul.f32 v24, v32  }
0x394: {  	v56 =	vmul.f32 v25, v33;
	v57 =	vmul.f32 v28, v34  }
0x395: {  	v58 =	vmul.f32 v46, v35;
	v26 =	vadd.f32 v27, v26;
	v27 =	vadd.f32 v45, v44  }
0x396: {  	v44 =	vmul.f32 v49, v36;
	v45 =	vadd.f32 v48, v47;
	v47 =	vadd.f32 v51, v50  }
0x397: {  	v48 =	vadd.f32 v53, v52;
	v55 =	vadd.f32 v55, v54  }
0x398: {  	v57 =	vadd.f32 v57, v56;
	v44 =	vadd.f32 v44, v58  }
0x399: {  	v26 =	vadd.f32 v27, v26;
	v27 =	vadd.f32 v47, v45  }
0x39a: {  	v53 =	vadd.f32 v55, v48;
	v44 =	vadd.f32 v44, v57  }
0x39b: {  	v26 =	vadd.f32 v27, v26  }
0x39c: {  	v27 =	vadd.f32 v44, v53  }
0x39d: {  	v54 =	vperm.xlane v26, v1  }
0x39e: {  	v45 =	vperm.xlane v27, v1  }
0x39f: {  	v26 =	vadd.f32 v54, v26  }
0x3a0: {  	v27 =	vadd.f32 v27, v45  }
0x3a1: {  	v44 =	vperm.xlane v26, v2  }
0x3a2: {  	v45 =	vperm.xlane v27, v2  }
0x3a3: {  	v26 =	vadd.f32 v44, v26  }
0x3a4: {  	v27 =	vadd.f32 v27, v45  }
0x3a5: {  	v44 =	vperm.xlane v26, v3  }
0x3a6: {  	v45 =	vperm.xlane v27, v3  }
0x3a7: {  	v26 =	vadd.f32 v44, v26  }
0x3a8: {  	v27 =	vadd.f32 v45, v27  }
0x3a9: {  	v44 =	vperm.xlane v26, v4  }
0x3aa: {  	v45 =	vperm.xlane v27, v4  }
0x3ab: {  	v26 =	vadd.f32 v44, v26  }
0x3ac: {  	v27 =	vadd.f32 v45, v27  }
0x3ad: {  	v26 =	vmul.f32 $1.442695020e+00, v26  }
0x3ae: {  	v27 =	vmul.f32 $1.442695020e+00, v27  }
0x3af: {  	(erf) = vpow2.f32 v26  }
0x3b0: {  	(erf) = vpow2.f32 v27;
	_ =	sdelay $0x2  }
0x3b1: {  	v55 =	vperm.xlane v39, v60  }
0x3b2: {  	v27 =	vperm.xlane v39, v59  }
0x3b3: {  	v26 =	vshll.u32 v55, $0x7  }
0x3b4: {  	v56 =	vor.u32 v7, v26;
	v27 =	vshll.u32 v27, $0x7  }
0x3b5: {  	v57 =	vor.u32 v7, v27  }
0x3b6: {  	v58 =	vor.u32 v9, v26;
	v44 =	vpop (erf)  }
0x3b7: {  	v59 =	vor.u32 v9, v27;
	v5 =	vmul.f32 v44, v5;
	v45 =	vpop (erf)  }
0x3b8: {  	v60 =	vor.u32 v10, v26;
	v21 =	vmul.f32 v45, v21  }
0x3b9: {  	[tilespmem:v56+s16+$0x0] =	vst.idx.add.f32.msk $0xffff, v5;
	v5 =	vmul.f32 v44, v6;
	v6 =	vor.u32 v10, v27  }
0x3ba: {  	v48 =	vor.u32 v11, v26;
	v47 =	vmul.f32 v45, v22;
	[tilespmem:v57+s16+$0x0] =	vst.idx.add.f32.msk $0xffff, v21  }
0x3bb: {  	[tilespmem:v58+s16+$0x0] =	vst.idx.add.f32.msk $0xffff, v5;
	v5 =	vmul.f32 v44, v8;
	v8 =	vor.u32 v11, v27  }
0x3bc: {  	v53 =	vor.u32 v12, v26;
	v51 =	vmul.f32 v45, v23;
	[tilespmem:v59+s16+$0x0] =	vst.idx.add.f32.msk $0xffff, v47  }
0x3bd: {  	[tilespmem:v60+s16+$0x0] =	vst.idx.add.f32.msk $0xffff, v5;
	v5 =	vmul.f32 v44, v16;
	v16 =	vor.u32 v12, v27  }
0x3be: {  	v54 =	vor.u32 v13, v26;
	[tilespmem:v6+s16+$0x0] =	vst.idx.add.f32.msk $0xffff, v51;
	v6 =	vmul.f32 v45, v24  }
0x3bf: {  	[tilespmem:v48+s16+$0x0] =	vst.idx.add.f32.msk $0xffff, v5;
	v5 =	vmul.f32 v44, v17;
	v17 =	vor.u32 v13, v27  }
0x3c0: {  	[tilespmem:v8+s16+$0x0] =	vst.idx.add.f32.msk $0xffff, v6;
	v6 =	vmul.f32 v45, v25;
	v8 =	vor.u32 v14, v26  }
0x3c1: {  	v55 =	vor.u32 v14, v27;
	[tilespmem:v53+s16+$0x0] =	vst.idx.add.f32.msk $0xffff, v5;
	v5 =	vmul.f32 v44, v18  }
0x3c2: {  	[tilespmem:v16+s16+$0x0] =	vst.idx.add.f32.msk $0xffff, v6;
	v6 =	vmul.f32 v45, v28;
	v16 =	vor.u32 v15, v26  }
0x3c3: {  	v56 =	vor.u32 v15, v27;
	[tilespmem:v54+s16+$0x0] =	vst.idx.add.f32.msk $0xffff, v5;
	v5 =	vmul.f32 v44, v19  }
0x3c4: {  	[tilespmem:v17+s16+$0x0] =	vst.idx.add.f32.msk $0xffff, v6;
	v6 =	vmul.f32 v45, v46  }
0x3c5: {  	[tilespmem:v8+s16+$0x0] =	vst.idx.add.f32.msk $0xffff, v5;
	v5 =	vmul.f32 v44, v20  }
0x3c6: {  	[tilespmem:v55+s16+$0x0] =	vst.idx.add.f32.msk $0xffff, v6;
	v6 =	vmul.f32 v45, v49  }
0x3c7: {  	[tilespmem:v16+s16+$0x0] =	vst.idx.add.f32.msk $0xffff, v5  }
0x3c8: {  	[tilespmem:v56+s16+$0x0] =	vst.idx.add.f32.msk $0xffff, v6  }
0x3c9: {  	v5 =	vld [tilespmem:s22+$0x0]  }
0x3ca: {  	v6 =	vld [tilespmem:s22+$0x10]  }
0x3cb: {  	v8 =	vld [tilespmem:s22+$0x20]  }
0x3cc: {  	v16 =	vld [tilespmem:s22+$0x30]  }
0x3cd: {  	v17 =	vld [tilespmem:s22+$0x40]  }
0x3ce: {  	v18 =	vld [tilespmem:s22+$0x50]  }
0x3cf: {  	v19 =	vld [tilespmem:s22+$0x60]  }
0x3d0: {  	v20 =	vld [tilespmem:s22+$0x70]  }
0x3d1: {  	v21 =	vld [tilespmem:s22+$0x80]  }
0x3d2: {  	v22 =	vld [tilespmem:s22+$0x90]  }
0x3d3: {  	v23 =	vld [tilespmem:s22+$0xA0]  }
0x3d4: {  	v24 =	vld [tilespmem:s22+$0xB0]  }
0x3d5: {  	v25 =	vld [tilespmem:s22+$0xC0];
	v26 =	vmul.f32 v5, v29;
	v27 =	vmul.f32 v6, v30  }
0x3d6: {  	v28 =	vld [tilespmem:s22+$0xD0];
	v46 =	vmul.f32 v8, v31;
	v47 =	vmul.f32 v16, v32  }
0x3d7: {  	v48 =	vld [tilespmem:s22+$0xE0];
	v49 =	vmul.f32 v17, v33;
	v50 =	vmul.f32 v18, v34  }
0x3d8: {  	v51 =	vld [tilespmem:s22+$0xF0];
	v52 =	vmul.f32 v19, v35;
	v53 =	vmul.f32 v20, v36  }
0x3d9: {  	v54 =	vmul.f32 v21, v29;
	v55 =	vmul.f32 v22, v30  }
0x3da: {  	v56 =	vmul.f32 v23, v31;
	v57 =	vmul.f32 v24, v32  }
0x3db: {  	v58 =	vmul.f32 v25, v33;
	v59 =	vmul.f32 v28, v34  }
0x3dc: {  	v60 =	vmul.f32 v48, v35;
	v26 =	vadd.f32 v27, v26;
	v27 =	vadd.f32 v47, v46  }
0x3dd: {  	v46 =	vmul.f32 v51, v36;
	v47 =	vadd.f32 v50, v49;
	v49 =	vadd.f32 v53, v52  }
0x3de: {  	v50 =	vadd.f32 v55, v54;
	v57 =	vadd.f32 v57, v56  }
0x3df: {  	v59 =	vadd.f32 v59, v58;
	v46 =	vadd.f32 v46, v60  }
0x3e0: {  	v26 =	vadd.f32 v27, v26;
	v27 =	vadd.f32 v49, v47  }
0x3e1: {  	v55 =	vadd.f32 v57, v50;
	v46 =	vadd.f32 v46, v59  }
0x3e2: {  	v26 =	vadd.f32 v27, v26  }
0x3e3: {  	v27 =	vadd.f32 v46, v55  }
0x3e4: {  	v56 =	vperm.xlane v26, v1  }
0x3e5: {  	v47 =	vperm.xlane v27, v1  }
0x3e6: {  	v26 =	vadd.f32 v56, v26  }
0x3e7: {  	v27 =	vadd.f32 v27, v47  }
0x3e8: {  	v46 =	vperm.xlane v26, v2  }
0x3e9: {  	v47 =	vperm.xlane v27, v2  }
0x3ea: {  	v26 =	vadd.f32 v46, v26  }
0x3eb: {  	v27 =	vadd.f32 v27, v47  }
0x3ec: {  	v46 =	vperm.xlane v26, v3  }
0x3ed: {  	v47 =	vperm.xlane v27, v3  }
0x3ee: {  	v26 =	vadd.f32 v46, v26  }
0x3ef: {  	v27 =	vadd.f32 v47, v27  }
0x3f0: {  	v46 =	vperm.xlane v26, v4  }
0x3f1: {  	v47 =	vperm.xlane v27, v4  }
0x3f2: {  	v26 =	vadd.f32 v46, v26  }
0x3f3: {  	v27 =	vadd.f32 v47, v27  }
0x3f4: {  	v26 =	vmul.f32 $1.442695020e+00, v26  }
0x3f5: {  	v27 =	vmul.f32 $1.442695020e+00, v27  }
0x3f6: {  	(erf) = vpow2.f32 v26  }
0x3f7: {  	(erf) = vpow2.f32 v27;
	_ =	sdelay $0x2  }
0x3f8: {  	v57 =	vperm.xlane v39, v61  }
0x3f9: {  	v27 =	vperm.xlane v39, v62  }
0x3fa: {  	v26 =	vshll.u32 v57, $0x7  }
0x3fb: {  	v58 =	vor.u32 v7, v26;
	v27 =	vshll.u32 v27, $0x7  }
0x3fc: {  	v59 =	vor.u32 v7, v27  }
0x3fd: {  	v60 =	vor.u32 v9, v26;
	v46 =	vpop (erf)  }
0x3fe: {  	v61 =	vor.u32 v9, v27;
	v5 =	vmul.f32 v46, v5;
	v47 =	vpop (erf)  }
0x3ff: {  	v62 =	vor.u32 v10, v26;
	v21 =	vmul.f32 v47, v21  }
0x400: {  	[tilespmem:v58+s16+$0x0] =	vst.idx.add.f32.msk $0xffff, v5;
	v5 =	vmul.f32 v46, v6;
	v6 =	vor.u32 v10, v27  }
0x401: {  	v50 =	vor.u32 v11, v26;
	v49 =	vmul.f32 v47, v22;
	[tilespmem:v59+s16+$0x0] =	vst.idx.add.f32.msk $0xffff, v21  }
0x402: {  	[tilespmem:v60+s16+$0x0] =	vst.idx.add.f32.msk $0xffff, v5;
	v5 =	vmul.f32 v46, v8;
	v8 =	vor.u32 v11, v27  }
0x403: {  	v53 =	vor.u32 v12, v26;
	v52 =	vmul.f32 v47, v23;
	[tilespmem:v61+s16+$0x0] =	vst.idx.add.f32.msk $0xffff, v49  }
0x404: {  	[tilespmem:v62+s16+$0x0] =	vst.idx.add.f32.msk $0xffff, v5;
	v5 =	vmul.f32 v46, v16;
	v16 =	vor.u32 v12, v27  }
0x405: {  	v54 =	vor.u32 v13, v26;
	[tilespmem:v6+s16+$0x0] =	vst.idx.add.f32.msk $0xffff, v52;
	v6 =	vmul.f32 v47, v24  }
0x406: {  	[tilespmem:v50+s16+$0x0] =	vst.idx.add.f32.msk $0xffff, v5;
	v5 =	vmul.f32 v46, v17;
	v17 =	vor.u32 v13, v27  }
0x407: {  	[tilespmem:v8+s16+$0x0] =	vst.idx.add.f32.msk $0xffff, v6;
	v6 =	vmul.f32 v47, v25;
	v8 =	vor.u32 v14, v26  }
0x408: {  	v55 =	vor.u32 v14, v27;
	[tilespmem:v53+s16+$0x0] =	vst.idx.add.f32.msk $0xffff, v5;
	v5 =	vmul.f32 v46, v18  }
0x409: {  	[tilespmem:v16+s16+$0x0] =	vst.idx.add.f32.msk $0xffff, v6;
	v6 =	vmul.f32 v47, v28;
	v16 =	vor.u32 v15, v26  }
0x40a: {  	v56 =	vor.u32 v15, v27;
	[tilespmem:v54+s16+$0x0] =	vst.idx.add.f32.msk $0xffff, v5;
	v5 =	vmul.f32 v46, v19  }
0x40b: {  	[tilespmem:v17+s16+$0x0] =	vst.idx.add.f32.msk $0xffff, v6;
	v6 =	vmul.f32 v47, v48  }
0x40c: {  	[tilespmem:v8+s16+$0x0] =	vst.idx.add.f32.msk $0xffff, v5;
	v5 =	vmul.f32 v46, v20  }
0x40d: {  	[tilespmem:v55+s16+$0x0] =	vst.idx.add.f32.msk $0xffff, v6;
	v6 =	vmul.f32 v47, v51  }
0x40e: {  	[tilespmem:v16+s16+$0x0] =	vst.idx.add.f32.msk $0xffff, v5  }
0x40f: {  	[tilespmem:v56+s16+$0x0] =	vst.idx.add.f32.msk $0xffff, v6  }
0x410: {  	v5 =	vld [tilespmem:s22+$0x100]  }
0x411: {  	v6 =	vld [tilespmem:s22+$0x110]  }
0x412: {  	v8 =	vld [tilespmem:s22+$0x120]  }
0x413: {  	v16 =	vld [tilespmem:s22+$0x130]  }
0x414: {  	v17 =	vld [tilespmem:s22+$0x140]  }
0x415: {  	v18 =	vld [tilespmem:s22+$0x150]  }
0x416: {  	v19 =	vld [tilespmem:s22+$0x160]  }
0x417: {  	v20 =	vld [tilespmem:s22+$0x170]  }
0x418: {  	v21 =	vld [tilespmem:s22+$0x180]  }
0x419: {  	v22 =	vld [tilespmem:s22+$0x190]  }
0x41a: {  	v23 =	vld [tilespmem:s22+$0x1A0]  }
0x41b: {  	v24 =	vld [tilespmem:s22+$0x1B0]  }
0x41c: {  	v25 =	vld [tilespmem:s22+$0x1C0];
	v26 =	vmul.f32 v5, v29;
	v27 =	vmul.f32 v6, v30  }
0x41d: {  	v28 =	vld [tilespmem:s22+$0x1D0];
	v48 =	vmul.f32 v8, v31;
	v49 =	vmul.f32 v16, v32  }
0x41e: {  	v50 =	vld [tilespmem:s22+$0x1E0];
	v51 =	vmul.f32 v17, v33;
	v52 =	vmul.f32 v18, v34  }
0x41f: {  	v53 =	vld [tilespmem:s22+$0x1F0];
	v54 =	vmul.f32 v19, v35;
	v55 =	vmul.f32 v20, v36  }
0x420: {  	v56 =	vmul.f32 v21, v29;
	v57 =	vmul.f32 v22, v30  }
0x421: {  	v58 =	vmul.f32 v23, v31;
	v59 =	vmul.f32 v24, v32  }
0x422: {  	v60 =	vmul.f32 v25, v33;
	v61 =	vmul.f32 v28, v34  }
0x423: {  	v62 =	vmul.f32 v50, v35;
	v26 =	vadd.f32 v27, v26;
	v27 =	vadd.f32 v49, v48  }
0x424: {  	v48 =	vmul.f32 v53, v36;
	v49 =	vadd.f32 v52, v51;
	v51 =	vadd.f32 v55, v54  }
0x425: {  	v57 =	vadd.f32 v57, v56;
	v59 =	vadd.f32 v59, v58  }
0x426: {  	v61 =	vadd.f32 v61, v60;
	v48 =	vadd.f32 v48, v62  }
0x427: {  	v26 =	vadd.f32 v27, v26;
	v27 =	vadd.f32 v51, v49  }
0x428: {  	v57 =	vadd.f32 v59, v57;
	v48 =	vadd.f32 v48, v61  }
0x429: {  	v26 =	vadd.f32 v27, v26  }
0x42a: {  	v27 =	vadd.f32 v48, v57  }
0x42b: {  	v58 =	vperm.xlane v26, v1  }
0x42c: {  	v49 =	vperm.xlane v27, v1  }
0x42d: {  	v26 =	vadd.f32 v58, v26  }
0x42e: {  	v27 =	vadd.f32 v27, v49  }
0x42f: {  	v48 =	vperm.xlane v26, v2  }
0x430: {  	v49 =	vperm.xlane v27, v2  }
0x431: {  	v26 =	vadd.f32 v48, v26  }
0x432: {  	v27 =	vadd.f32 v27, v49  }
0x433: {  	v48 =	vperm.xlane v26, v3  }
0x434: {  	v49 =	vperm.xlane v27, v3  }
0x435: {  	v26 =	vadd.f32 v48, v26  }
0x436: {  	v27 =	vadd.f32 v49, v27  }
0x437: {  	v48 =	vperm.xlane v26, v4  }
0x438: {  	v49 =	vperm.xlane v27, v4  }
0x439: {  	v26 =	vadd.f32 v48, v26  }
0x43a: {  	v27 =	vadd.f32 v49, v27  }
0x43b: {  	v26 =	vmul.f32 $1.442695020e+00, v26  }
0x43c: {  	v27 =	vmul.f32 $1.442695020e+00, v27  }
0x43d: {  	(erf) = vpow2.f32 v26  }
0x43e: {  	(erf) = vpow2.f32 v27;
	_ =	sdelay $0x1  }
0x43f: {  	v59 =	vimm.s32 $0xA  }
0x440: {  	v26 =	vperm.xlane v39, v59  }
0x441: {  	v27 =	vperm.xlane v39, v63  }
0x442: {  	v26 =	vshll.u32 v26, $0x7  }
0x443: {  	v51 =	vor.u32 v7, v26;
	v27 =	vshll.u32 v27, $0x7  }
0x444: {  	v60 =	vor.u32 v7, v27  }
0x445: {  	v61 =	vor.u32 v9, v26;
	v48 =	vpop (erf)  }
0x446: {  	v62 =	vor.u32 v9, v27;
	v5 =	vmul.f32 v48, v5;
	v49 =	vpop (erf)  }
0x447: {  	v63 =	vor.u32 v10, v26;
	v21 =	vmul.f32 v49, v21  }
0x448: {  	[tilespmem:v51+s16+$0x0] =	vst.idx.add.f32.msk $0xffff, v5;
	v5 =	vmul.f32 v48, v6;
	v6 =	vor.u32 v10, v27  }
0x449: {  	v52 =	vor.u32 v11, v26;
	v51 =	vmul.f32 v49, v22;
	[tilespmem:v60+s16+$0x0] =	vst.idx.add.f32.msk $0xffff, v21  }
0x44a: {  	[tilespmem:v61+s16+$0x0] =	vst.idx.add.f32.msk $0xffff, v5;
	v5 =	vmul.f32 v48, v8;
	v8 =	vor.u32 v11, v27  }
0x44b: {  	v57 =	vor.u32 v12, v26;
	v55 =	vmul.f32 v49, v23;
	[tilespmem:v62+s16+$0x0] =	vst.idx.add.f32.msk $0xffff, v51  }
0x44c: {  	[tilespmem:v63+s16+$0x0] =	vst.idx.add.f32.msk $0xffff, v5;
	v5 =	vmul.f32 v48, v16;
	v16 =	vor.u32 v12, v27  }
0x44d: {  	v58 =	vor.u32 v13, v26;
	[tilespmem:v6+s16+$0x0] =	vst.idx.add.f32.msk $0xffff, v55;
	v6 =	vmul.f32 v49, v24  }
0x44e: {  	[tilespmem:v52+s16+$0x0] =	vst.idx.add.f32.msk $0xffff, v5;
	v5 =	vmul.f32 v48, v17;
	v17 =	vor.u32 v13, v27  }
0x44f: {  	[tilespmem:v8+s16+$0x0] =	vst.idx.add.f32.msk $0xffff, v6;
	v6 =	vmul.f32 v49, v25;
	v8 =	vor.u32 v14, v26  }
0x450: {  	v59 =	vor.u32 v14, v27;
	[tilespmem:v57+s16+$0x0] =	vst.idx.add.f32.msk $0xffff, v5;
	v5 =	vmul.f32 v48, v18  }
0x451: {  	[tilespmem:v16+s16+$0x0] =	vst.idx.add.f32.msk $0xffff, v6;
	v6 =	vmul.f32 v49, v28;
	v16 =	vor.u32 v15, v26  }
0x452: {  	v60 =	vor.u32 v15, v27;
	[tilespmem:v58+s16+$0x0] =	vst.idx.add.f32.msk $0xffff, v5;
	v5 =	vmul.f32 v48, v19  }
0x453: {  	[tilespmem:v17+s16+$0x0] =	vst.idx.add.f32.msk $0xffff, v6;
	v6 =	vmul.f32 v49, v50  }
0x454: {  	[tilespmem:v8+s16+$0x0] =	vst.idx.add.f32.msk $0xffff, v5;
	v5 =	vmul.f32 v48, v20  }
0x455: {  	[tilespmem:v59+s16+$0x0] =	vst.idx.add.f32.msk $0xffff, v6;
	v6 =	vmul.f32 v49, v53  }
0x456: {  	[tilespmem:v16+s16+$0x0] =	vst.idx.add.f32.msk $0xffff, v5  }
0x457: {  	[tilespmem:v60+s16+$0x0] =	vst.idx.add.f32.msk $0xffff, v6  }
0x458: {  	v5 =	vld [tilespmem:s22+$0x200]  }
0x459: {  	v6 =	vld [tilespmem:s22+$0x210]  }
0x45a: {  	v8 =	vld [tilespmem:s22+$0x220]  }
0x45b: {  	v16 =	vld [tilespmem:s22+$0x230]  }
0x45c: {  	v17 =	vld [tilespmem:s22+$0x240]  }
0x45d: {  	v18 =	vld [tilespmem:s22+$0x250]  }
0x45e: {  	v19 =	vld [tilespmem:s22+$0x260]  }
0x45f: {  	v20 =	vld [tilespmem:s22+$0x270]  }
0x460: {  	v21 =	vld [tilespmem:s22+$0x280]  }
0x461: {  	v22 =	vld [tilespmem:s22+$0x290]  }
0x462: {  	v23 =	vld [tilespmem:s22+$0x2A0]  }
0x463: {  	v24 =	vld [tilespmem:s22+$0x2B0]  }
0x464: {  	v25 =	vld [tilespmem:s22+$0x2C0];
	v26 =	vmul.f32 v5, v29;
	v27 =	vmul.f32 v6, v30  }
0x465: {  	v28 =	vld [tilespmem:s22+$0x2D0];
	v50 =	vmul.f32 v8, v31;
	v51 =	vmul.f32 v16, v32  }
0x466: {  	v52 =	vld [tilespmem:s22+$0x2E0];
	v53 =	vmul.f32 v17, v33;
	v54 =	vmul.f32 v18, v34  }
0x467: {  	v55 =	vld [tilespmem:s22+$0x2F0];
	v56 =	vmul.f32 v19, v35;
	v57 =	vmul.f32 v20, v36  }
0x468: {  	v58 =	vmul.f32 v21, v29;
	v59 =	vmul.f32 v22, v30  }
0x469: {  	v60 =	vmul.f32 v23, v31;
	v61 =	vmul.f32 v24, v32  }
0x46a: {  	v62 =	vmul.f32 v25, v33;
	v63 =	vmul.f32 v28, v34  }
0x46b: {  	v26 =	vadd.f32 v27, v26;
	v27 =	vmul.f32 v52, v35;
	v50 =	vadd.f32 v51, v50  }
0x46c: {  	v51 =	vmul.f32 v55, v36;
	v53 =	vadd.f32 v54, v53;
	v54 =	vadd.f32 v57, v56  }
0x46d: {  	v56 =	vadd.f32 v59, v58;
	v61 =	vadd.f32 v61, v60  }
0x46e: {  	v63 =	vadd.f32 v63, v62;
	v27 =	vadd.f32 v51, v27  }
0x46f: {  	v26 =	vadd.f32 v50, v26;
	v59 =	vadd.f32 v54, v53  }
0x470: {  	v60 =	vadd.f32 v61, v56;
	v27 =	vadd.f32 v27, v63  }
0x471: {  	v26 =	vadd.f32 v59, v26  }
0x472: {  	v27 =	vadd.f32 v27, v60  }
0x473: {  	v50 =	vperm.xlane v26, v1  }
0x474: {  	v51 =	vperm.xlane v27, v1  }
0x475: {  	v26 =	vadd.f32 v50, v26  }
0x476: {  	v27 =	vadd.f32 v27, v51  }
0x477: {  	v50 =	vperm.xlane v26, v2  }
0x478: {  	v51 =	vperm.xlane v27, v2  }
0x479: {  	v26 =	vadd.f32 v50, v26  }
0x47a: {  	v27 =	vadd.f32 v27, v51  }
0x47b: {  	v50 =	vperm.xlane v26, v3  }
0x47c: {  	v51 =	vperm.xlane v27, v3  }
0x47d: {  	v26 =	vadd.f32 v50, v26  }
0x47e: {  	v27 =	vadd.f32 v51, v27  }
0x47f: {  	v50 =	vperm.xlane v26, v4  }
0x480: {  	v51 =	vperm.xlane v27, v4  }
0x481: {  	v26 =	vadd.f32 v50, v26  }
0x482: {  	v27 =	vadd.f32 v51, v27  }
0x483: {  	v26 =	vmul.f32 $1.442695020e+00, v26  }
0x484: {  	v27 =	vmul.f32 $1.442695020e+00, v27  }
0x485: {  	(erf) = vpow2.f32 v26  }
0x486: {  	(erf) = vpow2.f32 v27;
	_ =	sdelay $0x1  }
0x487: {  	v61 =	vimm.s32 $0xC  }
0x488: {  	v26 =	vperm.xlane v39, v61;
	v27 =	vimm.s32 $0xD  }
0x489: {  	v27 =	vperm.xlane v39, v27  }
0x48a: {  	v26 =	vshll.u32 v26, $0x7  }
0x48b: {  	v62 =	vor.u32 v7, v26;
	v27 =	vshll.u32 v27, $0x7  }
0x48c: {  	v63 =	vor.u32 v7, v27  }
0x48d: {  	v56 =	vor.u32 v9, v26;
	v50 =	vpop (erf)  }
0x48e: {  	v60 =	vor.u32 v9, v27;
	v5 =	vmul.f32 v50, v5;
	v51 =	vpop (erf)  }
0x48f: {  	v61 =	vor.u32 v10, v26;
	v21 =	vmul.f32 v51, v21  }
0x490: {  	[tilespmem:v62+s16+$0x0] =	vst.idx.add.f32.msk $0xffff, v5;
	v5 =	vmul.f32 v50, v6;
	v6 =	vor.u32 v10, v27  }
0x491: {  	v62 =	vmul.f32 v51, v22;
	[tilespmem:v63+s16+$0x0] =	vst.idx.add.f32.msk $0xffff, v21;
	v63 =	vor.u32 v11, v26  }
0x492: {  	[tilespmem:v56+s16+$0x0] =	vst.idx.add.f32.msk $0xffff, v5;
	v5 =	vmul.f32 v50, v8;
	v8 =	vor.u32 v11, v27  }
0x493: {  	v54 =	vor.u32 v12, v26;
	v53 =	vmul.f32 v51, v23;
	[tilespmem:v60+s16+$0x0] =	vst.idx.add.f32.msk $0xffff, v62  }
0x494: {  	[tilespmem:v61+s16+$0x0] =	vst.idx.add.f32.msk $0xffff, v5;
	v5 =	vmul.f32 v50, v16;
	v16 =	vor.u32 v12, v27  }
0x495: {  	v56 =	vor.u32 v13, v26;
	[tilespmem:v6+s16+$0x0] =	vst.idx.add.f32.msk $0xffff, v53;
	v6 =	vmul.f32 v51, v24  }
0x496: {  	[tilespmem:v63+s16+$0x0] =	vst.idx.add.f32.msk $0xffff, v5;
	v5 =	vmul.f32 v50, v17;
	v17 =	vor.u32 v13, v27  }
0x497: {  	[tilespmem:v8+s16+$0x0] =	vst.idx.add.f32.msk $0xffff, v6;
	v6 =	vmul.f32 v51, v25;
	v8 =	vor.u32 v14, v26  }
0x498: {  	v57 =	vor.u32 v14, v27;
	[tilespmem:v54+s16+$0x0] =	vst.idx.add.f32.msk $0xffff, v5;
	v5 =	vmul.f32 v50, v18  }
0x499: {  	[tilespmem:v16+s16+$0x0] =	vst.idx.add.f32.msk $0xffff, v6;
	v6 =	vmul.f32 v51, v28;
	v16 =	vor.u32 v15, v26  }
0x49a: {  	v58 =	vor.u32 v15, v27;
	[tilespmem:v56+s16+$0x0] =	vst.idx.add.f32.msk $0xffff, v5;
	v5 =	vmul.f32 v50, v19  }
0x49b: {  	[tilespmem:v17+s16+$0x0] =	vst.idx.add.f32.msk $0xffff, v6;
	v6 =	vmul.f32 v51, v52  }
0x49c: {  	[tilespmem:v8+s16+$0x0] =	vst.idx.add.f32.msk $0xffff, v5;
	v5 =	vmul.f32 v50, v20  }
0x49d: {  	[tilespmem:v57+s16+$0x0] =	vst.idx.add.f32.msk $0xffff, v6;
	v6 =	vmul.f32 v51, v55  }
0x49e: {  	[tilespmem:v16+s16+$0x0] =	vst.idx.add.f32.msk $0xffff, v5  }
0x49f: {  	[tilespmem:v58+s16+$0x0] =	vst.idx.add.f32.msk $0xffff, v6  }
0x4a0: {  	v5 =	vld [tilespmem:s22+$0x300]  }
0x4a1: {  	v6 =	vld [tilespmem:s22+$0x310]  }
0x4a2: {  	v8 =	vld [tilespmem:s22+$0x320]  }
0x4a3: {  	v16 =	vld [tilespmem:s22+$0x330]  }
0x4a4: {  	v17 =	vld [tilespmem:s22+$0x340]  }
0x4a5: {  	v18 =	vld [tilespmem:s22+$0x350]  }
0x4a6: {  	v19 =	vld [tilespmem:s22+$0x360]  }
0x4a7: {  	v20 =	vld [tilespmem:s22+$0x370]  }
0x4a8: {  	v21 =	vld [tilespmem:s22+$0x380]  }
0x4a9: {  	v22 =	vld [tilespmem:s22+$0x390]  }
0x4aa: {  	v23 =	vld [tilespmem:s22+$0x3A0]  }
0x4ab: {  	v24 =	vld [tilespmem:s22+$0x3B0]  }
0x4ac: {  	v25 =	vld [tilespmem:s22+$0x3C0];
	v26 =	vmul.f32 v5, v29  }
0x4ad: {  	v27 =	vld [tilespmem:s22+$0x3D0];
	v28 =	vmul.f32 v6, v30;
	v52 =	vmul.f32 v8, v31  }
0x4ae: {  	v53 =	vld [tilespmem:s22+$0x3E0];
	v54 =	vmul.f32 v16, v32;
	v55 =	vmul.f32 v17, v33  }
0x4af: {  	v56 =	vld [tilespmem:s22+$0x3F0];
	v57 =	vmul.f32 v18, v34;
	v58 =	vmul.f32 v19, v35  }
0x4b0: {  	v59 =	vmul.f32 v20, v36;
	v60 =	vmul.f32 v21, v29  }
0x4b1: {  	v61 =	vmul.f32 v22, v30;
	v62 =	vmul.f32 v23, v31  }
0x4b2: {  	v63 =	vmul.f32 v24, v32;
	v26 =	vadd.f32 v28, v26;
	v28 =	vmul.f32 v25, v33  }
0x4b3: {  	v52 =	vadd.f32 v54, v52;
	v54 =	vmul.f32 v27, v34;
	v55 =	vadd.f32 v57, v55  }
0x4b4: {  	v57 =	vmul.f32 v53, v35;
	v58 =	vadd.f32 v59, v58;
	v59 =	vmul.f32 v56, v36  }
0x4b5: {  	v60 =	vadd.f32 v61, v60;
	v61 =	vadd.f32 v63, v62  }
0x4b6: {  	v28 =	vadd.f32 v54, v28;
	v54 =	vadd.f32 v59, v57  }
0x4b7: {  	v26 =	vadd.f32 v52, v26;
	v52 =	vadd.f32 v58, v55  }
0x4b8: {  	v55 =	vadd.f32 v61, v60;
	v28 =	vadd.f32 v54, v28  }
0x4b9: {  	v26 =	vadd.f32 v52, v26  }
0x4ba: {  	v28 =	vadd.f32 v28, v55  }
0x4bb: {  	v52 =	vperm.xlane v26, v1  }
0x4bc: {  	v59 =	vperm.xlane v28, v1  }
0x4bd: {  	v26 =	vadd.f32 v52, v26  }
0x4be: {  	v28 =	vadd.f32 v28, v59  }
0x4bf: {  	v52 =	vperm.xlane v26, v2  }
0x4c0: {  	v54 =	vperm.xlane v28, v2  }
0x4c1: {  	v26 =	vadd.f32 v52, v26  }
0x4c2: {  	v28 =	vadd.f32 v28, v54  }
0x4c3: {  	v52 =	vperm.xlane v26, v3  }
0x4c4: {  	v54 =	vperm.xlane v28, v3  }
0x4c5: {  	v26 =	vadd.f32 v52, v26  }
0x4c6: {  	v28 =	vadd.f32 v54, v28  }
0x4c7: {  	v52 =	vperm.xlane v26, v4  }
0x4c8: {  	v54 =	vperm.xlane v28, v4  }
0x4c9: {  	v26 =	vadd.f32 v52, v26  }
0x4ca: {  	v28 =	vadd.f32 v54, v28  }
0x4cb: {  	v26 =	vmul.f32 $1.442695020e+00, v26  }
0x4cc: {  	v28 =	vmul.f32 $1.442695020e+00, v28  }
0x4cd: {  	(erf) = vpow2.f32 v26  }
0x4ce: {  	(erf) = vpow2.f32 v28;
	_ =	sdelay $0x1  }
0x4cf: {  	v57 =	vimm.s32 $0xE  }
0x4d0: {  	v58 =	vimm.s32 $0xF;
	v59 =	vperm.xlane v39, v57  }
0x4d1: {  	v28 =	vperm.xlane v39, v58  }
0x4d2: {  	v26 =	vshll.u32 v59, $0x7  }
0x4d3: {  	v39 =	vor.u32 v7, v26;
	v28 =	vshll.u32 v28, $0x7  }
0x4d4: {  	v52 =	vor.u32 v7, v28  }
0x4d5: {  	v55 =	vor.u32 v9, v26;
	v54 =	vpop (erf)  }
0x4d6: {  	v58 =	vor.u32 v9, v28;
	v5 =	vmul.f32 v54, v5;
	v57 =	vpop (erf)  }
0x4d7: {  	v59 =	vor.u32 v10, v26;
	v21 =	vmul.f32 v57, v21  }
0x4d8: {  	[tilespmem:v39+s16+$0x0] =	vst.idx.add.f32.msk $0xffff, v5;
	v5 =	vmul.f32 v54, v6;
	v6 =	vor.u32 v10, v28  }
0x4d9: {  	v39 =	vmul.f32 v57, v22;
	v22 =	vor.u32 v11, v26;
	[tilespmem:v52+s16+$0x0] =	vst.idx.add.f32.msk $0xffff, v21  }
0x4da: {  	[tilespmem:v55+s16+$0x0] =	vst.idx.add.f32.msk $0xffff, v5;
	v5 =	vmul.f32 v54, v8;
	v8 =	vor.u32 v11, v28  }
0x4db: {  	v21 =	vmul.f32 v57, v23;
	[tilespmem:v58+s16+$0x0] =	vst.idx.add.f32.msk $0xffff, v39;
	v39 =	vor.u32 v12, v26  }
0x4dc: {  	[tilespmem:v59+s16+$0x0] =	vst.idx.add.f32.msk $0xffff, v5;
	v5 =	vmul.f32 v54, v16  }
0x4dd: {  	v16 =	vmul.f32 v57, v24;
	[tilespmem:v6+s16+$0x0] =	vst.idx.add.f32.msk $0xffff, v21;
	v6 =	vadd.f32 v38, v37  }
0x4de: {  	[tilespmem:v22+s16+$0x0] =	vst.idx.add.f32.msk $0xffff, v5;
	v5 =	vmul.f32 v54, v17;
	v17 =	vor.u32 v12, v28  }
0x4df: {  	[tilespmem:v8+s16+$0x0] =	vst.idx.add.f32.msk $0xffff, v16;
	v6 =	vadd.f32 $0.0e+00, v6;
	v8 =	vadd.f32 v41, v40;
	v16 =	vor.u32 v13, v26  }
0x4e0: {  	[tilespmem:v39+s16+$0x0] =	vst.idx.add.f32.msk $0xffff, v5  }
0x4e1: {  	v5 =	vadd.f32 v8, v6;
	v6 =	vmul.f32 v57, v25;
	v8 =	vor.u32 v13, v28  }
0x4e2: {  	v42 =	vadd.f32 v43, v42;
	v43 =	vor.u32 v14, v26;
	v18 =	vmul.f32 v54, v18  }
0x4e3: {  	[tilespmem:v17+s16+$0x0] =	vst.idx.add.f32.msk $0xffff, v6;
	v6 =	vor.u32 v14, v28  }
0x4e4: {  	v5 =	vadd.f32 v42, v5;
	[tilespmem:v16+s16+$0x0] =	vst.idx.add.f32.msk $0xffff, v18;
	v16 =	vmul.f32 v57, v27  }
0x4e5: {  	v17 =	vadd.f32 v45, v44;
	v44 =	vmul.f32 v54, v19;
	v45 =	vor.u32 v15, v26  }
0x4e6: {  	[tilespmem:v8+s16+$0x0] =	vst.idx.add.f32.msk $0xffff, v16;
	v8 =	vmul.f32 v57, v53;
	v16 =	vor.u32 v15, v28  }
0x4e7: {  	v5 =	vadd.f32 v17, v5;
	v17 =	vadd.f32 v47, v46;
	[tilespmem:v43+s16+$0x0] =	vst.idx.add.f32.msk $0xffff, v44  }
0x4e8: {  	[tilespmem:v6+s16+$0x0] =	vst.idx.add.f32.msk $0xffff, v8;
	v6 =	vmul.f32 v54, v20  }
0x4e9: {  	v5 =	vadd.f32 v17, v5;
	v17 =	vmul.f32 v57, v56;
	v8 =	vadd.f32 v49, v48  }
0x4ea: {  	[tilespmem:v45+s16+$0x0] =	vst.idx.add.f32.msk $0xffff, v6  }
0x4eb: {  	v5 =	vadd.f32 v8, v5;
	v6 =	vadd.f32 v51, v50;
	[tilespmem:v16+s16+$0x0] =	vst.idx.add.f32.msk $0xffff, v17  }
0x4ec: {  	v8 =	vld [tilespmem:$0xC280]  }
0x4ed: {  	v5 =	vadd.f32 v6, v5;
	v6 =	vadd.f32 v57, v54  }
0x4ee: {  	p0 =	sne.s32 s21, $0x240  }
.Ltmp9:
0x4ef: {  	v5 =	vadd.f32 v6, v5;
	(pc) =	sbr.rel @p0 .LBB2_10-.Ltmp9, $4  }
0x4f0: {  	v62 =	vimm.s32 $0x9;
	v63 =	vimm.s32 $0xB;
	v61 =	vimm.s32 $0x8  }
0x4f1: {  	v60 =	vimm.s32 $0x6;
	v52 =	vimm.s32 $0x0;
	v5 =	vadd.f32 v8, v5  }
0x4f2: {  	v55 =	vimm.s32 $0x2;
	v58 =	vimm.s32 $0x5;
	v59 =	vimm.s32 $0x7  }
0x4f3: {  	s21 =	sadd.s32 $0x40, s21;
	s22 =	sadd.s32 $0x800, s22;
	v53 =	vimm.s32 $0x1;
	v56 =	vimm.s32 $0x3;
	v57 =	vimm.s32 $0x4;
	[tilespmem:$0xC280] =	vst v5  }
.Ltmp10:
0x4f4: {  	_ = 	snop;
	(pc) =	sbr.rel .LBB2_11-.Ltmp10, $1  }
0x4f5: {  	_ =	sdelay $0x3  }
.LBB2_13:
0x4f6: {  	_ =	sfence.sel $0x180000  }
0x4f7: {  	[bflag:$0x0] =	sbarrier.arrive $0xFFFF  }
0x4f8: {  	p0 =	sne.s32 s4, $0x0;
	_ =	strace $0x90000047  }
0x4f9: {  	s0 =	sadd.s32 @!p0 $0x100000, s3;
	[bflag:$0x2] =	sbarrier.arrive $0xFFFF  }
0x4fa: {  	[sflag:s0] =	ssyncadd.tile.s32 @!p0 $0x1;
	_ =	shalt  }
.Lfunc_end2:
_tile_overlayer_lowered:
.L_overlay_start_2:
0x4fb: {  	(tag) =	ssettag $0x2  }
0x4fc: {  	s0 =	rddreg [dreg:$0x0];
	s2 =	stileid.u32  }
0x4fd: {  	s1 =	rddreg [dreg:$0x1];
	p0 =	sne.s32 s2, $0x0  }
0x4fe: {  	s3 =	rddreg [dreg:$0x2];
	[bflag:$0x3] =	sbarrier.arrive $0xFFFF;
	s2 =	simm.s32 @!p0 $0x1C03  }
0x4ff: {  	[timem:s3], [sflag:s2] =	dma.local @!p0 [hbm:s0], s1  }
0x500: {  	s0 =	simm.s32 @!p0 $0x3  }
0x501: {  	_ =	swait.ge @!p0 [sflag:s0], s1  }
0x502: {  	s1 =	ssub.s32 @!p0 $0x0, s1;
	[sflag:s0] =	ssyncset.done @!p0 $0x0  }
0x503: {  	[sflag:s0] =	ssyncadd.s32 @!p0 s1  }
0x504: {  	[bflag:$0x3] =	sbarrier.arrive $0xFFFF  }
0x505: {  	_ =	shalt  }

</sc_bundles>
